<compile_context>
chip_gen: v7x
topology: tpu7x:2x2x1
jax: 0.10.2.dev20260603
libtpu: 0.0.44.dev20260713+nightly
codegen_flags: <defaults>
</compile_context>

<pallas_src>
import dataclasses
import functools

import jax
import jax.numpy as jnp
import numpy as np
from jax import lax
from jax.experimental import pallas as pl
from jax.experimental.pallas import tpu as pltpu
from jax.experimental.pallas import tpu_sc as plsc

NB_GENES = 300
NB_CHROM = 10
GPC = 30
HIDDEN = 4
SIG = 16
BATCH = 16384
NB_CAT = 3

NUM_CORES = 2
NUM_SUBCORES = 16
NUM_TILES = NUM_CORES * NUM_SUBCORES
LANES = 16

ROWS_PER_TILE = BATCH // NUM_TILES
GROUP = 16
GROUPS = ROWS_PER_TILE // GROUP

XWORDS = NB_GENES // 4
TBL = NB_GENES * NB_CAT
TBL_PAD = 912
EMB_WORDS = TBL * HIDDEN
EBUF_WORDS = TBL_PAD * HIDDEN
RSTRIDE = 920


def _sc_stage(emb_flat, cwb, x):
    mesh = plsc.VectorSubcoreMesh(core_axis_name="c", subcore_axis_name="s")
    cp = pltpu.CompilerParams()
    if "needs_layout_passes" in pltpu.CompilerParams.__dataclass_fields__:
        cp = dataclasses.replace(cp, needs_layout_passes=False)

    @functools.partial(
        pl.kernel,
        compiler_params=cp,
        out_type=jax.ShapeDtypeStruct((BATCH, NB_CHROM), jnp.float32),
        mesh=mesh,
        scratch_types=[
            pltpu.VMEM((EBUF_WORDS,), jnp.float32),
            pltpu.VMEM((5 * LANES,), jnp.float32),
            pltpu.VMEM((TBL_PAD,), jnp.float32),
            pltpu.VMEM((GROUP, NB_GENES), jnp.int32),
            pltpu.VMEM((GROUP, NB_GENES), jnp.int32),
            pltpu.VMEM((GROUP, NB_GENES), jnp.int32),
            pltpu.VMEM((GROUP, NB_GENES), jnp.int32),
            pltpu.VMEM((GROUP, NB_CHROM), jnp.float32),
            pltpu.SemaphoreType.DMA,
            pltpu.SemaphoreType.DMA,
            pltpu.SemaphoreType.DMA,
            pltpu.SemaphoreType.DMA,
        ],
    )
    def body(emb_hbm, cwb_hbm, x_hbm, out_hbm, ebuf, cwbuf, tbl,
             xbuf0, xbuf1, xbuf2, xbuf3, obuf, sem0, sem1, sem2, sem3):
        wid = lax.axis_index("s") * NUM_CORES + lax.axis_index("c")
        base = wid * ROWS_PER_TILE

        pltpu.sync_copy(emb_hbm, ebuf.at[pl.ds(0, EMB_WORDS)])
        pltpu.sync_copy(cwb_hbm, cwbuf)

        lanes = jnp.arange(LANES, dtype=jnp.int32)
        cw0 = cwbuf[pl.ds(0 * LANES, LANES)]
        cw1 = cwbuf[pl.ds(1 * LANES, LANES)]
        cw2 = cwbuf[pl.ds(2 * LANES, LANES)]
        cw3 = cwbuf[pl.ds(3 * LANES, LANES)]
        cb = cwbuf[pl.ds(4 * LANES, LANES)]

        @pl.loop(0, TBL_PAD, step=LANES)
        def _(i):
            idx0 = (i + lanes) * HIDDEN
            v = (plsc.load_gather(ebuf, [idx0]) * cw0
                 + plsc.load_gather(ebuf, [idx0 + 1]) * cw1
                 + plsc.load_gather(ebuf, [idx0 + 2]) * cw2
                 + plsc.load_gather(ebuf, [idx0 + 3]) * cw3
                 + cb)
            tbl[pl.ds(i, LANES)] = v

        def compute(row0, xb):
            @pl.loop(0, NB_CHROM)
            def _(c):
                g0 = c * GPC
                vals = []
                for j in range(GPC):
                    g = g0 + j
                    gv = jnp.full((LANES,), g, jnp.int32)
                    xv = plsc.load_gather(xb, [lanes, gv])
                    vals.append(plsc.load_gather(tbl, [xv + 3 * g]))
                while len(vals) > 1:
                    vals = [a + b for a, b in zip(vals[::2], vals[1::2])] \
                        + ([vals[-1]] if len(vals) % 2 else [])
                cv = jnp.full((LANES,), c, jnp.int32)
                plsc.store_scatter(obuf, [lanes, cv], vals[0])
            pltpu.sync_copy(obuf, out_hbm.at[pl.ds(row0, GROUP), :])

        xbufs = [xbuf0, xbuf1, xbuf2, xbuf3]
        sems = [sem0, sem1, sem2, sem3]

        @pl.loop(0, GROUPS, step=4)
        def _(grp):
            row0 = base + grp * GROUP
            handles = [
                pltpu.async_copy(
                    x_hbm.at[pl.ds(row0 + k * GROUP, GROUP), :],
                    xbufs[k], sems[k])
                for k in range(4)
            ]
            for k in range(4):
                handles[k].wait()
                compute(row0 + k * GROUP, xbufs[k])

    return body(emb_flat, cwb, x)


def _tc_tail(conv, lin_w, lin_b, bn_gamma, bn_beta):
    def body(a_ref, w_ref, b_ref, g_ref, bb_ref, o_ref):
        a = jnp.maximum(a_ref[...], 0.0)
        z = jnp.dot(a, w_ref[...],
                    preferred_element_type=jnp.float32)
        z = z + b_ref[...]
        mean = jnp.mean(z, axis=0, keepdims=True)
        zc = z - mean
        var = jnp.mean(zc * zc, axis=0, keepdims=True)
        inv = lax.rsqrt(var + 1e-5)
        o_ref[...] = zc * (inv * g_ref[...]) + bb_ref[...]

    return pl.pallas_call(
        body,
        out_shape=jax.ShapeDtypeStruct((BATCH, SIG), jnp.float32),
    )(conv, lin_w, lin_b, bn_gamma, bn_beta)


def kernel(x, emb, conv_w, conv_b, lin_w, lin_b, bn_gamma, bn_beta):
    emb_flat = emb.reshape(-1)
    cw = jnp.concatenate([conv_w, conv_b.reshape(1)]) * np.float32(1.0 / GPC)
    cwb = jnp.broadcast_to(cw[:, None], (5, LANES)).reshape(-1)
    conv = _sc_stage(emb_flat, cwb, x)
    return _tc_tail(conv, lin_w,
                    lin_b.reshape(1, SIG),
                    bn_gamma.reshape(1, SIG),
                    bn_beta.reshape(1, SIG))

# --- scband reference (transcript-rebuilt; emitter-appended) ---
"""Pipeline reference for scband-gene-graph-encoder-68247030334151 (READ-ONLY COPY).

The authoritative reference and input builder live on the scoring server;
editing this copy changes nothing except your own understanding.
"""

import jax, jax.numpy as jnp
import numpy as np

NB_GENES = 300
NB_CHROM = 10
GENES_PER_CHROM = 30
HIDDEN = 4
SIG = 16
BATCH = 16384
NB_CAT = 3


def setup_inputs(seed: int = 0) -> dict:
    key = jax.random.key(seed)
    k0, k1, k2, k3 = jax.random.split(key, 4)
    x = jax.random.randint(k0, (BATCH, NB_GENES), 0, NB_CAT, dtype=jnp.int32)
    # Entity embedding block: one embedding table of size 3 per gene,
    # stacked into a single (NB_GENES, 3, HIDDEN) tensor.
    emb = 0.05 * jax.random.normal(k1, (NB_GENES, NB_CAT, HIDDEN), dtype=jnp.float32)
    # Conv1d(in=1, out=1, kernel=HIDDEN, stride=HIDDEN) -> weight (HIDDEN,), bias scalar
    conv_w = jax.random.normal(k2, (HIDDEN,), dtype=jnp.float32) / np.sqrt(HIDDEN)
    conv_b = jnp.zeros((), dtype=jnp.float32)
    # Linear(NB_CHROM, SIG)
    lin_w = jax.random.normal(k3, (NB_CHROM, SIG), dtype=jnp.float32) / np.sqrt(NB_CHROM)
    lin_b = jnp.zeros((SIG,), dtype=jnp.float32)
    # BatchNorm1d(SIG) affine params
    bn_gamma = jnp.ones((SIG,), dtype=jnp.float32)
    bn_beta = jnp.zeros((SIG,), dtype=jnp.float32)
    return {"x": x, "emb": emb, "conv_w": conv_w, "conv_b": conv_b,
            "lin_w": lin_w, "lin_b": lin_b, "bn_gamma": bn_gamma, "bn_beta": bn_beta}


def reference(x, emb, conv_w, conv_b, lin_w, lin_b, bn_gamma, bn_beta):
    # Chromosome averaging matrix (non-trainable constant): block-diagonal mean.
    chrom_mat = jnp.kron(jnp.eye(NB_CHROM, dtype=jnp.float32),
                         jnp.ones((1, GENES_PER_CHROM), dtype=jnp.float32)) / GENES_PER_CHROM
    # Entity embedding lookup: per-gene table gather -> (N, G, H)
    h = emb[jnp.arange(NB_GENES)[None, :], x]
    # Mean embedding per chromosome: einsum('ij,kjf->kif') -> (N, C, H)
    h = jnp.einsum('ij,kjf->kif', chrom_mat, h)
    # Conv1d kernel=HIDDEN stride=HIDDEN over flattened (N, 1, C*H) == per-chrom dot product
    conv_out = jnp.einsum('nch,h->nc', h, conv_w) + conv_b  # (N, C)
    a = jax.nn.relu(conv_out)
    # Linear layer
    z = a @ lin_w + lin_b  # (N, SIG)
    # BatchNorm1d in training mode (batch statistics, biased variance, eps=1e-5)
    mean = jnp.mean(z, axis=0)
    var = jnp.var(z, axis=0)
    out = (z - mean) / jnp.sqrt(var + 1e-5) * bn_gamma + bn_beta
    return out

if __name__ == "__main__":
    import jax
    _d = setup_inputs()
    print(jax.jit(kernel)(*tuple(_d.values())))

</pallas_src>

<mosaic_0001>
#map = affine_map<(d0, d1) -> (0)>
#map1 = affine_map<(d0, d1) -> (0, 0)>
module attributes {stable_mosaic.version = 14 : i64} {
  func.func @body(%arg0: i32, %arg1: i32, %arg2: memref<3600xf32, #tpu.memory_space<hbm>>, %arg3: memref<80xf32, #tpu.memory_space<hbm>>, %arg4: memref<16384x300xi32, #tpu.memory_space<hbm>>, %arg5: memref<16384x10xf32, #tpu.memory_space<hbm>>, %arg6: memref<3648xf32, #tpu.memory_space<vmem>>, %arg7: memref<80xf32, #tpu.memory_space<vmem>>, %arg8: memref<912xf32, #tpu.memory_space<vmem>>, %arg9: memref<16x300xi32, #tpu.memory_space<vmem>>, %arg10: memref<16x300xi32, #tpu.memory_space<vmem>>, %arg11: memref<16x300xi32, #tpu.memory_space<vmem>>, %arg12: memref<16x300xi32, #tpu.memory_space<vmem>>, %arg13: memref<16x10xf32, #tpu.memory_space<vmem>>, %arg14: memref<!tpu.dma_semaphore, #tpu.memory_space<semaphore_mem>>, %arg15: memref<!tpu.dma_semaphore, #tpu.memory_space<semaphore_mem>>, %arg16: memref<!tpu.dma_semaphore, #tpu.memory_space<semaphore_mem>>, %arg17: memref<!tpu.dma_semaphore, #tpu.memory_space<semaphore_mem>>) attributes {dimension_semantics = [#tpu.dimension_semantics<core_parallel>, #tpu.dimension_semantics<subcore_parallel>], iteration_bounds = array<i64: 2, 16>, scalar_prefetch = 0 : i64, scratch_operands = 12 : i64, tpu.core_type = #tpu.core_type<sc_vector_subcore>, window_params = [{transform_indices = #map}, {transform_indices = #map}, {transform_indices = #map1}, {transform_indices = #map1}]} {
    %mul3A = arith.constant 2 : i32
    %mul3A_0 = arith.muli %arg1, %mul3A : i32
    %add3A = arith.addi %mul3A_0, %arg0 : i32
    %mul3A_1 = arith.constant 512 : i32
    %mul3A_2 = arith.muli %add3A, %mul3A_1 : i32
    "tpu.region"() ({
      %run_scoped3A = tpu.sem_alloc : memref<!tpu.dma_semaphore, #tpu.memory_space<semaphore_mem>>
      %dma_start3A = arith.constant 0 : i32
      %dma_start3A_21 = tpu.memref_slice %arg6[%dma_start3A] : memref<3648xf32, #tpu.memory_space<vmem>> -> memref<3600xf32, #tpu.memory_space<vmem>>
      %dma_start3A_22 = arith.constant 0 : i32
      %dma_start3A_23 = tpu.memref_slice %arg6[%dma_start3A_22] : memref<3648xf32, #tpu.memory_space<vmem>> -> memref<3600xf32, #tpu.memory_space<vmem>>
      tpu.enqueue_dma source(%arg2 : memref<3600xf32, #tpu.memory_space<hbm>>) target(%dma_start3A_23 : memref<3600xf32, #tpu.memory_space<vmem>>) target_semaphore(%run_scoped3A : memref<!tpu.dma_semaphore, #tpu.memory_space<semaphore_mem>>)
      %dma_wait3A = arith.constant 0 : i32
      %dma_wait3A_24 = tpu.memref_slice %arg6[%dma_wait3A] : memref<3648xf32, #tpu.memory_space<vmem>> -> memref<3600xf32, #tpu.memory_space<vmem>>
      %dma_wait3A_25 = arith.constant 0 : i32
      %dma_wait3A_26 = tpu.memref_slice %arg6[%dma_wait3A_25] : memref<3648xf32, #tpu.memory_space<vmem>> -> memref<3600xf32, #tpu.memory_space<vmem>>
      tpu.wait_dma2 semaphore(%run_scoped3A : memref<!tpu.dma_semaphore, #tpu.memory_space<semaphore_mem>>) src(%arg2 : memref<3600xf32, #tpu.memory_space<hbm>>) dst(%dma_wait3A_26 : memref<3600xf32, #tpu.memory_space<vmem>>)
      tpu.yield
    }) : () -> ()
    "tpu.region"() ({
      %run_scoped3A = tpu.sem_alloc : memref<!tpu.dma_semaphore, #tpu.memory_space<semaphore_mem>>
      tpu.enqueue_dma source(%arg3 : memref<80xf32, #tpu.memory_space<hbm>>) target(%arg7 : memref<80xf32, #tpu.memory_space<vmem>>) target_semaphore(%run_scoped3A : memref<!tpu.dma_semaphore, #tpu.memory_space<semaphore_mem>>)
      tpu.wait_dma2 semaphore(%run_scoped3A : memref<!tpu.dma_semaphore, #tpu.memory_space<semaphore_mem>>) src(%arg3 : memref<80xf32, #tpu.memory_space<hbm>>) dst(%arg7 : memref<80xf32, #tpu.memory_space<vmem>>)
      tpu.yield
    }) : () -> ()
    %iota3A = tpu.iota {dimensions = array<i32: 0>} : vector<16xi32>
    %get3A = arith.constant 0 : index
    %get3A_3 = tpu.vector_load %arg7[%get3A] {strides = array<i32>} : memref<80xf32, #tpu.memory_space<vmem>>, vector<16xf32>,
    %get3A_4 = arith.constant 16 : index
    %get3A_5 = tpu.vector_load %arg7[%get3A_4] {strides = array<i32>} : memref<80xf32, #tpu.memory_space<vmem>>, vector<16xf32>,
    %get3A_6 = arith.constant 32 : index
    %get3A_7 = tpu.vector_load %arg7[%get3A_6] {strides = array<i32>} : memref<80xf32, #tpu.memory_space<vmem>>, vector<16xf32>,
    %get3A_8 = arith.constant 48 : index
    %get3A_9 = tpu.vector_load %arg7[%get3A_8] {strides = array<i32>} : memref<80xf32, #tpu.memory_space<vmem>>, vector<16xf32>,
    %get3A_10 = arith.constant 64 : index
    %get3A_11 = tpu.vector_load %arg7[%get3A_10] {strides = array<i32>} : memref<80xf32, #tpu.memory_space<vmem>>, vector<16xf32>,
    %scan3A = arith.constant 0 : i32
    %scan3A_12 = arith.constant 57 : i32
    %scan3A_13 = arith.addi %scan3A, %scan3A_12 : i32
    %scan3A_14 = arith.constant 1 : i32
    scf.for %scan3A_21 = %scan3A to %scan3A_13 step %scan3A_14  : i32 {
      %mul3A_22 = arith.constant 16 : i32
      %mul3A_23 = arith.muli %scan3A_21, %mul3A_22 : i32
      %add3A_24 = arith.constant 0 : i32
      %add3A_25 = arith.addi %add3A_24, %mul3A_23 : i32
      %add3A_26 = vector.broadcast %add3A_25 : i32 to vector<16xi32>
      %add3A_27 = arith.addi %add3A_26, %iota3A : vector<16xi32>
      %mul3A_28 = arith.constant 4 : i32
      %mul3A_29 = vector.broadcast %mul3A_28 : i32 to vector<16xi32>
      %mul3A_30 = arith.muli %add3A_27, %mul3A_29 : vector<16xi32>
      %gather3A = tpu.vector_load_idx %arg6[%mul3A_30] : memref<3648xf32, #tpu.memory_space<vmem>>[vector<16xi32>], vector<16xf32>,
      %mul3A_31 = arith.mulf %gather3A, %get3A_3 : vector<16xf32>
      %add3A_32 = arith.constant 1 : i32
      %add3A_33 = vector.broadcast %add3A_32 : i32 to vector<16xi32>
      %add3A_34 = arith.addi %mul3A_30, %add3A_33 : vector<16xi32>
      %gather3A_35 = tpu.vector_load_idx %arg6[%add3A_34] : memref<3648xf32, #tpu.memory_space<vmem>>[vector<16xi32>], vector<16xf32>,
      %mul3A_36 = arith.mulf %gather3A_35, %get3A_5 : vector<16xf32>
      %add3A_37 = arith.addf %mul3A_31, %mul3A_36 : vector<16xf32>
      %add3A_38 = arith.constant 2 : i32
      %add3A_39 = vector.broadcast %add3A_38 : i32 to vector<16xi32>
      %add3A_40 = arith.addi %mul3A_30, %add3A_39 : vector<16xi32>
      %gather3A_41 = tpu.vector_load_idx %arg6[%add3A_40] : memref<3648xf32, #tpu.memory_space<vmem>>[vector<16xi32>], vector<16xf32>,
      %mul3A_42 = arith.mulf %gather3A_41, %get3A_7 : vector<16xf32>
      %add3A_43 = arith.addf %add3A_37, %mul3A_42 : vector<16xf32>
      %add3A_44 = arith.constant 3 : i32
      %add3A_45 = vector.broadcast %add3A_44 : i32 to vector<16xi32>
      %add3A_46 = arith.addi %mul3A_30, %add3A_45 : vector<16xi32>
      %gather3A_47 = tpu.vector_load_idx %arg6[%add3A_46] : memref<3648xf32, #tpu.memory_space<vmem>>[vector<16xi32>], vector<16xf32>,
      %mul3A_48 = arith.mulf %gather3A_47, %get3A_9 : vector<16xf32>
      %add3A_49 = arith.addf %add3A_43, %mul3A_48 : vector<16xf32>
      %add3A_50 = arith.addf %add3A_49, %get3A_11 : vector<16xf32>
      %swap3A = arith.index_cast %add3A_25 : i32 to index
      %swap3A_51 = tpu.vector_load %arg8[%swap3A] {strides = array<i32>} : memref<912xf32, #tpu.memory_space<vmem>>, vector<16xf32>,
      tpu.vector_store %arg8[%swap3A], %add3A_50 {strides = array<i32>} : memref<912xf32, #tpu.memory_space<vmem>>, vector<16xf32>,
    }
    %scan3A_15 = arith.constant 57 : i32
    %scan3A_16 = arith.constant 0 : i32
    %scan3A_17 = arith.constant 8 : i32
    %scan3A_18 = arith.addi %scan3A_16, %scan3A_17 : i32
    %scan3A_19 = arith.constant 1 : i32
    scf.for %scan3A_21 = %scan3A_16 to %scan3A_18 step %scan3A_19  : i32 {
      %mul3A_22 = arith.constant 4 : i32
      %mul3A_23 = arith.muli %scan3A_21, %mul3A_22 : i32
      %add3A_24 = arith.constant 0 : i32
      %add3A_25 = arith.addi %add3A_24, %mul3A_23 : i32
      %mul3A_26 = arith.constant 16 : i32
      %mul3A_27 = arith.muli %add3A_25, %mul3A_26 : i32
      %add3A_28 = arith.addi %mul3A_2, %mul3A_27 : i32
      %add3A_29 = arith.constant 0 : i32
      %add3A_30 = arith.addi %add3A_28, %add3A_29 : i32
      %dma_start3A = arith.constant 0 : i32
      %dma_start3A_31 = tpu.memref_slice %arg4[%add3A_30, %dma_start3A] : memref<16384x300xi32, #tpu.memory_space<hbm>> -> memref<16x300xi32, #tpu.memory_space<hbm>>
      %dma_start3A_32 = arith.constant 0 : i32
      %dma_start3A_33 = tpu.memref_slice %arg4[%add3A_30, %dma_start3A_32] : memref<16384x300xi32, #tpu.memory_space<hbm>> -> memref<16x300xi32, #tpu.memory_space<hbm>>
      tpu.enqueue_dma source(%dma_start3A_33 : memref<16x300xi32, #tpu.memory_space<hbm>>) target(%arg9 : memref<16x300xi32, #tpu.memory_space<vmem>>) target_semaphore(%arg14 : memref<!tpu.dma_semaphore, #tpu.memory_space<semaphore_mem>>)
      %add3A_34 = arith.constant 16 : i32
      %add3A_35 = arith.addi %add3A_28, %add3A_34 : i32
      %dma_start3A_36 = arith.constant 0 : i32
      %dma_start3A_37 = tpu.memref_slice %arg4[%add3A_35, %dma_start3A_36] : memref<16384x300xi32, #tpu.memory_space<hbm>> -> memref<16x300xi32, #tpu.memory_space<hbm>>
      %dma_start3A_38 = arith.constant 0 : i32
      %dma_start3A_39 = tpu.memref_slice %arg4[%add3A_35, %dma_start3A_38] : memref<16384x300xi32, #tpu.memory_space<hbm>> -> memref<16x300xi32, #tpu.memory_space<hbm>>
      tpu.enqueue_dma source(%dma_start3A_39 : memref<16x300xi32, #tpu.memory_space<hbm>>) target(%arg10 : memref<16x300xi32, #tpu.memory_space<vmem>>) target_semaphore(%arg15 : memref<!tpu.dma_semaphore, #tpu.memory_space<semaphore_mem>>)
      %add3A_40 = arith.constant 32 : i32
      %add3A_41 = arith.addi %add3A_28, %add3A_40 : i32
      %dma_start3A_42 = arith.constant 0 : i32
      %dma_start3A_43 = tpu.memref_slice %arg4[%add3A_41, %dma_start3A_42] : memref<16384x300xi32, #tpu.memory_space<hbm>> -> memref<16x300xi32, #tpu.memory_space<hbm>>
      %dma_start3A_44 = arith.constant 0 : i32
      %dma_start3A_45 = tpu.memref_slice %arg4[%add3A_41, %dma_start3A_44] : memref<16384x300xi32, #tpu.memory_space<hbm>> -> memref<16x300xi32, #tpu.memory_space<hbm>>
      tpu.enqueue_dma source(%dma_start3A_45 : memref<16x300xi32, #tpu.memory_space<hbm>>) target(%arg11 : memref<16x300xi32, #tpu.memory_space<vmem>>) target_semaphore(%arg16 : memref<!tpu.dma_semaphore, #tpu.memory_space<semaphore_mem>>)
      %add3A_46 = arith.constant 48 : i32
      %add3A_47 = arith.addi %add3A_28, %add3A_46 : i32
      %dma_start3A_48 = arith.constant 0 : i32
      %dma_start3A_49 = tpu.memref_slice %arg4[%add3A_47, %dma_start3A_48] : memref<16384x300xi32, #tpu.memory_space<hbm>> -> memref<16x300xi32, #tpu.memory_space<hbm>>
      %dma_start3A_50 = arith.constant 0 : i32
      %dma_start3A_51 = tpu.memref_slice %arg4[%add3A_47, %dma_start3A_50] : memref<16384x300xi32, #tpu.memory_space<hbm>> -> memref<16x300xi32, #tpu.memory_space<hbm>>
      tpu.enqueue_dma source(%dma_start3A_51 : memref<16x300xi32, #tpu.memory_space<hbm>>) target(%arg12 : memref<16x300xi32, #tpu.memory_space<vmem>>) target_semaphore(%arg17 : memref<!tpu.dma_semaphore, #tpu.memory_space<semaphore_mem>>)
      %dma_wait3A = arith.constant 0 : i32
      %dma_wait3A_52 = tpu.memref_slice %arg4[%add3A_30, %dma_wait3A] : memref<16384x300xi32, #tpu.memory_space<hbm>> -> memref<16x300xi32, #tpu.memory_space<hbm>>
      %dma_wait3A_53 = arith.constant 0 : i32
      %dma_wait3A_54 = tpu.memref_slice %arg4[%add3A_30, %dma_wait3A_53] : memref<16384x300xi32, #tpu.memory_space<hbm>> -> memref<16x300xi32, #tpu.memory_space<hbm>>
      tpu.wait_dma2 semaphore(%arg14 : memref<!tpu.dma_semaphore, #tpu.memory_space<semaphore_mem>>) src(%dma_wait3A_54 : memref<16x300xi32, #tpu.memory_space<hbm>>) dst(%arg9 : memref<16x300xi32, #tpu.memory_space<vmem>>)
      %add3A_55 = arith.constant 0 : i32
      %add3A_56 = arith.addi %add3A_28, %add3A_55 : i32
      %scan3A_57 = arith.constant 0 : i32
      %scan3A_58 = arith.constant 10 : i32
      %scan3A_59 = arith.addi %scan3A_57, %scan3A_58 : i32
      %scan3A_60 = arith.constant 1 : i32
      scf.for %scan3A_95 = %scan3A_57 to %scan3A_59 step %scan3A_60  : i32 {
        %mul3A_96 = arith.constant 1 : i32
        %mul3A_97 = arith.muli %scan3A_95, %mul3A_96 : i32
        %add3A_98 = arith.constant 0 : i32
        %add3A_99 = arith.addi %add3A_98, %mul3A_97 : i32
        %mul3A_100 = arith.constant 30 : i32
        %mul3A_101 = arith.muli %add3A_99, %mul3A_100 : i32
        %add3A_102 = arith.constant 0 : i32
        %add3A_103 = arith.addi %mul3A_101, %add3A_102 : i32
        %broadcast_in_dim3A = vector.broadcast %add3A_103 : i32 to vector<16xi32>
        %gather3A = tpu.vector_load_idx %arg9[%iota3A, %broadcast_in_dim3A] : memref<16x300xi32, #tpu.memory_space<vmem>>[vector<16xi32>, vector<16xi32>], vector<16xi32>,
        %mul3A_104 = arith.constant 3 : i32
        %mul3A_105 = arith.muli %mul3A_104, %add3A_103 : i32
        %add3A_106 = vector.broadcast %mul3A_105 : i32 to vector<16xi32>
        %add3A_107 = arith.addi %gather3A, %add3A_106 : vector<16xi32>
        %gather3A_108 = tpu.vector_load_idx %arg8[%add3A_107] : memref<912xf32, #tpu.memory_space<vmem>>[vector<16xi32>], vector<16xf32>,
        %add3A_109 = arith.constant 1 : i32
        %add3A_110 = arith.addi %mul3A_101, %add3A_109 : i32
        %broadcast_in_dim3A_111 = vector.broadcast %add3A_110 : i32 to vector<16xi32>
        %gather3A_112 = tpu.vector_load_idx %arg9[%iota3A, %broadcast_in_dim3A_111] : memref<16x300xi32, #tpu.memory_space<vmem>>[vector<16xi32>, vector<16xi32>], vector<16xi32>,
        %mul3A_113 = arith.constant 3 : i32
        %mul3A_114 = arith.muli %mul3A_113, %add3A_110 : i32
        %add3A_115 = vector.broadcast %mul3A_114 : i32 to vector<16xi32>
        %add3A_116 = arith.addi %gather3A_112, %add3A_115 : vector<16xi32>
        %gather3A_117 = tpu.vector_load_idx %arg8[%add3A_116] : memref<912xf32, #tpu.memory_space<vmem>>[vector<16xi32>], vector<16xf32>,
        %add3A_118 = arith.constant 2 : i32
        %add3A_119 = arith.addi %mul3A_101, %add3A_118 : i32
        %broadcast_in_dim3A_120 = vector.broadcast %add3A_119 : i32 to vector<16xi32>
        %gather3A_121 = tpu.vector_load_idx %arg9[%iota3A, %broadcast_in_dim3A_120] : memref<16x300xi32, #tpu.memory_space<vmem>>[vector<16xi32>, vector<16xi32>], vector<16xi32>,
        %mul3A_122 = arith.constant 3 : i32
        %mul3A_123 = arith.muli %mul3A_122, %add3A_119 : i32
        %add3A_124 = vector.broadcast %mul3A_123 : i32 to vector<16xi32>
        %add3A_125 = arith.addi %gather3A_121, %add3A_124 : vector<16xi32>
        %gather3A_126 = tpu.vector_load_idx %arg8[%add3A_125] : memref<912xf32, #tpu.memory_space<vmem>>[vector<16xi32>], vector<16xf32>,
        %add3A_127 = arith.constant 3 : i32
        %add3A_128 = arith.addi %mul3A_101, %add3A_127 : i32
        %broadcast_in_dim3A_129 = vector.broadcast %add3A_128 : i32 to vector<16xi32>
        %gather3A_130 = tpu.vector_load_idx %arg9[%iota3A, %broadcast_in_dim3A_129] : memref<16x300xi32, #tpu.memory_space<vmem>>[vector<16xi32>, vector<16xi32>], vector<16xi32>,
        %mul3A_131 = arith.constant 3 : i32
        %mul3A_132 = arith.muli %mul3A_131, %add3A_128 : i32
        %add3A_133 = vector.broadcast %mul3A_132 : i32 to vector<16xi32>
        %add3A_134 = arith.addi %gather3A_130, %add3A_133 : vector<16xi32>
        %gather3A_135 = tpu.vector_load_idx %arg8[%add3A_134] : memref<912xf32, #tpu.memory_space<vmem>>[vector<16xi32>], vector<16xf32>,
        %add3A_136 = arith.constant 4 : i32
        %add3A_137 = arith.addi %mul3A_101, %add3A_136 : i32
        %broadcast_in_dim3A_138 = vector.broadcast %add3A_137 : i32 to vector<16xi32>
        %gather3A_139 = tpu.vector_load_idx %arg9[%iota3A, %broadcast_in_dim3A_138] : memref<16x300xi32, #tpu.memory_space<vmem>>[vector<16xi32>, vector<16xi32>], vector<16xi32>,
        %mul3A_140 = arith.constant 3 : i32
        %mul3A_141 = arith.muli %mul3A_140, %add3A_137 : i32
        %add3A_142 = vector.broadcast %mul3A_141 : i32 to vector<16xi32>
        %add3A_143 = arith.addi %gather3A_139, %add3A_142 : vector<16xi32>
        %gather3A_144 = tpu.vector_load_idx %arg8[%add3A_143] : memref<912xf32, #tpu.memory_space<vmem>>[vector<16xi32>], vector<16xf32>,
        %add3A_145 = arith.constant 5 : i32
        %add3A_146 = arith.addi %mul3A_101, %add3A_145 : i32
        %broadcast_in_dim3A_147 = vector.broadcast %add3A_146 : i32 to vector<16xi32>
        %gather3A_148 = tpu.vector_load_idx %arg9[%iota3A, %broadcast_in_dim3A_147] : memref<16x300xi32, #tpu.memory_space<vmem>>[vector<16xi32>, vector<16xi32>], vector<16xi32>,
        %mul3A_149 = arith.constant 3 : i32
        %mul3A_150 = arith.muli %mul3A_149, %add3A_146 : i32
        %add3A_151 = vector.broadcast %mul3A_150 : i32 to vector<16xi32>
        %add3A_152 = arith.addi %gather3A_148, %add3A_151 : vector<16xi32>
        %gather3A_153 = tpu.vector_load_idx %arg8[%add3A_152] : memref<912xf32, #tpu.memory_space<vmem>>[vector<16xi32>], vector<16xf32>,
        %add3A_154 = arith.constant 6 : i32
        %add3A_155 = arith.addi %mul3A_101, %add3A_154 : i32
        %broadcast_in_dim3A_156 = vector.broadcast %add3A_155 : i32 to vector<16xi32>
        %gather3A_157 = tpu.vector_load_idx %arg9[%iota3A, %broadcast_in_dim3A_156] : memref<16x300xi32, #tpu.memory_space<vmem>>[vector<16xi32>, vector<16xi32>], vector<16xi32>,
        %mul3A_158 = arith.constant 3 : i32
        %mul3A_159 = arith.muli %mul3A_158, %add3A_155 : i32
        %add3A_160 = vector.broadcast %mul3A_159 : i32 to vector<16xi32>
        %add3A_161 = arith.addi %gather3A_157, %add3A_160 : vector<16xi32>
        %gather3A_162 = tpu.vector_load_idx %arg8[%add3A_161] : memref<912xf32, #tpu.memory_space<vmem>>[vector<16xi32>], vector<16xf32>,
        %add3A_163 = arith.constant 7 : i32
        %add3A_164 = arith.addi %mul3A_101, %add3A_163 : i32
        %broadcast_in_dim3A_165 = vector.broadcast %add3A_164 : i32 to vector<16xi32>
        %gather3A_166 = tpu.vector_load_idx %arg9[%iota3A, %broadcast_in_dim3A_165] : memref<16x300xi32, #tpu.memory_space<vmem>>[vector<16xi32>, vector<16xi32>], vector<16xi32>,
        %mul3A_167 = arith.constant 3 : i32
        %mul3A_168 = arith.muli %mul3A_167, %add3A_164 : i32
        %add3A_169 = vector.broadcast %mul3A_168 : i32 to vector<16xi32>
        %add3A_170 = arith.addi %gather3A_166, %add3A_169 : vector<16xi32>
        %gather3A_171 = tpu.vector_load_idx %arg8[%add3A_170] : memref<912xf32, #tpu.memory_space<vmem>>[vector<16xi32>], vector<16xf32>,
        %add3A_172 = arith.constant 8 : i32
        %add3A_173 = arith.addi %mul3A_101, %add3A_172 : i32
        %broadcast_in_dim3A_174 = vector.broadcast %add3A_173 : i32 to vector<16xi32>
        %gather3A_175 = tpu.vector_load_idx %arg9[%iota3A, %broadcast_in_dim3A_174] : memref<16x300xi32, #tpu.memory_space<vmem>>[vector<16xi32>, vector<16xi32>], vector<16xi32>,
        %mul3A_176 = arith.constant 3 : i32
        %mul3A_177 = arith.muli %mul3A_176, %add3A_173 : i32
        %add3A_178 = vector.broadcast %mul3A_177 : i32 to vector<16xi32>
        %add3A_179 = arith.addi %gather3A_175, %add3A_178 : vector<16xi32>
        %gather3A_180 = tpu.vector_load_idx %arg8[%add3A_179] : memref<912xf32, #tpu.memory_space<vmem>>[vector<16xi32>], vector<16xf32>,
        %add3A_181 = arith.constant 9 : i32
        %add3A_182 = arith.addi %mul3A_101, %add3A_181 : i32
        %broadcast_in_dim3A_183 = vector.broadcast %add3A_182 : i32 to vector<16xi32>
        %gather3A_184 = tpu.vector_load_idx %arg9[%iota3A, %broadcast_in_dim3A_183] : memref<16x300xi32, #tpu.memory_space<vmem>>[vector<16xi32>, vector<16xi32>], vector<16xi32>,
        %mul3A_185 = arith.constant 3 : i32
        %mul3A_186 = arith.muli %mul3A_185, %add3A_182 : i32
        %add3A_187 = vector.broadcast %mul3A_186 : i32 to vector<16xi32>
        %add3A_188 = arith.addi %gather3A_184, %add3A_187 : vector<16xi32>
        %gather3A_189 = tpu.vector_load_idx %arg8[%add3A_188] : memref<912xf32, #tpu.memory_space<vmem>>[vector<16xi32>], vector<16xf32>,
        %add3A_190 = arith.constant 10 : i32
        %add3A_191 = arith.addi %mul3A_101, %add3A_190 : i32
        %broadcast_in_dim3A_192 = vector.broadcast %add3A_191 : i32 to vector<16xi32>
        %gather3A_193 = tpu.vector_load_idx %arg9[%iota3A, %broadcast_in_dim3A_192] : memref<16x300xi32, #tpu.memory_space<vmem>>[vector<16xi32>, vector<16xi32>], vector<16xi32>,
        %mul3A_194 = arith.constant 3 : i32
        %mul3A_195 = arith.muli %mul3A_194, %add3A_191 : i32
        %add3A_196 = vector.broadcast %mul3A_195 : i32 to vector<16xi32>
        %add3A_197 = arith.addi %gather3A_193, %add3A_196 : vector<16xi32>
        %gather3A_198 = tpu.vector_load_idx %arg8[%add3A_197] : memref<912xf32, #tpu.memory_space<vmem>>[vector<16xi32>], vector<16xf32>,
        %add3A_199 = arith.constant 11 : i32
        %add3A_200 = arith.addi %mul3A_101, %add3A_199 : i32
        %broadcast_in_dim3A_201 = vector.broadcast %add3A_200 : i32 to vector<16xi32>
        %gather3A_202 = tpu.vector_load_idx %arg9[%iota3A, %broadcast_in_dim3A_201] : memref<16x300xi32, #tpu.memory_space<vmem>>[vector<16xi32>, vector<16xi32>], vector<16xi32>,
        %mul3A_203 = arith.constant 3 : i32
        %mul3A_204 = arith.muli %mul3A_203, %add3A_200 : i32
        %add3A_205 = vector.broadcast %mul3A_204 : i32 to vector<16xi32>
        %add3A_206 = arith.addi %gather3A_202, %add3A_205 : vector<16xi32>
        %gather3A_207 = tpu.vector_load_idx %arg8[%add3A_206] : memref<912xf32, #tpu.memory_space<vmem>>[vector<16xi32>], vector<16xf32>,
        %add3A_208 = arith.constant 12 : i32
        %add3A_209 = arith.addi %mul3A_101, %add3A_208 : i32
        %broadcast_in_dim3A_210 = vector.broadcast %add3A_209 : i32 to vector<16xi32>
        %gather3A_211 = tpu.vector_load_idx %arg9[%iota3A, %broadcast_in_dim3A_210] : memref<16x300xi32, #tpu.memory_space<vmem>>[vector<16xi32>, vector<16xi32>], vector<16xi32>,
        %mul3A_212 = arith.constant 3 : i32
        %mul3A_213 = arith.muli %mul3A_212, %add3A_209 : i32
        %add3A_214 = vector.broadcast %mul3A_213 : i32 to vector<16xi32>
        %add3A_215 = arith.addi %gather3A_211, %add3A_214 : vector<16xi32>
        %gather3A_216 = tpu.vector_load_idx %arg8[%add3A_215] : memref<912xf32, #tpu.memory_space<vmem>>[vector<16xi32>], vector<16xf32>,
        %add3A_217 = arith.constant 13 : i32
        %add3A_218 = arith.addi %mul3A_101, %add3A_217 : i32
        %broadcast_in_dim3A_219 = vector.broadcast %add3A_218 : i32 to vector<16xi32>
        %gather3A_220 = tpu.vector_load_idx %arg9[%iota3A, %broadcast_in_dim3A_219] : memref<16x300xi32, #tpu.memory_space<vmem>>[vector<16xi32>, vector<16xi32>], vector<16xi32>,
        %mul3A_221 = arith.constant 3 : i32
        %mul3A_222 = arith.muli %mul3A_221, %add3A_218 : i32
        %add3A_223 = vector.broadcast %mul3A_222 : i32 to vector<16xi32>
        %add3A_224 = arith.addi %gather3A_220, %add3A_223 : vector<16xi32>
        %gather3A_225 = tpu.vector_load_idx %arg8[%add3A_224] : memref<912xf32, #tpu.memory_space<vmem>>[vector<16xi32>], vector<16xf32>,
        %add3A_226 = arith.constant 14 : i32
        %add3A_227 = arith.addi %mul3A_101, %add3A_226 : i32
        %broadcast_in_dim3A_228 = vector.broadcast %add3A_227 : i32 to vector<16xi32>
        %gather3A_229 = tpu.vector_load_idx %arg9[%iota3A, %broadcast_in_dim3A_228] : memref<16x300xi32, #tpu.memory_space<vmem>>[vector<16xi32>, vector<16xi32>], vector<16xi32>,
        %mul3A_230 = arith.constant 3 : i32
        %mul3A_231 = arith.muli %mul3A_230, %add3A_227 : i32
        %add3A_232 = vector.broadcast %mul3A_231 : i32 to vector<16xi32>
        %add3A_233 = arith.addi %gather3A_229, %add3A_232 : vector<16xi32>
        %gather3A_234 = tpu.vector_load_idx %arg8[%add3A_233] : memref<912xf32, #tpu.memory_space<vmem>>[vector<16xi32>], vector<16xf32>,
        %add3A_235 = arith.constant 15 : i32
        %add3A_236 = arith.addi %mul3A_101, %add3A_235 : i32
        %broadcast_in_dim3A_237 = vector.broadcast %add3A_236 : i32 to vector<16xi32>
        %gather3A_238 = tpu.vector_load_idx %arg9[%iota3A, %broadcast_in_dim3A_237] : memref<16x300xi32, #tpu.memory_space<vmem>>[vector<16xi32>, vector<16xi32>], vector<16xi32>,
        %mul3A_239 = arith.constant 3 : i32
        %mul3A_240 = arith.muli %mul3A_239, %add3A_236 : i32
        %add3A_241 = vector.broadcast %mul3A_240 : i32 to vector<16xi32>
        %add3A_242 = arith.addi %gather3A_238, %add3A_241 : vector<16xi32>
        %gather3A_243 = tpu.vector_load_idx %arg8[%add3A_242] : memref<912xf32, #tpu.memory_space<vmem>>[vector<16xi32>], vector<16xf32>,
        %add3A_244 = arith.constant 16 : i32
        %add3A_245 = arith.addi %mul3A_101, %add3A_244 : i32
        %broadcast_in_dim3A_246 = vector.broadcast %add3A_245 : i32 to vector<16xi32>
        %gather3A_247 = tpu.vector_load_idx %arg9[%iota3A, %broadcast_in_dim3A_246] : memref<16x300xi32, #tpu.memory_space<vmem>>[vector<16xi32>, vector<16xi32>], vector<16xi32>,
        %mul3A_248 = arith.constant 3 : i32
        %mul3A_249 = arith.muli %mul3A_248, %add3A_245 : i32
        %add3A_250 = vector.broadcast %mul3A_249 : i32 to vector<16xi32>
        %add3A_251 = arith.addi %gather3A_247, %add3A_250 : vector<16xi32>
        %gather3A_252 = tpu.vector_load_idx %arg8[%add3A_251] : memref<912xf32, #tpu.memory_space<vmem>>[vector<16xi32>], vector<16xf32>,
        %add3A_253 = arith.constant 17 : i32
        %add3A_254 = arith.addi %mul3A_101, %add3A_253 : i32
        %broadcast_in_dim3A_255 = vector.broadcast %add3A_254 : i32 to vector<16xi32>
        %gather3A_256 = tpu.vector_load_idx %arg9[%iota3A, %broadcast_in_dim3A_255] : memref<16x300xi32, #tpu.memory_space<vmem>>[vector<16xi32>, vector<16xi32>], vector<16xi32>,
        %mul3A_257 = arith.constant 3 : i32
        %mul3A_258 = arith.muli %mul3A_257, %add3A_254 : i32
        %add3A_259 = vector.broadcast %mul3A_258 : i32 to vector<16xi32>
        %add3A_260 = arith.addi %gather3A_256, %add3A_259 : vector<16xi32>
        %gather3A_261 = tpu.vector_load_idx %arg8[%add3A_260] : memref<912xf32, #tpu.memory_space<vmem>>[vector<16xi32>], vector<16xf32>,
        %add3A_262 = arith.constant 18 : i32
        %add3A_263 = arith.addi %mul3A_101, %add3A_262 : i32
        %broadcast_in_dim3A_264 = vector.broadcast %add3A_263 : i32 to vector<16xi32>
        %gather3A_265 = tpu.vector_load_idx %arg9[%iota3A, %broadcast_in_dim3A_264] : memref<16x300xi32, #tpu.memory_space<vmem>>[vector<16xi32>, vector<16xi32>], vector<16xi32>,
        %mul3A_266 = arith.constant 3 : i32
        %mul3A_267 = arith.muli %mul3A_266, %add3A_263 : i32
        %add3A_268 = vector.broadcast %mul3A_267 : i32 to vector<16xi32>
        %add3A_269 = arith.addi %gather3A_265, %add3A_268 : vector<16xi32>
        %gather3A_270 = tpu.vector_load_idx %arg8[%add3A_269] : memref<912xf32, #tpu.memory_space<vmem>>[vector<16xi32>], vector<16xf32>,
        %add3A_271 = arith.constant 19 : i32
        %add3A_272 = arith.addi %mul3A_101, %add3A_271 : i32
        %broadcast_in_dim3A_273 = vector.broadcast %add3A_272 : i32 to vector<16xi32>
        %gather3A_274 = tpu.vector_load_idx %arg9[%iota3A, %broadcast_in_dim3A_273] : memref<16x300xi32, #tpu.memory_space<vmem>>[vector<16xi32>, vector<16xi32>], vector<16xi32>,
        %mul3A_275 = arith.constant 3 : i32
        %mul3A_276 = arith.muli %mul3A_275, %add3A_272 : i32
        %add3A_277 = vector.broadcast %mul3A_276 : i32 to vector<16xi32>
        %add3A_278 = arith.addi %gather3A_274, %add3A_277 : vector<16xi32>
        %gather3A_279 = tpu.vector_load_idx %arg8[%add3A_278] : memref<912xf32, #tpu.memory_space<vmem>>[vector<16xi32>], vector<16xf32>,
        %add3A_280 = arith.constant 20 : i32
        %add3A_281 = arith.addi %mul3A_101, %add3A_280 : i32
        %broadcast_in_dim3A_282 = vector.broadcast %add3A_281 : i32 to vector<16xi32>
        %gather3A_283 = tpu.vector_load_idx %arg9[%iota3A, %broadcast_in_dim3A_282] : memref<16x300xi32, #tpu.memory_space<vmem>>[vector<16xi32>, vector<16xi32>], vector<16xi32>,
        %mul3A_284 = arith.constant 3 : i32
        %mul3A_285 = arith.muli %mul3A_284, %add3A_281 : i32
        %add3A_286 = vector.broadcast %mul3A_285 : i32 to vector<16xi32>
        %add3A_287 = arith.addi %gather3A_283, %add3A_286 : vector<16xi32>
        %gather3A_288 = tpu.vector_load_idx %arg8[%add3A_287] : memref<912xf32, #tpu.memory_space<vmem>>[vector<16xi32>], vector<16xf32>,
        %add3A_289 = arith.constant 21 : i32
        %add3A_290 = arith.addi %mul3A_101, %add3A_289 : i32
        %broadcast_in_dim3A_291 = vector.broadcast %add3A_290 : i32 to vector<16xi32>
        %gather3A_292 = tpu.vector_load_idx %arg9[%iota3A, %broadcast_in_dim3A_291] : memref<16x300xi32, #tpu.memory_space<vmem>>[vector<16xi32>, vector<16xi32>], vector<16xi32>,
        %mul3A_293 = arith.constant 3 : i32
        %mul3A_294 = arith.muli %mul3A_293, %add3A_290 : i32
        %add3A_295 = vector.broadcast %mul3A_294 : i32 to vector<16xi32>
        %add3A_296 = arith.addi %gather3A_292, %add3A_295 : vector<16xi32>
        %gather3A_297 = tpu.vector_load_idx %arg8[%add3A_296] : memref<912xf32, #tpu.memory_space<vmem>>[vector<16xi32>], vector<16xf32>,
        %add3A_298 = arith.constant 22 : i32
        %add3A_299 = arith.addi %mul3A_101, %add3A_298 : i32
        %broadcast_in_dim3A_300 = vector.broadcast %add3A_299 : i32 to vector<16xi32>
        %gather3A_301 = tpu.vector_load_idx %arg9[%iota3A, %broadcast_in_dim3A_300] : memref<16x300xi32, #tpu.memory_space<vmem>>[vector<16xi32>, vector<16xi32>], vector<16xi32>,
        %mul3A_302 = arith.constant 3 : i32
        %mul3A_303 = arith.muli %mul3A_302, %add3A_299 : i32
        %add3A_304 = vector.broadcast %mul3A_303 : i32 to vector<16xi32>
        %add3A_305 = arith.addi %gather3A_301, %add3A_304 : vector<16xi32>
        %gather3A_306 = tpu.vector_load_idx %arg8[%add3A_305] : memref<912xf32, #tpu.memory_space<vmem>>[vector<16xi32>], vector<16xf32>,
        %add3A_307 = arith.constant 23 : i32
        %add3A_308 = arith.addi %mul3A_101, %add3A_307 : i32
        %broadcast_in_dim3A_309 = vector.broadcast %add3A_308 : i32 to vector<16xi32>
        %gather3A_310 = tpu.vector_load_idx %arg9[%iota3A, %broadcast_in_dim3A_309] : memref<16x300xi32, #tpu.memory_space<vmem>>[vector<16xi32>, vector<16xi32>], vector<16xi32>,
        %mul3A_311 = arith.constant 3 : i32
        %mul3A_312 = arith.muli %mul3A_311, %add3A_308 : i32
        %add3A_313 = vector.broadcast %mul3A_312 : i32 to vector<16xi32>
        %add3A_314 = arith.addi %gather3A_310, %add3A_313 : vector<16xi32>
        %gather3A_315 = tpu.vector_load_idx %arg8[%add3A_314] : memref<912xf32, #tpu.memory_space<vmem>>[vector<16xi32>], vector<16xf32>,
        %add3A_316 = arith.constant 24 : i32
        %add3A_317 = arith.addi %mul3A_101, %add3A_316 : i32
        %broadcast_in_dim3A_318 = vector.broadcast %add3A_317 : i32 to vector<16xi32>
        %gather3A_319 = tpu.vector_load_idx %arg9[%iota3A, %broadcast_in_dim3A_318] : memref<16x300xi32, #tpu.memory_space<vmem>>[vector<16xi32>, vector<16xi32>], vector<16xi32>,
        %mul3A_320 = arith.constant 3 : i32
        %mul3A_321 = arith.muli %mul3A_320, %add3A_317 : i32
        %add3A_322 = vector.broadcast %mul3A_321 : i32 to vector<16xi32>
        %add3A_323 = arith.addi %gather3A_319, %add3A_322 : vector<16xi32>
        %gather3A_324 = tpu.vector_load_idx %arg8[%add3A_323] : memref<912xf32, #tpu.memory_space<vmem>>[vector<16xi32>], vector<16xf32>,
        %add3A_325 = arith.constant 25 : i32
        %add3A_326 = arith.addi %mul3A_101, %add3A_325 : i32
        %broadcast_in_dim3A_327 = vector.broadcast %add3A_326 : i32 to vector<16xi32>
        %gather3A_328 = tpu.vector_load_idx %arg9[%iota3A, %broadcast_in_dim3A_327] : memref<16x300xi32, #tpu.memory_space<vmem>>[vector<16xi32>, vector<16xi32>], vector<16xi32>,
        %mul3A_329 = arith.constant 3 : i32
        %mul3A_330 = arith.muli %mul3A_329, %add3A_326 : i32
        %add3A_331 = vector.broadcast %mul3A_330 : i32 to vector<16xi32>
        %add3A_332 = arith.addi %gather3A_328, %add3A_331 : vector<16xi32>
        %gather3A_333 = tpu.vector_load_idx %arg8[%add3A_332] : memref<912xf32, #tpu.memory_space<vmem>>[vector<16xi32>], vector<16xf32>,
        %add3A_334 = arith.constant 26 : i32
        %add3A_335 = arith.addi %mul3A_101, %add3A_334 : i32
        %broadcast_in_dim3A_336 = vector.broadcast %add3A_335 : i32 to vector<16xi32>
        %gather3A_337 = tpu.vector_load_idx %arg9[%iota3A, %broadcast_in_dim3A_336] : memref<16x300xi32, #tpu.memory_space<vmem>>[vector<16xi32>, vector<16xi32>], vector<16xi32>,
        %mul3A_338 = arith.constant 3 : i32
        %mul3A_339 = arith.muli %mul3A_338, %add3A_335 : i32
        %add3A_340 = vector.broadcast %mul3A_339 : i32 to vector<16xi32>
        %add3A_341 = arith.addi %gather3A_337, %add3A_340 : vector<16xi32>
        %gather3A_342 = tpu.vector_load_idx %arg8[%add3A_341] : memref<912xf32, #tpu.memory_space<vmem>>[vector<16xi32>], vector<16xf32>,
        %add3A_343 = arith.constant 27 : i32
        %add3A_344 = arith.addi %mul3A_101, %add3A_343 : i32
        %broadcast_in_dim3A_345 = vector.broadcast %add3A_344 : i32 to vector<16xi32>
        %gather3A_346 = tpu.vector_load_idx %arg9[%iota3A, %broadcast_in_dim3A_345] : memref<16x300xi32, #tpu.memory_space<vmem>>[vector<16xi32>, vector<16xi32>], vector<16xi32>,
        %mul3A_347 = arith.constant 3 : i32
        %mul3A_348 = arith.muli %mul3A_347, %add3A_344 : i32
        %add3A_349 = vector.broadcast %mul3A_348 : i32 to vector<16xi32>
        %add3A_350 = arith.addi %gather3A_346, %add3A_349 : vector<16xi32>
        %gather3A_351 = tpu.vector_load_idx %arg8[%add3A_350] : memref<912xf32, #tpu.memory_space<vmem>>[vector<16xi32>], vector<16xf32>,
        %add3A_352 = arith.constant 28 : i32
        %add3A_353 = arith.addi %mul3A_101, %add3A_352 : i32
        %broadcast_in_dim3A_354 = vector.broadcast %add3A_353 : i32 to vector<16xi32>
        %gather3A_355 = tpu.vector_load_idx %arg9[%iota3A, %broadcast_in_dim3A_354] : memref<16x300xi32, #tpu.memory_space<vmem>>[vector<16xi32>, vector<16xi32>], vector<16xi32>,
        %mul3A_356 = arith.constant 3 : i32
        %mul3A_357 = arith.muli %mul3A_356, %add3A_353 : i32
        %add3A_358 = vector.broadcast %mul3A_357 : i32 to vector<16xi32>
        %add3A_359 = arith.addi %gather3A_355, %add3A_358 : vector<16xi32>
        %gather3A_360 = tpu.vector_load_idx %arg8[%add3A_359] : memref<912xf32, #tpu.memory_space<vmem>>[vector<16xi32>], vector<16xf32>,
        %add3A_361 = arith.constant 29 : i32
        %add3A_362 = arith.addi %mul3A_101, %add3A_361 : i32
        %broadcast_in_dim3A_363 = vector.broadcast %add3A_362 : i32 to vector<16xi32>
        %gather3A_364 = tpu.vector_load_idx %arg9[%iota3A, %broadcast_in_dim3A_363] : memref<16x300xi32, #tpu.memory_space<vmem>>[vector<16xi32>, vector<16xi32>], vector<16xi32>,
        %mul3A_365 = arith.constant 3 : i32
        %mul3A_366 = arith.muli %mul3A_365, %add3A_362 : i32
        %add3A_367 = vector.broadcast %mul3A_366 : i32 to vector<16xi32>
        %add3A_368 = arith.addi %gather3A_364, %add3A_367 : vector<16xi32>
        %gather3A_369 = tpu.vector_load_idx %arg8[%add3A_368] : memref<912xf32, #tpu.memory_space<vmem>>[vector<16xi32>], vector<16xf32>,
        %add3A_370 = arith.addf %gather3A_108, %gather3A_117 : vector<16xf32>
        %add3A_371 = arith.addf %gather3A_126, %gather3A_135 : vector<16xf32>
        %add3A_372 = arith.addf %gather3A_144, %gather3A_153 : vector<16xf32>
        %add3A_373 = arith.addf %gather3A_162, %gather3A_171 : vector<16xf32>
        %add3A_374 = arith.addf %gather3A_180, %gather3A_189 : vector<16xf32>
        %add3A_375 = arith.addf %gather3A_198, %gather3A_207 : vector<16xf32>
        %add3A_376 = arith.addf %gather3A_216, %gather3A_225 : vector<16xf32>
        %add3A_377 = arith.addf %gather3A_234, %gather3A_243 : vector<16xf32>
        %add3A_378 = arith.addf %gather3A_252, %gather3A_261 : vector<16xf32>
        %add3A_379 = arith.addf %gather3A_270, %gather3A_279 : vector<16xf32>
        %add3A_380 = arith.addf %gather3A_288, %gather3A_297 : vector<16xf32>
        %add3A_381 = arith.addf %gather3A_306, %gather3A_315 : vector<16xf32>
        %add3A_382 = arith.addf %gather3A_324, %gather3A_333 : vector<16xf32>
        %add3A_383 = arith.addf %gather3A_342, %gather3A_351 : vector<16xf32>
        %add3A_384 = arith.addf %gather3A_360, %gather3A_369 : vector<16xf32>
        %add3A_385 = arith.addf %add3A_370, %add3A_371 : vector<16xf32>
        %add3A_386 = arith.addf %add3A_372, %add3A_373 : vector<16xf32>
        %add3A_387 = arith.addf %add3A_374, %add3A_375 : vector<16xf32>
        %add3A_388 = arith.addf %add3A_376, %add3A_377 : vector<16xf32>
        %add3A_389 = arith.addf %add3A_378, %add3A_379 : vector<16xf32>
        %add3A_390 = arith.addf %add3A_380, %add3A_381 : vector<16xf32>
        %add3A_391 = arith.addf %add3A_382, %add3A_383 : vector<16xf32>
        %add3A_392 = arith.addf %add3A_385, %add3A_386 : vector<16xf32>
        %add3A_393 = arith.addf %add3A_387, %add3A_388 : vector<16xf32>
        %add3A_394 = arith.addf %add3A_389, %add3A_390 : vector<16xf32>
        %add3A_395 = arith.addf %add3A_391, %add3A_384 : vector<16xf32>
        %add3A_396 = arith.addf %add3A_392, %add3A_393 : vector<16xf32>
        %add3A_397 = arith.addf %add3A_394, %add3A_395 : vector<16xf32>
        %add3A_398 = arith.addf %add3A_396, %add3A_397 : vector<16xf32>
        %broadcast_in_dim3A_399 = vector.broadcast %add3A_99 : i32 to vector<16xi32>
        tpu.vector_store_idx %arg13[%iota3A, %broadcast_in_dim3A_399], %add3A_398 : memref<16x10xf32, #tpu.memory_space<vmem>>[vector<16xi32>, vector<16xi32>], vector<16xf32>,
      }
      %scan3A_61 = arith.constant 10 : i32
      "tpu.region"() ({
        %run_scoped3A = tpu.sem_alloc : memref<!tpu.dma_semaphore, #tpu.memory_space<semaphore_mem>>
        %dma_start3A_95 = arith.constant 0 : i32
        %dma_start3A_96 = tpu.memref_slice %arg5[%add3A_56, %dma_start3A_95] : memref<16384x10xf32, #tpu.memory_space<hbm>> -> memref<16x10xf32, #tpu.memory_space<hbm>>
        %dma_start3A_97 = arith.constant 0 : i32
        %dma_start3A_98 = tpu.memref_slice %arg5[%add3A_56, %dma_start3A_97] : memref<16384x10xf32, #tpu.memory_space<hbm>> -> memref<16x10xf32, #tpu.memory_space<hbm>>
        tpu.enqueue_dma source(%arg13 : memref<16x10xf32, #tpu.memory_space<vmem>>) target(%dma_start3A_98 : memref<16x10xf32, #tpu.memory_space<hbm>>) target_semaphore(%run_scoped3A : memref<!tpu.dma_semaphore, #tpu.memory_space<semaphore_mem>>)
        %dma_wait3A_99 = arith.constant 0 : i32
        %dma_wait3A_100 = tpu.memref_slice %arg5[%add3A_56, %dma_wait3A_99] : memref<16384x10xf32, #tpu.memory_space<hbm>> -> memref<16x10xf32, #tpu.memory_space<hbm>>
        %dma_wait3A_101 = arith.constant 0 : i32
        %dma_wait3A_102 = tpu.memref_slice %arg5[%add3A_56, %dma_wait3A_101] : memref<16384x10xf32, #tpu.memory_space<hbm>> -> memref<16x10xf32, #tpu.memory_space<hbm>>
        tpu.wait_dma2 semaphore(%run_scoped3A : memref<!tpu.dma_semaphore, #tpu.memory_space<semaphore_mem>>) src(%arg13 : memref<16x10xf32, #tpu.memory_space<vmem>>) dst(%dma_wait3A_102 : memref<16x10xf32, #tpu.memory_space<hbm>>)
        tpu.yield
      }) : () -> ()
      %dma_wait3A_62 = arith.constant 0 : i32
      %dma_wait3A_63 = tpu.memref_slice %arg4[%add3A_35, %dma_wait3A_62] : memref<16384x300xi32, #tpu.memory_space<hbm>> -> memref<16x300xi32, #tpu.memory_space<hbm>>
      %dma_wait3A_64 = arith.constant 0 : i32
      %dma_wait3A_65 = tpu.memref_slice %arg4[%add3A_35, %dma_wait3A_64] : memref<16384x300xi32, #tpu.memory_space<hbm>> -> memref<16x300xi32, #tpu.memory_space<hbm>>
      tpu.wait_dma2 semaphore(%arg15 : memref<!tpu.dma_semaphore, #tpu.memory_space<semaphore_mem>>) src(%dma_wait3A_65 : memref<16x300xi32, #tpu.memory_space<hbm>>) dst(%arg10 : memref<16x300xi32, #tpu.memory_space<vmem>>)
      %add3A_66 = arith.constant 16 : i32
      %add3A_67 = arith.addi %add3A_28, %add3A_66 : i32
      %scan3A_68 = arith.constant 0 : i32
      %scan3A_69 = arith.constant 10 : i32
      %scan3A_70 = arith.addi %scan3A_68, %scan3A_69 : i32
      %scan3A_71 = arith.constant 1 : i32
      scf.for %scan3A_95 = %scan3A_68 to %scan3A_70 step %scan3A_71  : i32 {
        %mul3A_96 = arith.constant 1 : i32
        %mul3A_97 = arith.muli %scan3A_95, %mul3A_96 : i32
        %add3A_98 = arith.constant 0 : i32
        %add3A_99 = arith.addi %add3A_98, %mul3A_97 : i32
        %mul3A_100 = arith.constant 30 : i32
        %mul3A_101 = arith.muli %add3A_99, %mul3A_100 : i32
        %add3A_102 = arith.constant 0 : i32
        %add3A_103 = arith.addi %mul3A_101, %add3A_102 : i32
        %broadcast_in_dim3A = vector.broadcast %add3A_103 : i32 to vector<16xi32>
        %gather3A = tpu.vector_load_idx %arg10[%iota3A, %broadcast_in_dim3A] : memref<16x300xi32, #tpu.memory_space<vmem>>[vector<16xi32>, vector<16xi32>], vector<16xi32>,
        %mul3A_104 = arith.constant 3 : i32
        %mul3A_105 = arith.muli %mul3A_104, %add3A_103 : i32
        %add3A_106 = vector.broadcast %mul3A_105 : i32 to vector<16xi32>
        %add3A_107 = arith.addi %gather3A, %add3A_106 : vector<16xi32>
        %gather3A_108 = tpu.vector_load_idx %arg8[%add3A_107] : memref<912xf32, #tpu.memory_space<vmem>>[vector<16xi32>], vector<16xf32>,
        %add3A_109 = arith.constant 1 : i32
        %add3A_110 = arith.addi %mul3A_101, %add3A_109 : i32
        %broadcast_in_dim3A_111 = vector.broadcast %add3A_110 : i32 to vector<16xi32>
        %gather3A_112 = tpu.vector_load_idx %arg10[%iota3A, %broadcast_in_dim3A_111] : memref<16x300xi32, #tpu.memory_space<vmem>>[vector<16xi32>, vector<16xi32>], vector<16xi32>,
        %mul3A_113 = arith.constant 3 : i32
        %mul3A_114 = arith.muli %mul3A_113, %add3A_110 : i32
        %add3A_115 = vector.broadcast %mul3A_114 : i32 to vector<16xi32>
        %add3A_116 = arith.addi %gather3A_112, %add3A_115 : vector<16xi32>
        %gather3A_117 = tpu.vector_load_idx %arg8[%add3A_116] : memref<912xf32, #tpu.memory_space<vmem>>[vector<16xi32>], vector<16xf32>,
        %add3A_118 = arith.constant 2 : i32
        %add3A_119 = arith.addi %mul3A_101, %add3A_118 : i32
        %broadcast_in_dim3A_120 = vector.broadcast %add3A_119 : i32 to vector<16xi32>
        %gather3A_121 = tpu.vector_load_idx %arg10[%iota3A, %broadcast_in_dim3A_120] : memref<16x300xi32, #tpu.memory_space<vmem>>[vector<16xi32>, vector<16xi32>], vector<16xi32>,
        %mul3A_122 = arith.constant 3 : i32
        %mul3A_123 = arith.muli %mul3A_122, %add3A_119 : i32
        %add3A_124 = vector.broadcast %mul3A_123 : i32 to vector<16xi32>
        %add3A_125 = arith.addi %gather3A_121, %add3A_124 : vector<16xi32>
        %gather3A_126 = tpu.vector_load_idx %arg8[%add3A_125] : memref<912xf32, #tpu.memory_space<vmem>>[vector<16xi32>], vector<16xf32>,
        %add3A_127 = arith.constant 3 : i32
        %add3A_128 = arith.addi %mul3A_101, %add3A_127 : i32
        %broadcast_in_dim3A_129 = vector.broadcast %add3A_128 : i32 to vector<16xi32>
        %gather3A_130 = tpu.vector_load_idx %arg10[%iota3A, %broadcast_in_dim3A_129] : memref<16x300xi32, #tpu.memory_space<vmem>>[vector<16xi32>, vector<16xi32>], vector<16xi32>,
        %mul3A_131 = arith.constant 3 : i32
        %mul3A_132 = arith.muli %mul3A_131, %add3A_128 : i32
        %add3A_133 = vector.broadcast %mul3A_132 : i32 to vector<16xi32>
        %add3A_134 = arith.addi %gather3A_130, %add3A_133 : vector<16xi32>
        %gather3A_135 = tpu.vector_load_idx %arg8[%add3A_134] : memref<912xf32, #tpu.memory_space<vmem>>[vector<16xi32>], vector<16xf32>,
        %add3A_136 = arith.constant 4 : i32
        %add3A_137 = arith.addi %mul3A_101, %add3A_136 : i32
        %broadcast_in_dim3A_138 = vector.broadcast %add3A_137 : i32 to vector<16xi32>
        %gather3A_139 = tpu.vector_load_idx %arg10[%iota3A, %broadcast_in_dim3A_138] : memref<16x300xi32, #tpu.memory_space<vmem>>[vector<16xi32>, vector<16xi32>], vector<16xi32>,
        %mul3A_140 = arith.constant 3 : i32
        %mul3A_141 = arith.muli %mul3A_140, %add3A_137 : i32
        %add3A_142 = vector.broadcast %mul3A_141 : i32 to vector<16xi32>
        %add3A_143 = arith.addi %gather3A_139, %add3A_142 : vector<16xi32>
        %gather3A_144 = tpu.vector_load_idx %arg8[%add3A_143] : memref<912xf32, #tpu.memory_space<vmem>>[vector<16xi32>], vector<16xf32>,
        %add3A_145 = arith.constant 5 : i32
        %add3A_146 = arith.addi %mul3A_101, %add3A_145 : i32
        %broadcast_in_dim3A_147 = vector.broadcast %add3A_146 : i32 to vector<16xi32>
        %gather3A_148 = tpu.vector_load_idx %arg10[%iota3A, %broadcast_in_dim3A_147] : memref<16x300xi32, #tpu.memory_space<vmem>>[vector<16xi32>, vector<16xi32>], vector<16xi32>,
        %mul3A_149 = arith.constant 3 : i32
        %mul3A_150 = arith.muli %mul3A_149, %add3A_146 : i32
        %add3A_151 = vector.broadcast %mul3A_150 : i32 to vector<16xi32>
        %add3A_152 = arith.addi %gather3A_148, %add3A_151 : vector<16xi32>
        %gather3A_153 = tpu.vector_load_idx %arg8[%add3A_152] : memref<912xf32, #tpu.memory_space<vmem>>[vector<16xi32>], vector<16xf32>,
        %add3A_154 = arith.constant 6 : i32
        %add3A_155 = arith.addi %mul3A_101, %add3A_154 : i32
        %broadcast_in_dim3A_156 = vector.broadcast %add3A_155 : i32 to vector<16xi32>
        %gather3A_157 = tpu.vector_load_idx %arg10[%iota3A, %broadcast_in_dim3A_156] : memref<16x300xi32, #tpu.memory_space<vmem>>[vector<16xi32>, vector<16xi32>], vector<16xi32>,
        %mul3A_158 = arith.constant 3 : i32
        %mul3A_159 = arith.muli %mul3A_158, %add3A_155 : i32
        %add3A_160 = vector.broadcast %mul3A_159 : i32 to vector<16xi32>
        %add3A_161 = arith.addi %gather3A_157, %add3A_160 : vector<16xi32>
        %gather3A_162 = tpu.vector_load_idx %arg8[%add3A_161] : memref<912xf32, #tpu.memory_space<vmem>>[vector<16xi32>], vector<16xf32>,
        %add3A_163 = arith.constant 7 : i32
        %add3A_164 = arith.addi %mul3A_101, %add3A_163 : i32
        %broadcast_in_dim3A_165 = vector.broadcast %add3A_164 : i32 to vector<16xi32>
        %gather3A_166 = tpu.vector_load_idx %arg10[%iota3A, %broadcast_in_dim3A_165] : memref<16x300xi32, #tpu.memory_space<vmem>>[vector<16xi32>, vector<16xi32>], vector<16xi32>,
        %mul3A_167 = arith.constant 3 : i32
        %mul3A_168 = arith.muli %mul3A_167, %add3A_164 : i32
        %add3A_169 = vector.broadcast %mul3A_168 : i32 to vector<16xi32>
        %add3A_170 = arith.addi %gather3A_166, %add3A_169 : vector<16xi32>
        %gather3A_171 = tpu.vector_load_idx %arg8[%add3A_170] : memref<912xf32, #tpu.memory_space<vmem>>[vector<16xi32>], vector<16xf32>,
        %add3A_172 = arith.constant 8 : i32
        %add3A_173 = arith.addi %mul3A_101, %add3A_172 : i32
        %broadcast_in_dim3A_174 = vector.broadcast %add3A_173 : i32 to vector<16xi32>
        %gather3A_175 = tpu.vector_load_idx %arg10[%iota3A, %broadcast_in_dim3A_174] : memref<16x300xi32, #tpu.memory_space<vmem>>[vector<16xi32>, vector<16xi32>], vector<16xi32>,
        %mul3A_176 = arith.constant 3 : i32
        %mul3A_177 = arith.muli %mul3A_176, %add3A_173 : i32
        %add3A_178 = vector.broadcast %mul3A_177 : i32 to vector<16xi32>
        %add3A_179 = arith.addi %gather3A_175, %add3A_178 : vector<16xi32>
        %gather3A_180 = tpu.vector_load_idx %arg8[%add3A_179] : memref<912xf32, #tpu.memory_space<vmem>>[vector<16xi32>], vector<16xf32>,
        %add3A_181 = arith.constant 9 : i32
        %add3A_182 = arith.addi %mul3A_101, %add3A_181 : i32
        %broadcast_in_dim3A_183 = vector.broadcast %add3A_182 : i32 to vector<16xi32>
        %gather3A_184 = tpu.vector_load_idx %arg10[%iota3A, %broadcast_in_dim3A_183] : memref<16x300xi32, #tpu.memory_space<vmem>>[vector<16xi32>, vector<16xi32>], vector<16xi32>,
        %mul3A_185 = arith.constant 3 : i32
        %mul3A_186 = arith.muli %mul3A_185, %add3A_182 : i32
        %add3A_187 = vector.broadcast %mul3A_186 : i32 to vector<16xi32>
        %add3A_188 = arith.addi %gather3A_184, %add3A_187 : vector<16xi32>
        %gather3A_189 = tpu.vector_load_idx %arg8[%add3A_188] : memref<912xf32, #tpu.memory_space<vmem>>[vector<16xi32>], vector<16xf32>,
        %add3A_190 = arith.constant 10 : i32
        %add3A_191 = arith.addi %mul3A_101, %add3A_190 : i32
        %broadcast_in_dim3A_192 = vector.broadcast %add3A_191 : i32 to vector<16xi32>
        %gather3A_193 = tpu.vector_load_idx %arg10[%iota3A, %broadcast_in_dim3A_192] : memref<16x300xi32, #tpu.memory_space<vmem>>[vector<16xi32>, vector<16xi32>], vector<16xi32>,
        %mul3A_194 = arith.constant 3 : i32
        %mul3A_195 = arith.muli %mul3A_194, %add3A_191 : i32
        %add3A_196 = vector.broadcast %mul3A_195 : i32 to vector<16xi32>
        %add3A_197 = arith.addi %gather3A_193, %add3A_196 : vector<16xi32>
        %gather3A_198 = tpu.vector_load_idx %arg8[%add3A_197] : memref<912xf32, #tpu.memory_space<vmem>>[vector<16xi32>], vector<16xf32>,
        %add3A_199 = arith.constant 11 : i32
        %add3A_200 = arith.addi %mul3A_101, %add3A_199 : i32
        %broadcast_in_dim3A_201 = vector.broadcast %add3A_200 : i32 to vector<16xi32>
        %gather3A_202 = tpu.vector_load_idx %arg10[%iota3A, %broadcast_in_dim3A_201] : memref<16x300xi32, #tpu.memory_space<vmem>>[vector<16xi32>, vector<16xi32>], vector<16xi32>,
        %mul3A_203 = arith.constant 3 : i32
        %mul3A_204 = arith.muli %mul3A_203, %add3A_200 : i32
        %add3A_205 = vector.broadcast %mul3A_204 : i32 to vector<16xi32>
        %add3A_206 = arith.addi %gather3A_202, %add3A_205 : vector<16xi32>
        %gather3A_207 = tpu.vector_load_idx %arg8[%add3A_206] : memref<912xf32, #tpu.memory_space<vmem>>[vector<16xi32>], vector<16xf32>,
        %add3A_208 = arith.constant 12 : i32
        %add3A_209 = arith.addi %mul3A_101, %add3A_208 : i32
        %broadcast_in_dim3A_210 = vector.broadcast %add3A_209 : i32 to vector<16xi32>
        %gather3A_211 = tpu.vector_load_idx %arg10[%iota3A, %broadcast_in_dim3A_210] : memref<16x300xi32, #tpu.memory_space<vmem>>[vector<16xi32>, vector<16xi32>], vector<16xi32>,
        %mul3A_212 = arith.constant 3 : i32
        %mul3A_213 = arith.muli %mul3A_212, %add3A_209 : i32
        %add3A_214 = vector.broadcast %mul3A_213 : i32 to vector<16xi32>
        %add3A_215 = arith.addi %gather3A_211, %add3A_214 : vector<16xi32>
        %gather3A_216 = tpu.vector_load_idx %arg8[%add3A_215] : memref<912xf32, #tpu.memory_space<vmem>>[vector<16xi32>], vector<16xf32>,
        %add3A_217 = arith.constant 13 : i32
        %add3A_218 = arith.addi %mul3A_101, %add3A_217 : i32
        %broadcast_in_dim3A_219 = vector.broadcast %add3A_218 : i32 to vector<16xi32>
        %gather3A_220 = tpu.vector_load_idx %arg10[%iota3A, %broadcast_in_dim3A_219] : memref<16x300xi32, #tpu.memory_space<vmem>>[vector<16xi32>, vector<16xi32>], vector<16xi32>,
        %mul3A_221 = arith.constant 3 : i32
        %mul3A_222 = arith.muli %mul3A_221, %add3A_218 : i32
        %add3A_223 = vector.broadcast %mul3A_222 : i32 to vector<16xi32>
        %add3A_224 = arith.addi %gather3A_220, %add3A_223 : vector<16xi32>
        %gather3A_225 = tpu.vector_load_idx %arg8[%add3A_224] : memref<912xf32, #tpu.memory_space<vmem>>[vector<16xi32>], vector<16xf32>,
        %add3A_226 = arith.constant 14 : i32
        %add3A_227 = arith.addi %mul3A_101, %add3A_226 : i32
        %broadcast_in_dim3A_228 = vector.broadcast %add3A_227 : i32 to vector<16xi32>
        %gather3A_229 = tpu.vector_load_idx %arg10[%iota3A, %broadcast_in_dim3A_228] : memref<16x300xi32, #tpu.memory_space<vmem>>[vector<16xi32>, vector<16xi32>], vector<16xi32>,
        %mul3A_230 = arith.constant 3 : i32
        %mul3A_231 = arith.muli %mul3A_230, %add3A_227 : i32
        %add3A_232 = vector.broadcast %mul3A_231 : i32 to vector<16xi32>
        %add3A_233 = arith.addi %gather3A_229, %add3A_232 : vector<16xi32>
        %gather3A_234 = tpu.vector_load_idx %arg8[%add3A_233] : memref<912xf32, #tpu.memory_space<vmem>>[vector<16xi32>], vector<16xf32>,
        %add3A_235 = arith.constant 15 : i32
        %add3A_236 = arith.addi %mul3A_101, %add3A_235 : i32
        %broadcast_in_dim3A_237 = vector.broadcast %add3A_236 : i32 to vector<16xi32>
        %gather3A_238 = tpu.vector_load_idx %arg10[%iota3A, %broadcast_in_dim3A_237] : memref<16x300xi32, #tpu.memory_space<vmem>>[vector<16xi32>, vector<16xi32>], vector<16xi32>,
        %mul3A_239 = arith.constant 3 : i32
        %mul3A_240 = arith.muli %mul3A_239, %add3A_236 : i32
        %add3A_241 = vector.broadcast %mul3A_240 : i32 to vector<16xi32>
        %add3A_242 = arith.addi %gather3A_238, %add3A_241 : vector<16xi32>
        %gather3A_243 = tpu.vector_load_idx %arg8[%add3A_242] : memref<912xf32, #tpu.memory_space<vmem>>[vector<16xi32>], vector<16xf32>,
        %add3A_244 = arith.constant 16 : i32
        %add3A_245 = arith.addi %mul3A_101, %add3A_244 : i32
        %broadcast_in_dim3A_246 = vector.broadcast %add3A_245 : i32 to vector<16xi32>
        %gather3A_247 = tpu.vector_load_idx %arg10[%iota3A, %broadcast_in_dim3A_246] : memref<16x300xi32, #tpu.memory_space<vmem>>[vector<16xi32>, vector<16xi32>], vector<16xi32>,
        %mul3A_248 = arith.constant 3 : i32
        %mul3A_249 = arith.muli %mul3A_248, %add3A_245 : i32
        %add3A_250 = vector.broadcast %mul3A_249 : i32 to vector<16xi32>
        %add3A_251 = arith.addi %gather3A_247, %add3A_250 : vector<16xi32>
        %gather3A_252 = tpu.vector_load_idx %arg8[%add3A_251] : memref<912xf32, #tpu.memory_space<vmem>>[vector<16xi32>], vector<16xf32>,
        %add3A_253 = arith.constant 17 : i32
        %add3A_254 = arith.addi %mul3A_101, %add3A_253 : i32
        %broadcast_in_dim3A_255 = vector.broadcast %add3A_254 : i32 to vector<16xi32>
        %gather3A_256 = tpu.vector_load_idx %arg10[%iota3A, %broadcast_in_dim3A_255] : memref<16x300xi32, #tpu.memory_space<vmem>>[vector<16xi32>, vector<16xi32>], vector<16xi32>,
        %mul3A_257 = arith.constant 3 : i32
        %mul3A_258 = arith.muli %mul3A_257, %add3A_254 : i32
        %add3A_259 = vector.broadcast %mul3A_258 : i32 to vector<16xi32>
        %add3A_260 = arith.addi %gather3A_256, %add3A_259 : vector<16xi32>
        %gather3A_261 = tpu.vector_load_idx %arg8[%add3A_260] : memref<912xf32, #tpu.memory_space<vmem>>[vector<16xi32>], vector<16xf32>,
        %add3A_262 = arith.constant 18 : i32
        %add3A_263 = arith.addi %mul3A_101, %add3A_262 : i32
        %broadcast_in_dim3A_264 = vector.broadcast %add3A_263 : i32 to vector<16xi32>
        %gather3A_265 = tpu.vector_load_idx %arg10[%iota3A, %broadcast_in_dim3A_264] : memref<16x300xi32, #tpu.memory_space<vmem>>[vector<16xi32>, vector<16xi32>], vector<16xi32>,
        %mul3A_266 = arith.constant 3 : i32
        %mul3A_267 = arith.muli %mul3A_266, %add3A_263 : i32
        %add3A_268 = vector.broadcast %mul3A_267 : i32 to vector<16xi32>
        %add3A_269 = arith.addi %gather3A_265, %add3A_268 : vector<16xi32>
        %gather3A_270 = tpu.vector_load_idx %arg8[%add3A_269] : memref<912xf32, #tpu.memory_space<vmem>>[vector<16xi32>], vector<16xf32>,
        %add3A_271 = arith.constant 19 : i32
        %add3A_272 = arith.addi %mul3A_101, %add3A_271 : i32
        %broadcast_in_dim3A_273 = vector.broadcast %add3A_272 : i32 to vector<16xi32>
        %gather3A_274 = tpu.vector_load_idx %arg10[%iota3A, %broadcast_in_dim3A_273] : memref<16x300xi32, #tpu.memory_space<vmem>>[vector<16xi32>, vector<16xi32>], vector<16xi32>,
        %mul3A_275 = arith.constant 3 : i32
        %mul3A_276 = arith.muli %mul3A_275, %add3A_272 : i32
        %add3A_277 = vector.broadcast %mul3A_276 : i32 to vector<16xi32>
        %add3A_278 = arith.addi %gather3A_274, %add3A_277 : vector<16xi32>
        %gather3A_279 = tpu.vector_load_idx %arg8[%add3A_278] : memref<912xf32, #tpu.memory_space<vmem>>[vector<16xi32>], vector<16xf32>,
        %add3A_280 = arith.constant 20 : i32
        %add3A_281 = arith.addi %mul3A_101, %add3A_280 : i32
        %broadcast_in_dim3A_282 = vector.broadcast %add3A_281 : i32 to vector<16xi32>
        %gather3A_283 = tpu.vector_load_idx %arg10[%iota3A, %broadcast_in_dim3A_282] : memref<16x300xi32, #tpu.memory_space<vmem>>[vector<16xi32>, vector<16xi32>], vector<16xi32>,
        %mul3A_284 = arith.constant 3 : i32
        %mul3A_285 = arith.muli %mul3A_284, %add3A_281 : i32
        %add3A_286 = vector.broadcast %mul3A_285 : i32 to vector<16xi32>
        %add3A_287 = arith.addi %gather3A_283, %add3A_286 : vector<16xi32>
        %gather3A_288 = tpu.vector_load_idx %arg8[%add3A_287] : memref<912xf32, #tpu.memory_space<vmem>>[vector<16xi32>], vector<16xf32>,
        %add3A_289 = arith.constant 21 : i32
        %add3A_290 = arith.addi %mul3A_101, %add3A_289 : i32
        %broadcast_in_dim3A_291 = vector.broadcast %add3A_290 : i32 to vector<16xi32>
        %gather3A_292 = tpu.vector_load_idx %arg10[%iota3A, %broadcast_in_dim3A_291] : memref<16x300xi32, #tpu.memory_space<vmem>>[vector<16xi32>, vector<16xi32>], vector<16xi32>,
        %mul3A_293 = arith.constant 3 : i32
        %mul3A_294 = arith.muli %mul3A_293, %add3A_290 : i32
        %add3A_295 = vector.broadcast %mul3A_294 : i32 to vector<16xi32>
        %add3A_296 = arith.addi %gather3A_292, %add3A_295 : vector<16xi32>
        %gather3A_297 = tpu.vector_load_idx %arg8[%add3A_296] : memref<912xf32, #tpu.memory_space<vmem>>[vector<16xi32>], vector<16xf32>,
        %add3A_298 = arith.constant 22 : i32
        %add3A_299 = arith.addi %mul3A_101, %add3A_298 : i32
        %broadcast_in_dim3A_300 = vector.broadcast %add3A_299 : i32 to vector<16xi32>
        %gather3A_301 = tpu.vector_load_idx %arg10[%iota3A, %broadcast_in_dim3A_300] : memref<16x300xi32, #tpu.memory_space<vmem>>[vector<16xi32>, vector<16xi32>], vector<16xi32>,
        %mul3A_302 = arith.constant 3 : i32
        %mul3A_303 = arith.muli %mul3A_302, %add3A_299 : i32
        %add3A_304 = vector.broadcast %mul3A_303 : i32 to vector<16xi32>
        %add3A_305 = arith.addi %gather3A_301, %add3A_304 : vector<16xi32>
        %gather3A_306 = tpu.vector_load_idx %arg8[%add3A_305] : memref<912xf32, #tpu.memory_space<vmem>>[vector<16xi32>], vector<16xf32>,
        %add3A_307 = arith.constant 23 : i32
        %add3A_308 = arith.addi %mul3A_101, %add3A_307 : i32
        %broadcast_in_dim3A_309 = vector.broadcast %add3A_308 : i32 to vector<16xi32>
        %gather3A_310 = tpu.vector_load_idx %arg10[%iota3A, %broadcast_in_dim3A_309] : memref<16x300xi32, #tpu.memory_space<vmem>>[vector<16xi32>, vector<16xi32>], vector<16xi32>,
        %mul3A_311 = arith.constant 3 : i32
        %mul3A_312 = arith.muli %mul3A_311, %add3A_308 : i32
        %add3A_313 = vector.broadcast %mul3A_312 : i32 to vector<16xi32>
        %add3A_314 = arith.addi %gather3A_310, %add3A_313 : vector<16xi32>
        %gather3A_315 = tpu.vector_load_idx %arg8[%add3A_314] : memref<912xf32, #tpu.memory_space<vmem>>[vector<16xi32>], vector<16xf32>,
        %add3A_316 = arith.constant 24 : i32
        %add3A_317 = arith.addi %mul3A_101, %add3A_316 : i32
        %broadcast_in_dim3A_318 = vector.broadcast %add3A_317 : i32 to vector<16xi32>
        %gather3A_319 = tpu.vector_load_idx %arg10[%iota3A, %broadcast_in_dim3A_318] : memref<16x300xi32, #tpu.memory_space<vmem>>[vector<16xi32>, vector<16xi32>], vector<16xi32>,
        %mul3A_320 = arith.constant 3 : i32
        %mul3A_321 = arith.muli %mul3A_320, %add3A_317 : i32
        %add3A_322 = vector.broadcast %mul3A_321 : i32 to vector<16xi32>
        %add3A_323 = arith.addi %gather3A_319, %add3A_322 : vector<16xi32>
        %gather3A_324 = tpu.vector_load_idx %arg8[%add3A_323] : memref<912xf32, #tpu.memory_space<vmem>>[vector<16xi32>], vector<16xf32>,
        %add3A_325 = arith.constant 25 : i32
        %add3A_326 = arith.addi %mul3A_101, %add3A_325 : i32
        %broadcast_in_dim3A_327 = vector.broadcast %add3A_326 : i32 to vector<16xi32>
        %gather3A_328 = tpu.vector_load_idx %arg10[%iota3A, %broadcast_in_dim3A_327] : memref<16x300xi32, #tpu.memory_space<vmem>>[vector<16xi32>, vector<16xi32>], vector<16xi32>,
        %mul3A_329 = arith.constant 3 : i32
        %mul3A_330 = arith.muli %mul3A_329, %add3A_326 : i32
        %add3A_331 = vector.broadcast %mul3A_330 : i32 to vector<16xi32>
        %add3A_332 = arith.addi %gather3A_328, %add3A_331 : vector<16xi32>
        %gather3A_333 = tpu.vector_load_idx %arg8[%add3A_332] : memref<912xf32, #tpu.memory_space<vmem>>[vector<16xi32>], vector<16xf32>,
        %add3A_334 = arith.constant 26 : i32
        %add3A_335 = arith.addi %mul3A_101, %add3A_334 : i32
        %broadcast_in_dim3A_336 = vector.broadcast %add3A_335 : i32 to vector<16xi32>
        %gather3A_337 = tpu.vector_load_idx %arg10[%iota3A, %broadcast_in_dim3A_336] : memref<16x300xi32, #tpu.memory_space<vmem>>[vector<16xi32>, vector<16xi32>], vector<16xi32>,
        %mul3A_338 = arith.constant 3 : i32
        %mul3A_339 = arith.muli %mul3A_338, %add3A_335 : i32
        %add3A_340 = vector.broadcast %mul3A_339 : i32 to vector<16xi32>
        %add3A_341 = arith.addi %gather3A_337, %add3A_340 : vector<16xi32>
        %gather3A_342 = tpu.vector_load_idx %arg8[%add3A_341] : memref<912xf32, #tpu.memory_space<vmem>>[vector<16xi32>], vector<16xf32>,
        %add3A_343 = arith.constant 27 : i32
        %add3A_344 = arith.addi %mul3A_101, %add3A_343 : i32
        %broadcast_in_dim3A_345 = vector.broadcast %add3A_344 : i32 to vector<16xi32>
        %gather3A_346 = tpu.vector_load_idx %arg10[%iota3A, %broadcast_in_dim3A_345] : memref<16x300xi32, #tpu.memory_space<vmem>>[vector<16xi32>, vector<16xi32>], vector<16xi32>,
        %mul3A_347 = arith.constant 3 : i32
        %mul3A_348 = arith.muli %mul3A_347, %add3A_344 : i32
        %add3A_349 = vector.broadcast %mul3A_348 : i32 to vector<16xi32>
        %add3A_350 = arith.addi %gather3A_346, %add3A_349 : vector<16xi32>
        %gather3A_351 = tpu.vector_load_idx %arg8[%add3A_350] : memref<912xf32, #tpu.memory_space<vmem>>[vector<16xi32>], vector<16xf32>,
        %add3A_352 = arith.constant 28 : i32
        %add3A_353 = arith.addi %mul3A_101, %add3A_352 : i32
        %broadcast_in_dim3A_354 = vector.broadcast %add3A_353 : i32 to vector<16xi32>
        %gather3A_355 = tpu.vector_load_idx %arg10[%iota3A, %broadcast_in_dim3A_354] : memref<16x300xi32, #tpu.memory_space<vmem>>[vector<16xi32>, vector<16xi32>], vector<16xi32>,
        %mul3A_356 = arith.constant 3 : i32
        %mul3A_357 = arith.muli %mul3A_356, %add3A_353 : i32
        %add3A_358 = vector.broadcast %mul3A_357 : i32 to vector<16xi32>
        %add3A_359 = arith.addi %gather3A_355, %add3A_358 : vector<16xi32>
        %gather3A_360 = tpu.vector_load_idx %arg8[%add3A_359] : memref<912xf32, #tpu.memory_space<vmem>>[vector<16xi32>], vector<16xf32>,
        %add3A_361 = arith.constant 29 : i32
        %add3A_362 = arith.addi %mul3A_101, %add3A_361 : i32
        %broadcast_in_dim3A_363 = vector.broadcast %add3A_362 : i32 to vector<16xi32>
        %gather3A_364 = tpu.vector_load_idx %arg10[%iota3A, %broadcast_in_dim3A_363] : memref<16x300xi32, #tpu.memory_space<vmem>>[vector<16xi32>, vector<16xi32>], vector<16xi32>,
        %mul3A_365 = arith.constant 3 : i32
        %mul3A_366 = arith.muli %mul3A_365, %add3A_362 : i32
        %add3A_367 = vector.broadcast %mul3A_366 : i32 to vector<16xi32>
        %add3A_368 = arith.addi %gather3A_364, %add3A_367 : vector<16xi32>
        %gather3A_369 = tpu.vector_load_idx %arg8[%add3A_368] : memref<912xf32, #tpu.memory_space<vmem>>[vector<16xi32>], vector<16xf32>,
        %add3A_370 = arith.addf %gather3A_108, %gather3A_117 : vector<16xf32>
        %add3A_371 = arith.addf %gather3A_126, %gather3A_135 : vector<16xf32>
        %add3A_372 = arith.addf %gather3A_144, %gather3A_153 : vector<16xf32>
        %add3A_373 = arith.addf %gather3A_162, %gather3A_171 : vector<16xf32>
        %add3A_374 = arith.addf %gather3A_180, %gather3A_189 : vector<16xf32>
        %add3A_375 = arith.addf %gather3A_198, %gather3A_207 : vector<16xf32>
        %add3A_376 = arith.addf %gather3A_216, %gather3A_225 : vector<16xf32>
        %add3A_377 = arith.addf %gather3A_234, %gather3A_243 : vector<16xf32>
        %add3A_378 = arith.addf %gather3A_252, %gather3A_261 : vector<16xf32>
        %add3A_379 = arith.addf %gather3A_270, %gather3A_279 : vector<16xf32>
        %add3A_380 = arith.addf %gather3A_288, %gather3A_297 : vector<16xf32>
        %add3A_381 = arith.addf %gather3A_306, %gather3A_315 : vector<16xf32>
        %add3A_382 = arith.addf %gather3A_324, %gather3A_333 : vector<16xf32>
        %add3A_383 = arith.addf %gather3A_342, %gather3A_351 : vector<16xf32>
        %add3A_384 = arith.addf %gather3A_360, %gather3A_369 : vector<16xf32>
        %add3A_385 = arith.addf %add3A_370, %add3A_371 : vector<16xf32>
        %add3A_386 = arith.addf %add3A_372, %add3A_373 : vector<16xf32>
        %add3A_387 = arith.addf %add3A_374, %add3A_375 : vector<16xf32>
        %add3A_388 = arith.addf %add3A_376, %add3A_377 : vector<16xf32>
        %add3A_389 = arith.addf %add3A_378, %add3A_379 : vector<16xf32>
        %add3A_390 = arith.addf %add3A_380, %add3A_381 : vector<16xf32>
        %add3A_391 = arith.addf %add3A_382, %add3A_383 : vector<16xf32>
        %add3A_392 = arith.addf %add3A_385, %add3A_386 : vector<16xf32>
        %add3A_393 = arith.addf %add3A_387, %add3A_388 : vector<16xf32>
        %add3A_394 = arith.addf %add3A_389, %add3A_390 : vector<16xf32>
        %add3A_395 = arith.addf %add3A_391, %add3A_384 : vector<16xf32>
        %add3A_396 = arith.addf %add3A_392, %add3A_393 : vector<16xf32>
        %add3A_397 = arith.addf %add3A_394, %add3A_395 : vector<16xf32>
        %add3A_398 = arith.addf %add3A_396, %add3A_397 : vector<16xf32>
        %broadcast_in_dim3A_399 = vector.broadcast %add3A_99 : i32 to vector<16xi32>
        tpu.vector_store_idx %arg13[%iota3A, %broadcast_in_dim3A_399], %add3A_398 : memref<16x10xf32, #tpu.memory_space<vmem>>[vector<16xi32>, vector<16xi32>], vector<16xf32>,
      }
      %scan3A_72 = arith.constant 10 : i32
      "tpu.region"() ({
        %run_scoped3A = tpu.sem_alloc : memref<!tpu.dma_semaphore, #tpu.memory_space<semaphore_mem>>
        %dma_start3A_95 = arith.constant 0 : i32
        %dma_start3A_96 = tpu.memref_slice %arg5[%add3A_67, %dma_start3A_95] : memref<16384x10xf32, #tpu.memory_space<hbm>> -> memref<16x10xf32, #tpu.memory_space<hbm>>
        %dma_start3A_97 = arith.constant 0 : i32
        %dma_start3A_98 = tpu.memref_slice %arg5[%add3A_67, %dma_start3A_97] : memref<16384x10xf32, #tpu.memory_space<hbm>> -> memref<16x10xf32, #tpu.memory_space<hbm>>
        tpu.enqueue_dma source(%arg13 : memref<16x10xf32, #tpu.memory_space<vmem>>) target(%dma_start3A_98 : memref<16x10xf32, #tpu.memory_space<hbm>>) target_semaphore(%run_scoped3A : memref<!tpu.dma_semaphore, #tpu.memory_space<semaphore_mem>>)
        %dma_wait3A_99 = arith.constant 0 : i32
        %dma_wait3A_100 = tpu.memref_slice %arg5[%add3A_67, %dma_wait3A_99] : memref<16384x10xf32, #tpu.memory_space<hbm>> -> memref<16x10xf32, #tpu.memory_space<hbm>>
        %dma_wait3A_101 = arith.constant 0 : i32
        %dma_wait3A_102 = tpu.memref_slice %arg5[%add3A_67, %dma_wait3A_101] : memref<16384x10xf32, #tpu.memory_space<hbm>> -> memref<16x10xf32, #tpu.memory_space<hbm>>
        tpu.wait_dma2 semaphore(%run_scoped3A : memref<!tpu.dma_semaphore, #tpu.memory_space<semaphore_mem>>) src(%arg13 : memref<16x10xf32, #tpu.memory_space<vmem>>) dst(%dma_wait3A_102 : memref<16x10xf32, #tpu.memory_space<hbm>>)
        tpu.yield
      }) : () -> ()
      %dma_wait3A_73 = arith.constant 0 : i32
      %dma_wait3A_74 = tpu.memref_slice %arg4[%add3A_41, %dma_wait3A_73] : memref<16384x300xi32, #tpu.memory_space<hbm>> -> memref<16x300xi32, #tpu.memory_space<hbm>>
      %dma_wait3A_75 = arith.constant 0 : i32
      %dma_wait3A_76 = tpu.memref_slice %arg4[%add3A_41, %dma_wait3A_75] : memref<16384x300xi32, #tpu.memory_space<hbm>> -> memref<16x300xi32, #tpu.memory_space<hbm>>
      tpu.wait_dma2 semaphore(%arg16 : memref<!tpu.dma_semaphore, #tpu.memory_space<semaphore_mem>>) src(%dma_wait3A_76 : memref<16x300xi32, #tpu.memory_space<hbm>>) dst(%arg11 : memref<16x300xi32, #tpu.memory_space<vmem>>)
      %add3A_77 = arith.constant 32 : i32
      %add3A_78 = arith.addi %add3A_28, %add3A_77 : i32
      %scan3A_79 = arith.constant 0 : i32
      %scan3A_80 = arith.constant 10 : i32
      %scan3A_81 = arith.addi %scan3A_79, %scan3A_80 : i32
      %scan3A_82 = arith.constant 1 : i32
      scf.for %scan3A_95 = %scan3A_79 to %scan3A_81 step %scan3A_82  : i32 {
        %mul3A_96 = arith.constant 1 : i32
        %mul3A_97 = arith.muli %scan3A_95, %mul3A_96 : i32
        %add3A_98 = arith.constant 0 : i32
        %add3A_99 = arith.addi %add3A_98, %mul3A_97 : i32
        %mul3A_100 = arith.constant 30 : i32
        %mul3A_101 = arith.muli %add3A_99, %mul3A_100 : i32
        %add3A_102 = arith.constant 0 : i32
        %add3A_103 = arith.addi %mul3A_101, %add3A_102 : i32
        %broadcast_in_dim3A = vector.broadcast %add3A_103 : i32 to vector<16xi32>
        %gather3A = tpu.vector_load_idx %arg11[%iota3A, %broadcast_in_dim3A] : memref<16x300xi32, #tpu.memory_space<vmem>>[vector<16xi32>, vector<16xi32>], vector<16xi32>,
        %mul3A_104 = arith.constant 3 : i32
        %mul3A_105 = arith.muli %mul3A_104, %add3A_103 : i32
        %add3A_106 = vector.broadcast %mul3A_105 : i32 to vector<16xi32>
        %add3A_107 = arith.addi %gather3A, %add3A_106 : vector<16xi32>
        %gather3A_108 = tpu.vector_load_idx %arg8[%add3A_107] : memref<912xf32, #tpu.memory_space<vmem>>[vector<16xi32>], vector<16xf32>,
        %add3A_109 = arith.constant 1 : i32
        %add3A_110 = arith.addi %mul3A_101, %add3A_109 : i32
        %broadcast_in_dim3A_111 = vector.broadcast %add3A_110 : i32 to vector<16xi32>
        %gather3A_112 = tpu.vector_load_idx %arg11[%iota3A, %broadcast_in_dim3A_111] : memref<16x300xi32, #tpu.memory_space<vmem>>[vector<16xi32>, vector<16xi32>], vector<16xi32>,
        %mul3A_113 = arith.constant 3 : i32
        %mul3A_114 = arith.muli %mul3A_113, %add3A_110 : i32
        %add3A_115 = vector.broadcast %mul3A_114 : i32 to vector<16xi32>
        %add3A_116 = arith.addi %gather3A_112, %add3A_115 : vector<16xi32>
        %gather3A_117 = tpu.vector_load_idx %arg8[%add3A_116] : memref<912xf32, #tpu.memory_space<vmem>>[vector<16xi32>], vector<16xf32>,
        %add3A_118 = arith.constant 2 : i32
        %add3A_119 = arith.addi %mul3A_101, %add3A_118 : i32
        %broadcast_in_dim3A_120 = vector.broadcast %add3A_119 : i32 to vector<16xi32>
        %gather3A_121 = tpu.vector_load_idx %arg11[%iota3A, %broadcast_in_dim3A_120] : memref<16x300xi32, #tpu.memory_space<vmem>>[vector<16xi32>, vector<16xi32>], vector<16xi32>,
        %mul3A_122 = arith.constant 3 : i32
        %mul3A_123 = arith.muli %mul3A_122, %add3A_119 : i32
        %add3A_124 = vector.broadcast %mul3A_123 : i32 to vector<16xi32>
        %add3A_125 = arith.addi %gather3A_121, %add3A_124 : vector<16xi32>
        %gather3A_126 = tpu.vector_load_idx %arg8[%add3A_125] : memref<912xf32, #tpu.memory_space<vmem>>[vector<16xi32>], vector<16xf32>,
        %add3A_127 = arith.constant 3 : i32
        %add3A_128 = arith.addi %mul3A_101, %add3A_127 : i32
        %broadcast_in_dim3A_129 = vector.broadcast %add3A_128 : i32 to vector<16xi32>
        %gather3A_130 = tpu.vector_load_idx %arg11[%iota3A, %broadcast_in_dim3A_129] : memref<16x300xi32, #tpu.memory_space<vmem>>[vector<16xi32>, vector<16xi32>], vector<16xi32>,
        %mul3A_131 = arith.constant 3 : i32
        %mul3A_132 = arith.muli %mul3A_131, %add3A_128 : i32
        %add3A_133 = vector.broadcast %mul3A_132 : i32 to vector<16xi32>
        %add3A_134 = arith.addi %gather3A_130, %add3A_133 : vector<16xi32>
        %gather3A_135 = tpu.vector_load_idx %arg8[%add3A_134] : memref<912xf32, #tpu.memory_space<vmem>>[vector<16xi32>], vector<16xf32>,
        %add3A_136 = arith.constant 4 : i32
        %add3A_137 = arith.addi %mul3A_101, %add3A_136 : i32
        %broadcast_in_dim3A_138 = vector.broadcast %add3A_137 : i32 to vector<16xi32>
        %gather3A_139 = tpu.vector_load_idx %arg11[%iota3A, %broadcast_in_dim3A_138] : memref<16x300xi32, #tpu.memory_space<vmem>>[vector<16xi32>, vector<16xi32>], vector<16xi32>,
        %mul3A_140 = arith.constant 3 : i32
        %mul3A_141 = arith.muli %mul3A_140, %add3A_137 : i32
        %add3A_142 = vector.broadcast %mul3A_141 : i32 to vector<16xi32>
        %add3A_143 = arith.addi %gather3A_139, %add3A_142 : vector<16xi32>
        %gather3A_144 = tpu.vector_load_idx %arg8[%add3A_143] : memref<912xf32, #tpu.memory_space<vmem>>[vector<16xi32>], vector<16xf32>,
        %add3A_145 = arith.constant 5 : i32
        %add3A_146 = arith.addi %mul3A_101, %add3A_145 : i32
        %broadcast_in_dim3A_147 = vector.broadcast %add3A_146 : i32 to vector<16xi32>
        %gather3A_148 = tpu.vector_load_idx %arg11[%iota3A, %broadcast_in_dim3A_147] : memref<16x300xi32, #tpu.memory_space<vmem>>[vector<16xi32>, vector<16xi32>], vector<16xi32>,
        %mul3A_149 = arith.constant 3 : i32
        %mul3A_150 = arith.muli %mul3A_149, %add3A_146 : i32
        %add3A_151 = vector.broadcast %mul3A_150 : i32 to vector<16xi32>
        %add3A_152 = arith.addi %gather3A_148, %add3A_151 : vector<16xi32>
        %gather3A_153 = tpu.vector_load_idx %arg8[%add3A_152] : memref<912xf32, #tpu.memory_space<vmem>>[vector<16xi32>], vector<16xf32>,
        %add3A_154 = arith.constant 6 : i32
        %add3A_155 = arith.addi %mul3A_101, %add3A_154 : i32
        %broadcast_in_dim3A_156 = vector.broadcast %add3A_155 : i32 to vector<16xi32>
        %gather3A_157 = tpu.vector_load_idx %arg11[%iota3A, %broadcast_in_dim3A_156] : memref<16x300xi32, #tpu.memory_space<vmem>>[vector<16xi32>, vector<16xi32>], vector<16xi32>,
        %mul3A_158 = arith.constant 3 : i32
        %mul3A_159 = arith.muli %mul3A_158, %add3A_155 : i32
        %add3A_160 = vector.broadcast %mul3A_159 : i32 to vector<16xi32>
        %add3A_161 = arith.addi %gather3A_157, %add3A_160 : vector<16xi32>
        %gather3A_162 = tpu.vector_load_idx %arg8[%add3A_161] : memref<912xf32, #tpu.memory_space<vmem>>[vector<16xi32>], vector<16xf32>,
        %add3A_163 = arith.constant 7 : i32
        %add3A_164 = arith.addi %mul3A_101, %add3A_163 : i32
        %broadcast_in_dim3A_165 = vector.broadcast %add3A_164 : i32 to vector<16xi32>
        %gather3A_166 = tpu.vector_load_idx %arg11[%iota3A, %broadcast_in_dim3A_165] : memref<16x300xi32, #tpu.memory_space<vmem>>[vector<16xi32>, vector<16xi32>], vector<16xi32>,
        %mul3A_167 = arith.constant 3 : i32
        %mul3A_168 = arith.muli %mul3A_167, %add3A_164 : i32
        %add3A_169 = vector.broadcast %mul3A_168 : i32 to vector<16xi32>
        %add3A_170 = arith.addi %gather3A_166, %add3A_169 : vector<16xi32>
        %gather3A_171 = tpu.vector_load_idx %arg8[%add3A_170] : memref<912xf32, #tpu.memory_space<vmem>>[vector<16xi32>], vector<16xf32>,
        %add3A_172 = arith.constant 8 : i32
        %add3A_173 = arith.addi %mul3A_101, %add3A_172 : i32
        %broadcast_in_dim3A_174 = vector.broadcast %add3A_173 : i32 to vector<16xi32>
        %gather3A_175 = tpu.vector_load_idx %arg11[%iota3A, %broadcast_in_dim3A_174] : memref<16x300xi32, #tpu.memory_space<vmem>>[vector<16xi32>, vector<16xi32>], vector<16xi32>,
        %mul3A_176 = arith.constant 3 : i32
        %mul3A_177 = arith.muli %mul3A_176, %add3A_173 : i32
        %add3A_178 = vector.broadcast %mul3A_177 : i32 to vector<16xi32>
        %add3A_179 = arith.addi %gather3A_175, %add3A_178 : vector<16xi32>
        %gather3A_180 = tpu.vector_load_idx %arg8[%add3A_179] : memref<912xf32, #tpu.memory_space<vmem>>[vector<16xi32>], vector<16xf32>,
        %add3A_181 = arith.constant 9 : i32
        %add3A_182 = arith.addi %mul3A_101, %add3A_181 : i32
        %broadcast_in_dim3A_183 = vector.broadcast %add3A_182 : i32 to vector<16xi32>
        %gather3A_184 = tpu.vector_load_idx %arg11[%iota3A, %broadcast_in_dim3A_183] : memref<16x300xi32, #tpu.memory_space<vmem>>[vector<16xi32>, vector<16xi32>], vector<16xi32>,
        %mul3A_185 = arith.constant 3 : i32
        %mul3A_186 = arith.muli %mul3A_185, %add3A_182 : i32
        %add3A_187 = vector.broadcast %mul3A_186 : i32 to vector<16xi32>
        %add3A_188 = arith.addi %gather3A_184, %add3A_187 : vector<16xi32>
        %gather3A_189 = tpu.vector_load_idx %arg8[%add3A_188] : memref<912xf32, #tpu.memory_space<vmem>>[vector<16xi32>], vector<16xf32>,
        %add3A_190 = arith.constant 10 : i32
        %add3A_191 = arith.addi %mul3A_101, %add3A_190 : i32
        %broadcast_in_dim3A_192 = vector.broadcast %add3A_191 : i32 to vector<16xi32>
        %gather3A_193 = tpu.vector_load_idx %arg11[%iota3A, %broadcast_in_dim3A_192] : memref<16x300xi32, #tpu.memory_space<vmem>>[vector<16xi32>, vector<16xi32>], vector<16xi32>,
        %mul3A_194 = arith.constant 3 : i32
        %mul3A_195 = arith.muli %mul3A_194, %add3A_191 : i32
        %add3A_196 = vector.broadcast %mul3A_195 : i32 to vector<16xi32>
        %add3A_197 = arith.addi %gather3A_193, %add3A_196 : vector<16xi32>
        %gather3A_198 = tpu.vector_load_idx %arg8[%add3A_197] : memref<912xf32, #tpu.memory_space<vmem>>[vector<16xi32>], vector<16xf32>,
        %add3A_199 = arith.constant 11 : i32
        %add3A_200 = arith.addi %mul3A_101, %add3A_199 : i32
        %broadcast_in_dim3A_201 = vector.broadcast %add3A_200 : i32 to vector<16xi32>
        %gather3A_202 = tpu.vector_load_idx %arg11[%iota3A, %broadcast_in_dim3A_201] : memref<16x300xi32, #tpu.memory_space<vmem>>[vector<16xi32>, vector<16xi32>], vector<16xi32>,
        %mul3A_203 = arith.constant 3 : i32
        %mul3A_204 = arith.muli %mul3A_203, %add3A_200 : i32
        %add3A_205 = vector.broadcast %mul3A_204 : i32 to vector<16xi32>
        %add3A_206 = arith.addi %gather3A_202, %add3A_205 : vector<16xi32>
        %gather3A_207 = tpu.vector_load_idx %arg8[%add3A_206] : memref<912xf32, #tpu.memory_space<vmem>>[vector<16xi32>], vector<16xf32>,
        %add3A_208 = arith.constant 12 : i32
        %add3A_209 = arith.addi %mul3A_101, %add3A_208 : i32
        %broadcast_in_dim3A_210 = vector.broadcast %add3A_209 : i32 to vector<16xi32>
        %gather3A_211 = tpu.vector_load_idx %arg11[%iota3A, %broadcast_in_dim3A_210] : memref<16x300xi32, #tpu.memory_space<vmem>>[vector<16xi32>, vector<16xi32>], vector<16xi32>,
        %mul3A_212 = arith.constant 3 : i32
        %mul3A_213 = arith.muli %mul3A_212, %add3A_209 : i32
        %add3A_214 = vector.broadcast %mul3A_213 : i32 to vector<16xi32>
        %add3A_215 = arith.addi %gather3A_211, %add3A_214 : vector<16xi32>
        %gather3A_216 = tpu.vector_load_idx %arg8[%add3A_215] : memref<912xf32, #tpu.memory_space<vmem>>[vector<16xi32>], vector<16xf32>,
        %add3A_217 = arith.constant 13 : i32
        %add3A_218 = arith.addi %mul3A_101, %add3A_217 : i32
        %broadcast_in_dim3A_219 = vector.broadcast %add3A_218 : i32 to vector<16xi32>
        %gather3A_220 = tpu.vector_load_idx %arg11[%iota3A, %broadcast_in_dim3A_219] : memref<16x300xi32, #tpu.memory_space<vmem>>[vector<16xi32>, vector<16xi32>], vector<16xi32>,
        %mul3A_221 = arith.constant 3 : i32
        %mul3A_222 = arith.muli %mul3A_221, %add3A_218 : i32
        %add3A_223 = vector.broadcast %mul3A_222 : i32 to vector<16xi32>
        %add3A_224 = arith.addi %gather3A_220, %add3A_223 : vector<16xi32>
        %gather3A_225 = tpu.vector_load_idx %arg8[%add3A_224] : memref<912xf32, #tpu.memory_space<vmem>>[vector<16xi32>], vector<16xf32>,
        %add3A_226 = arith.constant 14 : i32
        %add3A_227 = arith.addi %mul3A_101, %add3A_226 : i32
        %broadcast_in_dim3A_228 = vector.broadcast %add3A_227 : i32 to vector<16xi32>
        %gather3A_229 = tpu.vector_load_idx %arg11[%iota3A, %broadcast_in_dim3A_228] : memref<16x300xi32, #tpu.memory_space<vmem>>[vector<16xi32>, vector<16xi32>], vector<16xi32>,
        %mul3A_230 = arith.constant 3 : i32
        %mul3A_231 = arith.muli %mul3A_230, %add3A_227 : i32
        %add3A_232 = vector.broadcast %mul3A_231 : i32 to vector<16xi32>
        %add3A_233 = arith.addi %gather3A_229, %add3A_232 : vector<16xi32>
        %gather3A_234 = tpu.vector_load_idx %arg8[%add3A_233] : memref<912xf32, #tpu.memory_space<vmem>>[vector<16xi32>], vector<16xf32>,
        %add3A_235 = arith.constant 15 : i32
        %add3A_236 = arith.addi %mul3A_101, %add3A_235 : i32
        %broadcast_in_dim3A_237 = vector.broadcast %add3A_236 : i32 to vector<16xi32>
        %gather3A_238 = tpu.vector_load_idx %arg11[%iota3A, %broadcast_in_dim3A_237] : memref<16x300xi32, #tpu.memory_space<vmem>>[vector<16xi32>, vector<16xi32>], vector<16xi32>,
        %mul3A_239 = arith.constant 3 : i32
        %mul3A_240 = arith.muli %mul3A_239, %add3A_236 : i32
        %add3A_241 = vector.broadcast %mul3A_240 : i32 to vector<16xi32>
        %add3A_242 = arith.addi %gather3A_238, %add3A_241 : vector<16xi32>
        %gather3A_243 = tpu.vector_load_idx %arg8[%add3A_242] : memref<912xf32, #tpu.memory_space<vmem>>[vector<16xi32>], vector<16xf32>,
        %add3A_244 = arith.constant 16 : i32
        %add3A_245 = arith.addi %mul3A_101, %add3A_244 : i32
        %broadcast_in_dim3A_246 = vector.broadcast %add3A_245 : i32 to vector<16xi32>
        %gather3A_247 = tpu.vector_load_idx %arg11[%iota3A, %broadcast_in_dim3A_246] : memref<16x300xi32, #tpu.memory_space<vmem>>[vector<16xi32>, vector<16xi32>], vector<16xi32>,
        %mul3A_248 = arith.constant 3 : i32
        %mul3A_249 = arith.muli %mul3A_248, %add3A_245 : i32
        %add3A_250 = vector.broadcast %mul3A_249 : i32 to vector<16xi32>
        %add3A_251 = arith.addi %gather3A_247, %add3A_250 : vector<16xi32>
        %gather3A_252 = tpu.vector_load_idx %arg8[%add3A_251] : memref<912xf32, #tpu.memory_space<vmem>>[vector<16xi32>], vector<16xf32>,
        %add3A_253 = arith.constant 17 : i32
        %add3A_254 = arith.addi %mul3A_101, %add3A_253 : i32
        %broadcast_in_dim3A_255 = vector.broadcast %add3A_254 : i32 to vector<16xi32>
        %gather3A_256 = tpu.vector_load_idx %arg11[%iota3A, %broadcast_in_dim3A_255] : memref<16x300xi32, #tpu.memory_space<vmem>>[vector<16xi32>, vector<16xi32>], vector<16xi32>,
        %mul3A_257 = arith.constant 3 : i32
        %mul3A_258 = arith.muli %mul3A_257, %add3A_254 : i32
        %add3A_259 = vector.broadcast %mul3A_258 : i32 to vector<16xi32>
        %add3A_260 = arith.addi %gather3A_256, %add3A_259 : vector<16xi32>
        %gather3A_261 = tpu.vector_load_idx %arg8[%add3A_260] : memref<912xf32, #tpu.memory_space<vmem>>[vector<16xi32>], vector<16xf32>,
        %add3A_262 = arith.constant 18 : i32
        %add3A_263 = arith.addi %mul3A_101, %add3A_262 : i32
        %broadcast_in_dim3A_264 = vector.broadcast %add3A_263 : i32 to vector<16xi32>
        %gather3A_265 = tpu.vector_load_idx %arg11[%iota3A, %broadcast_in_dim3A_264] : memref<16x300xi32, #tpu.memory_space<vmem>>[vector<16xi32>, vector<16xi32>], vector<16xi32>,
        %mul3A_266 = arith.constant 3 : i32
        %mul3A_267 = arith.muli %mul3A_266, %add3A_263 : i32
        %add3A_268 = vector.broadcast %mul3A_267 : i32 to vector<16xi32>
        %add3A_269 = arith.addi %gather3A_265, %add3A_268 : vector<16xi32>
        %gather3A_270 = tpu.vector_load_idx %arg8[%add3A_269] : memref<912xf32, #tpu.memory_space<vmem>>[vector<16xi32>], vector<16xf32>,
        %add3A_271 = arith.constant 19 : i32
        %add3A_272 = arith.addi %mul3A_101, %add3A_271 : i32
        %broadcast_in_dim3A_273 = vector.broadcast %add3A_272 : i32 to vector<16xi32>
        %gather3A_274 = tpu.vector_load_idx %arg11[%iota3A, %broadcast_in_dim3A_273] : memref<16x300xi32, #tpu.memory_space<vmem>>[vector<16xi32>, vector<16xi32>], vector<16xi32>,
        %mul3A_275 = arith.constant 3 : i32
        %mul3A_276 = arith.muli %mul3A_275, %add3A_272 : i32
        %add3A_277 = vector.broadcast %mul3A_276 : i32 to vector<16xi32>
        %add3A_278 = arith.addi %gather3A_274, %add3A_277 : vector<16xi32>
        %gather3A_279 = tpu.vector_load_idx %arg8[%add3A_278] : memref<912xf32, #tpu.memory_space<vmem>>[vector<16xi32>], vector<16xf32>,
        %add3A_280 = arith.constant 20 : i32
        %add3A_281 = arith.addi %mul3A_101, %add3A_280 : i32
        %broadcast_in_dim3A_282 = vector.broadcast %add3A_281 : i32 to vector<16xi32>
        %gather3A_283 = tpu.vector_load_idx %arg11[%iota3A, %broadcast_in_dim3A_282] : memref<16x300xi32, #tpu.memory_space<vmem>>[vector<16xi32>, vector<16xi32>], vector<16xi32>,
        %mul3A_284 = arith.constant 3 : i32
        %mul3A_285 = arith.muli %mul3A_284, %add3A_281 : i32
        %add3A_286 = vector.broadcast %mul3A_285 : i32 to vector<16xi32>
        %add3A_287 = arith.addi %gather3A_283, %add3A_286 : vector<16xi32>
        %gather3A_288 = tpu.vector_load_idx %arg8[%add3A_287] : memref<912xf32, #tpu.memory_space<vmem>>[vector<16xi32>], vector<16xf32>,
        %add3A_289 = arith.constant 21 : i32
        %add3A_290 = arith.addi %mul3A_101, %add3A_289 : i32
        %broadcast_in_dim3A_291 = vector.broadcast %add3A_290 : i32 to vector<16xi32>
        %gather3A_292 = tpu.vector_load_idx %arg11[%iota3A, %broadcast_in_dim3A_291] : memref<16x300xi32, #tpu.memory_space<vmem>>[vector<16xi32>, vector<16xi32>], vector<16xi32>,
        %mul3A_293 = arith.constant 3 : i32
        %mul3A_294 = arith.muli %mul3A_293, %add3A_290 : i32
        %add3A_295 = vector.broadcast %mul3A_294 : i32 to vector<16xi32>
        %add3A_296 = arith.addi %gather3A_292, %add3A_295 : vector<16xi32>
        %gather3A_297 = tpu.vector_load_idx %arg8[%add3A_296] : memref<912xf32, #tpu.memory_space<vmem>>[vector<16xi32>], vector<16xf32>,
        %add3A_298 = arith.constant 22 : i32
        %add3A_299 = arith.addi %mul3A_101, %add3A_298 : i32
        %broadcast_in_dim3A_300 = vector.broadcast %add3A_299 : i32 to vector<16xi32>
        %gather3A_301 = tpu.vector_load_idx %arg11[%iota3A, %broadcast_in_dim3A_300] : memref<16x300xi32, #tpu.memory_space<vmem>>[vector<16xi32>, vector<16xi32>], vector<16xi32>,
        %mul3A_302 = arith.constant 3 : i32
        %mul3A_303 = arith.muli %mul3A_302, %add3A_299 : i32
        %add3A_304 = vector.broadcast %mul3A_303 : i32 to vector<16xi32>
        %add3A_305 = arith.addi %gather3A_301, %add3A_304 : vector<16xi32>
        %gather3A_306 = tpu.vector_load_idx %arg8[%add3A_305] : memref<912xf32, #tpu.memory_space<vmem>>[vector<16xi32>], vector<16xf32>,
        %add3A_307 = arith.constant 23 : i32
        %add3A_308 = arith.addi %mul3A_101, %add3A_307 : i32
        %broadcast_in_dim3A_309 = vector.broadcast %add3A_308 : i32 to vector<16xi32>
        %gather3A_310 = tpu.vector_load_idx %arg11[%iota3A, %broadcast_in_dim3A_309] : memref<16x300xi32, #tpu.memory_space<vmem>>[vector<16xi32>, vector<16xi32>], vector<16xi32>,
        %mul3A_311 = arith.constant 3 : i32
        %mul3A_312 = arith.muli %mul3A_311, %add3A_308 : i32
        %add3A_313 = vector.broadcast %mul3A_312 : i32 to vector<16xi32>
        %add3A_314 = arith.addi %gather3A_310, %add3A_313 : vector<16xi32>
        %gather3A_315 = tpu.vector_load_idx %arg8[%add3A_314] : memref<912xf32, #tpu.memory_space<vmem>>[vector<16xi32>], vector<16xf32>,
        %add3A_316 = arith.constant 24 : i32
        %add3A_317 = arith.addi %mul3A_101, %add3A_316 : i32
        %broadcast_in_dim3A_318 = vector.broadcast %add3A_317 : i32 to vector<16xi32>
        %gather3A_319 = tpu.vector_load_idx %arg11[%iota3A, %broadcast_in_dim3A_318] : memref<16x300xi32, #tpu.memory_space<vmem>>[vector<16xi32>, vector<16xi32>], vector<16xi32>,
        %mul3A_320 = arith.constant 3 : i32
        %mul3A_321 = arith.muli %mul3A_320, %add3A_317 : i32
        %add3A_322 = vector.broadcast %mul3A_321 : i32 to vector<16xi32>
        %add3A_323 = arith.addi %gather3A_319, %add3A_322 : vector<16xi32>
        %gather3A_324 = tpu.vector_load_idx %arg8[%add3A_323] : memref<912xf32, #tpu.memory_space<vmem>>[vector<16xi32>], vector<16xf32>,
        %add3A_325 = arith.constant 25 : i32
        %add3A_326 = arith.addi %mul3A_101, %add3A_325 : i32
        %broadcast_in_dim3A_327 = vector.broadcast %add3A_326 : i32 to vector<16xi32>
        %gather3A_328 = tpu.vector_load_idx %arg11[%iota3A, %broadcast_in_dim3A_327] : memref<16x300xi32, #tpu.memory_space<vmem>>[vector<16xi32>, vector<16xi32>], vector<16xi32>,
        %mul3A_329 = arith.constant 3 : i32
        %mul3A_330 = arith.muli %mul3A_329, %add3A_326 : i32
        %add3A_331 = vector.broadcast %mul3A_330 : i32 to vector<16xi32>
        %add3A_332 = arith.addi %gather3A_328, %add3A_331 : vector<16xi32>
        %gather3A_333 = tpu.vector_load_idx %arg8[%add3A_332] : memref<912xf32, #tpu.memory_space<vmem>>[vector<16xi32>], vector<16xf32>,
        %add3A_334 = arith.constant 26 : i32
        %add3A_335 = arith.addi %mul3A_101, %add3A_334 : i32
        %broadcast_in_dim3A_336 = vector.broadcast %add3A_335 : i32 to vector<16xi32>
        %gather3A_337 = tpu.vector_load_idx %arg11[%iota3A, %broadcast_in_dim3A_336] : memref<16x300xi32, #tpu.memory_space<vmem>>[vector<16xi32>, vector<16xi32>], vector<16xi32>,
        %mul3A_338 = arith.constant 3 : i32
        %mul3A_339 = arith.muli %mul3A_338, %add3A_335 : i32
        %add3A_340 = vector.broadcast %mul3A_339 : i32 to vector<16xi32>
        %add3A_341 = arith.addi %gather3A_337, %add3A_340 : vector<16xi32>
        %gather3A_342 = tpu.vector_load_idx %arg8[%add3A_341] : memref<912xf32, #tpu.memory_space<vmem>>[vector<16xi32>], vector<16xf32>,
        %add3A_343 = arith.constant 27 : i32
        %add3A_344 = arith.addi %mul3A_101, %add3A_343 : i32
        %broadcast_in_dim3A_345 = vector.broadcast %add3A_344 : i32 to vector<16xi32>
        %gather3A_346 = tpu.vector_load_idx %arg11[%iota3A, %broadcast_in_dim3A_345] : memref<16x300xi32, #tpu.memory_space<vmem>>[vector<16xi32>, vector<16xi32>], vector<16xi32>,
        %mul3A_347 = arith.constant 3 : i32
        %mul3A_348 = arith.muli %mul3A_347, %add3A_344 : i32
        %add3A_349 = vector.broadcast %mul3A_348 : i32 to vector<16xi32>
        %add3A_350 = arith.addi %gather3A_346, %add3A_349 : vector<16xi32>
        %gather3A_351 = tpu.vector_load_idx %arg8[%add3A_350] : memref<912xf32, #tpu.memory_space<vmem>>[vector<16xi32>], vector<16xf32>,
        %add3A_352 = arith.constant 28 : i32
        %add3A_353 = arith.addi %mul3A_101, %add3A_352 : i32
        %broadcast_in_dim3A_354 = vector.broadcast %add3A_353 : i32 to vector<16xi32>
        %gather3A_355 = tpu.vector_load_idx %arg11[%iota3A, %broadcast_in_dim3A_354] : memref<16x300xi32, #tpu.memory_space<vmem>>[vector<16xi32>, vector<16xi32>], vector<16xi32>,
        %mul3A_356 = arith.constant 3 : i32
        %mul3A_357 = arith.muli %mul3A_356, %add3A_353 : i32
        %add3A_358 = vector.broadcast %mul3A_357 : i32 to vector<16xi32>
        %add3A_359 = arith.addi %gather3A_355, %add3A_358 : vector<16xi32>
        %gather3A_360 = tpu.vector_load_idx %arg8[%add3A_359] : memref<912xf32, #tpu.memory_space<vmem>>[vector<16xi32>], vector<16xf32>,
        %add3A_361 = arith.constant 29 : i32
        %add3A_362 = arith.addi %mul3A_101, %add3A_361 : i32
        %broadcast_in_dim3A_363 = vector.broadcast %add3A_362 : i32 to vector<16xi32>
        %gather3A_364 = tpu.vector_load_idx %arg11[%iota3A, %broadcast_in_dim3A_363] : memref<16x300xi32, #tpu.memory_space<vmem>>[vector<16xi32>, vector<16xi32>], vector<16xi32>,
        %mul3A_365 = arith.constant 3 : i32
        %mul3A_366 = arith.muli %mul3A_365, %add3A_362 : i32
        %add3A_367 = vector.broadcast %mul3A_366 : i32 to vector<16xi32>
        %add3A_368 = arith.addi %gather3A_364, %add3A_367 : vector<16xi32>
        %gather3A_369 = tpu.vector_load_idx %arg8[%add3A_368] : memref<912xf32, #tpu.memory_space<vmem>>[vector<16xi32>], vector<16xf32>,
        %add3A_370 = arith.addf %gather3A_108, %gather3A_117 : vector<16xf32>
        %add3A_371 = arith.addf %gather3A_126, %gather3A_135 : vector<16xf32>
        %add3A_372 = arith.addf %gather3A_144, %gather3A_153 : vector<16xf32>
        %add3A_373 = arith.addf %gather3A_162, %gather3A_171 : vector<16xf32>
        %add3A_374 = arith.addf %gather3A_180, %gather3A_189 : vector<16xf32>
        %add3A_375 = arith.addf %gather3A_198, %gather3A_207 : vector<16xf32>
        %add3A_376 = arith.addf %gather3A_216, %gather3A_225 : vector<16xf32>
        %add3A_377 = arith.addf %gather3A_234, %gather3A_243 : vector<16xf32>
        %add3A_378 = arith.addf %gather3A_252, %gather3A_261 : vector<16xf32>
        %add3A_379 = arith.addf %gather3A_270, %gather3A_279 : vector<16xf32>
        %add3A_380 = arith.addf %gather3A_288, %gather3A_297 : vector<16xf32>
        %add3A_381 = arith.addf %gather3A_306, %gather3A_315 : vector<16xf32>
        %add3A_382 = arith.addf %gather3A_324, %gather3A_333 : vector<16xf32>
        %add3A_383 = arith.addf %gather3A_342, %gather3A_351 : vector<16xf32>
        %add3A_384 = arith.addf %gather3A_360, %gather3A_369 : vector<16xf32>
        %add3A_385 = arith.addf %add3A_370, %add3A_371 : vector<16xf32>
        %add3A_386 = arith.addf %add3A_372, %add3A_373 : vector<16xf32>
        %add3A_387 = arith.addf %add3A_374, %add3A_375 : vector<16xf32>
        %add3A_388 = arith.addf %add3A_376, %add3A_377 : vector<16xf32>
        %add3A_389 = arith.addf %add3A_378, %add3A_379 : vector<16xf32>
        %add3A_390 = arith.addf %add3A_380, %add3A_381 : vector<16xf32>
        %add3A_391 = arith.addf %add3A_382, %add3A_383 : vector<16xf32>
        %add3A_392 = arith.addf %add3A_385, %add3A_386 : vector<16xf32>
        %add3A_393 = arith.addf %add3A_387, %add3A_388 : vector<16xf32>
        %add3A_394 = arith.addf %add3A_389, %add3A_390 : vector<16xf32>
        %add3A_395 = arith.addf %add3A_391, %add3A_384 : vector<16xf32>
        %add3A_396 = arith.addf %add3A_392, %add3A_393 : vector<16xf32>
        %add3A_397 = arith.addf %add3A_394, %add3A_395 : vector<16xf32>
        %add3A_398 = arith.addf %add3A_396, %add3A_397 : vector<16xf32>
        %broadcast_in_dim3A_399 = vector.broadcast %add3A_99 : i32 to vector<16xi32>
        tpu.vector_store_idx %arg13[%iota3A, %broadcast_in_dim3A_399], %add3A_398 : memref<16x10xf32, #tpu.memory_space<vmem>>[vector<16xi32>, vector<16xi32>], vector<16xf32>,
      }
      %scan3A_83 = arith.constant 10 : i32
      "tpu.region"() ({
        %run_scoped3A = tpu.sem_alloc : memref<!tpu.dma_semaphore, #tpu.memory_space<semaphore_mem>>
        %dma_start3A_95 = arith.constant 0 : i32
        %dma_start3A_96 = tpu.memref_slice %arg5[%add3A_78, %dma_start3A_95] : memref<16384x10xf32, #tpu.memory_space<hbm>> -> memref<16x10xf32, #tpu.memory_space<hbm>>
        %dma_start3A_97 = arith.constant 0 : i32
        %dma_start3A_98 = tpu.memref_slice %arg5[%add3A_78, %dma_start3A_97] : memref<16384x10xf32, #tpu.memory_space<hbm>> -> memref<16x10xf32, #tpu.memory_space<hbm>>
        tpu.enqueue_dma source(%arg13 : memref<16x10xf32, #tpu.memory_space<vmem>>) target(%dma_start3A_98 : memref<16x10xf32, #tpu.memory_space<hbm>>) target_semaphore(%run_scoped3A : memref<!tpu.dma_semaphore, #tpu.memory_space<semaphore_mem>>)
        %dma_wait3A_99 = arith.constant 0 : i32
        %dma_wait3A_100 = tpu.memref_slice %arg5[%add3A_78, %dma_wait3A_99] : memref<16384x10xf32, #tpu.memory_space<hbm>> -> memref<16x10xf32, #tpu.memory_space<hbm>>
        %dma_wait3A_101 = arith.constant 0 : i32
        %dma_wait3A_102 = tpu.memref_slice %arg5[%add3A_78, %dma_wait3A_101] : memref<16384x10xf32, #tpu.memory_space<hbm>> -> memref<16x10xf32, #tpu.memory_space<hbm>>
        tpu.wait_dma2 semaphore(%run_scoped3A : memref<!tpu.dma_semaphore, #tpu.memory_space<semaphore_mem>>) src(%arg13 : memref<16x10xf32, #tpu.memory_space<vmem>>) dst(%dma_wait3A_102 : memref<16x10xf32, #tpu.memory_space<hbm>>)
        tpu.yield
      }) : () -> ()
      %dma_wait3A_84 = arith.constant 0 : i32
      %dma_wait3A_85 = tpu.memref_slice %arg4[%add3A_47, %dma_wait3A_84] : memref<16384x300xi32, #tpu.memory_space<hbm>> -> memref<16x300xi32, #tpu.memory_space<hbm>>
      %dma_wait3A_86 = arith.constant 0 : i32
      %dma_wait3A_87 = tpu.memref_slice %arg4[%add3A_47, %dma_wait3A_86] : memref<16384x300xi32, #tpu.memory_space<hbm>> -> memref<16x300xi32, #tpu.memory_space<hbm>>
      tpu.wait_dma2 semaphore(%arg17 : memref<!tpu.dma_semaphore, #tpu.memory_space<semaphore_mem>>) src(%dma_wait3A_87 : memref<16x300xi32, #tpu.memory_space<hbm>>) dst(%arg12 : memref<16x300xi32, #tpu.memory_space<vmem>>)
      %add3A_88 = arith.constant 48 : i32
      %add3A_89 = arith.addi %add3A_28, %add3A_88 : i32
      %scan3A_90 = arith.constant 0 : i32
      %scan3A_91 = arith.constant 10 : i32
      %scan3A_92 = arith.addi %scan3A_90, %scan3A_91 : i32
      %scan3A_93 = arith.constant 1 : i32
      scf.for %scan3A_95 = %scan3A_90 to %scan3A_92 step %scan3A_93  : i32 {
        %mul3A_96 = arith.constant 1 : i32
        %mul3A_97 = arith.muli %scan3A_95, %mul3A_96 : i32
        %add3A_98 = arith.constant 0 : i32
        %add3A_99 = arith.addi %add3A_98, %mul3A_97 : i32
        %mul3A_100 = arith.constant 30 : i32
        %mul3A_101 = arith.muli %add3A_99, %mul3A_100 : i32
        %add3A_102 = arith.constant 0 : i32
        %add3A_103 = arith.addi %mul3A_101, %add3A_102 : i32
        %broadcast_in_dim3A = vector.broadcast %add3A_103 : i32 to vector<16xi32>
        %gather3A = tpu.vector_load_idx %arg12[%iota3A, %broadcast_in_dim3A] : memref<16x300xi32, #tpu.memory_space<vmem>>[vector<16xi32>, vector<16xi32>], vector<16xi32>,
        %mul3A_104 = arith.constant 3 : i32
        %mul3A_105 = arith.muli %mul3A_104, %add3A_103 : i32
        %add3A_106 = vector.broadcast %mul3A_105 : i32 to vector<16xi32>
        %add3A_107 = arith.addi %gather3A, %add3A_106 : vector<16xi32>
        %gather3A_108 = tpu.vector_load_idx %arg8[%add3A_107] : memref<912xf32, #tpu.memory_space<vmem>>[vector<16xi32>], vector<16xf32>,
        %add3A_109 = arith.constant 1 : i32
        %add3A_110 = arith.addi %mul3A_101, %add3A_109 : i32
        %broadcast_in_dim3A_111 = vector.broadcast %add3A_110 : i32 to vector<16xi32>
        %gather3A_112 = tpu.vector_load_idx %arg12[%iota3A, %broadcast_in_dim3A_111] : memref<16x300xi32, #tpu.memory_space<vmem>>[vector<16xi32>, vector<16xi32>], vector<16xi32>,
        %mul3A_113 = arith.constant 3 : i32
        %mul3A_114 = arith.muli %mul3A_113, %add3A_110 : i32
        %add3A_115 = vector.broadcast %mul3A_114 : i32 to vector<16xi32>
        %add3A_116 = arith.addi %gather3A_112, %add3A_115 : vector<16xi32>
        %gather3A_117 = tpu.vector_load_idx %arg8[%add3A_116] : memref<912xf32, #tpu.memory_space<vmem>>[vector<16xi32>], vector<16xf32>,
        %add3A_118 = arith.constant 2 : i32
        %add3A_119 = arith.addi %mul3A_101, %add3A_118 : i32
        %broadcast_in_dim3A_120 = vector.broadcast %add3A_119 : i32 to vector<16xi32>
        %gather3A_121 = tpu.vector_load_idx %arg12[%iota3A, %broadcast_in_dim3A_120] : memref<16x300xi32, #tpu.memory_space<vmem>>[vector<16xi32>, vector<16xi32>], vector<16xi32>,
        %mul3A_122 = arith.constant 3 : i32
        %mul3A_123 = arith.muli %mul3A_122, %add3A_119 : i32
        %add3A_124 = vector.broadcast %mul3A_123 : i32 to vector<16xi32>
        %add3A_125 = arith.addi %gather3A_121, %add3A_124 : vector<16xi32>
        %gather3A_126 = tpu.vector_load_idx %arg8[%add3A_125] : memref<912xf32, #tpu.memory_space<vmem>>[vector<16xi32>], vector<16xf32>,
        %add3A_127 = arith.constant 3 : i32
        %add3A_128 = arith.addi %mul3A_101, %add3A_127 : i32
        %broadcast_in_dim3A_129 = vector.broadcast %add3A_128 : i32 to vector<16xi32>
        %gather3A_130 = tpu.vector_load_idx %arg12[%iota3A, %broadcast_in_dim3A_129] : memref<16x300xi32, #tpu.memory_space<vmem>>[vector<16xi32>, vector<16xi32>], vector<16xi32>,
        %mul3A_131 = arith.constant 3 : i32
        %mul3A_132 = arith.muli %mul3A_131, %add3A_128 : i32
        %add3A_133 = vector.broadcast %mul3A_132 : i32 to vector<16xi32>
        %add3A_134 = arith.addi %gather3A_130, %add3A_133 : vector<16xi32>
        %gather3A_135 = tpu.vector_load_idx %arg8[%add3A_134] : memref<912xf32, #tpu.memory_space<vmem>>[vector<16xi32>], vector<16xf32>,
        %add3A_136 = arith.constant 4 : i32
        %add3A_137 = arith.addi %mul3A_101, %add3A_136 : i32
        %broadcast_in_dim3A_138 = vector.broadcast %add3A_137 : i32 to vector<16xi32>
        %gather3A_139 = tpu.vector_load_idx %arg12[%iota3A, %broadcast_in_dim3A_138] : memref<16x300xi32, #tpu.memory_space<vmem>>[vector<16xi32>, vector<16xi32>], vector<16xi32>,
        %mul3A_140 = arith.constant 3 : i32
        %mul3A_141 = arith.muli %mul3A_140, %add3A_137 : i32
        %add3A_142 = vector.broadcast %mul3A_141 : i32 to vector<16xi32>
        %add3A_143 = arith.addi %gather3A_139, %add3A_142 : vector<16xi32>
        %gather3A_144 = tpu.vector_load_idx %arg8[%add3A_143] : memref<912xf32, #tpu.memory_space<vmem>>[vector<16xi32>], vector<16xf32>,
        %add3A_145 = arith.constant 5 : i32
        %add3A_146 = arith.addi %mul3A_101, %add3A_145 : i32
        %broadcast_in_dim3A_147 = vector.broadcast %add3A_146 : i32 to vector<16xi32>
        %gather3A_148 = tpu.vector_load_idx %arg12[%iota3A, %broadcast_in_dim3A_147] : memref<16x300xi32, #tpu.memory_space<vmem>>[vector<16xi32>, vector<16xi32>], vector<16xi32>,
        %mul3A_149 = arith.constant 3 : i32
        %mul3A_150 = arith.muli %mul3A_149, %add3A_146 : i32
        %add3A_151 = vector.broadcast %mul3A_150 : i32 to vector<16xi32>
        %add3A_152 = arith.addi %gather3A_148, %add3A_151 : vector<16xi32>
        %gather3A_153 = tpu.vector_load_idx %arg8[%add3A_152] : memref<912xf32, #tpu.memory_space<vmem>>[vector<16xi32>], vector<16xf32>,
        %add3A_154 = arith.constant 6 : i32
        %add3A_155 = arith.addi %mul3A_101, %add3A_154 : i32
        %broadcast_in_dim3A_156 = vector.broadcast %add3A_155 : i32 to vector<16xi32>
        %gather3A_157 = tpu.vector_load_idx %arg12[%iota3A, %broadcast_in_dim3A_156] : memref<16x300xi32, #tpu.memory_space<vmem>>[vector<16xi32>, vector<16xi32>], vector<16xi32>,
        %mul3A_158 = arith.constant 3 : i32
        %mul3A_159 = arith.muli %mul3A_158, %add3A_155 : i32
        %add3A_160 = vector.broadcast %mul3A_159 : i32 to vector<16xi32>
        %add3A_161 = arith.addi %gather3A_157, %add3A_160 : vector<16xi32>
        %gather3A_162 = tpu.vector_load_idx %arg8[%add3A_161] : memref<912xf32, #tpu.memory_space<vmem>>[vector<16xi32>], vector<16xf32>,
        %add3A_163 = arith.constant 7 : i32
        %add3A_164 = arith.addi %mul3A_101, %add3A_163 : i32
        %broadcast_in_dim3A_165 = vector.broadcast %add3A_164 : i32 to vector<16xi32>
        %gather3A_166 = tpu.vector_load_idx %arg12[%iota3A, %broadcast_in_dim3A_165] : memref<16x300xi32, #tpu.memory_space<vmem>>[vector<16xi32>, vector<16xi32>], vector<16xi32>,
        %mul3A_167 = arith.constant 3 : i32
        %mul3A_168 = arith.muli %mul3A_167, %add3A_164 : i32
        %add3A_169 = vector.broadcast %mul3A_168 : i32 to vector<16xi32>
        %add3A_170 = arith.addi %gather3A_166, %add3A_169 : vector<16xi32>
        %gather3A_171 = tpu.vector_load_idx %arg8[%add3A_170] : memref<912xf32, #tpu.memory_space<vmem>>[vector<16xi32>], vector<16xf32>,
        %add3A_172 = arith.constant 8 : i32
        %add3A_173 = arith.addi %mul3A_101, %add3A_172 : i32
        %broadcast_in_dim3A_174 = vector.broadcast %add3A_173 : i32 to vector<16xi32>
        %gather3A_175 = tpu.vector_load_idx %arg12[%iota3A, %broadcast_in_dim3A_174] : memref<16x300xi32, #tpu.memory_space<vmem>>[vector<16xi32>, vector<16xi32>], vector<16xi32>,
        %mul3A_176 = arith.constant 3 : i32
        %mul3A_177 = arith.muli %mul3A_176, %add3A_173 : i32
        %add3A_178 = vector.broadcast %mul3A_177 : i32 to vector<16xi32>
        %add3A_179 = arith.addi %gather3A_175, %add3A_178 : vector<16xi32>
        %gather3A_180 = tpu.vector_load_idx %arg8[%add3A_179] : memref<912xf32, #tpu.memory_space<vmem>>[vector<16xi32>], vector<16xf32>,
        %add3A_181 = arith.constant 9 : i32
        %add3A_182 = arith.addi %mul3A_101, %add3A_181 : i32
        %broadcast_in_dim3A_183 = vector.broadcast %add3A_182 : i32 to vector<16xi32>
        %gather3A_184 = tpu.vector_load_idx %arg12[%iota3A, %broadcast_in_dim3A_183] : memref<16x300xi32, #tpu.memory_space<vmem>>[vector<16xi32>, vector<16xi32>], vector<16xi32>,
        %mul3A_185 = arith.constant 3 : i32
        %mul3A_186 = arith.muli %mul3A_185, %add3A_182 : i32
        %add3A_187 = vector.broadcast %mul3A_186 : i32 to vector<16xi32>
        %add3A_188 = arith.addi %gather3A_184, %add3A_187 : vector<16xi32>
        %gather3A_189 = tpu.vector_load_idx %arg8[%add3A_188] : memref<912xf32, #tpu.memory_space<vmem>>[vector<16xi32>], vector<16xf32>,
        %add3A_190 = arith.constant 10 : i32
        %add3A_191 = arith.addi %mul3A_101, %add3A_190 : i32
        %broadcast_in_dim3A_192 = vector.broadcast %add3A_191 : i32 to vector<16xi32>
        %gather3A_193 = tpu.vector_load_idx %arg12[%iota3A, %broadcast_in_dim3A_192] : memref<16x300xi32, #tpu.memory_space<vmem>>[vector<16xi32>, vector<16xi32>], vector<16xi32>,
        %mul3A_194 = arith.constant 3 : i32
        %mul3A_195 = arith.muli %mul3A_194, %add3A_191 : i32
        %add3A_196 = vector.broadcast %mul3A_195 : i32 to vector<16xi32>
        %add3A_197 = arith.addi %gather3A_193, %add3A_196 : vector<16xi32>
        %gather3A_198 = tpu.vector_load_idx %arg8[%add3A_197] : memref<912xf32, #tpu.memory_space<vmem>>[vector<16xi32>], vector<16xf32>,
        %add3A_199 = arith.constant 11 : i32
        %add3A_200 = arith.addi %mul3A_101, %add3A_199 : i32
        %broadcast_in_dim3A_201 = vector.broadcast %add3A_200 : i32 to vector<16xi32>
        %gather3A_202 = tpu.vector_load_idx %arg12[%iota3A, %broadcast_in_dim3A_201] : memref<16x300xi32, #tpu.memory_space<vmem>>[vector<16xi32>, vector<16xi32>], vector<16xi32>,
        %mul3A_203 = arith.constant 3 : i32
        %mul3A_204 = arith.muli %mul3A_203, %add3A_200 : i32
        %add3A_205 = vector.broadcast %mul3A_204 : i32 to vector<16xi32>
        %add3A_206 = arith.addi %gather3A_202, %add3A_205 : vector<16xi32>
        %gather3A_207 = tpu.vector_load_idx %arg8[%add3A_206] : memref<912xf32, #tpu.memory_space<vmem>>[vector<16xi32>], vector<16xf32>,
        %add3A_208 = arith.constant 12 : i32
        %add3A_209 = arith.addi %mul3A_101, %add3A_208 : i32
        %broadcast_in_dim3A_210 = vector.broadcast %add3A_209 : i32 to vector<16xi32>
        %gather3A_211 = tpu.vector_load_idx %arg12[%iota3A, %broadcast_in_dim3A_210] : memref<16x300xi32, #tpu.memory_space<vmem>>[vector<16xi32>, vector<16xi32>], vector<16xi32>,
        %mul3A_212 = arith.constant 3 : i32
        %mul3A_213 = arith.muli %mul3A_212, %add3A_209 : i32
        %add3A_214 = vector.broadcast %mul3A_213 : i32 to vector<16xi32>
        %add3A_215 = arith.addi %gather3A_211, %add3A_214 : vector<16xi32>
        %gather3A_216 = tpu.vector_load_idx %arg8[%add3A_215] : memref<912xf32, #tpu.memory_space<vmem>>[vector<16xi32>], vector<16xf32>,
        %add3A_217 = arith.constant 13 : i32
        %add3A_218 = arith.addi %mul3A_101, %add3A_217 : i32
        %broadcast_in_dim3A_219 = vector.broadcast %add3A_218 : i32 to vector<16xi32>
        %gather3A_220 = tpu.vector_load_idx %arg12[%iota3A, %broadcast_in_dim3A_219] : memref<16x300xi32, #tpu.memory_space<vmem>>[vector<16xi32>, vector<16xi32>], vector<16xi32>,
        %mul3A_221 = arith.constant 3 : i32
        %mul3A_222 = arith.muli %mul3A_221, %add3A_218 : i32
        %add3A_223 = vector.broadcast %mul3A_222 : i32 to vector<16xi32>
        %add3A_224 = arith.addi %gather3A_220, %add3A_223 : vector<16xi32>
        %gather3A_225 = tpu.vector_load_idx %arg8[%add3A_224] : memref<912xf32, #tpu.memory_space<vmem>>[vector<16xi32>], vector<16xf32>,
        %add3A_226 = arith.constant 14 : i32
        %add3A_227 = arith.addi %mul3A_101, %add3A_226 : i32
        %broadcast_in_dim3A_228 = vector.broadcast %add3A_227 : i32 to vector<16xi32>
        %gather3A_229 = tpu.vector_load_idx %arg12[%iota3A, %broadcast_in_dim3A_228] : memref<16x300xi32, #tpu.memory_space<vmem>>[vector<16xi32>, vector<16xi32>], vector<16xi32>,
        %mul3A_230 = arith.constant 3 : i32
        %mul3A_231 = arith.muli %mul3A_230, %add3A_227 : i32
        %add3A_232 = vector.broadcast %mul3A_231 : i32 to vector<16xi32>
        %add3A_233 = arith.addi %gather3A_229, %add3A_232 : vector<16xi32>
        %gather3A_234 = tpu.vector_load_idx %arg8[%add3A_233] : memref<912xf32, #tpu.memory_space<vmem>>[vector<16xi32>], vector<16xf32>,
        %add3A_235 = arith.constant 15 : i32
        %add3A_236 = arith.addi %mul3A_101, %add3A_235 : i32
        %broadcast_in_dim3A_237 = vector.broadcast %add3A_236 : i32 to vector<16xi32>
        %gather3A_238 = tpu.vector_load_idx %arg12[%iota3A, %broadcast_in_dim3A_237] : memref<16x300xi32, #tpu.memory_space<vmem>>[vector<16xi32>, vector<16xi32>], vector<16xi32>,
        %mul3A_239 = arith.constant 3 : i32
        %mul3A_240 = arith.muli %mul3A_239, %add3A_236 : i32
        %add3A_241 = vector.broadcast %mul3A_240 : i32 to vector<16xi32>
        %add3A_242 = arith.addi %gather3A_238, %add3A_241 : vector<16xi32>
        %gather3A_243 = tpu.vector_load_idx %arg8[%add3A_242] : memref<912xf32, #tpu.memory_space<vmem>>[vector<16xi32>], vector<16xf32>,
        %add3A_244 = arith.constant 16 : i32
        %add3A_245 = arith.addi %mul3A_101, %add3A_244 : i32
        %broadcast_in_dim3A_246 = vector.broadcast %add3A_245 : i32 to vector<16xi32>
        %gather3A_247 = tpu.vector_load_idx %arg12[%iota3A, %broadcast_in_dim3A_246] : memref<16x300xi32, #tpu.memory_space<vmem>>[vector<16xi32>, vector<16xi32>], vector<16xi32>,
        %mul3A_248 = arith.constant 3 : i32
        %mul3A_249 = arith.muli %mul3A_248, %add3A_245 : i32
        %add3A_250 = vector.broadcast %mul3A_249 : i32 to vector<16xi32>
        %add3A_251 = arith.addi %gather3A_247, %add3A_250 : vector<16xi32>
        %gather3A_252 = tpu.vector_load_idx %arg8[%add3A_251] : memref<912xf32, #tpu.memory_space<vmem>>[vector<16xi32>], vector<16xf32>,
        %add3A_253 = arith.constant 17 : i32
        %add3A_254 = arith.addi %mul3A_101, %add3A_253 : i32
        %broadcast_in_dim3A_255 = vector.broadcast %add3A_254 : i32 to vector<16xi32>
        %gather3A_256 = tpu.vector_load_idx %arg12[%iota3A, %broadcast_in_dim3A_255] : memref<16x300xi32, #tpu.memory_space<vmem>>[vector<16xi32>, vector<16xi32>], vector<16xi32>,
        %mul3A_257 = arith.constant 3 : i32
        %mul3A_258 = arith.muli %mul3A_257, %add3A_254 : i32
        %add3A_259 = vector.broadcast %mul3A_258 : i32 to vector<16xi32>
        %add3A_260 = arith.addi %gather3A_256, %add3A_259 : vector<16xi32>
        %gather3A_261 = tpu.vector_load_idx %arg8[%add3A_260] : memref<912xf32, #tpu.memory_space<vmem>>[vector<16xi32>], vector<16xf32>,
        %add3A_262 = arith.constant 18 : i32
        %add3A_263 = arith.addi %mul3A_101, %add3A_262 : i32
        %broadcast_in_dim3A_264 = vector.broadcast %add3A_263 : i32 to vector<16xi32>
        %gather3A_265 = tpu.vector_load_idx %arg12[%iota3A, %broadcast_in_dim3A_264] : memref<16x300xi32, #tpu.memory_space<vmem>>[vector<16xi32>, vector<16xi32>], vector<16xi32>,
        %mul3A_266 = arith.constant 3 : i32
        %mul3A_267 = arith.muli %mul3A_266, %add3A_263 : i32
        %add3A_268 = vector.broadcast %mul3A_267 : i32 to vector<16xi32>
        %add3A_269 = arith.addi %gather3A_265, %add3A_268 : vector<16xi32>
        %gather3A_270 = tpu.vector_load_idx %arg8[%add3A_269] : memref<912xf32, #tpu.memory_space<vmem>>[vector<16xi32>], vector<16xf32>,
        %add3A_271 = arith.constant 19 : i32
        %add3A_272 = arith.addi %mul3A_101, %add3A_271 : i32
        %broadcast_in_dim3A_273 = vector.broadcast %add3A_272 : i32 to vector<16xi32>
        %gather3A_274 = tpu.vector_load_idx %arg12[%iota3A, %broadcast_in_dim3A_273] : memref<16x300xi32, #tpu.memory_space<vmem>>[vector<16xi32>, vector<16xi32>], vector<16xi32>,
        %mul3A_275 = arith.constant 3 : i32
        %mul3A_276 = arith.muli %mul3A_275, %add3A_272 : i32
        %add3A_277 = vector.broadcast %mul3A_276 : i32 to vector<16xi32>
        %add3A_278 = arith.addi %gather3A_274, %add3A_277 : vector<16xi32>
        %gather3A_279 = tpu.vector_load_idx %arg8[%add3A_278] : memref<912xf32, #tpu.memory_space<vmem>>[vector<16xi32>], vector<16xf32>,
        %add3A_280 = arith.constant 20 : i32
        %add3A_281 = arith.addi %mul3A_101, %add3A_280 : i32
        %broadcast_in_dim3A_282 = vector.broadcast %add3A_281 : i32 to vector<16xi32>
        %gather3A_283 = tpu.vector_load_idx %arg12[%iota3A, %broadcast_in_dim3A_282] : memref<16x300xi32, #tpu.memory_space<vmem>>[vector<16xi32>, vector<16xi32>], vector<16xi32>,
        %mul3A_284 = arith.constant 3 : i32
        %mul3A_285 = arith.muli %mul3A_284, %add3A_281 : i32
        %add3A_286 = vector.broadcast %mul3A_285 : i32 to vector<16xi32>
        %add3A_287 = arith.addi %gather3A_283, %add3A_286 : vector<16xi32>
        %gather3A_288 = tpu.vector_load_idx %arg8[%add3A_287] : memref<912xf32, #tpu.memory_space<vmem>>[vector<16xi32>], vector<16xf32>,
        %add3A_289 = arith.constant 21 : i32
        %add3A_290 = arith.addi %mul3A_101, %add3A_289 : i32
        %broadcast_in_dim3A_291 = vector.broadcast %add3A_290 : i32 to vector<16xi32>
        %gather3A_292 = tpu.vector_load_idx %arg12[%iota3A, %broadcast_in_dim3A_291] : memref<16x300xi32, #tpu.memory_space<vmem>>[vector<16xi32>, vector<16xi32>], vector<16xi32>,
        %mul3A_293 = arith.constant 3 : i32
        %mul3A_294 = arith.muli %mul3A_293, %add3A_290 : i32
        %add3A_295 = vector.broadcast %mul3A_294 : i32 to vector<16xi32>
        %add3A_296 = arith.addi %gather3A_292, %add3A_295 : vector<16xi32>
        %gather3A_297 = tpu.vector_load_idx %arg8[%add3A_296] : memref<912xf32, #tpu.memory_space<vmem>>[vector<16xi32>], vector<16xf32>,
        %add3A_298 = arith.constant 22 : i32
        %add3A_299 = arith.addi %mul3A_101, %add3A_298 : i32
        %broadcast_in_dim3A_300 = vector.broadcast %add3A_299 : i32 to vector<16xi32>
        %gather3A_301 = tpu.vector_load_idx %arg12[%iota3A, %broadcast_in_dim3A_300] : memref<16x300xi32, #tpu.memory_space<vmem>>[vector<16xi32>, vector<16xi32>], vector<16xi32>,
        %mul3A_302 = arith.constant 3 : i32
        %mul3A_303 = arith.muli %mul3A_302, %add3A_299 : i32
        %add3A_304 = vector.broadcast %mul3A_303 : i32 to vector<16xi32>
        %add3A_305 = arith.addi %gather3A_301, %add3A_304 : vector<16xi32>
        %gather3A_306 = tpu.vector_load_idx %arg8[%add3A_305] : memref<912xf32, #tpu.memory_space<vmem>>[vector<16xi32>], vector<16xf32>,
        %add3A_307 = arith.constant 23 : i32
        %add3A_308 = arith.addi %mul3A_101, %add3A_307 : i32
        %broadcast_in_dim3A_309 = vector.broadcast %add3A_308 : i32 to vector<16xi32>
        %gather3A_310 = tpu.vector_load_idx %arg12[%iota3A, %broadcast_in_dim3A_309] : memref<16x300xi32, #tpu.memory_space<vmem>>[vector<16xi32>, vector<16xi32>], vector<16xi32>,
        %mul3A_311 = arith.constant 3 : i32
        %mul3A_312 = arith.muli %mul3A_311, %add3A_308 : i32
        %add3A_313 = vector.broadcast %mul3A_312 : i32 to vector<16xi32>
        %add3A_314 = arith.addi %gather3A_310, %add3A_313 : vector<16xi32>
        %gather3A_315 = tpu.vector_load_idx %arg8[%add3A_314] : memref<912xf32, #tpu.memory_space<vmem>>[vector<16xi32>], vector<16xf32>,
        %add3A_316 = arith.constant 24 : i32
        %add3A_317 = arith.addi %mul3A_101, %add3A_316 : i32
        %broadcast_in_dim3A_318 = vector.broadcast %add3A_317 : i32 to vector<16xi32>
        %gather3A_319 = tpu.vector_load_idx %arg12[%iota3A, %broadcast_in_dim3A_318] : memref<16x300xi32, #tpu.memory_space<vmem>>[vector<16xi32>, vector<16xi32>], vector<16xi32>,
        %mul3A_320 = arith.constant 3 : i32
        %mul3A_321 = arith.muli %mul3A_320, %add3A_317 : i32
        %add3A_322 = vector.broadcast %mul3A_321 : i32 to vector<16xi32>
        %add3A_323 = arith.addi %gather3A_319, %add3A_322 : vector<16xi32>
        %gather3A_324 = tpu.vector_load_idx %arg8[%add3A_323] : memref<912xf32, #tpu.memory_space<vmem>>[vector<16xi32>], vector<16xf32>,
        %add3A_325 = arith.constant 25 : i32
        %add3A_326 = arith.addi %mul3A_101, %add3A_325 : i32
        %broadcast_in_dim3A_327 = vector.broadcast %add3A_326 : i32 to vector<16xi32>
        %gather3A_328 = tpu.vector_load_idx %arg12[%iota3A, %broadcast_in_dim3A_327] : memref<16x300xi32, #tpu.memory_space<vmem>>[vector<16xi32>, vector<16xi32>], vector<16xi32>,
        %mul3A_329 = arith.constant 3 : i32
        %mul3A_330 = arith.muli %mul3A_329, %add3A_326 : i32
        %add3A_331 = vector.broadcast %mul3A_330 : i32 to vector<16xi32>
        %add3A_332 = arith.addi %gather3A_328, %add3A_331 : vector<16xi32>
        %gather3A_333 = tpu.vector_load_idx %arg8[%add3A_332] : memref<912xf32, #tpu.memory_space<vmem>>[vector<16xi32>], vector<16xf32>,
        %add3A_334 = arith.constant 26 : i32
        %add3A_335 = arith.addi %mul3A_101, %add3A_334 : i32
        %broadcast_in_dim3A_336 = vector.broadcast %add3A_335 : i32 to vector<16xi32>
        %gather3A_337 = tpu.vector_load_idx %arg12[%iota3A, %broadcast_in_dim3A_336] : memref<16x300xi32, #tpu.memory_space<vmem>>[vector<16xi32>, vector<16xi32>], vector<16xi32>,
        %mul3A_338 = arith.constant 3 : i32
        %mul3A_339 = arith.muli %mul3A_338, %add3A_335 : i32
        %add3A_340 = vector.broadcast %mul3A_339 : i32 to vector<16xi32>
        %add3A_341 = arith.addi %gather3A_337, %add3A_340 : vector<16xi32>
        %gather3A_342 = tpu.vector_load_idx %arg8[%add3A_341] : memref<912xf32, #tpu.memory_space<vmem>>[vector<16xi32>], vector<16xf32>,
        %add3A_343 = arith.constant 27 : i32
        %add3A_344 = arith.addi %mul3A_101, %add3A_343 : i32
        %broadcast_in_dim3A_345 = vector.broadcast %add3A_344 : i32 to vector<16xi32>
        %gather3A_346 = tpu.vector_load_idx %arg12[%iota3A, %broadcast_in_dim3A_345] : memref<16x300xi32, #tpu.memory_space<vmem>>[vector<16xi32>, vector<16xi32>], vector<16xi32>,
        %mul3A_347 = arith.constant 3 : i32
        %mul3A_348 = arith.muli %mul3A_347, %add3A_344 : i32
        %add3A_349 = vector.broadcast %mul3A_348 : i32 to vector<16xi32>
        %add3A_350 = arith.addi %gather3A_346, %add3A_349 : vector<16xi32>
        %gather3A_351 = tpu.vector_load_idx %arg8[%add3A_350] : memref<912xf32, #tpu.memory_space<vmem>>[vector<16xi32>], vector<16xf32>,
        %add3A_352 = arith.constant 28 : i32
        %add3A_353 = arith.addi %mul3A_101, %add3A_352 : i32
        %broadcast_in_dim3A_354 = vector.broadcast %add3A_353 : i32 to vector<16xi32>
        %gather3A_355 = tpu.vector_load_idx %arg12[%iota3A, %broadcast_in_dim3A_354] : memref<16x300xi32, #tpu.memory_space<vmem>>[vector<16xi32>, vector<16xi32>], vector<16xi32>,
        %mul3A_356 = arith.constant 3 : i32
        %mul3A_357 = arith.muli %mul3A_356, %add3A_353 : i32
        %add3A_358 = vector.broadcast %mul3A_357 : i32 to vector<16xi32>
        %add3A_359 = arith.addi %gather3A_355, %add3A_358 : vector<16xi32>
        %gather3A_360 = tpu.vector_load_idx %arg8[%add3A_359] : memref<912xf32, #tpu.memory_space<vmem>>[vector<16xi32>], vector<16xf32>,
        %add3A_361 = arith.constant 29 : i32
        %add3A_362 = arith.addi %mul3A_101, %add3A_361 : i32
        %broadcast_in_dim3A_363 = vector.broadcast %add3A_362 : i32 to vector<16xi32>
        %gather3A_364 = tpu.vector_load_idx %arg12[%iota3A, %broadcast_in_dim3A_363] : memref<16x300xi32, #tpu.memory_space<vmem>>[vector<16xi32>, vector<16xi32>], vector<16xi32>,
        %mul3A_365 = arith.constant 3 : i32
        %mul3A_366 = arith.muli %mul3A_365, %add3A_362 : i32
        %add3A_367 = vector.broadcast %mul3A_366 : i32 to vector<16xi32>
        %add3A_368 = arith.addi %gather3A_364, %add3A_367 : vector<16xi32>
        %gather3A_369 = tpu.vector_load_idx %arg8[%add3A_368] : memref<912xf32, #tpu.memory_space<vmem>>[vector<16xi32>], vector<16xf32>,
        %add3A_370 = arith.addf %gather3A_108, %gather3A_117 : vector<16xf32>
        %add3A_371 = arith.addf %gather3A_126, %gather3A_135 : vector<16xf32>
        %add3A_372 = arith.addf %gather3A_144, %gather3A_153 : vector<16xf32>
        %add3A_373 = arith.addf %gather3A_162, %gather3A_171 : vector<16xf32>
        %add3A_374 = arith.addf %gather3A_180, %gather3A_189 : vector<16xf32>
        %add3A_375 = arith.addf %gather3A_198, %gather3A_207 : vector<16xf32>
        %add3A_376 = arith.addf %gather3A_216, %gather3A_225 : vector<16xf32>
        %add3A_377 = arith.addf %gather3A_234, %gather3A_243 : vector<16xf32>
        %add3A_378 = arith.addf %gather3A_252, %gather3A_261 : vector<16xf32>
        %add3A_379 = arith.addf %gather3A_270, %gather3A_279 : vector<16xf32>
        %add3A_380 = arith.addf %gather3A_288, %gather3A_297 : vector<16xf32>
        %add3A_381 = arith.addf %gather3A_306, %gather3A_315 : vector<16xf32>
        %add3A_382 = arith.addf %gather3A_324, %gather3A_333 : vector<16xf32>
        %add3A_383 = arith.addf %gather3A_342, %gather3A_351 : vector<16xf32>
        %add3A_384 = arith.addf %gather3A_360, %gather3A_369 : vector<16xf32>
        %add3A_385 = arith.addf %add3A_370, %add3A_371 : vector<16xf32>
        %add3A_386 = arith.addf %add3A_372, %add3A_373 : vector<16xf32>
        %add3A_387 = arith.addf %add3A_374, %add3A_375 : vector<16xf32>
        %add3A_388 = arith.addf %add3A_376, %add3A_377 : vector<16xf32>
        %add3A_389 = arith.addf %add3A_378, %add3A_379 : vector<16xf32>
        %add3A_390 = arith.addf %add3A_380, %add3A_381 : vector<16xf32>
        %add3A_391 = arith.addf %add3A_382, %add3A_383 : vector<16xf32>
        %add3A_392 = arith.addf %add3A_385, %add3A_386 : vector<16xf32>
        %add3A_393 = arith.addf %add3A_387, %add3A_388 : vector<16xf32>
        %add3A_394 = arith.addf %add3A_389, %add3A_390 : vector<16xf32>
        %add3A_395 = arith.addf %add3A_391, %add3A_384 : vector<16xf32>
        %add3A_396 = arith.addf %add3A_392, %add3A_393 : vector<16xf32>
        %add3A_397 = arith.addf %add3A_394, %add3A_395 : vector<16xf32>
        %add3A_398 = arith.addf %add3A_396, %add3A_397 : vector<16xf32>
        %broadcast_in_dim3A_399 = vector.broadcast %add3A_99 : i32 to vector<16xi32>
        tpu.vector_store_idx %arg13[%iota3A, %broadcast_in_dim3A_399], %add3A_398 : memref<16x10xf32, #tpu.memory_space<vmem>>[vector<16xi32>, vector<16xi32>], vector<16xf32>,
      }
      %scan3A_94 = arith.constant 10 : i32
      "tpu.region"() ({
        %run_scoped3A = tpu.sem_alloc : memref<!tpu.dma_semaphore, #tpu.memory_space<semaphore_mem>>
        %dma_start3A_95 = arith.constant 0 : i32
        %dma_start3A_96 = tpu.memref_slice %arg5[%add3A_89, %dma_start3A_95] : memref<16384x10xf32, #tpu.memory_space<hbm>> -> memref<16x10xf32, #tpu.memory_space<hbm>>
        %dma_start3A_97 = arith.constant 0 : i32
        %dma_start3A_98 = tpu.memref_slice %arg5[%add3A_89, %dma_start3A_97] : memref<16384x10xf32, #tpu.memory_space<hbm>> -> memref<16x10xf32, #tpu.memory_space<hbm>>
        tpu.enqueue_dma source(%arg13 : memref<16x10xf32, #tpu.memory_space<vmem>>) target(%dma_start3A_98 : memref<16x10xf32, #tpu.memory_space<hbm>>) target_semaphore(%run_scoped3A : memref<!tpu.dma_semaphore, #tpu.memory_space<semaphore_mem>>)
        %dma_wait3A_99 = arith.constant 0 : i32
        %dma_wait3A_100 = tpu.memref_slice %arg5[%add3A_89, %dma_wait3A_99] : memref<16384x10xf32, #tpu.memory_space<hbm>> -> memref<16x10xf32, #tpu.memory_space<hbm>>
        %dma_wait3A_101 = arith.constant 0 : i32
        %dma_wait3A_102 = tpu.memref_slice %arg5[%add3A_89, %dma_wait3A_101] : memref<16384x10xf32, #tpu.memory_space<hbm>> -> memref<16x10xf32, #tpu.memory_space<hbm>>
        tpu.wait_dma2 semaphore(%run_scoped3A : memref<!tpu.dma_semaphore, #tpu.memory_space<semaphore_mem>>) src(%arg13 : memref<16x10xf32, #tpu.memory_space<vmem>>) dst(%dma_wait3A_102 : memref<16x10xf32, #tpu.memory_space<hbm>>)
        tpu.yield
      }) : () -> ()
    }
    %scan3A_20 = arith.constant 8 : i32
    return
  }
}

module attributes {stable_mosaic.version = 14 : i64} {
  func.func @body(%arg0: memref<16384x10xf32, #tpu.memory_space<vmem>>, %arg1: memref<10x16xf32, #tpu.memory_space<vmem>>, %arg2: memref<1x16xf32, #tpu.memory_space<vmem>>, %arg3: memref<1x16xf32, #tpu.memory_space<vmem>>, %arg4: memref<1x16xf32, #tpu.memory_space<vmem>>, %arg5: memref<16384x16xf32, #tpu.memory_space<vmem>>) attributes {dimension_semantics = [], scalar_prefetch = 0 : i64, scratch_operands = 0 : i64, tpu.core_type = #tpu.core_type<tc>} {
    %get3A = arith.constant 0 : index
    %get3A_0 = arith.constant 0 : index
    %get3A_1 = vector.load %arg0[%get3A, %get3A_0] : memref<16384x10xf32, #tpu.memory_space<vmem>>, vector<16384x10xf32>
    %max3A = arith.constant 0.000000e+00 : f32
    %max3A_2 = vector.broadcast %max3A : f32 to vector<16384x10xf32>
    %max3A_3 = arith.maximumf %get3A_1, %max3A_2 : vector<16384x10xf32>
    %get3A_4 = arith.constant 0 : index
    %get3A_5 = arith.constant 0 : index
    %get3A_6 = vector.load %arg1[%get3A_4, %get3A_5] : memref<10x16xf32, #tpu.memory_space<vmem>>, vector<10x16xf32>
    %dot_general3A = arith.constant dense<0.000000e+00> : vector<16384x16xf32>
    %dot_general3A_7 = tpu.matmul %max3A_3, %get3A_6, %dot_general3A {dimension_numbers = #tpu.dot_dimension_numbers<[1], [0], [0], [1], [0, 0, 1, 1], [], []>, transpose_lhs_hint = false} : vector<16384x10xf32>, vector<10x16xf32>, vector<16384x16xf32> -> vector<16384x16xf32>
    %get3A_8 = arith.constant 0 : index
    %get3A_9 = arith.constant 0 : index
    %get3A_10 = vector.load %arg2[%get3A_8, %get3A_9] : memref<1x16xf32, #tpu.memory_space<vmem>>, vector<1x16xf32>
    %add3A = vector.broadcast %get3A_10 : vector<1x16xf32> to vector<16384x16xf32>
    %add3A_11 = arith.addf %dot_general3A_7, %add3A : vector<16384x16xf32>
    %reduce_sum3A = arith.constant dense<0.000000e+00> : vector<16xf32>
    %reduce_sum3A_12 = vector.multi_reduction <add>, %add3A_11, %reduce_sum3A [0] : vector<16384x16xf32> to vector<16xf32>
    %broadcast_in_dim3A = vector.shape_cast %reduce_sum3A_12 : vector<16xf32> to vector<1x16xf32>
    %div3A = arith.constant 1.638400e+04 : f32
    %div3A_13 = vector.broadcast %div3A : f32 to vector<1x16xf32>
    %div3A_14 = arith.divf %broadcast_in_dim3A, %div3A_13 : vector<1x16xf32>
    %sub3A = vector.broadcast %div3A_14 : vector<1x16xf32> to vector<16384x16xf32>
    %sub3A_15 = arith.subf %add3A_11, %sub3A : vector<16384x16xf32>
    %mul3A = arith.mulf %sub3A_15, %sub3A_15 : vector<16384x16xf32>
    %reduce_sum3A_16 = arith.constant dense<0.000000e+00> : vector<16xf32>
    %reduce_sum3A_17 = vector.multi_reduction <add>, %mul3A, %reduce_sum3A_16 [0] : vector<16384x16xf32> to vector<16xf32>
    %broadcast_in_dim3A_18 = vector.shape_cast %reduce_sum3A_17 : vector<16xf32> to vector<1x16xf32>
    %div3A_19 = arith.constant 1.638400e+04 : f32
    %div3A_20 = vector.broadcast %div3A_19 : f32 to vector<1x16xf32>
    %div3A_21 = arith.divf %broadcast_in_dim3A_18, %div3A_20 : vector<1x16xf32>
    %add3A_22 = arith.constant 9.99999974E-6 : f32
    %add3A_23 = vector.broadcast %add3A_22 : f32 to vector<1x16xf32>
    %add3A_24 = arith.addf %div3A_21, %add3A_23 : vector<1x16xf32>
    %rsqrt3A = math.rsqrt %add3A_24 : vector<1x16xf32>
    %get3A_25 = arith.constant 0 : index
    %get3A_26 = arith.constant 0 : index
    %get3A_27 = vector.load %arg3[%get3A_25, %get3A_26] : memref<1x16xf32, #tpu.memory_space<vmem>>, vector<1x16xf32>
    %mul3A_28 = arith.mulf %rsqrt3A, %get3A_27 : vector<1x16xf32>
    %mul3A_29 = vector.broadcast %mul3A_28 : vector<1x16xf32> to vector<16384x16xf32>
    %mul3A_30 = arith.mulf %sub3A_15, %mul3A_29 : vector<16384x16xf32>
    %get3A_31 = arith.constant 0 : index
    %get3A_32 = arith.constant 0 : index
    %get3A_33 = vector.load %arg4[%get3A_31, %get3A_32] : memref<1x16xf32, #tpu.memory_space<vmem>>, vector<1x16xf32>
    %add3A_34 = vector.broadcast %get3A_33 : vector<1x16xf32> to vector<16384x16xf32>
    %add3A_35 = arith.addf %mul3A_30, %add3A_34 : vector<16384x16xf32>
    %swap3A = arith.constant 0 : index
    %swap3A_36 = arith.constant 0 : index
    %swap3A_37 = vector.load %arg5[%swap3A, %swap3A_36] : memref<16384x16xf32, #tpu.memory_space<vmem>>, vector<16384x16xf32>
    tpu.vector_store %arg5[%swap3A, %swap3A_36], %add3A_35 {strides = array<i32>} : memref<16384x16xf32, #tpu.memory_space<vmem>>, vector<16384x16xf32>,
    return
  }
}

</mosaic_0001>

<sc_bundles>
// kernel: kernel.4.cloned.1.call-start
scs
__scs_entry_jumppad:
0x0: {  	(pc) =	sbr.rel $0x88, $3  }
0x1: {  	(tag) =	ssettag $0x0;
	lr =	simm.s32 $0x1  }
0x2: {  	[smem:$0x3F99] =	sst lr;
	_ =	strace $0xD0000000  }
0x3: {  	_ = 	snop  }
0x4: {  	_ = 	snop  }
0x5: {  	_ = 	snop  }
0x6: {  	_ = 	snop  }
0x7: {  	_ = 	snop  }
__scs_overlays_trampoline_lowered:
0x8: {  	[smem:$0x3FA8] =	sst s0  }
0x9: {  	[smem:$0x3FA9] =	sst s1  }
0xa: {  	[smem:$0x3FAA] =	sst s2  }
0xb: {  	[smem:$0x3FAB] =	sst s3  }
0xc: {  	[smem:$0x3FAC] =	sst s4  }
0xd: {  	[smem:$0x3FAD] =	sst s5  }
0xe: {  	[smem:$0x3FAE] =	sst s6  }
0xf: {  	[smem:$0x3FAF] =	sst s7  }
0x10: {  	[smem:$0x3FB0] =	sst s8  }
0x11: {  	[smem:$0x3FB1] =	sst s9;
	s0 =	simm.s32 @!p0 $0x0  }
0x12: {  	s1 =	sld [smem:$0x3F97];
	s0 =	simm.s32 @p0 $0x1  }
0x13: {  	[smem:$0x3FB2] =	sst s0;
	s0 =	simm.s32 @!p1 $0x0  }
0x14: {  	s2 =	sld [smem:$0x3F96];
	s0 =	simm.s32 @p1 $0x1  }
0x15: {  	[smem:$0x3FB3] =	sst s0;
	s0 =	simm.s32 @!p2 $0x0  }
0x16: {  	s3 =	sld [smem:$0x3FDB];
	s0 =	simm.s32 @p2 $0x1  }
0x17: {  	s4 =	simm.s32 $0x1BF5;
	[smem:$0x3FB5] =	sst s0  }
0x18: {  	s0 =	sld [smem:$0x3F98];
	_ =	swait.ge [sflag:s4], $0x0  }
0x19: {  	s7 =	sld [smem:$0x3F99]  }
0x1a: {  	s8 =	sadd.s32 $0xFFFFE003, lr  }
0x1b: {  	s9 =	sadd.s32 $0xFFFFFEF7, lr;
	s5 =	simm.s32 $0xFFFFFFFF;
	p2 =	slt.u32 s8, $0xFFFFF086  }
0x1c: {  	p1 =	slt.u32 s9, $0xF7A;
	s5 =	simm.s32 @!p2 $0x0  }
0x1d: {  	s5 =	simm.s32 @p1 $0x1;
	p0 =	seq.s32 s7, s2  }
0x1e: {  	s7 =	smul.u32 @!p0 $0xF7A, s2;
	p2 =	seq.s32 @!p0 s5, $0x0  }
0x1f: {  	s9 =	smul.u32 $0xF7A, s1;
	s8 =	simm.s32 @!p0 $0x1BF5;
	p2 =	por !p2, p0  }
0x20: {  	[sflag:s8] =	ssyncset.s32 @!p0 $0xFFFFF086;
	s6 =	sadd.s32 @!p0 s3, s7;
	s7 =	simm.s32 @!p0 $0x108  }
0x21: {  	s3 =	sadd.s32 s3, s9;
	s6 =	sadd.s32 @!p0 $0x88, s6;
	s7 =	simm.s32 @p2 $0x1082  }
0x22: {  	[simem:s7], [sflag:s8] =	dma.local @!p0 [hbm:s6], $0xF7A  }
0x23: {  	s9 =	sor.u32 $0xD0000000, s2;
	s6 =	simm.s32 $0x108;
	_ =	swait.ge @!p0 [sflag:s8], $0x0  }
0x24: {  	s3 =	sadd.s32 $0x88, s3;
	s6 =	simm.s32 @!p1 $0x1082;
	[sflag:s4] =	ssyncset.s32 $0xFFFFF086  }
0x25: {  	[simem:s6], [sflag:s4] =	dma.local [hbm:s3], $0xF7A  }
0x26: {  	[smem:$0x3F99] =	sst s1;
	(tag) =	ssettag s2;
	_ =	strace s9  }
0x27: {  	s1 =	sld [smem:$0x3FA9]  }
0x28: {  	s2 =	sld [smem:$0x3FAA]  }
0x29: {  	s4 =	sld [smem:$0x3FAC]  }
0x2a: {  	p0 =	seq.s32 s5, $0x0;
	s5 =	sld [smem:$0x3FAD]  }
0x2b: {  	s6 =	sld [smem:$0x3FAE]  }
0x2c: {  	s7 =	sld [smem:$0x3FAF]  }
0x2d: {  	s3 =	simm.s32 $0x108;
	s8 =	sld [smem:$0x3FB0]  }
0x2e: {  	s3 =	simm.s32 @!p0 $0x1082;
	s9 =	sld [smem:$0x3FB1]  }
0x2f: {  	lr =	sadd.s32 s0, s3;
	s0 =	sld [smem:$0x3FA8]  }
0x30: {  	s3 =	sld [smem:$0x3FAB]  }
0x31: {  	[smem:$0x3FB4] =	sst s10  }
0x32: {  	s10 =	sld [smem:$0x3FB2];
	_ =	sdelay $0x3  }
0x33: {  	p0 =	seq.s32 s10, $0x1;
	s10 =	sld [smem:$0x3FB4];
	_ =	sdelay $0x3  }
0x34: {  	[smem:$0x3FB4] =	sst s10  }
0x35: {  	s10 =	sld [smem:$0x3FB3];
	_ =	sdelay $0x3  }
0x36: {  	p1 =	seq.s32 s10, $0x1;
	s10 =	sld [smem:$0x3FB4];
	_ =	sdelay $0x3  }
0x37: {  	[smem:$0x3FB4] =	sst s10  }
0x38: {  	s10 =	sld [smem:$0x3FB5]  }
0x39: {  	_ = 	snop;
	(pc) =	sbr.ind lr, $3  }
0x3a: {  	_ = 	snop  }
0x3b: {  	_ = 	snop  }
0x3c: {  	p2 =	seq.s32 s10, $0x1;
	s10 =	sld [smem:$0x3FB4]  }
0x3d: {  	_ =	shalt  }
0x3e: {  	_ =	shalt  }
0x3f: {  	_ =	shalt  }
0x40: {  	_ =	shalt  }
0x41: {  	_ =	shalt  }
0x42: {  	_ =	shalt  }
0x43: {  	_ =	shalt  }
0x44: {  	_ =	shalt  }
0x45: {  	_ =	shalt  }
0x46: {  	_ =	shalt  }
0x47: {  	_ =	shalt  }
0x48: {  	_ =	shalt  }
0x49: {  	_ =	shalt  }
0x4a: {  	_ =	shalt  }
0x4b: {  	_ =	shalt  }
0x4c: {  	_ =	shalt  }
0x4d: {  	_ =	shalt  }
0x4e: {  	_ =	shalt  }
0x4f: {  	_ =	shalt  }
0x50: {  	_ =	shalt  }
0x51: {  	_ =	shalt  }
0x52: {  	_ =	shalt  }
0x53: {  	_ =	shalt  }
0x54: {  	_ =	shalt  }
0x55: {  	_ =	shalt  }
0x56: {  	_ =	shalt  }
0x57: {  	_ =	shalt  }
0x58: {  	_ =	shalt  }
0x59: {  	_ =	shalt  }
0x5a: {  	_ =	shalt  }
0x5b: {  	_ =	shalt  }
0x5c: {  	_ =	shalt  }
0x5d: {  	_ =	shalt  }
0x5e: {  	_ =	shalt  }
0x5f: {  	_ =	shalt  }
0x60: {  	_ =	shalt  }
0x61: {  	_ =	shalt  }
0x62: {  	_ =	shalt  }
0x63: {  	_ =	shalt  }
0x64: {  	_ =	shalt  }
0x65: {  	_ =	shalt  }
0x66: {  	_ =	shalt  }
0x67: {  	_ =	shalt  }
0x68: {  	_ =	shalt  }
0x69: {  	_ =	shalt  }
0x6a: {  	_ =	shalt  }
0x6b: {  	_ =	shalt  }
0x6c: {  	_ =	shalt  }
0x6d: {  	_ =	shalt  }
0x6e: {  	_ =	shalt  }
0x6f: {  	_ =	shalt  }
0x70: {  	_ =	shalt  }
0x71: {  	_ =	shalt  }
0x72: {  	_ =	shalt  }
0x73: {  	_ =	shalt  }
0x74: {  	_ =	shalt  }
0x75: {  	_ =	shalt  }
0x76: {  	_ =	shalt  }
0x77: {  	_ =	shalt  }
0x78: {  	_ =	shalt  }
0x79: {  	_ =	shalt  }
0x7a: {  	_ =	shalt  }
0x7b: {  	_ =	shalt  }
0x7c: {  	_ =	shalt  }
0x7d: {  	_ =	shalt  }
0x7e: {  	_ =	shalt  }
0x7f: {  	_ =	shalt  }
0x80: {  	_ =	shalt  }
0x81: {  	_ =	shalt  }
0x82: {  	_ =	shalt  }
0x83: {  	_ =	shalt  }
0x84: {  	_ =	shalt  }
0x85: {  	_ =	shalt  }
0x86: {  	_ =	shalt  }
0x87: {  	_ =	shalt  }
.Lfunc_end0:
.L_simem_size_0:
called_computation_lowered:
.L_overlay_start_0:
0x88: {  	s2 =	sld [smem:$0x3FD9]  }
0x89: {  	s3 =	sld [smem:$0x3FFE];
	_ =	sdelay $0x1  }
0x8a: {  	s1 =	srdreg.scid  }
0x8b: {  	s0 =	sand.u32 $0x1, s1  }
0x8c: {  	s17 =	sshll.u32 s0, $0xA;
	s2 =	sadd.s32 s3, s2  }
0x8d: {  	s2 =	sadd.s32 s2, s17  }
0x8e: {  	[smem:$0x3FC0] =	sst s2  }
0x8f: {  	_ = 	snop  }
0x90: {  	s2 =	sld [smem:$0x3FD0];
	(tm) =	ssettm $0x1  }
0x91: {  	s18 =	sld [smem:$0x3FFB];
	_ =	sdelay $0x3  }
0x92: {  	_ =	strace s18  }
0x93: {  	s3 =	sld [smem:$0x3FFC];
	_ =	sdelay $0x3  }
0x94: {  	_ =	strace s3  }
0x95: {  	s3 =	sld [smem:$0x3FFD];
	_ =	sdelay $0x3  }
0x96: {  	_ =	strace s3  }
0x97: {  	_ =	strace $0x8FFFFFFF  }
0x98: {  	s19 =	sld [smem:$0x3FDB];
	_ =	sdelay $0x1  }
0x99: {  	s4 =	simm.s32 $_scs_section_size  }
0x9a: {  	s5 =	simm.s32 $_size__tile_overlayer_lowered;
	s6 =	simm.s32 $_tile_overlayer_lowered  }
0x9b: {  	s22 =	simm.s32 $0x1BFF;
	s21 =	sshll.u32 s6, $0x1;
	s3 =	sadd.s32 s4, s19  }
0x9c: {  	s7 =	simm.s32 $0x0;
	s20 =	sshll.u32 s5, $0x1;
	s5 =	sadd.s32 s21, s3  }
0x9d: {  	[timem:s7], [sflag:s22] =	dma.local [hbm:s5], s20  }
0x9e: {  	_ =	swait.ge [sflag:s22], s20  }
0x9f: {  	s4 =	ssub.s32 $0x0, s20;
	[sflag:s22] =	ssyncset.done $0x0  }
0xa0: {  	[sflag:s22] =	ssyncadd.s32 s4;
	_ =	sdelay $0x1  }
0xa1: {  	s23 =	simm.s32 $0x1B8B  }
0xa2: {  	_ =	swait.ge [sflag:s23], $0x1  }
0xa3: {  	[sflag:s23] =	ssyncset.done $0x0  }
0xa4: {  	s25 =	simm.s32 $0x1B8E;
	s24 =	sld [smem:$0x3FFE];
	[sflag:s23] =	ssyncadd.s32 $0xFFFFFFFF  }
0xa5: {  	s26 =	simm.s32 $execute0_lowered;
	[smem:$0x3FD2] =	sst s25  }
0xa6: {  	s5 =	sshll.u32 s26, $0x1;
	_ =	strace $0x80000046;
	[dreg:$0x1] =	wrdreg $0xFFFFFFFF  }
0xa7: {  	s28 =	simm.s32 $_size_execute0_lowered;
	s3 =	sadd.s32 s3, s5;
	[dreg:$0x0] =	wrdreg $0x0  }
0xa8: {  	s5 =	sshll.u32 s28, $0x1;
	[dreg:$0x2] =	wrdreg s3  }
0xa9: {  	[dreg:$0x3] =	wrdreg s5  }
0xaa: {  	[dreg:$0x4] =	wrdreg $0xC0  }
0xab: {  	_ =	task [dreg:s7], $0x5FFFF  }
0xac: {  	[dreg:$0x1] =	wrdreg $0xFFFFFFFF  }
0xad: {  	[dreg:$0x0] =	wrdreg $0x60  }
0xae: {  	[dreg:$0x2] =	wrdreg s2  }
0xaf: {  	[dreg:$0x3] =	wrdreg s24  }
0xb0: {  	[dreg:$0x4] =	wrdreg $0x9  }
0xb1: {  	_ =	task.clear_ibuf [dreg:s7], $0x5FFFF;
	_ =	strace $0x90000046  }
0xb2: {  	s29 =	simm.s32 $0x9;
	_ =	strace $0x80000048  }
0xb3: {  	_ =	swait.ge [sflag:s29], $0x1  }
0xb4: {  	[sflag:s29] =	ssyncadd.s32 $0xFFFFFFFF  }
0xb5: {  	_ =	strace $0x90000048  }
0xb6: {  	_ =	sfence  }
0xb7: {  	s30 =	sld [smem:$0x0];
	_ =	sdelay $0x2  }
0xb8: {  	s31 =	sshll.u32 s1, $0xD;
	s1 =	sshrl.u32 s1, $0x2  }
0xb9: {  	s3 =	sand.u32 $0x4000, s31;
	s1 =	sadd.s32 s1, s30  }
0xba: {  	s0 =	sor.u32 s3, s0;
	s1 =	sshll.u32 s1, $0x11  }
0xbb: {  	s0 =	sor.u32 s1, s0  }
0xbc: {  	s0 =	sadd.s32 $0x8F2B, s0  }
0xbd: {  	[sflag:s0] =	ssyncadd.remote.s32 $0x1  }
0xbe: {  	_ =	sfence.sel $0xFFFF  }
0xbf: {  	[dreg:$0x0] =	wrdreg $0xFFFFFFFF;
	(pc) =	sbr.abs _section_cstart, $3  }
0xc0: {  	[dreg:$0x1] =	wrdreg $0xFFFFFFFF  }
0xc1: {  	_ =	task.clear_ibuf [dreg:s7], $0x2FFFF;
	_ =	strace $0x9FFFFFFF  }
0xc2: {  	(tm) =	ssettm $0x7FFFFFFF  }
0xc3: {  	_ =	shalt  }
tec
execute0_lowered:
.L_overlay_start_1:
0x0: {  	(tag) =	ssettag $0x1  }
0x1: {  	v0 =	vimm.s32 $0xF80;
	vm0 =	vcmask $0x300  }
0x2: {  	vm14 =	vcmask $0x704;
	v0 =	vsel vm0, $0x0, v0  }
0x3: {  	vm15 =	vcmask $0xB08;
	v0 =	vsel vm14, $0x80, v0  }
0x4: {  	vm4 =	vcmask $0xF0C;
	v0 =	vsel vm15, $0x100, v0  }
0x5: {  	vm5 =	vcmask $0x1310;
	v0 =	vsel vm4, $0x180, v0  }
0x6: {  	s0 =	rddreg [dreg:$0x1];
	s2 =	simm.s32 $0x0;
	vm6 =	vcmask $0x1714;
	v0 =	vsel vm5, $0x200, v0  }
0x7: {  	s3 =	srdreg.scid;
	vm7 =	vcmask $0x1B18;
	s29 =	stileid.u32;
	s9 =	simm.s32 $0x5;
	v0 =	vsel vm6, $0x280, v0  }
0x8: {  	vm8 =	vcmask $0x1F1C;
	s11 =	simm.s32 $0x1300;
	s12 =	simm.s32 $0x2B00;
	s13 =	simm.s32 $0x4300;
	v0 =	vsel vm7, $0x300, v0  }
0x9: {  	vm9 =	vcmask $0x2320;
	s14 =	simm.s32 $0x5B00;
	s15 =	simm.s32 $0x1;
	s16 =	simm.s32 $0xF00;
	v0 =	vsel vm8, $0x380, v0  }
0xa: {  	vm10 =	vcmask $0x2724;
	s17 =	simm.s32 $0x7300;
	s18 =	simm.s32 $0x2;
	s19 =	simm.s32 $0x3;
	v0 =	vsel vm9, $0xC00, v0  }
0xb: {  	vm11 =	vcmask $0x2B28;
	s20 =	simm.s32 $0x4;
	s21 =	simm.s32 $0x0;
	s22 =	simm.s32 $0x0;
	v0 =	vsel vm10, $0xC80, v0  }
.Ltmp0:
0xc: {  	vm12 =	vcmask $0x2F2C;
	[smem:$0x7FF] =	sst s2;
	s7 =	sand.u32 $0x1, s3;
	v0 =	vsel vm11, $0xD00, v0;
	(pc) =	sbr.rel .LBB2_1-.Ltmp0, $4  }
0xd: {  	vm13 =	vcmask $0x3330;
	s1 =	sadd.s32 $0xE00, s0;
	s4 =	sadd.s32 $0x1000, s0;
	s8 =	ssub.s32 $0x2, s7;
	v0 =	vsel vm12, $0xD80, v0  }
0xe: {  	s6 =	sadd.s32 $0xC1000, s0;
	s31 =	sshll.u32 s29, $0xA;
	vm14 =	vcmask $0x3734;
	s30 =	sshrl.u32 s8, $0x1;
	v0 =	vsel vm13, $0xE00, v0  }
0xf: {  	v2 =	vlaneseq.u32;
	_ =	strace $0x80000047;
	s7 =	sshll.u32 s7, $0x9;
	vm15 =	vcmask $0x3B38;
	s0 =	ssub.s32 s8, s30;
	v1 =	vsel vm14, $0xE80, v0  }
0x10: {  	[dreg:$0x3] =	wrdreg s1;
	s7 =	sor.u32 s7, s31;
	s8 =	smax.u32 s0, $0x1;
	v0 =	vmul.u32 $0x4, v2;
	v2 =	vmul.u32 $0x80, v2;
	v1 =	vsel vm15, $0xF00, v1  }
.LBB2_17:
0x11: {  	s21 =	sadd.s32 $0x1, s21  }
0x12: {  	p0 =	sne.s32 s21, s8  }
.Ltmp1:
0x13: {  	_ = 	snop;
	(pc) =	sbr.rel @!p0 .LBB2_18-.Ltmp1, $1  }
0x14: {  	_ =	sdelay $0x3  }
.LBB2_1:
0x15: {  	s0 =	rddreg [dreg:$0x0]  }
0x16: {  	[tilespmem:s2], [sflag:$0x5] =	stream.linear.gather [hbm4b:s0+s2], $0xE10, $0x38;
	[tilespmem:$0x7B00] =	vst v63  }
0x17: {  	_ =	swait.ge [sflag:s9], $0xE10  }
0x18: {  	[sflag:s9] =	ssyncset.done $0x0  }
0x19: {  	v3 =	vmov s2;
	s1 =	simm.s32 $0xE80;
	s29 =	rddreg [dreg:$0x3];
	[sflag:s9] =	ssyncadd.s32 $0xFFFFF1F0  }
0x1a: {  	v3 =	vshll.u32 v3, $0x2;
	[tilespmem:s1], [sflag:$0x5] =	stream.linear.gather [hbm4b:s29+s2], $0x80, $0x38;
	[tilespmem:$0x7B00] =	vst v63  }
0x1b: {  	v5 =	vor.u32 v0, v3;
	_ =	swait.ge [sflag:s9], $0x80  }
0x1c: {  	v6 =	vor.u32 $0x1, v5;
	[sflag:s9] =	ssyncset.done $0x0  }
0x1d: {  	[sflag:s9] =	ssyncadd.s32 $0xFFFFFF80  }
0x1e: {  	v7 =	vor.u32 $0x2, v5;
	v3 =	vld [tilespmem:$0xE80]  }
0x1f: {  	v4 =	vld [tilespmem:$0xE90]  }
0x20: {  	v9 =	vor.u32 $0x3, v5;
	v8 =	vld.idx.msk [tilespmem:v5+s2+$0x0], $0xffff  }
0x21: {  	v10 =	vld.idx.msk [tilespmem:v6+s2+$0x0], $0xffff  }
0x22: {  	v5 =	vld [tilespmem:$0xEA0]  }
0x23: {  	v7 =	vld.idx.msk [tilespmem:v7+s2+$0x0], $0xffff  }
0x24: {  	v6 =	vld [tilespmem:$0xEB0]  }
0x25: {  	v9 =	vld.idx.msk [tilespmem:v9+s2+$0x0], $0xffff  }
0x26: {  	v8 =	vmul.f32 v8, v3;
	v10 =	vmul.f32 v10, v4;
	_ =	sdelay $0x1  }
0x27: {  	v8 =	vadd.f32 v10, v8;
	v10 =	vmul.f32 v7, v5  }
0x28: {  	s30 =	simm.s32 $0x10;
	v7 =	vld [tilespmem:$0xEC0]  }
0x29: {  	v11 =	vmov s30;
	v9 =	vmul.f32 v9, v6;
	v8 =	vadd.f32 v10, v8  }
0x2a: {  	v10 =	vshll.u32 v11, $0x2  }
0x2b: {  	v10 =	vor.u32 v0, v10;
	v8 =	vadd.f32 v9, v8  }
0x2c: {  	v9 =	vor.u32 $0x1, v10  }
0x2d: {  	v8 =	vadd.f32 v8, v7  }
0x2e: {  	v11 =	vor.u32 $0x2, v10  }
0x2f: {  	[tilespmem:s16+$0x0] =	vst v8  }
0x30: {  	v8 =	vld.idx.msk [tilespmem:v10+s2+$0x0], $0xffff;
	v10 =	vor.u32 $0x3, v10  }
0x31: {  	v9 =	vld.idx.msk [tilespmem:v9+s2+$0x0], $0xffff;
	_ =	sdelay $0x1  }
0x32: {  	v11 =	vld.idx.msk [tilespmem:v11+s2+$0x0], $0xffff;
	_ =	sdelay $0x1  }
0x33: {  	v10 =	vld.idx.msk [tilespmem:v10+s2+$0x0], $0xffff  }
0x34: {  	v8 =	vmul.f32 v8, v3;
	v9 =	vmul.f32 v9, v4;
	_ =	sdelay $0x1  }
0x35: {  	v11 =	vmul.f32 v11, v5;
	v8 =	vadd.f32 v9, v8  }
0x36: {  	s31 =	simm.s32 $0x20  }
0x37: {  	s23 =	simm.s32 $0x30;
	s0 =	simm.s32 $0xF00;
	v9 =	vmov s31;
	v8 =	vadd.f32 v11, v8;
	v10 =	vmul.f32 v10, v6  }
.LBB2_2:
0x38: {  	p0 =	sne.s32 s23, $0x380;
	v9 =	vshll.u32 v9, $0x2  }
0x39: {  	v9 =	vor.u32 v0, v9;
	v8 =	vadd.f32 v10, v8  }
0x3a: {  	v10 =	vor.u32 $0x1, v9  }
0x3b: {  	v8 =	vadd.f32 v8, v7  }
0x3c: {  	s0 =	sadd.s32 $0x10, s0;
	v11 =	vor.u32 $0x2, v9  }
0x3d: {  	[tilespmem:s0+$0x0] =	vst v8  }
0x3e: {  	v8 =	vld.idx.msk [tilespmem:v9+s22+$0x0], $0xffff;
	v9 =	vor.u32 $0x3, v9  }
0x3f: {  	v10 =	vld.idx.msk [tilespmem:v10+s22+$0x0], $0xffff;
	_ =	sdelay $0x1  }
0x40: {  	v11 =	vld.idx.msk [tilespmem:v11+s22+$0x0], $0xffff;
	_ =	sdelay $0x1  }
0x41: {  	v12 =	vld.idx.msk [tilespmem:v9+s22+$0x0], $0xffff;
	_ =	sdelay $0x1  }
.Ltmp2:
0x42: {  	v8 =	vmul.f32 v8, v3;
	v9 =	vmul.f32 v10, v4;
	(pc) =	sbr.rel @p0 .LBB2_2-.Ltmp2, $3  }
0x43: {  	_ = 	snop  }
0x44: {  	v8 =	vadd.f32 v9, v8;
	v10 =	vmul.f32 v11, v5;
	_ =	sdelay $0x1  }
0x45: {  	v9 =	vmov s23;
	s23 =	sadd.s32 $0x10, s23;
	v8 =	vadd.f32 v10, v8;
	v10 =	vmul.f32 v12, v6  }
0x46: {  	v9 =	vshll.u32 v9, $0x2  }
0x47: {  	v9 =	vor.u32 v0, v9;
	v8 =	vadd.f32 v10, v8  }
0x48: {  	v61 =	vor.u32 $0x1, v9  }
0x49: {  	v8 =	vadd.f32 v8, v7  }
0x4a: {  	s0 =	sadd.s32 $0x10, s0;
	v11 =	vor.u32 $0x2, v9  }
0x4b: {  	[tilespmem:s0+$0x0] =	vst v8  }
0x4c: {  	v8 =	vld.idx.msk [tilespmem:v9+s22+$0x0], $0xffff;
	v9 =	vor.u32 $0x3, v9  }
0x4d: {  	v10 =	vld.idx.msk [tilespmem:v61+s22+$0x0], $0xffff;
	_ =	sdelay $0x1  }
0x4e: {  	v11 =	vld.idx.msk [tilespmem:v11+s22+$0x0], $0xffff;
	_ =	sdelay $0x1  }
0x4f: {  	v9 =	vld.idx.msk [tilespmem:v9+s22+$0x0], $0xffff  }
0x50: {  	v3 =	vmul.f32 v8, v3;
	v4 =	vmul.f32 v10, v4;
	_ =	sdelay $0x1  }
0x51: {  	v62 =	vmul.f32 v11, v5;
	v3 =	vadd.f32 v4, v3;
	_ =	sdelay $0x1  }
0x52: {  	v3 =	vadd.f32 v62, v3;
	v63 =	vmul.f32 v9, v6;
	_ =	sdelay $0x1  }
0x53: {  	v3 =	vadd.f32 v63, v3;
	_ =	sdelay $0x1  }
0x54: {  	v3 =	vadd.f32 v3, v7  }
0x55: {  	s0 =	sadd.s32 $0x10, s0  }
0x56: {  	s23 =	simm.s32 $0x0;
	[tilespmem:s0+$0x0] =	vst v3  }
.LBB2_4:
0x57: {  	s0 =	sshll.u32 s23, $0x6;
	s31 =	simm.s32 $0x1D  }
0x58: {  	s1 =	simm.s32 $0x0;
	s29 =	simm.s32 $0x1C;
	s3 =	simm.s32 $0x1;
	v3 =	vmov s31  }
0x59: {  	s30 =	simm.s32 $0x2;
	s5 =	simm.s32 $0x3;
	s10 =	simm.s32 $0x5;
	v11 =	vmov s1;
	v12 =	vmov s29;
	v13 =	vmov s3  }
0x5a: {  	s28 =	sadd.s32 s7, s0;
	v14 =	vmov s30;
	s29 =	simm.s32 $0x4;
	v15 =	vmov s5;
	v17 =	vmov s10  }
0x5b: {  	s31 =	simm.s32 $0x6;
	s1 =	simm.s32 $0x8;
	s3 =	simm.s32 $0x9;
	v9 =	vand.u32 $0x7F, v3;
	v10 =	vshll.u32 v3, $0x3;
	v16 =	vmov s29  }
0x5c: {  	s5 =	simm.s32 $0xB;
	s10 =	simm.s32 $0xC;
	s0 =	sshrl.u32 s28, $0x3;
	v18 =	vmov s31;
	v20 =	vmov s1;
	v21 =	vmov s3  }
0x5d: {  	s29 =	simm.s32 $0x7;
	v23 =	vmov s5;
	s31 =	simm.s32 $0xE;
	v24 =	vmov s10;
	s1 =	simm.s32 $0xF;
	v31 =	vand.u32 $0x7E, v12  }
0x5e: {  	s3 =	simm.s32 $0x11;
	v12 =	vshll.u32 v12, $0x3;
	v32 =	vand.u32 $0x7E, v11;
	s24 =	smul.u32 $0x180, s0;
	v19 =	vmov s29;
	s29 =	simm.s32 $0xA  }
0x5f: {  	s5 =	simm.s32 $0x12;
	v33 =	vand.u32 $0x7F, v13;
	v34 =	vand.u32 $0x7E, v14;
	s26 =	sor.u32 $0x2, s0;
	v22 =	vmov s29;
	s29 =	simm.s32 $0xD  }
0x60: {  	v35 =	vand.u32 $0x7F, v15;
	v37 =	vand.u32 $0x7F, v17;
	s25 =	smul.u32 $0x180, s26;
	s24 =	sadd.s32 s4, s24;
	v25 =	vmov s29;
	s29 =	simm.s32 $0x10  }
0x61: {  	v11 =	vshll.u32 v11, $0x3;
	v13 =	vshll.u32 v13, $0x3;
	v14 =	vshll.u32 v14, $0x3;
	[tilespmem:s11], [sflag:$0x1] =	stream.linear.gather [hbm4b:s24+s22], $0x1800, $0x38;
	[tilespmem:$0x7B00] =	vst v63  }
0x62: {  	s10 =	simm.s32 $0x14;
	v15 =	vshll.u32 v15, $0x3;
	v17 =	vshll.u32 v17, $0x3;
	v30 =	vmov s29;
	s29 =	simm.s32 $0x13;
	s25 =	sadd.s32 s4, s25  }
0x63: {  	v28 =	vmov s31;
	v29 =	vmov s1;
	v6 =	vmov s3;
	[tilespmem:s12], [sflag:$0x2] =	stream.linear.gather [hbm4b:s25+s22], $0x1800, $0x38;
	[tilespmem:$0x7B00] =	vst v63  }
0x64: {  	v27 =	vmov s5;
	v8 =	vmov s10;
	v7 =	vmov s29;
	s29 =	simm.s32 $0x16;
	s25 =	sor.u32 $0x4, s0  }
0x65: {  	v10 =	vand.u32 $0x1C00, v10;
	v36 =	vand.u32 $0x7E, v16;
	v26 =	vmov s29;
	s29 =	smul.u32 $0x180, s25  }
0x66: {  	v12 =	vand.u32 $0x1C00, v12;
	v16 =	vshll.u32 v16, $0x3;
	v43 =	vand.u32 $0xC00, v11;
	s24 =	sor.u32 $0x6, s0  }
0x67: {  	v44 =	vand.u32 $0xC00, v13;
	v46 =	vand.u32 $0x1C00, v14;
	v48 =	vand.u32 $0x1C00, v15;
	s5 =	sadd.s32 s4, s29;
	s29 =	smul.u32 $0x180, s24  }
0x68: {  	v52 =	vand.u32 $0x1C00, v17;
	v15 =	vand.u32 $0x7E, v18;
	v12 =	vor.u32 v31, v12;
	[tilespmem:s13], [sflag:$0x3] =	stream.linear.gather [hbm4b:s5+s22], $0x1800, $0x38;
	[tilespmem:$0x7B00] =	vst v63  }
0x69: {  	v17 =	vand.u32 $0x7E, v20;
	v9 =	vor.u32 v9, v10;
	v56 =	vadd.s32 v1, v12;
	s10 =	sadd.s32 s4, s29  }
0x6a: {  	v53 =	vand.u32 $0x7F, v23;
	v10 =	vor.u32 v32, v43;
	v57 =	vadd.s32 v1, v9;
	[tilespmem:s14], [sflag:$0x4] =	stream.linear.gather [hbm4b:s10+s22], $0x1800, $0x38;
	[tilespmem:$0x7B00] =	vst v63  }
0x6b: {  	v55 =	vand.u32 $0x7E, v24;
	v45 =	vor.u32 v33, v44;
	v58 =	vadd.s32 v1, v10;
	_ =	swait.ge [sflag:s15], $0x1800  }
0x6c: {  	v18 =	vshll.u32 v18, $0x3;
	v47 =	vor.u32 v34, v46;
	v59 =	vadd.s32 v1, v45;
	[sflag:s15] =	ssyncset.done $0x0  }
0x6d: {  	v49 =	vor.u32 v35, v48;
	v50 =	vand.u32 $0x1C00, v16;
	v60 =	vadd.s32 v1, v47;
	[sflag:s15] =	ssyncadd.s32 $0xFFFFE800  }
0x6e: {  	v20 =	vshll.u32 v20, $0x3;
	v61 =	vadd.s32 v1, v49;
	v51 =	vor.u32 v36, v50;
	v12 =	vld.idx.msk [tilespmem:v56+s11+$0x0], $0xffff  }
0x6f: {  	s31 =	simm.s32 $0x15;
	v23 =	vshll.u32 v23, $0x3;
	v10 =	vor.u32 v37, v52;
	v62 =	vadd.s32 v1, v51;
	v13 =	vld.idx.msk [tilespmem:v57+s11+$0x0], $0xffff  }
0x70: {  	s1 =	simm.s32 $0x17;
	s3 =	simm.s32 $0x18;
	v24 =	vshll.u32 v24, $0x3;
	v5 =	vmov s31;
	v63 =	vadd.s32 v1, v10;
	v14 =	vld.idx.msk [tilespmem:v58+s11+$0x0], $0xffff  }
0x71: {  	v3 =	vmov s1;
	v4 =	vmov s3;
	v16 =	vand.u32 $0x7F, v19;
	v31 =	vld.idx.msk [tilespmem:v59+s11+$0x0], $0xffff  }
0x72: {  	v32 =	vand.u32 $0x7F, v21;
	v46 =	vand.u32 $0x7E, v28;
	s1 =	simm.s32 $0x54;
	v19 =	vshll.u32 v19, $0x3;
	v54 =	vld.idx.msk [tilespmem:v60+s11+$0x0], $0xffff  }
0x73: {  	s30 =	simm.s32 $0x19;
	s3 =	simm.s32 $0x57;
	v21 =	vshll.u32 v21, $0x3;
	v28 =	vshll.u32 v28, $0x3;
	v52 =	vld.idx.msk [tilespmem:v61+s11+$0x0], $0xffff;
	v12 =	vadd.s32 s1, v12  }
0x74: {  	s31 =	simm.s32 $0x1A;
	v18 =	vand.u32 $0x1C00, v18;
	v9 =	vmov s30;
	v38 =	vld.idx.msk [tilespmem:v62+s11+$0x0], $0xffff;
	v13 =	vadd.s32 s3, v13  }
0x75: {  	v11 =	vmov s31;
	v33 =	vand.u32 $0x7E, v22;
	s5 =	simm.s32 $0x3;
	v40 =	vld.idx.msk [tilespmem:v63+s11+$0x0], $0xffff;
	v14 =	vadd.s32 s22, v14  }
0x76: {  	v47 =	vand.u32 $0x7F, v29;
	v22 =	vshll.u32 v22, $0x3;
	s10 =	simm.s32 $0x6;
	v31 =	vadd.s32 s5, v31  }
0x77: {  	s30 =	simm.s32 $0x9;
	v29 =	vshll.u32 v29, $0x3;
	v49 =	vshll.u32 v27, $0x3;
	v35 =	vadd.s32 s10, v54  }
0x78: {  	s31 =	simm.s32 $0xC;
	v45 =	vand.u32 $0x7F, v25;
	v25 =	vshll.u32 v25, $0x3;
	v42 =	vadd.s32 s30, v52;
	v37 =	vld.idx.msk [tilespmem:v12+s16+$0x0], $0xffff  }
0x79: {  	v48 =	vand.u32 $0x7E, v30;
	v30 =	vshll.u32 v30, $0x3;
	s1 =	simm.s32 $0xF;
	v12 =	vadd.s32 s31, v38;
	v38 =	vld.idx.msk [tilespmem:v13+s16+$0x0], $0xffff  }
0x7a: {  	v39 =	vld.idx.msk [tilespmem:v14+s16+$0x0], $0xffff;
	v13 =	vadd.s32 s1, v40;
	v14 =	vor.u32 v15, v18;
	v15 =	vand.u32 $0x1C00, v19  }
0x7b: {  	v40 =	vld.idx.msk [tilespmem:v31+s16+$0x0], $0xffff;
	v18 =	vadd.s32 v1, v14;
	v14 =	vor.u32 v16, v15;
	v15 =	vand.u32 $0x1C00, v20  }
0x7c: {  	v41 =	vld.idx.msk [tilespmem:v35+s16+$0x0], $0xffff;
	v16 =	vadd.s32 v1, v14;
	v14 =	vor.u32 v17, v15;
	v15 =	vand.u32 $0x1C00, v21  }
0x7d: {  	v42 =	vld.idx.msk [tilespmem:v42+s16+$0x0], $0xffff;
	v17 =	vadd.s32 v1, v14;
	v14 =	vor.u32 v32, v15;
	v15 =	vand.u32 $0x1C00, v22  }
0x7e: {  	v19 =	vadd.s32 v1, v14;
	v14 =	vand.u32 $0x1C00, v23;
	v43 =	vld.idx.msk [tilespmem:v12+s16+$0x0], $0xffff;
	v12 =	vor.u32 v33, v15  }
0x7f: {  	v44 =	vld.idx.msk [tilespmem:v13+s16+$0x0], $0xffff;
	v13 =	vand.u32 $0x1C00, v24;
	v20 =	vadd.s32 v1, v12;
	v12 =	vor.u32 v53, v14  }
0x80: {  	v14 =	vld.idx.msk [tilespmem:v18+s11+$0x0], $0xffff;
	v24 =	vadd.s32 v1, v12;
	v12 =	vor.u32 v55, v13;
	v13 =	vand.u32 $0x1C00, v25  }
0x81: {  	[tilespmem:$0x1FF30] =	vst v18;
	v15 =	vld.idx.msk [tilespmem:v16+s11+$0x0], $0xffff;
	v18 =	vadd.s32 v1, v12;
	v12 =	vor.u32 v45, v13;
	v13 =	vand.u32 $0x1C00, v28  }
0x82: {  	[tilespmem:$0x1FF40] =	vst v16;
	v16 =	vld.idx.msk [tilespmem:v17+s11+$0x0], $0xffff;
	v25 =	vadd.s32 v1, v12;
	v12 =	vor.u32 v46, v13;
	v13 =	vand.u32 $0x1C00, v29  }
0x83: {  	v34 =	vand.u32 $0x7E, v26;
	[tilespmem:$0x1FF50] =	vst v17;
	v17 =	vld.idx.msk [tilespmem:v19+s11+$0x0], $0xffff;
	v31 =	vadd.s32 v1, v12;
	v12 =	vor.u32 v47, v13  }
0x84: {  	s3 =	simm.s32 $0x12;
	v35 =	vand.u32 $0x7F, v3;
	[tilespmem:$0x1FF60] =	vst v19;
	v13 =	vand.u32 $0x1C00, v30;
	v19 =	vld.idx.msk [tilespmem:v20+s11+$0x0], $0xffff;
	v53 =	vadd.s32 v1, v12  }
0x85: {  	s29 =	simm.s32 $0x1B;
	v3 =	vshll.u32 v3, $0x3;
	[tilespmem:$0x1FF70] =	vst v20;
	v12 =	vor.u32 v48, v13;
	v14 =	vadd.s32 s3, v14;
	v20 =	vld.idx.msk [tilespmem:v24+s11+$0x0], $0xffff  }
0x86: {  	v10 =	vmov s29;
	s5 =	simm.s32 $0x15;
	v3 =	vand.u32 $0x1C00, v3;
	v54 =	vadd.s32 v1, v12;
	v55 =	vld.idx.msk [tilespmem:v18+s11+$0x0], $0xffff  }
0x87: {  	s10 =	simm.s32 $0x18;
	v21 =	vand.u32 $0x7F, v7;
	v7 =	vshll.u32 v7, $0x3;
	v28 =	vadd.s32 s5, v15;
	v29 =	vld.idx.msk [tilespmem:v25+s11+$0x0], $0xffff  }
0x88: {  	s30 =	simm.s32 $0x1B;
	v35 =	vor.u32 v35, v3;
	v22 =	vshll.u32 v26, $0x3;
	[tilespmem:$0x1FFA0] =	vst v31;
	v30 =	vadd.s32 s10, v16;
	v31 =	vld.idx.msk [tilespmem:v31+s11+$0x0], $0xffff  }
0x89: {  	s31 =	simm.s32 $0x1E;
	v26 =	vshll.u32 v9, $0x3;
	v7 =	vand.u32 $0x1C00, v7;
	v17 =	vadd.s32 s30, v17;
	v32 =	vld.idx.msk [tilespmem:v53+s11+$0x0], $0xffff  }
0x8a: {  	s1 =	simm.s32 $0x21;
	v23 =	vand.u32 $0x7E, v8;
	v33 =	vand.u32 $0x7F, v5;
	v19 =	vadd.s32 s31, v19;
	v45 =	vld.idx.msk [tilespmem:v14+s16+$0x0], $0xffff  }
0x8b: {  	v13 =	vand.u32 $0x7F, v6;
	v6 =	vshll.u32 v6, $0x3;
	s3 =	simm.s32 $0x24;
	v36 =	vld.idx.msk [tilespmem:v54+s11+$0x0], $0xffff;
	v14 =	vadd.s32 s1, v20  }
0x8c: {  	v5 =	vshll.u32 v5, $0x3;
	s5 =	simm.s32 $0x27;
	v6 =	vand.u32 $0x1C00, v6;
	v46 =	vld.idx.msk [tilespmem:v28+s16+$0x0], $0xffff;
	v20 =	vadd.s32 s3, v55  }
0x8d: {  	v5 =	vand.u32 $0x1C00, v5;
	v6 =	vor.u32 v13, v6;
	v47 =	vld.idx.msk [tilespmem:v30+s16+$0x0], $0xffff;
	v30 =	vadd.s32 s5, v29  }
0x8e: {  	v5 =	vor.u32 v33, v5;
	v12 =	vand.u32 $0x7E, v27;
	s10 =	simm.s32 $0x2A;
	v27 =	vadd.s32 v1, v6;
	v48 =	vld.idx.msk [tilespmem:v17+s16+$0x0], $0xffff  }
0x8f: {  	v8 =	vshll.u32 v8, $0x3;
	v33 =	vadd.s32 v1, v5;
	s30 =	simm.s32 $0x2D;
	v17 =	vadd.s32 s10, v31;
	v50 =	vld.idx.msk [tilespmem:v19+s16+$0x0], $0xffff  }
0x90: {  	[tilespmem:$0x1FFB0] =	vst v53;
	v16 =	vand.u32 $0x7F, v9;
	s31 =	simm.s32 $0x30;
	v55 =	vand.u32 $0x1C00, v49;
	v9 =	vadd.s32 s30, v32;
	v53 =	vld.idx.msk [tilespmem:v14+s16+$0x0], $0xffff  }
0x91: {  	p1 =	por $0x1, $0x1;
	[tilespmem:$0x1FF80] =	vst v18;
	v15 =	vand.u32 $0x7F, v10;
	v6 =	vor.u32 v12, v55;
	v36 =	vadd.s32 s31, v36;
	v49 =	vld.idx.msk [tilespmem:v20+s16+$0x0], $0xffff  }
.Ltmp3:
0x92: {  	[tilespmem:$0x1FF90] =	vst v25;
	v28 =	vadd.s32 v1, v6;
	v6 =	vor.u32 v21, v7;
	v7 =	vand.u32 $0x1C00, v8;
	v51 =	vld.idx.msk [tilespmem:v30+s16+$0x0], $0xffff;
	(pc) =	sbr.rel @!p1 .LBB2_5-.Ltmp3, $4  }
0x93: {  	v18 =	vand.u32 $0x7E, v11;
	[tilespmem:$0x1FFC0] =	vst v54;
	v30 =	vadd.s32 v1, v6;
	v6 =	vor.u32 v23, v7;
	v7 =	vld.idx.msk [tilespmem:v27+s11+$0x0], $0xffff  }
0x94: {  	[tilespmem:$0x1FFD0] =	vst v15;
	v25 =	vand.u32 $0x7E, v4;
	v52 =	vld.idx.msk [tilespmem:v17+s16+$0x0], $0xffff;
	v32 =	vadd.s32 v1, v6;
	v6 =	vand.u32 $0x1C00, v22  }
0x95: {  	v4 =	vshll.u32 v4, $0x3;
	[tilespmem:$0x1FFE0] =	vst v16;
	v29 =	vshll.u32 v11, $0x3;
	v54 =	vld.idx.msk [tilespmem:v9+s16+$0x0], $0xffff;
	v5 =	vor.u32 v34, v6  }
0x96: {  	p0 =	por $0x0, $0x0;
	s29 =	simm.s32 $0x5A;
	[tilespmem:$0x1FFF0] =	vst v18;
	v31 =	vshll.u32 v10, $0x3;
	v55 =	vld.idx.msk [tilespmem:v36+s16+$0x0], $0xffff;
	v34 =	vadd.s32 v1, v5;
	v36 =	vand.u32 $0x1C00, v4  }
0x97: {  	_ =	sdelay $0x1  }
0x98: {  	v4 =	vadd.s32 v1, v35  }
0x99: {  	[tilespmem:$0x1FEA0] =	vst v28;
	v5 =	vor.u32 v25, v36;
	v6 =	vand.u32 $0x1C00, v26;
	v9 =	vand.u32 $0x1C00, v29  }
0x9a: {  	v3 =	vld.idx.msk [tilespmem:v28+s11+$0x0], $0xffff;
	[tilespmem:$0x1FEC0] =	vst v26;
	v11 =	vand.u32 $0x1C00, v31;
	v26 =	vadd.f32 v46, v45;
	v28 =	vadd.f32 v48, v47  }
0x9b: {  	[tilespmem:$0x1FED0] =	vst v30;
	v8 =	vld.idx.msk [tilespmem:v30+s11+$0x0], $0xffff;
	v14 =	vmov s22;
	v30 =	vadd.f32 v53, v50;
	v37 =	vadd.f32 v38, v37  }
0x9c: {  	s0 =	simm.s32 $0x33;
	v49 =	vadd.f32 v51, v49;
	v5 =	vadd.s32 v1, v5;
	v6 =	vor.u32 v16, v6  }
0x9d: {  	s30 =	simm.s32 $0x3B;
	s31 =	simm.s32 $0x1E;
	v9 =	vor.u32 v18, v9;
	v11 =	vor.u32 v15, v11;
	v7 =	vadd.s32 s0, v7  }
0x9e: {  	v10 =	vld.idx.msk [tilespmem:v32+s11+$0x0], $0xffff;
	v17 =	vmov s30;
	v19 =	vand.u32 $0x7F, v14;
	v22 =	vmov s31  }
0x9f: {  	v12 =	vld.idx.msk [tilespmem:v33+s11+$0x0], $0xffff;
	v14 =	vadd.f32 v40, v39;
	v6 =	vadd.s32 v1, v6;
	v9 =	vadd.s32 v1, v9  }
0xa0: {  	v13 =	vld.idx.msk [tilespmem:v34+s11+$0x0], $0xffff;
	s31 =	simm.s32 $0x1F;
	v11 =	vadd.s32 v1, v11;
	v20 =	vand.u32 $0x7F, v17;
	v21 =	vshll.u32 v17, $0x3  }
0xa1: {  	[tilespmem:$0x1FE20] =	vst v63;
	s5 =	simm.s32 $0x36;
	v17 =	vadd.f32 v42, v41;
	v63 =	vmov s31;
	s31 =	simm.s32 $0x22;
	v46 =	vadd.f32 v30, v28;
	v4 =	vld.idx.msk [tilespmem:v4+s11+$0x0], $0xffff  }
0xa2: {  	[tilespmem:$0x1FEE0] =	vst v29;
	s10 =	simm.s32 $0x39;
	v19 =	vbroadcast v19, $0x0;
	v29 =	vmov s31;
	v3 =	vadd.s32 s5, v3;
	v5 =	vld.idx.msk [tilespmem:v5+s11+$0x0], $0xffff  }
0xa3: {  	s3 =	simm.s32 $0x3F;
	v52 =	vadd.f32 v54, v52;
	v21 =	vand.u32 $0x1C00, v21;
	v8 =	vadd.s32 s10, v8;
	v7 =	vld.idx.msk [tilespmem:v7+s16+$0x0], $0xffff  }
0xa4: {  	[tilespmem:$0x1FEF0] =	vst v32;
	s1 =	simm.s32 $0x3C;
	v41 =	vshll.u32 v63, $0x3;
	v32 =	vadd.f32 v17, v14;
	v12 =	vadd.s32 s3, v12;
	s5 =	simm.s32 $0x42;
	v6 =	vld.idx.msk [tilespmem:v6+s11+$0x0], $0xffff  }
0xa5: {  	[tilespmem:$0x1FE00] =	vst v27;
	v20 =	vor.u32 v20, v21;
	v10 =	vadd.s32 s1, v10;
	v13 =	vadd.s32 s5, v13;
	s5 =	simm.s32 $0x3A;
	v9 =	vld.idx.msk [tilespmem:v9+s11+$0x0], $0xffff  }
0xa6: {  	[tilespmem:$0x1FE10] =	vst v24;
	v19 =	vor.u32 v2, v19;
	v41 =	vand.u32 $0xC00, v41;
	s10 =	simm.s32 $0x45;
	v11 =	vld.idx.msk [tilespmem:v11+s11+$0x0], $0xffff;
	v23 =	vmov s5  }
0xa7: {  	[tilespmem:$0x1FE40] =	vst v61;
	s1 =	simm.s32 $0x48;
	v61 =	vand.u32 $0x7E, v23;
	v23 =	vshll.u32 v23, $0x3;
	v3 =	vld.idx.msk [tilespmem:v3+s16+$0x0], $0xffff;
	v4 =	vadd.s32 s10, v4  }
0xa8: {  	[tilespmem:$0x1FE30] =	vst v62;
	s3 =	simm.s32 $0x4B;
	v20 =	vadd.s32 v1, v20;
	v23 =	vand.u32 $0x1C00, v23;
	v8 =	vld.idx.msk [tilespmem:v8+s16+$0x0], $0xffff;
	v5 =	vadd.s32 s1, v5  }
0xa9: {  	[tilespmem:$0x1FE60] =	vst v59;
	s5 =	simm.s32 $0x4E;
	s10 =	simm.s32 $0x20;
	v24 =	vld.idx.msk [tilespmem:v12+s16+$0x0], $0xffff;
	v12 =	vadd.f32 v44, v43;
	v23 =	vor.u32 v61, v23;
	v6 =	vadd.s32 s3, v6  }
0xaa: {  	[tilespmem:$0x1FEB0] =	vst v25;
	v10 =	vld.idx.msk [tilespmem:v10+s16+$0x0], $0xffff;
	s1 =	simm.s32 $0x51;
	v25 =	vmov s10;
	s10 =	simm.s32 $0x23;
	v59 =	vadd.f32 v7, v55;
	v9 =	vadd.s32 s5, v9  }
0xab: {  	[tilespmem:$0x1FF00] =	vst v31;
	v13 =	vld.idx.msk [tilespmem:v13+s16+$0x0], $0xffff;
	v23 =	vadd.s32 v1, v23;
	s3 =	simm.s32 $0x21;
	v11 =	vadd.s32 s1, v11;
	v31 =	vmov s10  }
0xac: {  	[tilespmem:$0x1FF10] =	vst v33;
	s1 =	simm.s32 $0x24;
	s10 =	simm.s32 $0x26;
	v33 =	vadd.f32 v26, v12;
	s5 =	simm.s32 $0x29;
	v62 =	vand.u32 $0x7E, v25;
	v27 =	vmov s3;
	v4 =	vld.idx.msk [tilespmem:v4+s16+$0x0], $0xffff  }
0xad: {  	[tilespmem:$0x1FE90] =	vst v56;
	s3 =	simm.s32 $0x25;
	v38 =	vmov s1;
	v56 =	vmov s10;
	s1 =	simm.s32 $0x27;
	v39 =	vmov s5;
	v5 =	vld.idx.msk [tilespmem:v5+s16+$0x0], $0xffff  }
0xae: {  	[tilespmem:$0x1FE80] =	vst v57;
	s10 =	simm.s32 $0x2A;
	s5 =	simm.s32 $0x2D;
	v26 =	vshll.u32 v31, $0x3;
	v50 =	vmov s3;
	v57 =	vmov s1;
	v6 =	vld.idx.msk [tilespmem:v6+s16+$0x0], $0xffff  }
0xaf: {  	v40 =	vmov s10;
	v17 =	vmov s5;
	v21 =	vand.u32 $0x7F, v27;
	v9 =	vld.idx.msk [tilespmem:v9+s16+$0x0], $0xffff  }
0xb0: {  	[tilespmem:$0x1FF20] =	vst v34;
	s3 =	simm.s32 $0x28;
	s1 =	simm.s32 $0x2B;
	v30 =	vand.u32 $0x7E, v38;
	v38 =	vshll.u32 v38, $0x3;
	v61 =	vshll.u32 v56, $0x3;
	v34 =	vld.idx.msk [tilespmem:v11+s16+$0x0], $0xffff  }
0xb1: {  	[tilespmem:$0x1FE70] =	vst v58;
	s10 =	simm.s32 $0x2E;
	v58 =	vmov s3;
	v3 =	vadd.f32 v8, v3;
	v12 =	vmov s1  }
0xb2: {  	v8 =	vadd.f32 v24, v10;
	v14 =	vmov s10;
	s1 =	simm.s32 $0x2F;
	v24 =	vshll.u32 v27, $0x3  }
0xb3: {  	[tilespmem:$0x1FE50] =	vst v60;
	s3 =	simm.s32 $0x2C;
	v38 =	vand.u32 $0x1C00, v38;
	v7 =	vmov s1;
	v60 =	vadd.f32 v3, v59  }
0xb4: {  	v11 =	vmov s3;
	v4 =	vadd.f32 v4, v13;
	v13 =	vadd.f32 v52, v49  }
0xb5: {  	s10 =	simm.s32 $0x31;
	s3 =	simm.s32 $0x30;
	v59 =	vand.u32 $0x7E, v58;
	v10 =	vadd.f32 v6, v5;
	v9 =	vadd.f32 v34, v9  }
0xb6: {  	s1 =	simm.s32 $0x32;
	v6 =	vmov s3;
	v5 =	vmov s10;
	v8 =	vadd.f32 v4, v8  }
0xb7: {  	v4 =	vmov s1;
	v13 =	vadd.f32 v13, v46;
	v34 =	vor.u32 v30, v38  }
0xb8: {  	s3 =	simm.s32 $0x33;
	s10 =	simm.s32 $0x34;
	v30 =	vand.u32 $0x7E, v11;
	v11 =	vshll.u32 v11, $0x3;
	v9 =	vadd.f32 v9, v10  }
0xb9: {  	s1 =	simm.s32 $0x35;
	v3 =	vmov s3;
	v49 =	vmov s10;
	v10 =	vadd.f32 v33, v32  }
0xba: {  	v51 =	vmov s1;
	v8 =	vadd.f32 v8, v60;
	v9 =	vadd.f32 v37, v9  }
0xbb: {  	v10 =	vadd.f32 v13, v10;
	v13 =	vand.u32 $0x7E, v22;
	v22 =	vshll.u32 v22, $0x3  }
0xbc: {  	v46 =	vadd.s32 v1, v34;
	v22 =	vand.u32 $0xC00, v22;
	v8 =	vadd.f32 v9, v8  }
0xbd: {  	v9 =	vand.u32 $0x7F, v63;
	v13 =	vor.u32 v13, v22;
	v63 =	vshll.u32 v25, $0x3  }
0xbe: {  	v25 =	vshll.u32 v29, $0x3;
	v13 =	vadd.s32 v1, v13;
	v9 =	vor.u32 v9, v41  }
0xbf: {  	v27 =	vand.u32 $0x1C00, v63;
	v8 =	vadd.f32 v8, v10;
	v10 =	vand.u32 $0x7E, v29  }
0xc0: {  	v28 =	vadd.s32 v1, v9;
	v9 =	vor.u32 v62, v27;
	v29 =	vand.u32 $0x1C00, v24  }
0xc1: {  	v41 =	vadd.s32 v1, v9;
	v9 =	vor.u32 v21, v29;
	v21 =	vand.u32 $0x1C00, v25  }
0xc2: {  	v34 =	vand.u32 $0x7F, v17;
	[tilespmem:v19+s17+$0x0] =	vst.idx.msk $0xffff, v8;
	v19 =	vadd.s32 v1, v9;
	v8 =	vor.u32 v10, v21  }
0xc3: {  	v22 =	vand.u32 $0x7F, v31;
	v9 =	vand.u32 $0x1C00, v26;
	v21 =	vld.idx.msk [tilespmem:v23+s11+$0x0], $0xffff;
	v23 =	vadd.s32 v1, v8  }
0xc4: {  	s3 =	simm.s32 $0x36;
	v17 =	vshll.u32 v17, $0x3;
	v11 =	vand.u32 $0x1C00, v11;
	v9 =	vor.u32 v22, v9;
	v20 =	vld.idx.msk [tilespmem:v20+s11+$0x0], $0xffff  }
0xc5: {  	v52 =	vmov s3;
	v32 =	vand.u32 $0x7E, v56;
	v22 =	vadd.s32 v1, v9;
	v13 =	vld.idx.msk [tilespmem:v13+s11+$0x0], $0xffff  }
0xc6: {  	v33 =	vand.u32 $0x7F, v57;
	v60 =	vshll.u32 v50, $0x3;
	v56 =	vand.u32 $0x7E, v14;
	v42 =	vld.idx.msk [tilespmem:v28+s11+$0x0], $0xffff  }
0xc7: {  	s5 =	simm.s32 $0xAE;
	s10 =	simm.s32 $0x37;
	v14 =	vshll.u32 v14, $0x3;
	v11 =	vor.u32 v30, v11;
	v17 =	vand.u32 $0x1C00, v17;
	v19 =	vld.idx.msk [tilespmem:v19+s11+$0x0], $0xffff  }
0xc8: {  	v11 =	vadd.s32 v1, v11;
	v8 =	vmov s10;
	s10 =	simm.s32 $0xB1;
	v21 =	vadd.s32 s5, v21;
	v23 =	vld.idx.msk [tilespmem:v23+s11+$0x0], $0xffff  }
0xc9: {  	s1 =	simm.s32 $0x38;
	v17 =	vor.u32 v34, v17;
	v37 =	vand.u32 $0x1C00, v60;
	v20 =	vadd.s32 s10, v20  }
0xca: {  	v31 =	vand.u32 $0x7F, v50;
	v9 =	vmov s1;
	s1 =	simm.s32 $0x5D;
	v22 =	vld.idx.msk [tilespmem:v22+s11+$0x0], $0xffff;
	v13 =	vadd.s32 s29, v13  }
0xcb: {  	v14 =	vand.u32 $0x1C00, v14;
	v43 =	vor.u32 v31, v37;
	s5 =	simm.s32 $0x63;
	v42 =	vadd.s32 s1, v42  }
0xcc: {  	v63 =	vand.u32 $0x7F, v39;
	v25 =	vshll.u32 v57, $0x3;
	v41 =	vld.idx.msk [tilespmem:v41+s11+$0x0], $0xffff;
	s10 =	simm.s32 $0x66;
	v19 =	vadd.s32 s5, v19  }
0xcd: {  	v31 =	vshll.u32 v39, $0x3;
	v27 =	vand.u32 $0x1C00, v25;
	v37 =	vld.idx.msk [tilespmem:v21+s16+$0x0], $0xffff;
	v23 =	vadd.s32 s10, v23  }
0xce: {  	v62 =	vand.u32 $0x1C00, v61;
	s1 =	simm.s32 $0x69;
	v21 =	vor.u32 v33, v27;
	v38 =	vld.idx.msk [tilespmem:v20+s16+$0x0], $0xffff;
	v33 =	vadd.s32 v1, v43  }
0xcf: {  	v24 =	vand.u32 $0x7E, v40;
	v44 =	vor.u32 v32, v62;
	v39 =	vld.idx.msk [tilespmem:v13+s16+$0x0], $0xffff;
	v13 =	vadd.s32 s1, v22  }
0xd0: {  	v29 =	vand.u32 $0x7F, v12;
	v32 =	vand.u32 $0x1C00, v31;
	v22 =	vshll.u32 v40, $0x3;
	v40 =	vld.idx.msk [tilespmem:v42+s16+$0x0], $0xffff  }
0xd1: {  	v26 =	vshll.u32 v58, $0x3;
	v21 =	vadd.s32 v1, v21;
	v22 =	vand.u32 $0x1C00, v22;
	v42 =	vld.idx.msk [tilespmem:v19+s16+$0x0], $0xffff  }
0xd2: {  	v28 =	vand.u32 $0x1C00, v26;
	v22 =	vor.u32 v24, v22;
	v19 =	vadd.s32 v1, v44;
	v43 =	vld.idx.msk [tilespmem:v23+s16+$0x0], $0xffff  }
0xd3: {  	v12 =	vshll.u32 v12, $0x3;
	v20 =	vor.u32 v59, v28;
	v22 =	vadd.s32 v1, v22;
	v57 =	vld.idx.msk [tilespmem:v33+s11+$0x0], $0xffff  }
0xd4: {  	v48 =	vor.u32 v63, v32;
	v12 =	vand.u32 $0x1C00, v12;
	v44 =	vld.idx.msk [tilespmem:v13+s16+$0x0], $0xffff;
	v13 =	vadd.s32 v1, v20  }
0xd5: {  	v14 =	vor.u32 v56, v14;
	v12 =	vor.u32 v29, v12;
	v23 =	vadd.s32 v1, v48;
	v20 =	vld.idx.msk [tilespmem:v46+s11+$0x0], $0xffff  }
0xd6: {  	v60 =	vand.u32 $0x7F, v5;
	v5 =	vshll.u32 v5, $0x3;
	v12 =	vadd.s32 v1, v12;
	v21 =	vld.idx.msk [tilespmem:v21+s11+$0x0], $0xffff  }
0xd7: {  	s3 =	simm.s32 $0x39;
	v17 =	vadd.s32 v1, v17;
	v14 =	vadd.s32 v1, v14;
	v5 =	vand.u32 $0x1C00, v5;
	v19 =	vld.idx.msk [tilespmem:v19+s11+$0x0], $0xffff  }
0xd8: {  	v61 =	vand.u32 $0x7E, v4;
	v4 =	vshll.u32 v4, $0x3;
	v10 =	vmov s3;
	s3 =	simm.s32 $0x60;
	v22 =	vld.idx.msk [tilespmem:v22+s11+$0x0], $0xffff  }
0xd9: {  	v58 =	vand.u32 $0x7F, v7;
	v7 =	vshll.u32 v7, $0x3;
	v41 =	vadd.s32 s3, v41;
	s3 =	simm.s32 $0x6C;
	v13 =	vld.idx.msk [tilespmem:v13+s11+$0x0], $0xffff  }
0xda: {  	v62 =	vand.u32 $0x7F, v3;
	v7 =	vand.u32 $0x1C00, v7;
	s1 =	simm.s32 $0x75;
	v23 =	vld.idx.msk [tilespmem:v23+s11+$0x0], $0xffff;
	v20 =	vadd.s32 s3, v20  }
0xdb: {  	v3 =	vshll.u32 v3, $0x3;
	v7 =	vor.u32 v58, v7;
	v12 =	vld.idx.msk [tilespmem:v12+s11+$0x0], $0xffff;
	s10 =	simm.s32 $0x72;
	v21 =	vadd.s32 s1, v21  }
0xdc: {  	v4 =	vand.u32 $0x1C00, v4;
	v11 =	vld.idx.msk [tilespmem:v11+s11+$0x0], $0xffff;
	v7 =	vadd.s32 v1, v7;
	v19 =	vadd.s32 s10, v19;
	s10 =	simm.s32 $0x7E  }
0xdd: {  	v14 =	vld.idx.msk [tilespmem:v14+s11+$0x0], $0xffff;
	s5 =	simm.s32 $0x6F;
	v59 =	vand.u32 $0x7E, v6;
	v6 =	vshll.u32 v6, $0x3;
	s3 =	simm.s32 $0x78;
	v22 =	vadd.s32 s10, v22  }
0xde: {  	v17 =	vld.idx.msk [tilespmem:v17+s11+$0x0], $0xffff;
	v6 =	vand.u32 $0x1C00, v6;
	v46 =	vadd.s32 s5, v57;
	s5 =	simm.s32 $0x7B;
	v13 =	vadd.s32 s3, v13  }
0xdf: {  	v63 =	vor.u32 v59, v6;
	v6 =	vand.u32 $0x7E, v49;
	s1 =	simm.s32 $0x81;
	v45 =	vld.idx.msk [tilespmem:v20+s16+$0x0], $0xffff;
	v20 =	vadd.s32 s5, v23  }
0xe0: {  	v12 =	vadd.s32 s1, v12;
	v23 =	vor.u32 v60, v5;
	v5 =	vand.u32 $0x7F, v51;
	s3 =	simm.s32 $0x84;
	v48 =	vld.idx.msk [tilespmem:v21+s16+$0x0], $0xffff  }
0xe1: {  	s10 =	simm.s32 $0x8A;
	v21 =	vor.u32 v61, v4;
	v4 =	vand.u32 $0x1C00, v3;
	v11 =	vadd.s32 s3, v11;
	v47 =	vld.idx.msk [tilespmem:v19+s16+$0x0], $0xffff  }
0xe2: {  	s5 =	simm.s32 $0x87;
	v3 =	vand.u32 $0x7E, v52;
	v14 =	vadd.s32 s10, v14;
	v19 =	vshll.u32 v49, $0x3;
	v49 =	vld.idx.msk [tilespmem:v22+s16+$0x0], $0xffff  }
0xe3: {  	v19 =	vand.u32 $0x1C00, v19;
	v50 =	vld.idx.msk [tilespmem:v13+s16+$0x0], $0xffff;
	v13 =	vadd.s32 s5, v17;
	v17 =	vor.u32 v62, v4  }
0xe4: {  	v4 =	vand.u32 $0x7F, v8;
	v53 =	vld.idx.msk [tilespmem:v20+s16+$0x0], $0xffff;
	v20 =	vshll.u32 v51, $0x3;
	v22 =	vor.u32 v6, v19  }
0xe5: {  	v6 =	vand.u32 $0x7E, v9;
	v51 =	vld.idx.msk [tilespmem:v12+s16+$0x0], $0xffff;
	v12 =	vand.u32 $0x1C00, v20;
	v20 =	vshll.u32 v52, $0x3  }
0xe6: {  	p1 =	por $0x1, $0x1;
	v52 =	vld.idx.msk [tilespmem:v11+s16+$0x0], $0xffff;
	v11 =	vshll.u32 v8, $0x3;
	v8 =	vshll.u32 v9, $0x3;
	v9 =	vshll.u32 v10, $0x3  }
.Ltmp4:
0xe7: {  	v7 =	vld.idx.msk [tilespmem:v7+s11+$0x0], $0xffff;
	v19 =	vor.u32 v5, v12;
	v5 =	vand.u32 $0x7F, v10;
	v10 =	vadd.s32 v1, v63;
	(pc) =	sbr.rel @!p1 .LBB2_7-.Ltmp4, $4  }
0xe8: {  	v41 =	vld.idx.msk [tilespmem:v41+s16+$0x0], $0xffff;
	v12 =	vadd.s32 v1, v23  }
0xe9: {  	v54 =	vld.idx.msk [tilespmem:v13+s16+$0x0], $0xffff;
	v13 =	vadd.s32 v1, v21  }
0xea: {  	v46 =	vld.idx.msk [tilespmem:v46+s16+$0x0], $0xffff;
	v17 =	vadd.s32 v1, v17  }
0xeb: {  	p0 =	por $0x1, $0x1;
	s0 =	simm.s32 $0xB4;
	s31 =	simm.s32 $0x0;
	v55 =	vld.idx.msk [tilespmem:v14+s16+$0x0], $0xffff;
	v14 =	vadd.s32 v1, v22;
	v20 =	vand.u32 $0x1C00, v20  }
.LBB2_8:
0xec: {  	p1 =	sne.s32 s0, $0x32A;
	v10 =	vld.idx.msk [tilespmem:v10+s11+$0x0], $0xffff;
	v19 =	vadd.s32 v1, v19;
	v3 =	vor.u32 v3, v20;
	v11 =	vand.u32 $0x1C00, v11  }
0xed: {  	v8 =	vand.u32 $0x1C00, v8;
	v12 =	vld.idx.msk [tilespmem:v12+s11+$0x0], $0xffff;
	v3 =	vadd.s32 v1, v3;
	v4 =	vor.u32 v4, v11  }
0xee: {  	s31 =	sadd.s32 $0x1, s31;
	v6 =	vor.u32 v6, v8;
	v8 =	vand.u32 $0x1C00, v9;
	v11 =	vld.idx.msk [tilespmem:v13+s11+$0x0], $0xffff;
	v4 =	vadd.s32 v1, v4  }
0xef: {  	s30 =	sadd.s32 $0x1E, s30;
	v6 =	vadd.s32 v1, v6;
	v5 =	vor.u32 v5, v8;
	v8 =	vmov s31;
	v9 =	vld.idx.msk [tilespmem:v17+s11+$0x0], $0xffff  }
0xf0: {  	s5 =	sadd.s32 $0x33, s29;
	v13 =	vmov s30;
	v5 =	vadd.s32 v1, v5;
	v24 =	vand.u32 $0x7F, v8;
	v14 =	vld.idx.msk [tilespmem:v14+s11+$0x0], $0xffff  }
0xf1: {  	s1 =	sadd.s32 $0xFFFFFFE3, s30;
	s10 =	sadd.s32 $0xFFFFFFFF, s30;
	v17 =	vand.u32 $0x7F, v13;
	v15 =	vshll.u32 v13, $0x3;
	v7 =	vadd.s32 s5, v7;
	s5 =	sadd.s32 $0x36, s29;
	v8 =	vld.idx.msk [tilespmem:v19+s11+$0x0], $0xffff  }
0xf2: {  	s3 =	sadd.s32 $0xFFFFFFE5, s30;
	v16 =	vmov s10;
	v19 =	vmov s1;
	s1 =	sadd.s32 $0xFFFFFFE4, s30;
	v10 =	vadd.s32 s5, v10;
	s5 =	sadd.s32 $0x39, s29;
	v56 =	vld.idx.msk [tilespmem:v3+s11+$0x0], $0xffff  }
0xf3: {  	v20 =	vmov s3;
	s3 =	sadd.s32 $0xFFFFFFE7, s30;
	v21 =	vmov s1;
	s1 =	sadd.s32 $0xFFFFFFE6, s30;
	v12 =	vadd.s32 s5, v12;
	s5 =	sadd.s32 $0x3C, s29;
	v57 =	vld.idx.msk [tilespmem:v4+s11+$0x0], $0xffff  }
0xf4: {  	v22 =	vmov s3;
	s3 =	sadd.s32 $0xFFFFFFE9, s30;
	v13 =	vmov s1;
	s1 =	sadd.s32 $0xFFFFFFE8, s30;
	v11 =	vadd.s32 s5, v11;
	s5 =	sadd.s32 $0x3F, s29;
	v58 =	vld.idx.msk [tilespmem:v6+s11+$0x0], $0xffff  }
0xf5: {  	v3 =	vmov s3;
	s3 =	sadd.s32 $0xFFFFFFEB, s30;
	v23 =	vmov s1;
	s1 =	sadd.s32 $0xFFFFFFEA, s30;
	v59 =	vadd.s32 s5, v9;
	s5 =	sadd.s32 $0x42, s29;
	v61 =	vld.idx.msk [tilespmem:v5+s11+$0x0], $0xffff  }
0xf6: {  	v4 =	vmov s3;
	s3 =	sadd.s32 $0xFFFFFFED, s30;
	v6 =	vmov s1;
	s1 =	sadd.s32 $0xFFFFFFEC, s30;
	v62 =	vadd.s32 s5, v14;
	s5 =	sadd.s32 $0x45, s29;
	v25 =	vld.idx.msk [tilespmem:v7+s16+$0x0], $0xffff  }
0xf7: {  	v5 =	vmov s3;
	s3 =	sadd.s32 $0xFFFFFFEF, s30;
	v7 =	vmov s1;
	s1 =	sadd.s32 $0xFFFFFFEE, s30;
	v63 =	vadd.s32 s5, v8;
	s5 =	sadd.s32 $0x48, s29;
	v18 =	vld.idx.msk [tilespmem:v10+s16+$0x0], $0xffff  }
0xf8: {  	v8 =	vmov s3;
	s3 =	sadd.s32 $0xFFFFFFF1, s30;
	v9 =	vmov s1;
	s1 =	sadd.s32 $0xFFFFFFF0, s30;
	v27 =	vadd.s32 s5, v56;
	s5 =	sadd.s32 $0x4B, s29;
	v26 =	vld.idx.msk [tilespmem:v12+s16+$0x0], $0xffff  }
0xf9: {  	v10 =	vmov s3;
	s3 =	sadd.s32 $0xFFFFFFF3, s30;
	v12 =	vmov s1;
	s1 =	sadd.s32 $0xFFFFFFF2, s30;
	v29 =	vadd.s32 s5, v57;
	s5 =	sadd.s32 $0x4E, s29;
	v28 =	vld.idx.msk [tilespmem:v11+s16+$0x0], $0xffff  }
0xfa: {  	v14 =	vmov s1;
	v11 =	vmov s3;
	s1 =	sadd.s32 $0xFFFFFFF4, s30;
	s3 =	sadd.s32 $0xFFFFFFF5, s30;
	v31 =	vadd.s32 s5, v58;
	s5 =	sadd.s32 $0x51, s29;
	v30 =	vld.idx.msk [tilespmem:v59+s16+$0x0], $0xffff  }
0xfb: {  	s10 =	sadd.s32 $0xFFFFFFF8, s30;
	v59 =	vmov s1;
	v60 =	vmov s3;
	s1 =	sadd.s32 $0xFFFFFFF6, s30;
	s3 =	sadd.s32 $0xFFFFFFF7, s30;
	v33 =	vadd.s32 s5, v61;
	v32 =	vld.idx.msk [tilespmem:v62+s16+$0x0], $0xffff  }
0xfc: {  	v56 =	vmov s10;
	s5 =	sadd.s32 $0xFFFFFFFB, s30;
	v61 =	vmov s1;
	v62 =	vmov s3;
	s1 =	sadd.s32 $0xFFFFFFF9, s30;
	s3 =	sadd.s32 $0xFFFFFFFA, s30;
	v34 =	vld.idx.msk [tilespmem:v63+s16+$0x0], $0xffff  }
0xfd: {  	s29 =	smov.u32 s0;
	v58 =	vmov s5;
	v63 =	vmov s1;
	v57 =	vmov s3;
	v27 =	vld.idx.msk [tilespmem:v27+s16+$0x0], $0xffff  }
0xfe: {  	v39 =	vadd.f32 v40, v39;
	v40 =	vadd.f32 v42, v41;
	v24 =	vbroadcast v24, $0x0;
	v29 =	vld.idx.msk [tilespmem:v29+s16+$0x0], $0xffff  }
0xff: {  	v42 =	vadd.f32 v44, v43;
	v43 =	vadd.f32 v46, v45;
	v41 =	vand.u32 $0x7E, v16;
	v31 =	vld.idx.msk [tilespmem:v31+s16+$0x0], $0xffff  }
0x100: {  	v44 =	vadd.f32 v48, v47;
	v45 =	vadd.f32 v53, v50;
	v15 =	vand.u32 $0x1C00, v15;
	v33 =	vld.idx.msk [tilespmem:v33+s16+$0x0], $0xffff  }
0x101: {  	v37 =	vadd.f32 v38, v37;
	v38 =	vadd.f32 v40, v39;
	v16 =	vshll.u32 v16, $0x3  }
0x102: {  	v40 =	vadd.f32 v43, v42;
	v42 =	vadd.f32 v45, v44;
	v39 =	vand.u32 $0x7E, v19  }
0x103: {  	v44 =	vadd.f32 v51, v49;
	v45 =	vadd.f32 v54, v52;
	v43 =	vand.u32 $0x7F, v21  }
0x104: {  	v46 =	vand.u32 $0x7E, v20;
	v25 =	vadd.f32 v25, v55;
	v18 =	vadd.f32 v26, v18  }
0x105: {  	v26 =	vand.u32 $0x7F, v13;
	v28 =	vadd.f32 v30, v28;
	v30 =	vadd.f32 v34, v32  }
0x106: {  	v32 =	vand.u32 $0x7E, v22;
	v27 =	vadd.f32 v29, v27;
	v29 =	vadd.f32 v33, v31  }
0x107: {  	v18 =	vadd.f32 v18, v25;
	v31 =	vand.u32 $0x7F, v23;
	v33 =	vadd.f32 v45, v44  }
0x108: {  	v19 =	vshll.u32 v19, $0x3;
	v25 =	vadd.f32 v30, v28;
	v27 =	vadd.f32 v29, v27  }
0x109: {  	v21 =	vshll.u32 v21, $0x3;
	v28 =	vadd.f32 v40, v38;
	v29 =	vadd.f32 v33, v42  }
0x10a: {  	v20 =	vshll.u32 v20, $0x3;
	v18 =	vadd.f32 v25, v18;
	v25 =	vadd.f32 v37, v27  }
0x10b: {  	v24 =	vor.u32 v2, v24;
	v13 =	vshll.u32 v13, $0x3;
	v22 =	vshll.u32 v22, $0x3  }
0x10c: {  	v16 =	vand.u32 $0x1C00, v16;
	v27 =	vadd.f32 v29, v28;
	v18 =	vadd.f32 v25, v18  }
0x10d: {  	v16 =	vor.u32 v41, v16;
	v15 =	vor.u32 v17, v15;
	v23 =	vshll.u32 v23, $0x3  }
0x10e: {  	v16 =	vadd.s32 v1, v16;
	v17 =	vand.u32 $0xC00, v19;
	v18 =	vadd.f32 v18, v27  }
0x10f: {  	v15 =	vadd.s32 v1, v15;
	v17 =	vor.u32 v39, v17;
	v19 =	vand.u32 $0xC00, v21  }
0x110: {  	v20 =	vand.u32 $0x1C00, v20;
	v17 =	vadd.s32 v1, v17;
	v19 =	vor.u32 v43, v19;
	[tilespmem:v24+s17+$0x0] =	vst.idx.msk $0xffff, v18  }
0x111: {  	v13 =	vand.u32 $0x1C00, v13;
	v18 =	vadd.s32 v1, v19;
	v19 =	vor.u32 v46, v20  }
0x112: {  	v13 =	vor.u32 v26, v13;
	v20 =	vand.u32 $0x1C00, v22;
	v19 =	vadd.s32 v1, v19  }
0x113: {  	s1 =	sadd.s32 $0xFFFFFFFC, s30;
	v13 =	vadd.s32 v1, v13;
	v21 =	vand.u32 $0x1C00, v23;
	v20 =	vor.u32 v32, v20;
	v16 =	vld.idx.msk [tilespmem:v16+s11+$0x0], $0xffff  }
0x114: {  	s3 =	sadd.s32 $0xFFFFFFFE, s30;
	v49 =	vmov s1;
	s1 =	sadd.s32 $0xFFFFFFFD, s30;
	v21 =	vor.u32 v31, v21;
	v20 =	vadd.s32 v1, v20;
	v15 =	vld.idx.msk [tilespmem:v15+s11+$0x0], $0xffff  }
0x115: {  	v51 =	vmov s3;
	v50 =	vmov s1;
	v21 =	vadd.s32 v1, v21;
	v17 =	vld.idx.msk [tilespmem:v17+s11+$0x0], $0xffff  }
0x116: {  	v23 =	vand.u32 $0x7F, v6;
	v22 =	vand.u32 $0x7E, v3;
	v24 =	vand.u32 $0x7E, v4;
	v18 =	vld.idx.msk [tilespmem:v18+s11+$0x0], $0xffff  }
0x117: {  	v26 =	vand.u32 $0x7E, v5;
	v25 =	vand.u32 $0x7F, v7;
	v27 =	vand.u32 $0x7F, v9;
	v19 =	vld.idx.msk [tilespmem:v19+s11+$0x0], $0xffff  }
0x118: {  	s1 =	sadd.s32 $0x54, s0;
	v30 =	vand.u32 $0x7E, v10;
	v28 =	vand.u32 $0x7E, v8;
	v29 =	vand.u32 $0x7F, v12;
	v13 =	vld.idx.msk [tilespmem:v13+s11+$0x0], $0xffff  }
0x119: {  	v31 =	vand.u32 $0x7F, v14;
	v32 =	vand.u32 $0x7E, v11;
	v16 =	vadd.s32 s1, v16;
	s1 =	sadd.s32 $0x57, s0;
	v20 =	vld.idx.msk [tilespmem:v20+s11+$0x0], $0xffff  }
0x11a: {  	v6 =	vshll.u32 v6, $0x3;
	v3 =	vshll.u32 v3, $0x3;
	v15 =	vadd.s32 s1, v15;
	v21 =	vld.idx.msk [tilespmem:v21+s11+$0x0], $0xffff  }
0x11b: {  	v7 =	vshll.u32 v7, $0x3;
	v4 =	vshll.u32 v4, $0x3;
	s1 =	sadd.s32 $0x3, s0;
	v17 =	vadd.s32 s0, v17  }
0x11c: {  	v5 =	vshll.u32 v5, $0x3;
	v9 =	vshll.u32 v9, $0x3;
	v18 =	vadd.s32 s1, v18;
	s1 =	sadd.s32 $0x6, s0  }
0x11d: {  	v8 =	vshll.u32 v8, $0x3;
	v12 =	vshll.u32 v12, $0x3;
	v19 =	vadd.s32 s1, v19;
	s1 =	sadd.s32 $0x9, s0  }
0x11e: {  	v10 =	vshll.u32 v10, $0x3;
	v14 =	vshll.u32 v14, $0x3;
	v13 =	vadd.s32 s1, v13;
	s1 =	sadd.s32 $0xC, s0;
	v37 =	vld.idx.msk [tilespmem:v16+s16+$0x0], $0xffff  }
0x11f: {  	v3 =	vand.u32 $0x1C00, v3;
	v11 =	vshll.u32 v11, $0x3;
	v16 =	vadd.s32 s1, v20;
	s1 =	sadd.s32 $0xF, s0;
	v38 =	vld.idx.msk [tilespmem:v15+s16+$0x0], $0xffff  }
0x120: {  	v6 =	vand.u32 $0x1C00, v6;
	v3 =	vor.u32 v22, v3;
	v15 =	vadd.s32 s1, v21;
	v39 =	vld.idx.msk [tilespmem:v17+s16+$0x0], $0xffff  }
0x121: {  	v6 =	vor.u32 v23, v6;
	v4 =	vand.u32 $0x1C00, v4;
	v3 =	vadd.s32 v1, v3;
	v40 =	vld.idx.msk [tilespmem:v18+s16+$0x0], $0xffff  }
0x122: {  	v6 =	vadd.s32 v1, v6;
	v7 =	vand.u32 $0x1C00, v7;
	v4 =	vor.u32 v24, v4;
	v41 =	vld.idx.msk [tilespmem:v19+s16+$0x0], $0xffff  }
0x123: {  	v5 =	vand.u32 $0x1C00, v5;
	v7 =	vor.u32 v25, v7;
	v4 =	vadd.s32 v1, v4;
	v42 =	vld.idx.msk [tilespmem:v13+s16+$0x0], $0xffff  }
0x124: {  	v5 =	vor.u32 v26, v5;
	v7 =	vadd.s32 v1, v7;
	v9 =	vand.u32 $0x1C00, v9;
	v43 =	vld.idx.msk [tilespmem:v16+s16+$0x0], $0xffff  }
0x125: {  	v5 =	vadd.s32 v1, v5;
	v8 =	vand.u32 $0x1C00, v8;
	v9 =	vor.u32 v27, v9;
	v44 =	vld.idx.msk [tilespmem:v15+s16+$0x0], $0xffff  }
0x126: {  	v12 =	vand.u32 $0x1C00, v12;
	v8 =	vor.u32 v28, v8;
	v9 =	vadd.s32 v1, v9;
	v3 =	vld.idx.msk [tilespmem:v3+s11+$0x0], $0xffff  }
0x127: {  	v10 =	vand.u32 $0x1C00, v10;
	v12 =	vor.u32 v29, v12;
	v8 =	vadd.s32 v1, v8;
	v6 =	vld.idx.msk [tilespmem:v6+s11+$0x0], $0xffff  }
0x128: {  	v10 =	vor.u32 v30, v10;
	v12 =	vadd.s32 v1, v12;
	v13 =	vand.u32 $0x1C00, v14;
	v4 =	vld.idx.msk [tilespmem:v4+s11+$0x0], $0xffff  }
0x129: {  	v10 =	vadd.s32 v1, v10;
	v11 =	vand.u32 $0x1C00, v11;
	v13 =	vor.u32 v31, v13;
	v7 =	vld.idx.msk [tilespmem:v7+s11+$0x0], $0xffff  }
0x12a: {  	v11 =	vor.u32 v32, v11;
	v14 =	vld.idx.msk [tilespmem:v5+s11+$0x0], $0xffff;
	v5 =	vadd.s32 v1, v13;
	v13 =	vand.u32 $0x7F, v59  }
0x12b: {  	v11 =	vadd.s32 v1, v11;
	s1 =	sadd.s32 $0x12, s0;
	v16 =	vand.u32 $0x7F, v61;
	v15 =	vand.u32 $0x7E, v60;
	v9 =	vld.idx.msk [tilespmem:v9+s11+$0x0], $0xffff  }
0x12c: {  	v18 =	vand.u32 $0x7E, v62;
	v19 =	vand.u32 $0x7F, v56;
	v17 =	vadd.s32 s1, v3;
	s1 =	sadd.s32 $0x15, s0;
	v8 =	vld.idx.msk [tilespmem:v8+s11+$0x0], $0xffff  }
0x12d: {  	v22 =	vand.u32 $0x7F, v57;
	v21 =	vand.u32 $0x7E, v63;
	v20 =	vadd.s32 s1, v6;
	s1 =	sadd.s32 $0x18, s0;
	v12 =	vld.idx.msk [tilespmem:v12+s11+$0x0], $0xffff  }
0x12e: {  	v3 =	vand.u32 $0x7E, v58;
	v23 =	vadd.s32 s1, v4;
	s1 =	sadd.s32 $0x1B, s0;
	v4 =	vand.u32 $0x7F, v49;
	v10 =	vld.idx.msk [tilespmem:v10+s11+$0x0], $0xffff  }
0x12f: {  	v6 =	vand.u32 $0x7E, v50;
	v7 =	vadd.s32 s1, v7;
	s1 =	sadd.s32 $0x1E, s0;
	v24 =	vld.idx.msk [tilespmem:v5+s11+$0x0], $0xffff;
	v5 =	vand.u32 $0x7F, v51  }
0x130: {  	v26 =	vshll.u32 v59, $0x3;
	v27 =	vshll.u32 v60, $0x3;
	v14 =	vadd.s32 s1, v14;
	s1 =	sadd.s32 $0x21, s0;
	v25 =	vld.idx.msk [tilespmem:v11+s11+$0x0], $0xffff  }
0x131: {  	v28 =	vshll.u32 v61, $0x3;
	v29 =	vshll.u32 v62, $0x3;
	v45 =	vld.idx.msk [tilespmem:v17+s16+$0x0], $0xffff;
	v17 =	vadd.s32 s1, v9;
	s1 =	sadd.s32 $0x24, s0  }
0x132: {  	v30 =	vshll.u32 v56, $0x3;
	v31 =	vshll.u32 v63, $0x3;
	v46 =	vld.idx.msk [tilespmem:v20+s16+$0x0], $0xffff;
	v20 =	vadd.s32 s1, v8;
	s1 =	sadd.s32 $0x27, s0  }
0x133: {  	v32 =	vshll.u32 v58, $0x3;
	v47 =	vld.idx.msk [tilespmem:v23+s16+$0x0], $0xffff;
	v12 =	vadd.s32 s1, v12;
	s1 =	sadd.s32 $0x2A, s0;
	v23 =	vshll.u32 v57, $0x3  }
0x134: {  	v11 =	vshll.u32 v49, $0x3;
	v8 =	vshll.u32 v50, $0x3;
	v48 =	vld.idx.msk [tilespmem:v7+s16+$0x0], $0xffff;
	v7 =	vadd.s32 s1, v10;
	s1 =	sadd.s32 $0x2D, s0  }
0x135: {  	v9 =	vshll.u32 v51, $0x3;
	v10 =	vand.u32 $0x1C00, v26;
	v50 =	vld.idx.msk [tilespmem:v14+s16+$0x0], $0xffff;
	v14 =	vadd.s32 s1, v24;
	s1 =	sadd.s32 $0x30, s0  }
0x136: {  	v10 =	vor.u32 v13, v10;
	v13 =	vand.u32 $0x1C00, v27;
	v53 =	vld.idx.msk [tilespmem:v17+s16+$0x0], $0xffff;
	v17 =	vadd.s32 s1, v25  }
0x137: {  	v49 =	vld.idx.msk [tilespmem:v20+s16+$0x0], $0xffff;
	v20 =	vadd.s32 v1, v10;
	v10 =	vor.u32 v15, v13;
	v13 =	vand.u32 $0x1C00, v28  }
.Ltmp5:
0x138: {  	v51 =	vld.idx.msk [tilespmem:v12+s16+$0x0], $0xffff;
	v10 =	vadd.s32 v1, v10;
	v12 =	vor.u32 v16, v13;
	v13 =	vand.u32 $0x1C00, v29;
	(pc) =	sbr.rel @p1 .LBB2_8-.Ltmp5, $4  }
0x139: {  	v15 =	vand.u32 $0x1C00, v30;
	v52 =	vld.idx.msk [tilespmem:v7+s16+$0x0], $0xffff;
	v12 =	vadd.s32 v1, v12;
	v7 =	vor.u32 v18, v13  }
0x13a: {  	v54 =	vld.idx.msk [tilespmem:v14+s16+$0x0], $0xffff;
	v13 =	vadd.s32 v1, v7;
	v7 =	vor.u32 v19, v15;
	v14 =	vand.u32 $0x1C00, v31  }
0x13b: {  	v15 =	vand.u32 $0x1C00, v23;
	v55 =	vld.idx.msk [tilespmem:v17+s16+$0x0], $0xffff;
	v17 =	vadd.s32 v1, v7;
	v14 =	vor.u32 v21, v14  }
0x13c: {  	s0 =	sadd.s32 $0x5A, s0;
	v19 =	vor.u32 v22, v15;
	v7 =	vld.idx.msk [tilespmem:v20+s11+$0x0], $0xffff;
	v14 =	vadd.s32 v1, v14;
	v20 =	vand.u32 $0x1C00, v32  }
0x13d: {  	v56 =	vld [tilespmem:$0x1FE90]  }
0x13e: {  	v57 =	vld [tilespmem:$0x1FE80]  }
0x13f: {  	v58 =	vld [tilespmem:$0x1FE70]  }
0x140: {  	v59 =	vld [tilespmem:$0x1FE60]  }
0x141: {  	v60 =	vld [tilespmem:$0x1FE50]  }
0x142: {  	v61 =	vld [tilespmem:$0x1FE40]  }
0x143: {  	v62 =	vld [tilespmem:$0x1FE30]  }
0x144: {  	v63 =	vld [tilespmem:$0x1FE20]  }
0x145: {  	v25 =	vld [tilespmem:$0x1FEB0]  }
0x146: {  	v24 =	vld [tilespmem:$0x1FE10]  }
0x147: {  	v29 =	vld [tilespmem:$0x1FEE0]  }
0x148: {  	v31 =	vld [tilespmem:$0x1FF00]  }
0x149: {  	v26 =	vld [tilespmem:$0x1FEC0]  }
0x14a: {  	v27 =	vld [tilespmem:$0x1FE00]  }
0x14b: {  	v28 =	vld [tilespmem:$0x1FEA0]  }
0x14c: {  	v30 =	vld [tilespmem:$0x1FED0]  }
0x14d: {  	v32 =	vld [tilespmem:$0x1FEF0]  }
0x14e: {  	v33 =	vld [tilespmem:$0x1FF10]  }
0x14f: {  	v34 =	vld [tilespmem:$0x1FF20]  }
.LBB2_10:
0x150: {  	_ =	sdelay $0x3  }
0x151: {  	v3 =	vor.u32 v3, v20;
	v10 =	vld.idx.msk [tilespmem:v10+s11+$0x0], $0xffff;
	v15 =	vadd.s32 v1, v19;
	v11 =	vand.u32 $0x1C00, v11  }
0x152: {  	v8 =	vand.u32 $0x1C00, v8;
	s0 =	sadd.s32 $0x33, s29;
	v4 =	vor.u32 v4, v11;
	v11 =	vld.idx.msk [tilespmem:v12+s11+$0x0], $0xffff;
	v3 =	vadd.s32 v1, v3  }
0x153: {  	v9 =	vand.u32 $0x1C00, v9;
	v6 =	vor.u32 v6, v8;
	v8 =	vld.idx.msk [tilespmem:v13+s11+$0x0], $0xffff;
	v7 =	vadd.s32 s0, v7  }
0x154: {  	v5 =	vor.u32 v5, v9;
	v9 =	vld.idx.msk [tilespmem:v17+s11+$0x0], $0xffff;
	v4 =	vadd.s32 v1, v4  }
0x155: {  	v12 =	vld.idx.msk [tilespmem:v14+s11+$0x0], $0xffff;
	v6 =	vadd.s32 v1, v6  }
0x156: {  	s1 =	sadd.s32 $0x36, s29;
	v5 =	vadd.s32 v1, v5;
	v13 =	vld.idx.msk [tilespmem:v15+s11+$0x0], $0xffff  }
0x157: {  	s3 =	sadd.s32 $0x39, s29;
	v10 =	vadd.s32 s1, v10;
	v3 =	vld.idx.msk [tilespmem:v3+s11+$0x0], $0xffff  }
0x158: {  	s5 =	sadd.s32 $0x3C, s29;
	v11 =	vadd.s32 s3, v11;
	v7 =	vld.idx.msk [tilespmem:v7+s16+$0x0], $0xffff  }
0x159: {  	s10 =	sadd.s32 $0x3F, s29;
	v8 =	vadd.s32 s5, v8;
	v4 =	vld.idx.msk [tilespmem:v4+s11+$0x0], $0xffff  }
0x15a: {  	s1 =	sadd.s32 $0x42, s29;
	v9 =	vadd.s32 s10, v9;
	v6 =	vld.idx.msk [tilespmem:v6+s11+$0x0], $0xffff  }
0x15b: {  	v12 =	vadd.s32 s1, v12;
	s3 =	sadd.s32 $0x45, s29;
	v5 =	vld.idx.msk [tilespmem:v5+s11+$0x0], $0xffff  }
0x15c: {  	s5 =	sadd.s32 $0x48, s29;
	v10 =	vld.idx.msk [tilespmem:v10+s16+$0x0], $0xffff;
	v13 =	vadd.s32 s3, v13  }
0x15d: {  	s10 =	sadd.s32 $0x4B, s29;
	v11 =	vld.idx.msk [tilespmem:v11+s16+$0x0], $0xffff;
	v3 =	vadd.s32 s5, v3  }
0x15e: {  	s1 =	sadd.s32 $0x4E, s29;
	v8 =	vld.idx.msk [tilespmem:v8+s16+$0x0], $0xffff;
	v4 =	vadd.s32 s10, v4  }
0x15f: {  	s3 =	sadd.s32 $0x51, s29;
	v9 =	vld.idx.msk [tilespmem:v9+s16+$0x0], $0xffff;
	v6 =	vadd.s32 s1, v6  }
0x160: {  	v12 =	vld.idx.msk [tilespmem:v12+s16+$0x0], $0xffff;
	v5 =	vadd.s32 s3, v5  }
0x161: {  	v13 =	vld.idx.msk [tilespmem:v13+s16+$0x0], $0xffff  }
0x162: {  	v16 =	vadd.f32 v44, v43;
	v18 =	vadd.f32 v48, v47;
	v3 =	vld.idx.msk [tilespmem:v3+s16+$0x0], $0xffff  }
0x163: {  	v14 =	vadd.f32 v40, v39;
	v15 =	vadd.f32 v42, v41;
	v4 =	vld.idx.msk [tilespmem:v4+s16+$0x0], $0xffff  }
0x164: {  	v19 =	vadd.f32 v53, v50;
	v17 =	vadd.f32 v46, v45;
	v6 =	vld.idx.msk [tilespmem:v6+s16+$0x0], $0xffff  }
0x165: {  	v20 =	vadd.f32 v38, v37;
	v14 =	vadd.f32 v15, v14;
	v5 =	vld.idx.msk [tilespmem:v5+s16+$0x0], $0xffff  }
0x166: {  	v15 =	vadd.f32 v17, v16;
	v16 =	vadd.f32 v19, v18  }
0x167: {  	v17 =	vadd.f32 v51, v49;
	v18 =	vadd.f32 v54, v52  }
0x168: {  	v7 =	vadd.f32 v7, v55;
	v10 =	vadd.f32 v11, v10  }
0x169: {  	s0 =	sadd.s32 @p0 $0x1, s31;
	s1 =	simm.s32 $0x0;
	v8 =	vadd.f32 v9, v8;
	v9 =	vadd.f32 v13, v12  }
0x16a: {  	s1 =	smov.u32 @p0 s0;
	v3 =	vadd.f32 v4, v3;
	v4 =	vadd.f32 v5, v6  }
0x16b: {  	v5 =	vadd.f32 v18, v17;
	v6 =	vadd.f32 v10, v7;
	v7 =	vmov s1  }
0x16c: {  	v8 =	vadd.f32 v9, v8;
	v3 =	vadd.f32 v4, v3;
	v4 =	vand.u32 $0x7F, v7  }
0x16d: {  	v7 =	vadd.f32 v15, v14;
	v5 =	vadd.f32 v5, v16;
	v4 =	vbroadcast v4, $0x0  }
0x16e: {  	v6 =	vadd.f32 v8, v6;
	v3 =	vadd.f32 v20, v3  }
0x16f: {  	v4 =	vor.u32 v2, v4  }
0x170: {  	v5 =	vadd.f32 v5, v7;
	v3 =	vadd.f32 v3, v6;
	_ =	sdelay $0x1  }
0x171: {  	v3 =	vadd.f32 v3, v5  }
0x172: {  	s5 =	sshll.u32 s28, $0x4  }
0x173: {  	s28 =	simm.s32 $0x0;
	s0 =	sadd.s32 s6, s5;
	[tilespmem:v4+s17+$0x0] =	vst.idx.msk $0xffff, v3  }
0x174: {  	[hbm4b:s0+s28] =	stream.linear.scatter [tilespmem:s17], [sflag:$0x5], $0x800, $0x38;
	[tilespmem:$0x7B00] =	vst v63  }
0x175: {  	_ =	swait.ge [sflag:s9], $0x800  }
0x176: {  	[sflag:s9] =	ssyncset.done $0x0  }
0x177: {  	[sflag:s9] =	ssyncadd.s32 $0xFFFFF800  }
0x178: {  	_ =	swait.ge [sflag:s18], $0x1800  }
0x179: {  	v11 =	vld [tilespmem:$0x1FF30]  }
0x17a: {  	v12 =	vld [tilespmem:$0x1FF40]  }
0x17b: {  	v13 =	vld [tilespmem:$0x1FF50]  }
0x17c: {  	v14 =	vld [tilespmem:$0x1FF60]  }
0x17d: {  	v15 =	vld [tilespmem:$0x1FF70]  }
0x17e: {  	v17 =	vld [tilespmem:$0x1FF80]  }
0x17f: {  	v18 =	vld [tilespmem:$0x1FF90]  }
0x180: {  	v19 =	vld [tilespmem:$0x1FFA0]  }
0x181: {  	v20 =	vld [tilespmem:$0x1FFB0]  }
0x182: {  	[sflag:s18] =	ssyncset.done $0x0;
	v21 =	vld [tilespmem:$0x1FFC0]  }
0x183: {  	v48 =	vld [tilespmem:$0x1FFD0];
	[sflag:s18] =	ssyncadd.s32 $0xFFFFE800  }
0x184: {  	v3 =	vld.idx.msk [tilespmem:v56+s12+$0x0], $0xffff  }
0x185: {  	v4 =	vld.idx.msk [tilespmem:v57+s12+$0x0], $0xffff  }
0x186: {  	v5 =	vld.idx.msk [tilespmem:v58+s12+$0x0], $0xffff  }
0x187: {  	v6 =	vld.idx.msk [tilespmem:v59+s12+$0x0], $0xffff  }
0x188: {  	v7 =	vld.idx.msk [tilespmem:v60+s12+$0x0], $0xffff  }
0x189: {  	v8 =	vld.idx.msk [tilespmem:v61+s12+$0x0], $0xffff  }
0x18a: {  	v9 =	vld.idx.msk [tilespmem:v62+s12+$0x0], $0xffff  }
0x18b: {  	v10 =	vld.idx.msk [tilespmem:v63+s12+$0x0], $0xffff  }
0x18c: {  	v16 =	vld.idx.msk [tilespmem:v24+s12+$0x0], $0xffff  }
0x18d: {  	v25 =	vor.u32 v25, v36;
	v22 =	vld.idx.msk [tilespmem:v27+s12+$0x0], $0xffff  }
0x18e: {  	v25 =	vadd.s32 v1, v25;
	v23 =	vld.idx.msk [tilespmem:v28+s12+$0x0], $0xffff  }
0x18f: {  	v28 =	vld [tilespmem:$0x1FFE0]  }
0x190: {  	v24 =	vadd.s32 v1, v35;
	v27 =	vld.idx.msk [tilespmem:v30+s12+$0x0], $0xffff  }
0x191: {  	v30 =	vld [tilespmem:$0x1FFF0]  }
0x192: {  	v49 =	vld.idx.msk [tilespmem:v34+s12+$0x0], $0xffff  }
0x193: {  	v26 =	vand.u32 $0x1C00, v26;
	v25 =	vld.idx.msk [tilespmem:v25+s12+$0x0], $0xffff  }
0x194: {  	v26 =	vor.u32 v28, v26;
	v28 =	vand.u32 $0x1C00, v29;
	v29 =	vld.idx.msk [tilespmem:v32+s12+$0x0], $0xffff  }
0x195: {  	v24 =	vld.idx.msk [tilespmem:v24+s12+$0x0], $0xffff  }
0x196: {  	v11 =	vld.idx.msk [tilespmem:v11+s12+$0x0], $0xffff  }
0x197: {  	v12 =	vld.idx.msk [tilespmem:v12+s12+$0x0], $0xffff  }
0x198: {  	v13 =	vld.idx.msk [tilespmem:v13+s12+$0x0], $0xffff  }
0x199: {  	v14 =	vld.idx.msk [tilespmem:v14+s12+$0x0], $0xffff  }
0x19a: {  	v15 =	vld.idx.msk [tilespmem:v15+s12+$0x0], $0xffff  }
0x19b: {  	s10 =	simm.s32 $0x54;
	v17 =	vld.idx.msk [tilespmem:v17+s12+$0x0], $0xffff  }
0x19c: {  	s31 =	simm.s32 $0x57;
	v3 =	vadd.s32 s10, v3;
	v18 =	vld.idx.msk [tilespmem:v18+s12+$0x0], $0xffff  }
0x19d: {  	v4 =	vadd.s32 s31, v4;
	v19 =	vld.idx.msk [tilespmem:v19+s12+$0x0], $0xffff  }
0x19e: {  	s1 =	simm.s32 $0x3;
	v5 =	vadd.s32 s28, v5;
	v20 =	vld.idx.msk [tilespmem:v20+s12+$0x0], $0xffff  }
0x19f: {  	s3 =	simm.s32 $0x6;
	v6 =	vadd.s32 s1, v6;
	v21 =	vld.idx.msk [tilespmem:v21+s12+$0x0], $0xffff  }
0x1a0: {  	s5 =	simm.s32 $0x9;
	v7 =	vadd.s32 s3, v7;
	v28 =	vor.u32 v30, v28;
	v30 =	vand.u32 $0x1C00, v31;
	v31 =	vld.idx.msk [tilespmem:v33+s12+$0x0], $0xffff  }
0x1a1: {  	v8 =	vadd.s32 s5, v8;
	s10 =	simm.s32 $0xC;
	v3 =	vld.idx.msk [tilespmem:v3+s16+$0x0], $0xffff  }
0x1a2: {  	s31 =	simm.s32 $0xF;
	v9 =	vadd.s32 s10, v9;
	v4 =	vld.idx.msk [tilespmem:v4+s16+$0x0], $0xffff  }
0x1a3: {  	v10 =	vadd.s32 s31, v10;
	v5 =	vld.idx.msk [tilespmem:v5+s16+$0x0], $0xffff  }
0x1a4: {  	v26 =	vadd.s32 v1, v26;
	v6 =	vld.idx.msk [tilespmem:v6+s16+$0x0], $0xffff  }
0x1a5: {  	v28 =	vadd.s32 v1, v28;
	v30 =	vor.u32 v48, v30;
	v7 =	vld.idx.msk [tilespmem:v7+s16+$0x0], $0xffff  }
0x1a6: {  	s1 =	simm.s32 $0x12;
	v30 =	vadd.s32 v1, v30;
	v8 =	vld.idx.msk [tilespmem:v8+s16+$0x0], $0xffff  }
0x1a7: {  	s3 =	simm.s32 $0x15;
	v9 =	vld.idx.msk [tilespmem:v9+s16+$0x0], $0xffff;
	v11 =	vadd.s32 s1, v11  }
0x1a8: {  	s5 =	simm.s32 $0x18;
	v10 =	vld.idx.msk [tilespmem:v10+s16+$0x0], $0xffff;
	v12 =	vadd.s32 s3, v12  }
0x1a9: {  	s10 =	simm.s32 $0x1B;
	v13 =	vadd.s32 s5, v13;
	v26 =	vld.idx.msk [tilespmem:v26+s12+$0x0], $0xffff  }
0x1aa: {  	s31 =	simm.s32 $0x1E;
	v14 =	vadd.s32 s10, v14;
	v28 =	vld.idx.msk [tilespmem:v28+s12+$0x0], $0xffff  }
0x1ab: {  	v15 =	vadd.s32 s31, v15;
	s1 =	simm.s32 $0x21;
	v30 =	vld.idx.msk [tilespmem:v30+s12+$0x0], $0xffff  }
0x1ac: {  	s3 =	simm.s32 $0x24;
	v16 =	vadd.s32 s1, v16;
	v11 =	vld.idx.msk [tilespmem:v11+s16+$0x0], $0xffff  }
0x1ad: {  	s5 =	simm.s32 $0x27;
	v17 =	vadd.s32 s3, v17;
	v12 =	vld.idx.msk [tilespmem:v12+s16+$0x0], $0xffff  }
0x1ae: {  	s10 =	simm.s32 $0x2A;
	v18 =	vadd.s32 s5, v18;
	v13 =	vld.idx.msk [tilespmem:v13+s16+$0x0], $0xffff  }
0x1af: {  	s29 =	simm.s32 $0x3B;
	s31 =	simm.s32 $0x2D;
	v19 =	vadd.s32 s10, v19;
	v14 =	vld.idx.msk [tilespmem:v14+s16+$0x0], $0xffff  }
0x1b0: {  	v51 =	vmov s29;
	v20 =	vadd.s32 s31, v20;
	s1 =	simm.s32 $0x30;
	v15 =	vld.idx.msk [tilespmem:v15+s16+$0x0], $0xffff  }
0x1b1: {  	v50 =	vmov s28;
	v52 =	vand.u32 $0x7F, v51;
	s3 =	simm.s32 $0x33;
	v21 =	vadd.s32 s1, v21;
	v16 =	vld.idx.msk [tilespmem:v16+s16+$0x0], $0xffff  }
0x1b2: {  	v34 =	vshll.u32 v51, $0x3;
	v33 =	vand.u32 $0x7F, v50;
	s5 =	simm.s32 $0x36;
	s10 =	simm.s32 $0x39;
	s31 =	simm.s32 $0x3C;
	v22 =	vadd.s32 s3, v22;
	v17 =	vld.idx.msk [tilespmem:v17+s16+$0x0], $0xffff  }
0x1b3: {  	v23 =	vadd.s32 s5, v23;
	v27 =	vadd.s32 s10, v27;
	v29 =	vadd.s32 s31, v29;
	s1 =	simm.s32 $0x3F;
	s3 =	simm.s32 $0x42;
	s5 =	simm.s32 $0x45;
	v18 =	vld.idx.msk [tilespmem:v18+s16+$0x0], $0xffff  }
0x1b4: {  	s10 =	simm.s32 $0x1E;
	s31 =	simm.s32 $0x48;
	v31 =	vadd.s32 s1, v31;
	v32 =	vadd.s32 s3, v49;
	v24 =	vadd.s32 s5, v24;
	v19 =	vld.idx.msk [tilespmem:v19+s16+$0x0], $0xffff  }
0x1b5: {  	s3 =	simm.s32 $0x3A;
	v53 =	vmov s10;
	v25 =	vadd.s32 s31, v25;
	s5 =	simm.s32 $0x1F;
	v5 =	vadd.f32 v6, v5;
	v20 =	vld.idx.msk [tilespmem:v20+s16+$0x0], $0xffff  }
0x1b6: {  	s1 =	simm.s32 $0x4B;
	s10 =	simm.s32 $0x4E;
	v54 =	vmov s3;
	v7 =	vadd.f32 v8, v7;
	v8 =	vmov s5;
	v21 =	vld.idx.msk [tilespmem:v21+s16+$0x0], $0xffff  }
0x1b7: {  	s5 =	simm.s32 $0x51;
	v4 =	vadd.f32 v4, v3;
	v6 =	vadd.s32 s1, v26;
	v28 =	vadd.s32 s10, v28;
	s10 =	simm.s32 $0x21;
	v22 =	vld.idx.msk [tilespmem:v22+s16+$0x0], $0xffff  }
0x1b8: {  	s31 =	simm.s32 $0x20;
	v9 =	vadd.f32 v10, v9;
	v23 =	vld.idx.msk [tilespmem:v23+s16+$0x0], $0xffff;
	v10 =	vadd.s32 s5, v30;
	v30 =	vmov s10;
	s10 =	simm.s32 $0x25  }
0x1b9: {  	v7 =	vadd.f32 v7, v5;
	v26 =	vld.idx.msk [tilespmem:v31+s16+$0x0], $0xffff;
	v31 =	vmov s31;
	s31 =	simm.s32 $0x22;
	v56 =	vmov s10  }
0x1ba: {  	v27 =	vld.idx.msk [tilespmem:v27+s16+$0x0], $0xffff;
	s10 =	simm.s32 $0x29;
	v60 =	vand.u32 $0x7F, v30;
	v30 =	vshll.u32 v30, $0x3;
	v55 =	vmov s31  }
0x1bb: {  	s3 =	simm.s32 $0x23;
	v29 =	vld.idx.msk [tilespmem:v29+s16+$0x0], $0xffff;
	s31 =	simm.s32 $0x26;
	v5 =	vmov s10;
	v37 =	vshll.u32 v56, $0x3;
	v11 =	vadd.f32 v12, v11  }
0x1bc: {  	v12 =	vadd.f32 v14, v13;
	v13 =	vld.idx.msk [tilespmem:v24+s16+$0x0], $0xffff;
	v24 =	vmov s3;
	v58 =	vmov s31  }
0x1bd: {  	s5 =	simm.s32 $0x24;
	s3 =	simm.s32 $0x27;
	s31 =	simm.s32 $0x2A;
	v61 =	vshll.u32 v55, $0x3;
	v40 =	vand.u32 $0x7F, v5;
	v14 =	vadd.f32 v16, v15;
	v15 =	vld.idx.msk [tilespmem:v25+s16+$0x0], $0xffff  }
0x1be: {  	v25 =	vmov s5;
	v16 =	vld.idx.msk [tilespmem:v6+s16+$0x0], $0xffff;
	v59 =	vmov s3;
	v6 =	vmov s31  }
0x1bf: {  	s5 =	simm.s32 $0x28;
	s3 =	simm.s32 $0x2B;
	v62 =	vand.u32 $0x7E, v58;
	v38 =	vshll.u32 v58, $0x3;
	v57 =	vadd.f32 v11, v9  }
0x1c0: {  	v3 =	vmov s5;
	v9 =	vmov s3;
	v63 =	vand.u32 $0x7F, v59  }
0x1c1: {  	v11 =	vld.idx.msk [tilespmem:v28+s16+$0x0], $0xffff;
	v39 =	vand.u32 $0x1C00, v38;
	v28 =	vadd.f32 v14, v12;
	v12 =	vadd.f32 v18, v17  }
0x1c2: {  	v41 =	vand.u32 $0x7E, v6;
	v17 =	vadd.f32 v20, v19;
	v18 =	vadd.f32 v22, v21  }
0x1c3: {  	v32 =	vld.idx.msk [tilespmem:v32+s16+$0x0], $0xffff;
	s10 =	simm.s32 $0x2D;
	s31 =	simm.s32 $0x2E;
	s5 =	simm.s32 $0x2C;
	v42 =	vshll.u32 v59, $0x3;
	v19 =	vadd.f32 v27, v23;
	v20 =	vadd.f32 v26, v29  }
0x1c4: {  	v14 =	vld.idx.msk [tilespmem:v10+s16+$0x0], $0xffff;
	v10 =	vmov s5;
	v23 =	vmov s10;
	v22 =	vmov s31  }
0x1c5: {  	v27 =	vand.u32 $0x1C00, v34;
	v29 =	vshll.u32 v53, $0x3;
	v34 =	vand.u32 $0x1C00, v37  }
0x1c6: {  	v43 =	vshll.u32 v3, $0x3;
	v36 =	vand.u32 $0x1C00, v42;
	v7 =	vadd.f32 v57, v7  }
0x1c7: {  	v27 =	vor.u32 v52, v27;
	v29 =	vand.u32 $0xC00, v29;
	v45 =	vand.u32 $0x1C00, v43  }
0x1c8: {  	v48 =	vand.u32 $0x7F, v23;
	v13 =	vadd.f32 v13, v32;
	v17 =	vadd.f32 v17, v12  }
0x1c9: {  	v49 =	vand.u32 $0x7E, v22;
	v19 =	vadd.f32 v19, v18;
	v16 =	vadd.f32 v16, v15  }
0x1ca: {  	v26 =	vadd.f32 v17, v28;
	v28 =	vshll.u32 v54, $0x3;
	v21 =	vadd.f32 v14, v11  }
0x1cb: {  	v27 =	vadd.s32 v1, v27;
	v20 =	vadd.f32 v13, v20;
	v28 =	vand.u32 $0x1C00, v28  }
0x1cc: {  	v7 =	vadd.f32 v26, v7;
	v26 =	vand.u32 $0x7E, v53;
	v21 =	vadd.f32 v21, v16  }
0x1cd: {  	v19 =	vadd.f32 v20, v19;
	v20 =	vbroadcast v33, $0x0;
	v26 =	vor.u32 v26, v29  }
0x1ce: {  	v29 =	vand.u32 $0x7F, v24;
	v24 =	vshll.u32 v24, $0x3;
	v4 =	vadd.f32 v4, v21  }
0x1cf: {  	v20 =	vor.u32 v2, v20;
	v26 =	vadd.s32 v1, v26;
	v21 =	vand.u32 $0x7E, v54  }
0x1d0: {  	v21 =	vor.u32 v21, v28;
	v28 =	vand.u32 $0x7E, v31;
	v4 =	vadd.f32 v4, v19  }
0x1d1: {  	v31 =	vshll.u32 v31, $0x3;
	v19 =	vand.u32 $0x7F, v8;
	v8 =	vshll.u32 v8, $0x3  }
0x1d2: {  	v21 =	vadd.s32 v1, v21;
	v8 =	vand.u32 $0xC00, v8;
	v4 =	vadd.f32 v4, v7  }
0x1d3: {  	v7 =	vand.u32 $0x7E, v55;
	v8 =	vor.u32 v19, v8;
	v19 =	vand.u32 $0x1C00, v31  }
0x1d4: {  	v8 =	vadd.s32 v1, v8;
	v19 =	vor.u32 v28, v19;
	v28 =	vand.u32 $0x1C00, v30  }
0x1d5: {  	v30 =	vadd.s32 v1, v19;
	v19 =	vor.u32 v60, v28;
	v28 =	vand.u32 $0x1C00, v61  }
0x1d6: {  	[tilespmem:v20+s17+$0x0] =	vst.idx.msk $0xffff, v4;
	v4 =	vadd.s32 v1, v19;
	v7 =	vor.u32 v7, v28;
	v19 =	vand.u32 $0x1C00, v24  }
0x1d7: {  	v51 =	vshll.u32 v10, $0x3;
	v24 =	vld.idx.msk [tilespmem:v21+s12+$0x0], $0xffff;
	v7 =	vadd.s32 v1, v7;
	v20 =	vor.u32 v29, v19  }
0x1d8: {  	v23 =	vshll.u32 v23, $0x3;
	v22 =	vshll.u32 v22, $0x3;
	v26 =	vld.idx.msk [tilespmem:v26+s12+$0x0], $0xffff;
	v28 =	vadd.s32 v1, v20  }
0x1d9: {  	s10 =	simm.s32 $0x32;
	v32 =	vor.u32 v62, v39;
	v29 =	vand.u32 $0x7E, v25;
	v25 =	vshll.u32 v25, $0x3;
	v8 =	vld.idx.msk [tilespmem:v8+s12+$0x0], $0xffff  }
0x1da: {  	v12 =	vmov s10;
	v32 =	vadd.s32 v1, v32;
	v25 =	vand.u32 $0x1C00, v25;
	v30 =	vld.idx.msk [tilespmem:v30+s12+$0x0], $0xffff  }
0x1db: {  	s1 =	simm.s32 $0x2F;
	s31 =	simm.s32 $0x33;
	v23 =	vand.u32 $0x1C00, v23;
	v22 =	vand.u32 $0x1C00, v22;
	v27 =	vld.idx.msk [tilespmem:v27+s12+$0x0], $0xffff;
	v25 =	vor.u32 v29, v25  }
0x1dc: {  	s30 =	simm.s32 $0x5A;
	v15 =	vmov s1;
	v13 =	vmov s31;
	s31 =	simm.s32 $0x37;
	v25 =	vadd.s32 v1, v25;
	v7 =	vld.idx.msk [tilespmem:v7+s12+$0x0], $0xffff  }
0x1dd: {  	s5 =	simm.s32 $0x31;
	s1 =	simm.s32 $0x38;
	v23 =	vor.u32 v48, v23;
	v19 =	vmov s31;
	s31 =	simm.s32 $0x5D;
	v26 =	vadd.s32 s30, v26;
	v28 =	vld.idx.msk [tilespmem:v28+s12+$0x0], $0xffff  }
0x1de: {  	v11 =	vmov s5;
	s5 =	simm.s32 $0x35;
	v20 =	vmov s1;
	s1 =	simm.s32 $0x60;
	v8 =	vadd.s32 s31, v8  }
0x1df: {  	s10 =	simm.s32 $0x36;
	v22 =	vor.u32 v49, v22;
	v18 =	vmov s5;
	s5 =	simm.s32 $0xAE;
	v32 =	vld.idx.msk [tilespmem:v32+s12+$0x0], $0xffff;
	v30 =	vadd.s32 s1, v30  }
0x1e0: {  	v17 =	vmov s10;
	s10 =	simm.s32 $0xB1;
	v23 =	vadd.s32 v1, v23;
	v4 =	vld.idx.msk [tilespmem:v4+s12+$0x0], $0xffff;
	v24 =	vadd.s32 s5, v24  }
0x1e1: {  	v22 =	vadd.s32 v1, v22;
	v31 =	vand.u32 $0x7F, v56;
	v27 =	vadd.s32 s10, v27;
	s5 =	simm.s32 $0x66;
	s10 =	simm.s32 $0x69;
	v25 =	vld.idx.msk [tilespmem:v25+s12+$0x0], $0xffff  }
0x1e2: {  	s3 =	simm.s32 $0x30;
	v47 =	vadd.s32 s5, v7;
	v7 =	vshll.u32 v5, $0x3;
	v5 =	vld.idx.msk [tilespmem:v26+s16+$0x0], $0xffff;
	v26 =	vadd.s32 s10, v28  }
0x1e3: {  	v14 =	vmov s3;
	s3 =	simm.s32 $0x34;
	v31 =	vor.u32 v31, v34;
	v28 =	vshll.u32 v6, $0x3;
	v6 =	vld.idx.msk [tilespmem:v8+s16+$0x0], $0xffff  }
0x1e4: {  	v16 =	vmov s3;
	s3 =	simm.s32 $0x39;
	v8 =	vand.u32 $0x1C00, v7;
	v7 =	vld.idx.msk [tilespmem:v30+s16+$0x0], $0xffff;
	v30 =	vadd.s32 v1, v31  }
0x1e5: {  	v21 =	vmov s3;
	s3 =	simm.s32 $0x63;
	v29 =	vand.u32 $0x7E, v3;
	v3 =	vld.idx.msk [tilespmem:v24+s16+$0x0], $0xffff;
	v24 =	vor.u32 v63, v36  }
0x1e6: {  	v44 =	vadd.s32 s3, v4;
	v4 =	vld.idx.msk [tilespmem:v27+s16+$0x0], $0xffff;
	v27 =	vor.u32 v29, v45;
	v24 =	vadd.s32 v1, v24  }
0x1e7: {  	v29 =	vand.u32 $0x7E, v10;
	v28 =	vand.u32 $0x1C00, v28;
	v10 =	vld.idx.msk [tilespmem:v26+s16+$0x0], $0xffff;
	v26 =	vadd.s32 v1, v27  }
0x1e8: {  	v46 =	vand.u32 $0x7F, v9;
	v23 =	vld.idx.msk [tilespmem:v23+s12+$0x0], $0xffff;
	v28 =	vor.u32 v41, v28  }
0x1e9: {  	v52 =	vand.u32 $0x1C00, v51;
	v31 =	vor.u32 v40, v8;
	v28 =	vadd.s32 v1, v28;
	v30 =	vld.idx.msk [tilespmem:v30+s12+$0x0], $0xffff  }
0x1ea: {  	v50 =	vshll.u32 v9, $0x3;
	v58 =	vld.idx.msk [tilespmem:v22+s12+$0x0], $0xffff;
	v29 =	vor.u32 v29, v52;
	v27 =	vadd.s32 v1, v31  }
0x1eb: {  	v53 =	vand.u32 $0x7F, v15;
	s31 =	simm.s32 $0x6C;
	v29 =	vadd.s32 v1, v29;
	v24 =	vld.idx.msk [tilespmem:v24+s12+$0x0], $0xffff;
	v31 =	vand.u32 $0x1C00, v50  }
0x1ec: {  	v15 =	vshll.u32 v15, $0x3;
	v25 =	vadd.s32 s31, v25;
	v31 =	vor.u32 v46, v31;
	v26 =	vld.idx.msk [tilespmem:v26+s12+$0x0], $0xffff  }
0x1ed: {  	v15 =	vand.u32 $0x1C00, v15;
	s1 =	simm.s32 $0x6F;
	v8 =	vld.idx.msk [tilespmem:v44+s16+$0x0], $0xffff;
	v31 =	vadd.s32 v1, v31  }
0x1ee: {  	v54 =	vand.u32 $0x7E, v14;
	v14 =	vshll.u32 v14, $0x3;
	s3 =	simm.s32 $0x72;
	v28 =	vld.idx.msk [tilespmem:v28+s12+$0x0], $0xffff;
	v30 =	vadd.s32 s1, v30  }
0x1ef: {  	v33 =	vor.u32 v53, v15;
	v14 =	vand.u32 $0x1C00, v14;
	v15 =	vadd.s32 s3, v32;
	s5 =	simm.s32 $0x75;
	v27 =	vld.idx.msk [tilespmem:v27+s12+$0x0], $0xffff  }
0x1f0: {  	v55 =	vand.u32 $0x7F, v11;
	v11 =	vshll.u32 v11, $0x3;
	s10 =	simm.s32 $0x78;
	v29 =	vld.idx.msk [tilespmem:v29+s12+$0x0], $0xffff;
	v24 =	vadd.s32 s5, v24  }
0x1f1: {  	v34 =	vor.u32 v54, v14;
	v14 =	vand.u32 $0x1C00, v11;
	v11 =	vld.idx.msk [tilespmem:v25+s16+$0x0], $0xffff;
	v26 =	vadd.s32 s10, v26  }
0x1f2: {  	v57 =	vand.u32 $0x7F, v13;
	v62 =	vadd.s32 v1, v33;
	v31 =	vld.idx.msk [tilespmem:v31+s12+$0x0], $0xffff  }
0x1f3: {  	v56 =	vand.u32 $0x7E, v12;
	s31 =	simm.s32 $0x7B;
	v25 =	vor.u32 v55, v14;
	v14 =	vshll.u32 v12, $0x3;
	s1 =	simm.s32 $0x7E;
	v12 =	vld.idx.msk [tilespmem:v30+s16+$0x0], $0xffff  }
0x1f4: {  	v28 =	vadd.s32 s1, v28;
	v22 =	vadd.s32 s31, v27;
	v30 =	vshll.u32 v13, $0x3;
	v13 =	vld.idx.msk [tilespmem:v15+s16+$0x0], $0xffff  }
0x1f5: {  	s5 =	simm.s32 $0x84;
	v27 =	vand.u32 $0x7F, v18;
	s10 =	simm.s32 $0x87;
	v18 =	vshll.u32 v18, $0x3;
	v15 =	vand.u32 $0x1C00, v14;
	v14 =	vld.idx.msk [tilespmem:v24+s16+$0x0], $0xffff  }
0x1f6: {  	s3 =	simm.s32 $0x81;
	v24 =	vadd.s32 s5, v29;
	v29 =	vor.u32 v56, v15;
	v15 =	vld.idx.msk [tilespmem:v26+s16+$0x0], $0xffff;
	v26 =	vadd.s32 s10, v23  }
0x1f7: {  	v59 =	vand.u32 $0x7E, v16;
	v9 =	vld.idx.msk [tilespmem:v47+s16+$0x0], $0xffff;
	v18 =	vand.u32 $0x1C00, v18;
	v31 =	vadd.s32 s3, v31  }
0x1f8: {  	v33 =	vand.u32 $0x7E, v20;
	s31 =	simm.s32 $0x8A;
	v35 =	vor.u32 v27, v18;
	v18 =	vshll.u32 v20, $0x3;
	v20 =	vld.idx.msk [tilespmem:v62+s12+$0x0], $0xffff  }
0x1f9: {  	v34 =	vadd.s32 v1, v34;
	v63 =	vshll.u32 v17, $0x3;
	v61 =	vadd.s32 s31, v58;
	v22 =	vld.idx.msk [tilespmem:v22+s16+$0x0], $0xffff  }
0x1fa: {  	v32 =	vand.u32 $0x7E, v17;
	v17 =	vshll.u32 v21, $0x3;
	v23 =	vshll.u32 v16, $0x3;
	v16 =	vld.idx.msk [tilespmem:v28+s16+$0x0], $0xffff  }
0x1fb: {  	v30 =	vand.u32 $0x1C00, v30;
	v23 =	vand.u32 $0x1C00, v23;
	v28 =	vld.idx.msk [tilespmem:v26+s16+$0x0], $0xffff;
	v26 =	vadd.s32 v1, v25  }
0x1fc: {  	v60 =	vor.u32 v57, v30;
	v39 =	vor.u32 v59, v23;
	v23 =	vld.idx.msk [tilespmem:v31+s16+$0x0], $0xffff;
	v25 =	vadd.s32 v1, v29  }
0x1fd: {  	v36 =	vand.u32 $0x1C00, v63;
	v30 =	vand.u32 $0x7F, v19;
	v27 =	vld.idx.msk [tilespmem:v24+s16+$0x0], $0xffff;
	v24 =	vadd.s32 v1, v60  }
0x1fe: {  	s0 =	simm.s32 $0xB4;
	v19 =	vshll.u32 v19, $0x3;
	v31 =	vand.u32 $0x7F, v21;
	v21 =	vadd.s32 v1, v39;
	v29 =	vld.idx.msk [tilespmem:v61+s16+$0x0], $0xffff  }
.LBB2_11:
0x1ff: {  	p0 =	sne.s32 s0, $0x32A;
	v34 =	vld.idx.msk [tilespmem:v34+s12+$0x0], $0xffff;
	v35 =	vadd.s32 v1, v35;
	v32 =	vor.u32 v32, v36;
	v19 =	vand.u32 $0x1C00, v19  }
0x200: {  	v18 =	vand.u32 $0x1C00, v18;
	v26 =	vld.idx.msk [tilespmem:v26+s12+$0x0], $0xffff;
	v32 =	vadd.s32 v1, v32;
	v19 =	vor.u32 v30, v19  }
0x201: {  	v17 =	vand.u32 $0x1C00, v17;
	s28 =	sadd.s32 $0x1, s28;
	v18 =	vor.u32 v33, v18;
	v25 =	vld.idx.msk [tilespmem:v25+s12+$0x0], $0xffff;
	v19 =	vadd.s32 v1, v19  }
0x202: {  	s29 =	sadd.s32 $0x1E, s29;
	v17 =	vor.u32 v31, v17;
	v30 =	vmov s28;
	v18 =	vadd.s32 v1, v18;
	v24 =	vld.idx.msk [tilespmem:v24+s12+$0x0], $0xffff  }
0x203: {  	s1 =	sadd.s32 $0x33, s30;
	v31 =	vmov s29;
	v17 =	vadd.s32 v1, v17;
	v48 =	vand.u32 $0x7F, v30;
	v21 =	vld.idx.msk [tilespmem:v21+s12+$0x0], $0xffff  }
0x204: {  	s3 =	sadd.s32 $0xFFFFFFE3, s29;
	s5 =	sadd.s32 $0xFFFFFFFF, s29;
	v41 =	vand.u32 $0x7F, v31;
	v49 =	vshll.u32 v31, $0x3;
	v20 =	vadd.s32 s1, v20;
	s1 =	sadd.s32 $0x36, s30;
	v35 =	vld.idx.msk [tilespmem:v35+s12+$0x0], $0xffff  }
0x205: {  	s10 =	sadd.s32 $0xFFFFFFE5, s29;
	v42 =	vmov s3;
	s3 =	sadd.s32 $0xFFFFFFE4, s29;
	v50 =	vmov s5;
	v36 =	vadd.s32 s1, v34;
	s1 =	sadd.s32 $0x39, s30;
	v37 =	vld.idx.msk [tilespmem:v32+s12+$0x0], $0xffff  }
0x206: {  	v43 =	vmov s10;
	s5 =	sadd.s32 $0xFFFFFFE7, s29;
	v44 =	vmov s3;
	s3 =	sadd.s32 $0xFFFFFFE6, s29;
	v26 =	vadd.s32 s1, v26;
	s1 =	sadd.s32 $0x3C, s30;
	v19 =	vld.idx.msk [tilespmem:v19+s12+$0x0], $0xffff  }
0x207: {  	v46 =	vmov s5;
	s5 =	sadd.s32 $0xFFFFFFE9, s29;
	v45 =	vmov s3;
	s3 =	sadd.s32 $0xFFFFFFE8, s29;
	v25 =	vadd.s32 s1, v25;
	s1 =	sadd.s32 $0x3F, s30;
	v18 =	vld.idx.msk [tilespmem:v18+s12+$0x0], $0xffff  }
0x208: {  	v30 =	vmov s5;
	s5 =	sadd.s32 $0xFFFFFFEB, s29;
	v47 =	vmov s3;
	s3 =	sadd.s32 $0xFFFFFFEA, s29;
	v24 =	vadd.s32 s1, v24;
	s1 =	sadd.s32 $0x42, s30;
	v17 =	vld.idx.msk [tilespmem:v17+s12+$0x0], $0xffff  }
0x209: {  	v31 =	vmov s5;
	s5 =	sadd.s32 $0xFFFFFFED, s29;
	v33 =	vmov s3;
	s3 =	sadd.s32 $0xFFFFFFEC, s29;
	v52 =	vadd.s32 s1, v21;
	s1 =	sadd.s32 $0x45, s30;
	v51 =	vld.idx.msk [tilespmem:v20+s16+$0x0], $0xffff  }
0x20a: {  	v32 =	vmov s5;
	s5 =	sadd.s32 $0xFFFFFFEF, s29;
	v34 =	vmov s3;
	s3 =	sadd.s32 $0xFFFFFFEE, s29;
	v54 =	vadd.s32 s1, v35;
	s1 =	sadd.s32 $0x48, s30;
	v53 =	vld.idx.msk [tilespmem:v36+s16+$0x0], $0xffff  }
0x20b: {  	v35 =	vmov s5;
	s5 =	sadd.s32 $0xFFFFFFF1, s29;
	v36 =	vmov s3;
	s3 =	sadd.s32 $0xFFFFFFF0, s29;
	v56 =	vadd.s32 s1, v37;
	s1 =	sadd.s32 $0x4B, s30;
	v55 =	vld.idx.msk [tilespmem:v26+s16+$0x0], $0xffff  }
0x20c: {  	v37 =	vmov s5;
	s5 =	sadd.s32 $0xFFFFFFF3, s29;
	v39 =	vmov s3;
	s3 =	sadd.s32 $0xFFFFFFF2, s29;
	v58 =	vadd.s32 s1, v19;
	s1 =	sadd.s32 $0x4E, s30;
	v57 =	vld.idx.msk [tilespmem:v25+s16+$0x0], $0xffff  }
0x20d: {  	v38 =	vmov s5;
	s5 =	sadd.s32 $0xFFFFFFF5, s29;
	v40 =	vmov s3;
	s3 =	sadd.s32 $0xFFFFFFF4, s29;
	v60 =	vadd.s32 s1, v18;
	s1 =	sadd.s32 $0x51, s30;
	v59 =	vld.idx.msk [tilespmem:v24+s16+$0x0], $0xffff  }
0x20e: {  	s10 =	sadd.s32 $0xFFFFFFF8, s29;
	v21 =	vmov s5;
	s5 =	sadd.s32 $0xFFFFFFF7, s29;
	v20 =	vmov s3;
	s3 =	sadd.s32 $0xFFFFFFF6, s29;
	v61 =	vadd.s32 s1, v17;
	v52 =	vld.idx.msk [tilespmem:v52+s16+$0x0], $0xffff  }
0x20f: {  	v25 =	vmov s5;
	v17 =	vmov s10;
	s1 =	sadd.s32 $0xFFFFFFF9, s29;
	s5 =	sadd.s32 $0xFFFFFFFB, s29;
	v24 =	vmov s3;
	s3 =	sadd.s32 $0xFFFFFFFA, s29;
	v54 =	vld.idx.msk [tilespmem:v54+s16+$0x0], $0xffff  }
0x210: {  	s30 =	smov.u32 s0;
	v26 =	vmov s1;
	v19 =	vmov s5;
	v18 =	vmov s3;
	v56 =	vld.idx.msk [tilespmem:v56+s16+$0x0], $0xffff  }
0x211: {  	v5 =	vadd.f32 v6, v5;
	v6 =	vadd.f32 v8, v7;
	v7 =	vbroadcast v48, $0x0;
	v58 =	vld.idx.msk [tilespmem:v58+s16+$0x0], $0xffff  }
0x212: {  	v9 =	vadd.f32 v10, v9;
	v10 =	vadd.f32 v12, v11;
	v8 =	vand.u32 $0x7E, v50;
	v48 =	vld.idx.msk [tilespmem:v60+s16+$0x0], $0xffff  }
0x213: {  	v13 =	vadd.f32 v14, v13;
	v14 =	vadd.f32 v22, v15;
	v11 =	vand.u32 $0x1C00, v49;
	v12 =	vld.idx.msk [tilespmem:v61+s16+$0x0], $0xffff  }
0x214: {  	v3 =	vadd.f32 v4, v3;
	v4 =	vadd.f32 v6, v5;
	v15 =	vshll.u32 v50, $0x3  }
0x215: {  	v6 =	vadd.f32 v10, v9;
	v9 =	vadd.f32 v14, v13;
	v5 =	vand.u32 $0x7E, v42  }
0x216: {  	v13 =	vadd.f32 v23, v16;
	v14 =	vadd.f32 v28, v27;
	v10 =	vand.u32 $0x7F, v44  }
0x217: {  	v16 =	vand.u32 $0x7E, v43;
	v22 =	vadd.f32 v51, v29;
	v23 =	vadd.f32 v55, v53  }
0x218: {  	v27 =	vand.u32 $0x7F, v45;
	v28 =	vadd.f32 v59, v57;
	v29 =	vadd.f32 v54, v52  }
0x219: {  	v49 =	vand.u32 $0x7E, v46;
	v50 =	vadd.f32 v58, v56;
	v12 =	vadd.f32 v12, v48  }
0x21a: {  	v13 =	vadd.f32 v14, v13;
	v14 =	vadd.f32 v23, v22;
	v48 =	vand.u32 $0x7F, v47  }
0x21b: {  	v22 =	vshll.u32 v42, $0x3;
	v23 =	vadd.f32 v29, v28;
	v12 =	vadd.f32 v12, v50  }
0x21c: {  	v4 =	vadd.f32 v6, v4;
	v6 =	vadd.f32 v13, v9;
	v28 =	vshll.u32 v44, $0x3  }
0x21d: {  	v9 =	vshll.u32 v43, $0x3;
	v13 =	vadd.f32 v23, v14;
	v3 =	vadd.f32 v3, v12  }
0x21e: {  	v7 =	vor.u32 v2, v7;
	v14 =	vshll.u32 v46, $0x3;
	v12 =	vshll.u32 v45, $0x3  }
0x21f: {  	v15 =	vand.u32 $0x1C00, v15;
	v4 =	vadd.f32 v6, v4;
	v3 =	vadd.f32 v3, v13  }
0x220: {  	v11 =	vor.u32 v41, v11;
	v8 =	vor.u32 v8, v15;
	v6 =	vshll.u32 v47, $0x3  }
0x221: {  	v8 =	vadd.s32 v1, v8;
	v13 =	vand.u32 $0xC00, v22;
	v3 =	vadd.f32 v3, v4  }
0x222: {  	v11 =	vadd.s32 v1, v11;
	v4 =	vor.u32 v5, v13;
	v5 =	vand.u32 $0xC00, v28  }
0x223: {  	v9 =	vand.u32 $0x1C00, v9;
	v4 =	vadd.s32 v1, v4;
	v5 =	vor.u32 v10, v5;
	[tilespmem:v7+s17+$0x0] =	vst.idx.msk $0xffff, v3  }
0x224: {  	v3 =	vadd.s32 v1, v5;
	v5 =	vor.u32 v16, v9;
	v7 =	vand.u32 $0x1C00, v12  }
0x225: {  	v9 =	vand.u32 $0x1C00, v14;
	v5 =	vadd.s32 v1, v5;
	v7 =	vor.u32 v27, v7  }
0x226: {  	v6 =	vand.u32 $0x1C00, v6;
	s1 =	sadd.s32 $0xFFFFFFFC, s29;
	v9 =	vor.u32 v49, v9;
	v7 =	vadd.s32 v1, v7;
	v8 =	vld.idx.msk [tilespmem:v8+s12+$0x0], $0xffff  }
0x227: {  	v15 =	vmov s1;
	s1 =	sadd.s32 $0xFFFFFFFD, s29;
	s3 =	sadd.s32 $0xFFFFFFFE, s29;
	v6 =	vor.u32 v48, v6;
	v9 =	vadd.s32 v1, v9;
	v10 =	vld.idx.msk [tilespmem:v11+s12+$0x0], $0xffff  }
0x228: {  	v6 =	vadd.s32 v1, v6;
	v22 =	vmov s1;
	v16 =	vmov s3;
	v4 =	vld.idx.msk [tilespmem:v4+s12+$0x0], $0xffff  }
0x229: {  	v13 =	vand.u32 $0x7E, v31;
	v12 =	vand.u32 $0x7F, v33;
	v11 =	vand.u32 $0x7E, v30;
	v3 =	vld.idx.msk [tilespmem:v3+s12+$0x0], $0xffff  }
0x22a: {  	v23 =	vand.u32 $0x7E, v32;
	v14 =	vand.u32 $0x7F, v34;
	v27 =	vand.u32 $0x7F, v36;
	v5 =	vld.idx.msk [tilespmem:v5+s12+$0x0], $0xffff  }
0x22b: {  	v41 =	vand.u32 $0x7E, v37;
	v29 =	vand.u32 $0x7F, v39;
	s1 =	sadd.s32 $0x54, s0;
	v28 =	vand.u32 $0x7E, v35;
	v7 =	vld.idx.msk [tilespmem:v7+s12+$0x0], $0xffff  }
0x22c: {  	v43 =	vand.u32 $0x7E, v38;
	v42 =	vand.u32 $0x7F, v40;
	v8 =	vadd.s32 s1, v8;
	s1 =	sadd.s32 $0x57, s0;
	v9 =	vld.idx.msk [tilespmem:v9+s12+$0x0], $0xffff  }
0x22d: {  	v33 =	vshll.u32 v33, $0x3;
	v30 =	vshll.u32 v30, $0x3;
	v10 =	vadd.s32 s1, v10;
	v6 =	vld.idx.msk [tilespmem:v6+s12+$0x0], $0xffff  }
0x22e: {  	v31 =	vshll.u32 v31, $0x3;
	v34 =	vshll.u32 v34, $0x3;
	s1 =	sadd.s32 $0x3, s0;
	v44 =	vadd.s32 s0, v4  }
0x22f: {  	v32 =	vshll.u32 v32, $0x3;
	v36 =	vshll.u32 v36, $0x3;
	v45 =	vadd.s32 s1, v3;
	s1 =	sadd.s32 $0x6, s0  }
0x230: {  	v39 =	vshll.u32 v39, $0x3;
	v35 =	vshll.u32 v35, $0x3;
	v46 =	vadd.s32 s1, v5;
	s1 =	sadd.s32 $0x9, s0  }
0x231: {  	v37 =	vshll.u32 v37, $0x3;
	v40 =	vshll.u32 v40, $0x3;
	v47 =	vadd.s32 s1, v7;
	s1 =	sadd.s32 $0xC, s0;
	v3 =	vld.idx.msk [tilespmem:v8+s16+$0x0], $0xffff  }
0x232: {  	v7 =	vand.u32 $0x1C00, v30;
	v30 =	vshll.u32 v38, $0x3;
	v9 =	vadd.s32 s1, v9;
	s1 =	sadd.s32 $0xF, s0;
	v4 =	vld.idx.msk [tilespmem:v10+s16+$0x0], $0xffff  }
0x233: {  	v7 =	vor.u32 v11, v7;
	v8 =	vand.u32 $0x1C00, v33;
	v10 =	vadd.s32 s1, v6;
	v5 =	vld.idx.msk [tilespmem:v44+s16+$0x0], $0xffff  }
0x234: {  	v11 =	vadd.s32 v1, v7;
	v8 =	vor.u32 v12, v8;
	v12 =	vand.u32 $0x1C00, v31;
	v6 =	vld.idx.msk [tilespmem:v45+s16+$0x0], $0xffff  }
0x235: {  	v31 =	vadd.s32 v1, v8;
	v12 =	vor.u32 v13, v12;
	v13 =	vand.u32 $0x1C00, v34;
	v7 =	vld.idx.msk [tilespmem:v46+s16+$0x0], $0xffff  }
0x236: {  	v12 =	vadd.s32 v1, v12;
	v13 =	vor.u32 v14, v13;
	v14 =	vand.u32 $0x1C00, v32;
	v8 =	vld.idx.msk [tilespmem:v47+s16+$0x0], $0xffff  }
0x237: {  	v13 =	vadd.s32 v1, v13;
	v14 =	vor.u32 v23, v14;
	v23 =	vand.u32 $0x1C00, v36;
	v9 =	vld.idx.msk [tilespmem:v9+s16+$0x0], $0xffff  }
0x238: {  	v14 =	vadd.s32 v1, v14;
	v23 =	vor.u32 v27, v23;
	v27 =	vand.u32 $0x1C00, v35;
	v10 =	vld.idx.msk [tilespmem:v10+s16+$0x0], $0xffff  }
0x239: {  	v23 =	vadd.s32 v1, v23;
	v27 =	vor.u32 v28, v27;
	v28 =	vand.u32 $0x1C00, v39;
	v11 =	vld.idx.msk [tilespmem:v11+s12+$0x0], $0xffff  }
0x23a: {  	v27 =	vadd.s32 v1, v27;
	v28 =	vor.u32 v29, v28;
	v29 =	vand.u32 $0x1C00, v37;
	v31 =	vld.idx.msk [tilespmem:v31+s12+$0x0], $0xffff  }
0x23b: {  	v32 =	vand.u32 $0x1C00, v40;
	v28 =	vadd.s32 v1, v28;
	v29 =	vor.u32 v41, v29;
	v12 =	vld.idx.msk [tilespmem:v12+s12+$0x0], $0xffff  }
0x23c: {  	v30 =	vand.u32 $0x1C00, v30;
	v32 =	vor.u32 v42, v32;
	v29 =	vadd.s32 v1, v29;
	v13 =	vld.idx.msk [tilespmem:v13+s12+$0x0], $0xffff  }
0x23d: {  	v30 =	vor.u32 v43, v30;
	v34 =	vand.u32 $0x7F, v20;
	v33 =	vadd.s32 v1, v32;
	v14 =	vld.idx.msk [tilespmem:v14+s12+$0x0], $0xffff  }
0x23e: {  	s1 =	sadd.s32 $0x12, s0;
	v36 =	vand.u32 $0x7E, v21;
	v35 =	vadd.s32 v1, v30;
	v37 =	vand.u32 $0x7F, v24;
	v23 =	vld.idx.msk [tilespmem:v23+s12+$0x0], $0xffff  }
0x23f: {  	v38 =	vand.u32 $0x7E, v25;
	v39 =	vand.u32 $0x7F, v17;
	v11 =	vadd.s32 s1, v11;
	s1 =	sadd.s32 $0x15, s0;
	v27 =	vld.idx.msk [tilespmem:v27+s12+$0x0], $0xffff  }
0x240: {  	v42 =	vand.u32 $0x7F, v18;
	v41 =	vand.u32 $0x7E, v26;
	v40 =	vadd.s32 s1, v31;
	s1 =	sadd.s32 $0x18, s0;
	v28 =	vld.idx.msk [tilespmem:v28+s12+$0x0], $0xffff  }
0x241: {  	v32 =	vand.u32 $0x7E, v19;
	v30 =	vand.u32 $0x7F, v15;
	v43 =	vadd.s32 s1, v12;
	s1 =	sadd.s32 $0x1B, s0;
	v29 =	vld.idx.msk [tilespmem:v29+s12+$0x0], $0xffff  }
0x242: {  	v31 =	vand.u32 $0x7F, v16;
	v44 =	vadd.s32 s1, v13;
	s1 =	sadd.s32 $0x1E, s0;
	v45 =	vld.idx.msk [tilespmem:v33+s12+$0x0], $0xffff;
	v33 =	vand.u32 $0x7E, v22  }
0x243: {  	v20 =	vshll.u32 v20, $0x3;
	v21 =	vshll.u32 v21, $0x3;
	v46 =	vadd.s32 s1, v14;
	s1 =	sadd.s32 $0x21, s0;
	v35 =	vld.idx.msk [tilespmem:v35+s12+$0x0], $0xffff  }
0x244: {  	v25 =	vshll.u32 v25, $0x3;
	v24 =	vshll.u32 v24, $0x3;
	v23 =	vadd.s32 s1, v23;
	s1 =	sadd.s32 $0x24, s0;
	v11 =	vld.idx.msk [tilespmem:v11+s16+$0x0], $0xffff  }
0x245: {  	v47 =	vshll.u32 v26, $0x3;
	v27 =	vadd.s32 s1, v27;
	s1 =	sadd.s32 $0x27, s0;
	v12 =	vld.idx.msk [tilespmem:v40+s16+$0x0], $0xffff;
	v40 =	vshll.u32 v17, $0x3  }
0x246: {  	v48 =	vshll.u32 v19, $0x3;
	v26 =	vadd.s32 s1, v28;
	s1 =	sadd.s32 $0x2A, s0;
	v13 =	vld.idx.msk [tilespmem:v43+s16+$0x0], $0xffff;
	v43 =	vshll.u32 v18, $0x3  }
0x247: {  	v19 =	vshll.u32 v15, $0x3;
	v28 =	vadd.s32 s1, v29;
	s1 =	sadd.s32 $0x2D, s0;
	v18 =	vshll.u32 v22, $0x3;
	v14 =	vld.idx.msk [tilespmem:v44+s16+$0x0], $0xffff  }
0x248: {  	v20 =	vand.u32 $0x1C00, v20;
	v17 =	vshll.u32 v16, $0x3;
	v29 =	vadd.s32 s1, v45;
	s1 =	sadd.s32 $0x30, s0;
	v15 =	vld.idx.msk [tilespmem:v46+s16+$0x0], $0xffff  }
0x249: {  	v20 =	vor.u32 v34, v20;
	v21 =	vand.u32 $0x1C00, v21;
	v35 =	vadd.s32 s1, v35;
	v22 =	vld.idx.msk [tilespmem:v23+s16+$0x0], $0xffff  }
0x24a: {  	v20 =	vadd.s32 v1, v20;
	v21 =	vor.u32 v36, v21;
	v24 =	vand.u32 $0x1C00, v24;
	v16 =	vld.idx.msk [tilespmem:v27+s16+$0x0], $0xffff  }
.Ltmp6:
0x24b: {  	v34 =	vadd.s32 v1, v21;
	v21 =	vor.u32 v37, v24;
	v24 =	vand.u32 $0x1C00, v25;
	v23 =	vld.idx.msk [tilespmem:v26+s16+$0x0], $0xffff;
	(pc) =	sbr.rel @p0 .LBB2_11-.Ltmp6, $4  }
0x24c: {  	v26 =	vadd.s32 v1, v21;
	v21 =	vor.u32 v38, v24;
	v24 =	vand.u32 $0x1C00, v40;
	v27 =	vld.idx.msk [tilespmem:v28+s16+$0x0], $0xffff  }
0x24d: {  	v36 =	vand.u32 $0x1C00, v47;
	v25 =	vadd.s32 v1, v21;
	v21 =	vor.u32 v39, v24;
	v28 =	vld.idx.msk [tilespmem:v29+s16+$0x0], $0xffff  }
0x24e: {  	v24 =	vadd.s32 v1, v21;
	v21 =	vor.u32 v41, v36;
	v29 =	vld.idx.msk [tilespmem:v35+s16+$0x0], $0xffff;
	v35 =	vand.u32 $0x1C00, v43  }
0x24f: {  	s0 =	sadd.s32 $0x5A, s0;
	v36 =	vand.u32 $0x1C00, v48;
	v21 =	vadd.s32 v1, v21;
	v20 =	vld.idx.msk [tilespmem:v20+s12+$0x0], $0xffff;
	v35 =	vor.u32 v42, v35  }
0x250: {  	_ =	sdelay $0x3  }
0x251: {  	v34 =	vld.idx.msk [tilespmem:v34+s12+$0x0], $0xffff;
	v35 =	vadd.s32 v1, v35;
	v32 =	vor.u32 v32, v36;
	v19 =	vand.u32 $0x1C00, v19  }
0x252: {  	v26 =	vld.idx.msk [tilespmem:v26+s12+$0x0], $0xffff;
	v18 =	vand.u32 $0x1C00, v18;
	v32 =	vadd.s32 v1, v32;
	v19 =	vor.u32 v30, v19  }
0x253: {  	v25 =	vld.idx.msk [tilespmem:v25+s12+$0x0], $0xffff;
	v17 =	vand.u32 $0x1C00, v17;
	v18 =	vor.u32 v33, v18;
	v19 =	vadd.s32 v1, v19  }
0x254: {  	v24 =	vld.idx.msk [tilespmem:v24+s12+$0x0], $0xffff;
	v17 =	vor.u32 v31, v17;
	v18 =	vadd.s32 v1, v18  }
0x255: {  	s0 =	sadd.s32 $0x33, s30;
	v21 =	vld.idx.msk [tilespmem:v21+s12+$0x0], $0xffff;
	v5 =	vadd.f32 v6, v5;
	v17 =	vadd.s32 v1, v17  }
0x256: {  	s1 =	sadd.s32 $0x36, s30;
	v6 =	vadd.f32 v8, v7;
	v8 =	vadd.f32 v10, v9;
	v20 =	vadd.s32 s0, v20;
	v30 =	vld.idx.msk [tilespmem:v35+s12+$0x0], $0xffff  }
0x257: {  	s3 =	sadd.s32 $0x39, s30;
	v9 =	vadd.f32 v12, v11;
	v11 =	vadd.f32 v14, v13;
	v31 =	vadd.s32 s1, v34;
	v32 =	vld.idx.msk [tilespmem:v32+s12+$0x0], $0xffff  }
0x258: {  	s5 =	sadd.s32 $0x3C, s30;
	v12 =	vadd.f32 v22, v15;
	v3 =	vadd.f32 v4, v3;
	v26 =	vadd.s32 s3, v26;
	v19 =	vld.idx.msk [tilespmem:v19+s12+$0x0], $0xffff  }
0x259: {  	s10 =	sadd.s32 $0x3F, s30;
	v4 =	vadd.f32 v6, v5;
	v5 =	vadd.f32 v9, v8;
	v25 =	vadd.s32 s5, v25;
	v18 =	vld.idx.msk [tilespmem:v18+s12+$0x0], $0xffff  }
0x25a: {  	v8 =	vadd.f32 v23, v16;
	v9 =	vadd.f32 v28, v27;
	v24 =	vadd.s32 s10, v24;
	v17 =	vld.idx.msk [tilespmem:v17+s12+$0x0], $0xffff  }
0x25b: {  	v20 =	vld.idx.msk [tilespmem:v20+s16+$0x0], $0xffff  }
0x25c: {  	s31 =	sadd.s32 $0x42, s30;
	v6 =	vadd.f32 v12, v11;
	v8 =	vadd.f32 v9, v8;
	v31 =	vld.idx.msk [tilespmem:v31+s16+$0x0], $0xffff  }
0x25d: {  	v21 =	vadd.s32 s31, v21;
	s31 =	sadd.s32 $0x1, s28;
	v26 =	vld.idx.msk [tilespmem:v26+s16+$0x0], $0xffff  }
0x25e: {  	v4 =	vadd.f32 v5, v4;
	s1 =	sadd.s32 $0x45, s30;
	v5 =	vadd.f32 v8, v6;
	v6 =	vmov s31;
	v25 =	vld.idx.msk [tilespmem:v25+s16+$0x0], $0xffff  }
0x25f: {  	s3 =	sadd.s32 $0x48, s30;
	v6 =	vand.u32 $0x7F, v6;
	v30 =	vadd.s32 s1, v30;
	v24 =	vld.idx.msk [tilespmem:v24+s16+$0x0], $0xffff  }
0x260: {  	s5 =	sadd.s32 $0x4B, s30;
	v6 =	vbroadcast v6, $0x0;
	v32 =	vadd.s32 s3, v32  }
0x261: {  	s10 =	sadd.s32 $0x4E, s30;
	s30 =	sadd.s32 $0x51, s30;
	v4 =	vadd.f32 v5, v4;
	v19 =	vadd.s32 s5, v19  }
0x262: {  	v5 =	vor.u32 v2, v6;
	v18 =	vadd.s32 s10, v18;
	v17 =	vadd.s32 s30, v17;
	s30 =	simm.s32 $0x4  }
0x263: {  	v21 =	vld.idx.msk [tilespmem:v21+s16+$0x0], $0xffff;
	v11 =	vadd.f32 v20, v29;
	v20 =	vmov s30;
	s30 =	simm.s32 $0xA;
	v12 =	vadd.f32 v26, v31  }
0x264: {  	v30 =	vld.idx.msk [tilespmem:v30+s16+$0x0], $0xffff;
	v14 =	vadd.f32 v24, v25;
	v28 =	vmov s30;
	s30 =	simm.s32 $0x10;
	v38 =	vand.u32 $0x7E, v20  }
0x265: {  	s10 =	simm.s32 $0x3;
	v32 =	vld.idx.msk [tilespmem:v32+s16+$0x0], $0xffff;
	v56 =	vmov s30;
	s30 =	simm.s32 $0x14;
	v61 =	vand.u32 $0x7E, v28;
	v28 =	vshll.u32 v28, $0x3  }
0x266: {  	v7 =	vld.idx.msk [tilespmem:v19+s16+$0x0], $0xffff;
	v9 =	vadd.f32 v12, v11;
	v19 =	vmov s10;
	s10 =	simm.s32 $0x9;
	v16 =	vmov s30;
	s30 =	simm.s32 $0x18  }
0x267: {  	v10 =	vld.idx.msk [tilespmem:v18+s16+$0x0], $0xffff;
	v43 =	vand.u32 $0x7E, v56;
	v27 =	vmov s10;
	v12 =	vmov s30  }
0x268: {  	v13 =	vld.idx.msk [tilespmem:v17+s16+$0x0], $0xffff;
	s10 =	simm.s32 $0xF;
	v37 =	vand.u32 $0x7F, v19;
	v52 =	vand.u32 $0x7E, v16;
	v16 =	vshll.u32 v16, $0x3  }
0x269: {  	s31 =	simm.s32 $0x5;
	v55 =	vmov s10;
	v60 =	vand.u32 $0x7F, v27;
	v27 =	vshll.u32 v27, $0x3  }
0x26a: {  	v16 =	vand.u32 $0x1C00, v16;
	v15 =	vadd.f32 v30, v21;
	v21 =	vmov s31  }
0x26b: {  	s31 =	simm.s32 $0xB;
	v42 =	vand.u32 $0x7F, v55;
	v33 =	vshll.u32 v55, $0x3;
	v16 =	vor.u32 v52, v16  }
0x26c: {  	v29 =	vmov s31;
	v39 =	vand.u32 $0x7F, v21;
	v48 =	vand.u32 $0x1C00, v33  }
0x26d: {  	s10 =	simm.s32 $0x13;
	s31 =	simm.s32 $0x11;
	v16 =	vadd.s32 v1, v16;
	v7 =	vadd.f32 v7, v32;
	v10 =	vadd.f32 v13, v10  }
0x26e: {  	v11 =	vadd.f32 v15, v14;
	v14 =	vmov s31;
	s31 =	simm.s32 $0x15;
	v15 =	vmov s10  }
0x26f: {  	v62 =	vand.u32 $0x7F, v29;
	v29 =	vshll.u32 v29, $0x3;
	v13 =	vmov s31  }
0x270: {  	v49 =	vand.u32 $0x7F, v14;
	v51 =	vand.u32 $0x7F, v15;
	v14 =	vshll.u32 v14, $0x3  }
0x271: {  	s5 =	simm.s32 $0x1;
	s10 =	simm.s32 $0x17;
	v15 =	vshll.u32 v15, $0x3;
	v7 =	vadd.f32 v10, v7;
	v8 =	vadd.f32 v11, v9  }
0x272: {  	v9 =	vmov s5;
	v11 =	vmov s10;
	v53 =	vand.u32 $0x7F, v13  }
0x273: {  	s5 =	simm.s32 $0x8;
	v13 =	vshll.u32 v13, $0x3;
	v14 =	vand.u32 $0x1C00, v14;
	v15 =	vand.u32 $0x1C00, v15  }
0x274: {  	v26 =	vmov s5;
	v57 =	vand.u32 $0x7F, v9;
	v9 =	vshll.u32 v9, $0x3  }
0x275: {  	v55 =	vand.u32 $0x7F, v11;
	v11 =	vshll.u32 v11, $0x3;
	v14 =	vor.u32 v49, v14  }
0x276: {  	s3 =	simm.s32 $0x0;
	s5 =	simm.s32 $0xE;
	v15 =	vor.u32 v51, v15;
	v13 =	vand.u32 $0x1C00, v13;
	v3 =	vadd.f32 v3, v7  }
0x277: {  	v7 =	vmov s3;
	v54 =	vmov s5;
	v59 =	vand.u32 $0x7E, v26  }
0x278: {  	s3 =	simm.s32 $0x2;
	v26 =	vshll.u32 v26, $0x3;
	v14 =	vadd.s32 v1, v14;
	v15 =	vadd.s32 v1, v15  }
0x279: {  	s5 =	simm.s32 $0x12;
	v13 =	vor.u32 v53, v13;
	v11 =	vand.u32 $0x1C00, v11;
	v10 =	vmov s3  }
0x27a: {  	v18 =	vmov s5;
	v24 =	vand.u32 $0x7E, v7;
	v3 =	vadd.f32 v3, v8  }
0x27b: {  	s1 =	simm.s32 $0x1D;
	v7 =	vshll.u32 v7, $0x3;
	v41 =	vand.u32 $0x7E, v54;
	v32 =	vshll.u32 v54, $0x3  }
0x27c: {  	v13 =	vadd.s32 v1, v13;
	v3 =	vadd.f32 v3, v4;
	v4 =	vmov s1;
	s1 =	simm.s32 $0x1C  }
0x27d: {  	s31 =	sshll.u32 s26, $0x7;
	v58 =	vand.u32 $0x7E, v10;
	v6 =	vand.u32 $0x7F, v4;
	v8 =	vmov s1  }
0x27e: {  	s26 =	simm.s32 $0x0;
	s0 =	sadd.s32 s6, s31;
	v4 =	vshll.u32 v4, $0x3;
	v22 =	vand.u32 $0x7E, v8;
	v8 =	vshll.u32 v8, $0x3;
	[tilespmem:v5+s17+$0x0] =	vst.idx.msk $0xffff, v3  }
0x27f: {  	v50 =	vand.u32 $0x7E, v18;
	v4 =	vand.u32 $0x1C00, v4;
	v8 =	vand.u32 $0x1C00, v8;
	[hbm4b:s0+s26] =	stream.linear.scatter [tilespmem:s17], [sflag:$0x5], $0x800, $0x38;
	[tilespmem:$0x7B00] =	vst v63  }
0x280: {  	v3 =	vshll.u32 v10, $0x3;
	v5 =	vshll.u32 v19, $0x3;
	v8 =	vor.u32 v22, v8;
	_ =	swait.ge [sflag:s9], $0x800  }
0x281: {  	v4 =	vor.u32 v6, v4;
	v6 =	vand.u32 $0xC00, v7;
	v7 =	vadd.s32 v1, v8;
	[sflag:s9] =	ssyncset.done $0x0  }
0x282: {  	v3 =	vand.u32 $0x1C00, v3;
	v6 =	vor.u32 v24, v6;
	v4 =	vadd.s32 v1, v4;
	[sflag:s9] =	ssyncadd.s32 $0xFFFFF800  }
0x283: {  	v5 =	vand.u32 $0x1C00, v5;
	v3 =	vor.u32 v58, v3;
	v6 =	vadd.s32 v1, v6;
	_ =	swait.ge [sflag:s19], $0x1800  }
0x284: {  	v18 =	vshll.u32 v18, $0x3;
	v5 =	vor.u32 v37, v5;
	v3 =	vadd.s32 v1, v3;
	[sflag:s19] =	ssyncset.done $0x0  }
0x285: {  	s3 =	simm.s32 $0x7;
	s5 =	simm.s32 $0x16;
	v11 =	vor.u32 v55, v11;
	v18 =	vand.u32 $0x1C00, v18;
	v5 =	vadd.s32 v1, v5;
	[sflag:s19] =	ssyncadd.s32 $0xFFFFE800  }
0x286: {  	v25 =	vmov s3;
	v17 =	vmov s5;
	v18 =	vor.u32 v50, v18;
	v7 =	vld.idx.msk [tilespmem:v7+s13+$0x0], $0xffff  }
0x287: {  	s3 =	simm.s32 $0xD;
	v11 =	vadd.s32 v1, v11;
	v18 =	vadd.s32 v1, v18;
	v8 =	vand.u32 $0xC00, v9;
	v4 =	vld.idx.msk [tilespmem:v4+s13+$0x0], $0xffff  }
0x288: {  	v31 =	vmov s3;
	v10 =	vshll.u32 v20, $0x3;
	v8 =	vor.u32 v57, v8;
	v6 =	vld.idx.msk [tilespmem:v6+s13+$0x0], $0xffff  }
0x289: {  	v19 =	vshll.u32 v21, $0x3;
	v9 =	vand.u32 $0x1C00, v10;
	v8 =	vadd.s32 v1, v8;
	v3 =	vld.idx.msk [tilespmem:v3+s13+$0x0], $0xffff  }
0x28a: {  	v54 =	vand.u32 $0x7E, v17;
	v10 =	vand.u32 $0x1C00, v19;
	v9 =	vor.u32 v38, v9;
	v5 =	vld.idx.msk [tilespmem:v5+s13+$0x0], $0xffff  }
0x28b: {  	v17 =	vshll.u32 v17, $0x3;
	v10 =	vor.u32 v39, v10;
	v9 =	vadd.s32 v1, v9;
	v14 =	vld.idx.msk [tilespmem:v14+s13+$0x0], $0xffff  }
0x28c: {  	v40 =	vand.u32 $0x7F, v31;
	v17 =	vand.u32 $0x1C00, v17;
	s1 =	simm.s32 $0x6;
	v10 =	vadd.s32 v1, v10;
	v18 =	vld.idx.msk [tilespmem:v18+s13+$0x0], $0xffff  }
0x28d: {  	v31 =	vshll.u32 v31, $0x3;
	v17 =	vor.u32 v54, v17;
	v23 =	vmov s1;
	s1 =	simm.s32 $0xC;
	v15 =	vld.idx.msk [tilespmem:v15+s13+$0x0], $0xffff  }
0x28e: {  	s3 =	simm.s32 $0x1A;
	v20 =	vand.u32 $0x7F, v25;
	v17 =	vadd.s32 v1, v17;
	v30 =	vmov s1;
	s1 =	simm.s32 $0x19;
	v8 =	vld.idx.msk [tilespmem:v8+s13+$0x0], $0xffff  }
0x28f: {  	s10 =	simm.s32 $0x54;
	s5 =	simm.s32 $0x1B;
	v25 =	vshll.u32 v25, $0x3;
	v21 =	vmov s1;
	v24 =	vmov s3;
	v16 =	vld.idx.msk [tilespmem:v16+s13+$0x0], $0xffff  }
0x290: {  	s30 =	simm.s32 $0x57;
	v22 =	vmov s5;
	v19 =	vand.u32 $0x7E, v23;
	v9 =	vld.idx.msk [tilespmem:v9+s13+$0x0], $0xffff;
	v7 =	vadd.s32 s10, v7  }
0x291: {  	v57 =	vand.u32 $0x7F, v21;
	v21 =	vshll.u32 v21, $0x3;
	v10 =	vld.idx.msk [tilespmem:v10+s13+$0x0], $0xffff;
	v4 =	vadd.s32 s30, v4  }
0x292: {  	s31 =	simm.s32 $0x3;
	s1 =	simm.s32 $0x6;
	s3 =	simm.s32 $0x9;
	v23 =	vshll.u32 v23, $0x3;
	v21 =	vand.u32 $0x1C00, v21;
	v13 =	vld.idx.msk [tilespmem:v13+s13+$0x0], $0xffff;
	v6 =	vadd.s32 s26, v6  }
0x293: {  	v17 =	vld.idx.msk [tilespmem:v17+s13+$0x0], $0xffff;
	v44 =	vadd.s32 s1, v3;
	v45 =	vadd.s32 s3, v5;
	v8 =	vadd.s32 s31, v8  }
0x294: {  	s5 =	simm.s32 $0xC;
	v11 =	vld.idx.msk [tilespmem:v11+s13+$0x0], $0xffff;
	v5 =	vand.u32 $0x1C00, v23;
	v23 =	vshll.u32 v56, $0x3;
	v56 =	vand.u32 $0x7E, v12  }
0x295: {  	s10 =	simm.s32 $0xF;
	v12 =	vshll.u32 v12, $0x3;
	v23 =	vand.u32 $0x1C00, v23;
	v9 =	vadd.s32 s5, v9;
	v3 =	vld.idx.msk [tilespmem:v7+s16+$0x0], $0xffff  }
0x296: {  	v12 =	vand.u32 $0x1C00, v12;
	v10 =	vadd.s32 s10, v10;
	v23 =	vor.u32 v43, v23;
	v4 =	vld.idx.msk [tilespmem:v4+s16+$0x0], $0xffff  }
0x297: {  	v12 =	vor.u32 v56, v12;
	v7 =	vor.u32 v19, v5;
	v19 =	vand.u32 $0x1C00, v25;
	v5 =	vld.idx.msk [tilespmem:v6+s16+$0x0], $0xffff  }
0x298: {  	v23 =	vadd.s32 v1, v23;
	v25 =	vadd.s32 v1, v7;
	v7 =	vor.u32 v20, v19;
	v6 =	vld.idx.msk [tilespmem:v8+s16+$0x0], $0xffff  }
0x299: {  	v21 =	vor.u32 v57, v21;
	v12 =	vadd.s32 v1, v12;
	v20 =	vadd.s32 v1, v7;
	v7 =	vld.idx.msk [tilespmem:v44+s16+$0x0], $0xffff  }
0x29a: {  	v63 =	vand.u32 $0x7E, v30;
	v21 =	vadd.s32 v1, v21;
	v19 =	vand.u32 $0x1C00, v26;
	v9 =	vld.idx.msk [tilespmem:v9+s16+$0x0], $0xffff  }
0x29b: {  	v30 =	vshll.u32 v30, $0x3;
	v8 =	vor.u32 v59, v19;
	v19 =	vand.u32 $0x1C00, v27;
	v10 =	vld.idx.msk [tilespmem:v10+s16+$0x0], $0xffff  }
0x29c: {  	v27 =	vand.u32 $0x1C00, v28;
	v28 =	vand.u32 $0x1C00, v29;
	v26 =	vadd.s32 v1, v8;
	v8 =	vld.idx.msk [tilespmem:v45+s16+$0x0], $0xffff  }
0x29d: {  	v29 =	vand.u32 $0x1C00, v30;
	v30 =	vand.u32 $0x1C00, v31;
	v19 =	vor.u32 v60, v19;
	v46 =	vld.idx.msk [tilespmem:v23+s13+$0x0], $0xffff  }
0x29e: {  	v31 =	vand.u32 $0x1C00, v32;
	v27 =	vor.u32 v61, v27;
	v12 =	vld.idx.msk [tilespmem:v12+s13+$0x0], $0xffff;
	v19 =	vadd.s32 v1, v19  }
0x29f: {  	v32 =	vor.u32 v42, v48;
	v28 =	vor.u32 v62, v28;
	v62 =	vld.idx.msk [tilespmem:v21+s13+$0x0], $0xffff;
	v27 =	vadd.s32 v1, v27  }
0x2a0: {  	v59 =	vand.u32 $0x7E, v24;
	v29 =	vor.u32 v63, v29;
	v28 =	vadd.s32 v1, v28;
	v25 =	vld.idx.msk [tilespmem:v25+s13+$0x0], $0xffff  }
0x2a1: {  	v24 =	vshll.u32 v24, $0x3;
	v30 =	vor.u32 v40, v30;
	v29 =	vadd.s32 v1, v29;
	v20 =	vld.idx.msk [tilespmem:v20+s13+$0x0], $0xffff  }
0x2a2: {  	v31 =	vor.u32 v41, v31;
	v32 =	vadd.s32 v1, v32;
	v30 =	vadd.s32 v1, v30;
	v26 =	vld.idx.msk [tilespmem:v26+s13+$0x0], $0xffff  }
0x2a3: {  	v60 =	vand.u32 $0x7F, v22;
	v22 =	vshll.u32 v22, $0x3;
	v24 =	vand.u32 $0x1C00, v24;
	v19 =	vld.idx.msk [tilespmem:v19+s13+$0x0], $0xffff  }
0x2a4: {  	v31 =	vadd.s32 v1, v31;
	v24 =	vor.u32 v59, v24;
	v22 =	vand.u32 $0x1C00, v22;
	v27 =	vld.idx.msk [tilespmem:v27+s13+$0x0], $0xffff  }
0x2a5: {  	v24 =	vadd.s32 v1, v24;
	v22 =	vor.u32 v60, v22;
	v28 =	vld.idx.msk [tilespmem:v28+s13+$0x0], $0xffff  }
0x2a6: {  	s30 =	simm.s32 $0x12;
	v22 =	vadd.s32 v1, v22;
	v29 =	vld.idx.msk [tilespmem:v29+s13+$0x0], $0xffff  }
0x2a7: {  	s31 =	simm.s32 $0x15;
	v30 =	vld.idx.msk [tilespmem:v30+s13+$0x0], $0xffff;
	v25 =	vadd.s32 s30, v25  }
0x2a8: {  	s1 =	simm.s32 $0x18;
	v3 =	vadd.f32 v4, v3;
	v32 =	vld.idx.msk [tilespmem:v32+s13+$0x0], $0xffff;
	v20 =	vadd.s32 s31, v20  }
0x2a9: {  	s3 =	simm.s32 $0x1B;
	s5 =	simm.s32 $0x1E;
	v5 =	vadd.f32 v6, v5;
	v6 =	vadd.f32 v8, v7;
	v31 =	vld.idx.msk [tilespmem:v31+s13+$0x0], $0xffff;
	v26 =	vadd.s32 s1, v26  }
0x2aa: {  	s10 =	simm.s32 $0x21;
	v9 =	vadd.f32 v10, v9;
	v50 =	vld.idx.msk [tilespmem:v24+s13+$0x0], $0xffff;
	v58 =	vadd.s32 s3, v19;
	v61 =	vadd.s32 s5, v27;
	s5 =	simm.s32 $0x30  }
0x2ab: {  	v4 =	vadd.f32 v6, v5;
	s30 =	simm.s32 $0x24;
	v52 =	vld.idx.msk [tilespmem:v22+s13+$0x0], $0xffff;
	s31 =	simm.s32 $0x27;
	v28 =	vadd.s32 s10, v28;
	s10 =	simm.s32 $0x33;
	v46 =	vadd.s32 s5, v46  }
0x2ac: {  	v14 =	vadd.s32 s10, v14;
	s10 =	simm.s32 $0x36;
	s5 =	simm.s32 $0x20;
	v19 =	vld.idx.msk [tilespmem:v25+s16+$0x0], $0xffff;
	v25 =	vadd.s32 s30, v29;
	v29 =	vadd.s32 s31, v30;
	s30 =	simm.s32 $0x1E  }
0x2ad: {  	s31 =	simm.s32 $0x3A;
	v18 =	vadd.s32 s10, v18;
	v47 =	vmov s5;
	s5 =	simm.s32 $0x22;
	s10 =	simm.s32 $0x3C;
	v20 =	vld.idx.msk [tilespmem:v20+s16+$0x0], $0xffff;
	v44 =	vmov s30  }
0x2ae: {  	s1 =	simm.s32 $0x2A;
	s3 =	simm.s32 $0x2D;
	v45 =	vmov s31;
	s31 =	simm.s32 $0x39;
	v49 =	vmov s5;
	v16 =	vadd.s32 s10, v16;
	v23 =	vld.idx.msk [tilespmem:v26+s16+$0x0], $0xffff  }
0x2af: {  	s5 =	simm.s32 $0x3F;
	v26 =	vadd.s32 s1, v31;
	v31 =	vadd.s32 s3, v32;
	v15 =	vadd.s32 s31, v15;
	v27 =	vld.idx.msk [tilespmem:v58+s16+$0x0], $0xffff  }
0x2b0: {  	s3 =	simm.s32 $0x21;
	s31 =	simm.s32 $0x24;
	v13 =	vadd.s32 s5, v13;
	s5 =	simm.s32 $0x28;
	v63 =	vand.u32 $0x7E, v45;
	v5 =	vand.u32 $0x7E, v44;
	v32 =	vld.idx.msk [tilespmem:v61+s16+$0x0], $0xffff  }
0x2b1: {  	s30 =	simm.s32 $0x1F;
	v36 =	vld.idx.msk [tilespmem:v28+s16+$0x0], $0xffff;
	v48 =	vmov s3;
	v21 =	vmov s31;
	s31 =	simm.s32 $0x42;
	v24 =	vmov s5;
	s5 =	simm.s32 $0x48  }
0x2b2: {  	v40 =	vld.idx.msk [tilespmem:v46+s16+$0x0], $0xffff;
	v46 =	vmov s30;
	s30 =	simm.s32 $0x23;
	v17 =	vadd.s32 s31, v17;
	s31 =	simm.s32 $0x2A;
	v55 =	vadd.s32 s5, v12  }
0x2b3: {  	s1 =	simm.s32 $0x34;
	s5 =	simm.s32 $0x2E;
	v30 =	vld.idx.msk [tilespmem:v25+s16+$0x0], $0xffff;
	v25 =	vmov s26;
	v51 =	vmov s30;
	v28 =	vmov s31  }
0x2b4: {  	s10 =	simm.s32 $0x25;
	s30 =	simm.s32 $0x26;
	v54 =	vld.idx.msk [tilespmem:v18+s16+$0x0], $0xffff;
	s31 =	simm.s32 $0x4B;
	v33 =	vmov s5;
	v18 =	vmov s1;
	v42 =	vand.u32 $0x7F, v25  }
0x2b5: {  	s28 =	simm.s32 $0x3B;
	v53 =	vld.idx.msk [tilespmem:v14+s16+$0x0], $0xffff;
	s5 =	simm.s32 $0x51;
	v25 =	vmov s10;
	v22 =	vmov s30;
	v57 =	vadd.s32 s31, v62  }
0x2b6: {  	s10 =	simm.s32 $0x45;
	s30 =	simm.s32 $0x29;
	s31 =	simm.s32 $0x30;
	v52 =	vadd.s32 s5, v52;
	v10 =	vadd.f32 v20, v19;
	v38 =	vld.idx.msk [tilespmem:v26+s16+$0x0], $0xffff;
	v26 =	vmov s28  }
0x2b7: {  	v35 =	vld.idx.msk [tilespmem:v29+s16+$0x0], $0xffff;
	s5 =	simm.s32 $0x36;
	v14 =	vadd.s32 s10, v11;
	v29 =	vmov s30;
	v12 =	vmov s31  }
0x2b8: {  	s3 =	simm.s32 $0x27;
	s10 =	simm.s32 $0x2B;
	v56 =	vld.idx.msk [tilespmem:v15+s16+$0x0], $0xffff;
	v15 =	vmov s5;
	v7 =	vbroadcast v42, $0x0;
	v41 =	vand.u32 $0x7F, v26  }
0x2b9: {  	v39 =	vld.idx.msk [tilespmem:v31+s16+$0x0], $0xffff;
	s30 =	simm.s32 $0x2C;
	s31 =	simm.s32 $0x33;
	v43 =	vshll.u32 v26, $0x3;
	v26 =	vmov s3;
	v34 =	vmov s10  }
0x2ba: {  	v59 =	vld.idx.msk [tilespmem:v13+s16+$0x0], $0xffff;
	v31 =	vmov s30;
	v13 =	vmov s31;
	v23 =	vadd.f32 v27, v23  }
0x2bb: {  	s3 =	simm.s32 $0x2D;
	s10 =	simm.s32 $0x4E;
	s30 =	simm.s32 $0x2F;
	v27 =	vadd.f32 v36, v32;
	v6 =	vadd.f32 v10, v9;
	v10 =	vand.u32 $0x7F, v46  }
0x2bc: {  	v58 =	vld.idx.msk [tilespmem:v16+s16+$0x0], $0xffff;
	v37 =	vmov s3;
	v50 =	vadd.s32 s10, v50;
	v11 =	vmov s30  }
0x2bd: {  	s10 =	simm.s32 $0x31;
	s30 =	simm.s32 $0x32;
	v60 =	vld.idx.msk [tilespmem:v17+s16+$0x0], $0xffff;
	v20 =	vand.u32 $0x1C00, v43;
	v53 =	vadd.f32 v53, v40;
	v7 =	vor.u32 v2, v7  }
0x2be: {  	v55 =	vld.idx.msk [tilespmem:v55+s16+$0x0], $0xffff;
	v16 =	vmov s10;
	v17 =	vmov s30;
	v9 =	vadd.f32 v27, v23  }
0x2bf: {  	s3 =	simm.s32 $0x35;
	v23 =	vadd.f32 v35, v30;
	v30 =	vand.u32 $0x7E, v47;
	v20 =	vor.u32 v41, v20;
	v8 =	vld.idx.msk [tilespmem:v57+s16+$0x0], $0xffff  }
0x2c0: {  	v4 =	vadd.f32 v6, v4;
	v20 =	vadd.s32 v1, v20;
	v61 =	vld.idx.msk [tilespmem:v14+s16+$0x0], $0xffff;
	v14 =	vmov s3  }
0x2c1: {  	v27 =	vadd.f32 v39, v38;
	v54 =	vadd.f32 v56, v54;
	v56 =	vand.u32 $0x7F, v48;
	v19 =	vld.idx.msk [tilespmem:v50+s16+$0x0], $0xffff  }
0x2c2: {  	v57 =	vadd.f32 v59, v58;
	v59 =	vand.u32 $0x7E, v49;
	v50 =	vld.idx.msk [tilespmem:v52+s16+$0x0], $0xffff;
	v52 =	vshll.u32 v45, $0x3  }
0x2c3: {  	v23 =	vadd.f32 v27, v23;
	v27 =	vadd.f32 v54, v53;
	v53 =	vand.u32 $0x7E, v31  }
0x2c4: {  	v54 =	vand.u32 $0x7F, v37;
	v31 =	vshll.u32 v31, $0x3;
	v37 =	vshll.u32 v37, $0x3  }
0x2c5: {  	v36 =	vand.u32 $0x1C00, v52;
	v31 =	vand.u32 $0x1C00, v31;
	v8 =	vadd.f32 v8, v55  }
0x2c6: {  	v6 =	vadd.f32 v23, v9;
	v9 =	vshll.u32 v47, $0x3;
	v31 =	vor.u32 v53, v31  }
0x2c7: {  	v58 =	vadd.f32 v61, v60;
	v60 =	vand.u32 $0x7F, v51;
	v61 =	vshll.u32 v44, $0x3  }
0x2c8: {  	v9 =	vand.u32 $0x1C00, v9;
	v31 =	vadd.s32 v1, v31;
	v19 =	vadd.f32 v50, v19  }
0x2c9: {  	v4 =	vadd.f32 v6, v4;
	v6 =	vshll.u32 v51, $0x3;
	v35 =	vand.u32 $0xC00, v61  }
0x2ca: {  	v9 =	vor.u32 v30, v9;
	v62 =	vadd.f32 v58, v57;
	v8 =	vadd.f32 v19, v8  }
0x2cb: {  	v51 =	vand.u32 $0x7E, v28;
	v9 =	vadd.s32 v1, v9;
	v6 =	vand.u32 $0x1C00, v6  }
0x2cc: {  	v6 =	vor.u32 v60, v6;
	v23 =	vadd.f32 v62, v27;
	v3 =	vadd.f32 v3, v8  }
0x2cd: {  	v19 =	vshll.u32 v46, $0x3;
	v27 =	vshll.u32 v49, $0x3;
	v49 =	vand.u32 $0x7E, v24  }
0x2ce: {  	v24 =	vshll.u32 v24, $0x3;
	v3 =	vadd.f32 v3, v23;
	v23 =	vor.u32 v63, v36  }
0x2cf: {  	v6 =	vadd.s32 v1, v6;
	v24 =	vand.u32 $0x1C00, v24;
	v23 =	vadd.s32 v1, v23  }
0x2d0: {  	v3 =	vadd.f32 v3, v4;
	v4 =	vor.u32 v5, v35;
	v5 =	vand.u32 $0xC00, v19  }
0x2d1: {  	v24 =	vor.u32 v49, v24;
	v5 =	vor.u32 v10, v5;
	v10 =	vand.u32 $0x1C00, v27  }
0x2d2: {  	v8 =	vshll.u32 v48, $0x3;
	v24 =	vadd.s32 v1, v24;
	[tilespmem:v7+s17+$0x0] =	vst.idx.msk $0xffff, v3;
	v7 =	vor.u32 v59, v10  }
0x2d3: {  	v50 =	vand.u32 $0x7F, v29;
	v8 =	vand.u32 $0x1C00, v8;
	v7 =	vadd.s32 v1, v7;
	v10 =	vld.idx.msk [tilespmem:v20+s13+$0x0], $0xffff  }
0x2d4: {  	v29 =	vshll.u32 v29, $0x3;
	v8 =	vor.u32 v56, v8;
	v4 =	vadd.s32 v1, v4;
	v9 =	vld.idx.msk [tilespmem:v9+s13+$0x0], $0xffff  }
0x2d5: {  	v28 =	vshll.u32 v28, $0x3;
	v29 =	vand.u32 $0x1C00, v29;
	v3 =	vadd.s32 v1, v8;
	v8 =	vld.idx.msk [tilespmem:v23+s13+$0x0], $0xffff  }
0x2d6: {  	v28 =	vand.u32 $0x1C00, v28;
	v29 =	vor.u32 v50, v29;
	v5 =	vadd.s32 v1, v5;
	v6 =	vld.idx.msk [tilespmem:v6+s13+$0x0], $0xffff  }
0x2d7: {  	v28 =	vor.u32 v51, v28;
	v60 =	vand.u32 $0x1C00, v37;
	v29 =	vadd.s32 v1, v29;
	v24 =	vld.idx.msk [tilespmem:v24+s13+$0x0], $0xffff  }
0x2d8: {  	v30 =	vand.u32 $0x7F, v25;
	v28 =	vadd.s32 v1, v28;
	v32 =	vor.u32 v54, v60;
	v7 =	vld.idx.msk [tilespmem:v7+s13+$0x0], $0xffff  }
0x2d9: {  	s1 =	simm.s32 $0xAE;
	s10 =	simm.s32 $0x37;
	v25 =	vshll.u32 v25, $0x3;
	v32 =	vadd.s32 v1, v32;
	v63 =	vand.u32 $0x7E, v22;
	v4 =	vld.idx.msk [tilespmem:v4+s13+$0x0], $0xffff  }
0x2da: {  	v22 =	vshll.u32 v22, $0x3;
	v19 =	vmov s10;
	s10 =	simm.s32 $0x60;
	v3 =	vld.idx.msk [tilespmem:v3+s13+$0x0], $0xffff;
	v8 =	vadd.s32 s1, v8  }
0x2db: {  	s31 =	simm.s32 $0x39;
	v48 =	vand.u32 $0x7F, v26;
	v22 =	vand.u32 $0x1C00, v22;
	v5 =	vld.idx.msk [tilespmem:v5+s13+$0x0], $0xffff;
	v9 =	vadd.s32 s10, v9  }
0x2dc: {  	s3 =	simm.s32 $0xB1;
	v27 =	vand.u32 $0x7E, v21;
	v21 =	vshll.u32 v21, $0x3;
	v20 =	vmov s31;
	s31 =	simm.s32 $0x66;
	v29 =	vld.idx.msk [tilespmem:v29+s13+$0x0], $0xffff  }
0x2dd: {  	s29 =	simm.s32 $0x5A;
	s30 =	simm.s32 $0x38;
	v28 =	vld.idx.msk [tilespmem:v28+s13+$0x0], $0xffff;
	v10 =	vadd.s32 s3, v10;
	v59 =	vadd.s32 s31, v7;
	v7 =	vand.u32 $0x1C00, v21  }
0x2de: {  	v53 =	vld.idx.msk [tilespmem:v31+s13+$0x0], $0xffff;
	v23 =	vmov s30;
	s30 =	simm.s32 $0x63;
	v56 =	vadd.s32 s29, v4;
	v7 =	vor.u32 v27, v7  }
0x2df: {  	s5 =	simm.s32 $0x5D;
	v58 =	vadd.s32 s30, v3;
	v3 =	vld.idx.msk [tilespmem:v8+s16+$0x0], $0xffff;
	v8 =	vand.u32 $0x1C00, v25;
	v25 =	vadd.s32 v1, v7  }
0x2e0: {  	v26 =	vshll.u32 v26, $0x3;
	v57 =	vadd.s32 s5, v5;
	v7 =	vld.idx.msk [tilespmem:v9+s16+$0x0], $0xffff;
	v9 =	vor.u32 v63, v22  }
0x2e1: {  	v54 =	vld.idx.msk [tilespmem:v32+s13+$0x0], $0xffff;
	v8 =	vor.u32 v30, v8;
	v22 =	vand.u32 $0x1C00, v26;
	v26 =	vadd.s32 v1, v9  }
0x2e2: {  	v4 =	vld.idx.msk [tilespmem:v10+s16+$0x0], $0xffff;
	v27 =	vadd.s32 v1, v8;
	v22 =	vor.u32 v48, v22  }
0x2e3: {  	v52 =	vand.u32 $0x7F, v34;
	v34 =	vshll.u32 v34, $0x3;
	v5 =	vld.idx.msk [tilespmem:v56+s16+$0x0], $0xffff;
	v22 =	vadd.s32 v1, v22  }
0x2e4: {  	s1 =	simm.s32 $0x69;
	v30 =	vand.u32 $0x1C00, v34;
	v25 =	vld.idx.msk [tilespmem:v25+s13+$0x0], $0xffff  }
0x2e5: {  	v21 =	vshll.u32 v33, $0x3;
	v10 =	vadd.s32 s1, v6;
	v30 =	vor.u32 v52, v30;
	v6 =	vld.idx.msk [tilespmem:v57+s16+$0x0], $0xffff  }
0x2e6: {  	v55 =	vand.u32 $0x7E, v33;
	v21 =	vand.u32 $0x1C00, v21;
	v30 =	vadd.s32 v1, v30;
	v26 =	vld.idx.msk [tilespmem:v26+s13+$0x0], $0xffff  }
0x2e7: {  	v38 =	vand.u32 $0x7F, v13;
	v21 =	vor.u32 v55, v21;
	v27 =	vld.idx.msk [tilespmem:v27+s13+$0x0], $0xffff  }
0x2e8: {  	v61 =	vand.u32 $0x7F, v11;
	v37 =	vand.u32 $0x7E, v17;
	s3 =	simm.s32 $0x6C;
	v21 =	vadd.s32 v1, v21;
	v22 =	vld.idx.msk [tilespmem:v22+s13+$0x0], $0xffff  }
0x2e9: {  	v60 =	vshll.u32 v15, $0x3;
	v36 =	vand.u32 $0x7F, v16;
	s31 =	simm.s32 $0x78;
	v8 =	vld.idx.msk [tilespmem:v58+s16+$0x0], $0xffff;
	v25 =	vadd.s32 s3, v25  }
0x2ea: {  	v35 =	vand.u32 $0x7E, v12;
	v31 =	vand.u32 $0x7F, v19;
	s10 =	simm.s32 $0x72;
	v24 =	vadd.s32 s31, v24;
	v9 =	vld.idx.msk [tilespmem:v59+s16+$0x0], $0xffff  }
0x2eb: {  	v32 =	vand.u32 $0x7E, v23;
	s5 =	simm.s32 $0x6F;
	v33 =	vand.u32 $0x7E, v15;
	v62 =	vld.idx.msk [tilespmem:v30+s13+$0x0], $0xffff;
	v26 =	vadd.s32 s10, v26  }
0x2ec: {  	s30 =	simm.s32 $0x75;
	v63 =	vand.u32 $0x7E, v18;
	v55 =	vshll.u32 v11, $0x3;
	v10 =	vld.idx.msk [tilespmem:v10+s16+$0x0], $0xffff;
	v27 =	vadd.s32 s5, v27  }
0x2ed: {  	s1 =	simm.s32 $0x7B;
	v52 =	vand.u32 $0x7F, v14;
	v56 =	vshll.u32 v12, $0x3;
	v21 =	vld.idx.msk [tilespmem:v21+s13+$0x0], $0xffff;
	v22 =	vadd.s32 s30, v22  }
0x2ee: {  	v57 =	vshll.u32 v17, $0x3;
	v58 =	vshll.u32 v18, $0x3;
	s3 =	simm.s32 $0x7E;
	v11 =	vld.idx.msk [tilespmem:v25+s16+$0x0], $0xffff;
	v25 =	vadd.s32 s1, v29  }
0x2ef: {  	v17 =	vshll.u32 v23, $0x3;
	v15 =	vld.idx.msk [tilespmem:v24+s16+$0x0], $0xffff;
	s5 =	simm.s32 $0x81;
	v29 =	vshll.u32 v16, $0x3;
	v16 =	vadd.s32 s3, v28  }
0x2f0: {  	v59 =	vshll.u32 v14, $0x3;
	s10 =	simm.s32 $0x84;
	v28 =	vshll.u32 v13, $0x3;
	v13 =	vld.idx.msk [tilespmem:v26+s16+$0x0], $0xffff;
	v26 =	vadd.s32 s5, v62  }
0x2f1: {  	v24 =	vand.u32 $0x1C00, v55;
	v30 =	vand.u32 $0x7F, v20;
	s30 =	simm.s32 $0x87;
	v12 =	vld.idx.msk [tilespmem:v27+s16+$0x0], $0xffff;
	v27 =	vadd.s32 s10, v53  }
0x2f2: {  	s31 =	simm.s32 $0x8A;
	v23 =	vadd.s32 s30, v54;
	v14 =	vld.idx.msk [tilespmem:v22+s16+$0x0], $0xffff;
	v22 =	vshll.u32 v19, $0x3;
	v19 =	vshll.u32 v20, $0x3  }
0x2f3: {  	v20 =	vadd.s32 s31, v21;
	v21 =	vor.u32 v61, v24;
	v24 =	vand.u32 $0x1C00, v56;
	v18 =	vld.idx.msk [tilespmem:v25+s16+$0x0], $0xffff  }
0x2f4: {  	v29 =	vand.u32 $0x1C00, v29;
	v61 =	vadd.s32 v1, v21;
	v24 =	vor.u32 v35, v24;
	v16 =	vld.idx.msk [tilespmem:v16+s16+$0x0], $0xffff  }
0x2f5: {  	v25 =	vadd.s32 v1, v24;
	v24 =	vor.u32 v36, v29;
	v29 =	vand.u32 $0x1C00, v57;
	v21 =	vld.idx.msk [tilespmem:v26+s16+$0x0], $0xffff  }
0x2f6: {  	v27 =	vld.idx.msk [tilespmem:v27+s16+$0x0], $0xffff;
	v26 =	vadd.s32 v1, v24;
	v24 =	vor.u32 v37, v29;
	v29 =	vand.u32 $0x1C00, v28  }
0x2f7: {  	v62 =	vand.u32 $0x1C00, v58;
	v28 =	vld.idx.msk [tilespmem:v23+s16+$0x0], $0xffff;
	v34 =	vadd.s32 v1, v24;
	v23 =	vor.u32 v38, v29  }
0x2f8: {  	v29 =	vld.idx.msk [tilespmem:v20+s16+$0x0], $0xffff;
	v24 =	vadd.s32 v1, v23;
	v23 =	vor.u32 v63, v62;
	v63 =	vand.u32 $0x1C00, v59  }
0x2f9: {  	s0 =	simm.s32 $0xB4;
	v36 =	vand.u32 $0x1C00, v60;
	v20 =	vld.idx.msk [tilespmem:v61+s13+$0x0], $0xffff;
	v23 =	vadd.s32 v1, v23;
	v35 =	vor.u32 v52, v63  }
.LBB2_13:
0x2fa: {  	p0 =	sne.s32 s0, $0x32A;
	v25 =	vld.idx.msk [tilespmem:v25+s13+$0x0], $0xffff;
	v35 =	vadd.s32 v1, v35;
	v33 =	vor.u32 v33, v36;
	v22 =	vand.u32 $0x1C00, v22  }
0x2fb: {  	v17 =	vand.u32 $0x1C00, v17;
	v26 =	vld.idx.msk [tilespmem:v26+s13+$0x0], $0xffff;
	v33 =	vadd.s32 v1, v33;
	v22 =	vor.u32 v31, v22  }
0x2fc: {  	v19 =	vand.u32 $0x1C00, v19;
	s26 =	sadd.s32 $0x1, s26;
	v17 =	vor.u32 v32, v17;
	v31 =	vld.idx.msk [tilespmem:v34+s13+$0x0], $0xffff;
	v22 =	vadd.s32 v1, v22  }
0x2fd: {  	s28 =	sadd.s32 $0x1E, s28;
	v19 =	vor.u32 v30, v19;
	v30 =	vmov s26;
	v17 =	vadd.s32 v1, v17;
	v24 =	vld.idx.msk [tilespmem:v24+s13+$0x0], $0xffff  }
0x2fe: {  	s1 =	sadd.s32 $0x33, s29;
	v32 =	vmov s28;
	v19 =	vadd.s32 v1, v19;
	v48 =	vand.u32 $0x7F, v30;
	v23 =	vld.idx.msk [tilespmem:v23+s13+$0x0], $0xffff  }
0x2ff: {  	s3 =	sadd.s32 $0xFFFFFFE3, s28;
	s5 =	sadd.s32 $0xFFFFFFFF, s28;
	v41 =	vand.u32 $0x7F, v32;
	v49 =	vshll.u32 v32, $0x3;
	v20 =	vadd.s32 s1, v20;
	s1 =	sadd.s32 $0x36, s29;
	v35 =	vld.idx.msk [tilespmem:v35+s13+$0x0], $0xffff  }
0x300: {  	s10 =	sadd.s32 $0xFFFFFFE5, s28;
	v42 =	vmov s3;
	s3 =	sadd.s32 $0xFFFFFFE4, s28;
	v50 =	vmov s5;
	v25 =	vadd.s32 s1, v25;
	s1 =	sadd.s32 $0x39, s29;
	v37 =	vld.idx.msk [tilespmem:v33+s13+$0x0], $0xffff  }
0x301: {  	v43 =	vmov s10;
	s5 =	sadd.s32 $0xFFFFFFE7, s28;
	v44 =	vmov s3;
	s3 =	sadd.s32 $0xFFFFFFE6, s28;
	v26 =	vadd.s32 s1, v26;
	s1 =	sadd.s32 $0x3C, s29;
	v22 =	vld.idx.msk [tilespmem:v22+s13+$0x0], $0xffff  }
0x302: {  	v46 =	vmov s5;
	s5 =	sadd.s32 $0xFFFFFFE9, s28;
	v45 =	vmov s3;
	s3 =	sadd.s32 $0xFFFFFFE8, s28;
	v38 =	vadd.s32 s1, v31;
	s1 =	sadd.s32 $0x3F, s29;
	v17 =	vld.idx.msk [tilespmem:v17+s13+$0x0], $0xffff  }
0x303: {  	v30 =	vmov s5;
	s5 =	sadd.s32 $0xFFFFFFEB, s28;
	v47 =	vmov s3;
	s3 =	sadd.s32 $0xFFFFFFEA, s28;
	v24 =	vadd.s32 s1, v24;
	s1 =	sadd.s32 $0x42, s29;
	v19 =	vld.idx.msk [tilespmem:v19+s13+$0x0], $0xffff  }
0x304: {  	v33 =	vmov s3;
	s3 =	sadd.s32 $0xFFFFFFEC, s28;
	v31 =	vmov s5;
	s5 =	sadd.s32 $0xFFFFFFED, s28;
	v51 =	vld.idx.msk [tilespmem:v20+s16+$0x0], $0xffff;
	v20 =	vadd.s32 s1, v23;
	s1 =	sadd.s32 $0x45, s29  }
0x305: {  	v34 =	vmov s3;
	s3 =	sadd.s32 $0xFFFFFFEE, s28;
	v32 =	vmov s5;
	s5 =	sadd.s32 $0xFFFFFFEF, s28;
	v52 =	vld.idx.msk [tilespmem:v25+s16+$0x0], $0xffff;
	v53 =	vadd.s32 s1, v35;
	s1 =	sadd.s32 $0x48, s29  }
0x306: {  	v36 =	vmov s3;
	s3 =	sadd.s32 $0xFFFFFFF0, s28;
	v35 =	vmov s5;
	s5 =	sadd.s32 $0xFFFFFFF1, s28;
	v54 =	vld.idx.msk [tilespmem:v26+s16+$0x0], $0xffff;
	v55 =	vadd.s32 s1, v37;
	s1 =	sadd.s32 $0x4B, s29  }
0x307: {  	v39 =	vmov s3;
	s3 =	sadd.s32 $0xFFFFFFF2, s28;
	v37 =	vmov s5;
	s5 =	sadd.s32 $0xFFFFFFF3, s28;
	v56 =	vld.idx.msk [tilespmem:v38+s16+$0x0], $0xffff;
	v57 =	vadd.s32 s1, v22;
	s1 =	sadd.s32 $0x4E, s29  }
0x308: {  	v40 =	vmov s3;
	s3 =	sadd.s32 $0xFFFFFFF4, s28;
	v38 =	vmov s5;
	s5 =	sadd.s32 $0xFFFFFFF5, s28;
	v58 =	vld.idx.msk [tilespmem:v24+s16+$0x0], $0xffff;
	v59 =	vadd.s32 s1, v17;
	s1 =	sadd.s32 $0x51, s29  }
0x309: {  	s10 =	sadd.s32 $0xFFFFFFF8, s28;
	v22 =	vmov s3;
	s3 =	sadd.s32 $0xFFFFFFF6, s28;
	v23 =	vmov s5;
	s5 =	sadd.s32 $0xFFFFFFF7, s28;
	v60 =	vld.idx.msk [tilespmem:v20+s16+$0x0], $0xffff;
	v61 =	vadd.s32 s1, v19  }
0x30a: {  	v24 =	vmov s3;
	v17 =	vmov s10;
	s3 =	sadd.s32 $0xFFFFFFFA, s28;
	v25 =	vmov s5;
	s1 =	sadd.s32 $0xFFFFFFF9, s28;
	s5 =	sadd.s32 $0xFFFFFFFB, s28;
	v53 =	vld.idx.msk [tilespmem:v53+s16+$0x0], $0xffff  }
0x30b: {  	s29 =	smov.u32 s0;
	v19 =	vmov s3;
	v26 =	vmov s1;
	v20 =	vmov s5;
	v55 =	vld.idx.msk [tilespmem:v55+s16+$0x0], $0xffff  }
0x30c: {  	v5 =	vadd.f32 v6, v5;
	v6 =	vadd.f32 v8, v7;
	v7 =	vbroadcast v48, $0x0;
	v57 =	vld.idx.msk [tilespmem:v57+s16+$0x0], $0xffff  }
0x30d: {  	v9 =	vadd.f32 v10, v9;
	v10 =	vadd.f32 v12, v11;
	v8 =	vand.u32 $0x7E, v50;
	v48 =	vld.idx.msk [tilespmem:v59+s16+$0x0], $0xffff  }
0x30e: {  	v13 =	vadd.f32 v14, v13;
	v14 =	vadd.f32 v18, v15;
	v11 =	vand.u32 $0x1C00, v49;
	v12 =	vld.idx.msk [tilespmem:v61+s16+$0x0], $0xffff  }
0x30f: {  	v3 =	vadd.f32 v4, v3;
	v4 =	vadd.f32 v6, v5;
	v15 =	vshll.u32 v50, $0x3  }
0x310: {  	v6 =	vadd.f32 v10, v9;
	v9 =	vadd.f32 v14, v13;
	v5 =	vand.u32 $0x7E, v42  }
0x311: {  	v13 =	vadd.f32 v21, v16;
	v14 =	vadd.f32 v28, v27;
	v10 =	vand.u32 $0x7F, v44  }
0x312: {  	v16 =	vand.u32 $0x7E, v43;
	v18 =	vadd.f32 v51, v29;
	v21 =	vadd.f32 v54, v52  }
0x313: {  	v27 =	vand.u32 $0x7F, v45;
	v28 =	vadd.f32 v58, v56;
	v29 =	vadd.f32 v53, v60  }
0x314: {  	v49 =	vand.u32 $0x7E, v46;
	v50 =	vadd.f32 v57, v55;
	v12 =	vadd.f32 v12, v48  }
0x315: {  	v13 =	vadd.f32 v14, v13;
	v14 =	vadd.f32 v21, v18;
	v48 =	vand.u32 $0x7F, v47  }
0x316: {  	v18 =	vshll.u32 v42, $0x3;
	v21 =	vadd.f32 v29, v28;
	v12 =	vadd.f32 v12, v50  }
0x317: {  	v4 =	vadd.f32 v6, v4;
	v6 =	vadd.f32 v13, v9;
	v28 =	vshll.u32 v44, $0x3  }
0x318: {  	v9 =	vshll.u32 v43, $0x3;
	v13 =	vadd.f32 v21, v14;
	v3 =	vadd.f32 v3, v12  }
0x319: {  	v7 =	vor.u32 v2, v7;
	v14 =	vshll.u32 v46, $0x3;
	v12 =	vshll.u32 v45, $0x3  }
0x31a: {  	v15 =	vand.u32 $0x1C00, v15;
	v4 =	vadd.f32 v6, v4;
	v3 =	vadd.f32 v3, v13  }
0x31b: {  	v11 =	vor.u32 v41, v11;
	v8 =	vor.u32 v8, v15;
	v6 =	vshll.u32 v47, $0x3  }
0x31c: {  	v8 =	vadd.s32 v1, v8;
	v13 =	vand.u32 $0xC00, v18;
	v3 =	vadd.f32 v3, v4  }
0x31d: {  	v11 =	vadd.s32 v1, v11;
	v4 =	vor.u32 v5, v13;
	v5 =	vand.u32 $0xC00, v28  }
0x31e: {  	v9 =	vand.u32 $0x1C00, v9;
	v4 =	vadd.s32 v1, v4;
	v5 =	vor.u32 v10, v5;
	[tilespmem:v7+s17+$0x0] =	vst.idx.msk $0xffff, v3  }
0x31f: {  	v3 =	vadd.s32 v1, v5;
	v5 =	vor.u32 v16, v9;
	v7 =	vand.u32 $0x1C00, v12  }
0x320: {  	v9 =	vand.u32 $0x1C00, v14;
	v5 =	vadd.s32 v1, v5;
	v7 =	vor.u32 v27, v7  }
0x321: {  	v6 =	vand.u32 $0x1C00, v6;
	s1 =	sadd.s32 $0xFFFFFFFC, s28;
	v9 =	vor.u32 v49, v9;
	v7 =	vadd.s32 v1, v7;
	v8 =	vld.idx.msk [tilespmem:v8+s13+$0x0], $0xffff  }
0x322: {  	s3 =	sadd.s32 $0xFFFFFFFE, s28;
	v15 =	vmov s1;
	s1 =	sadd.s32 $0xFFFFFFFD, s28;
	v6 =	vor.u32 v48, v6;
	v9 =	vadd.s32 v1, v9;
	v10 =	vld.idx.msk [tilespmem:v11+s13+$0x0], $0xffff  }
0x323: {  	v6 =	vadd.s32 v1, v6;
	v18 =	vmov s1;
	v16 =	vmov s3;
	v4 =	vld.idx.msk [tilespmem:v4+s13+$0x0], $0xffff  }
0x324: {  	v13 =	vand.u32 $0x7E, v31;
	v12 =	vand.u32 $0x7F, v33;
	v11 =	vand.u32 $0x7E, v30;
	v3 =	vld.idx.msk [tilespmem:v3+s13+$0x0], $0xffff  }
0x325: {  	v21 =	vand.u32 $0x7E, v32;
	v14 =	vand.u32 $0x7F, v34;
	v27 =	vand.u32 $0x7F, v36;
	v5 =	vld.idx.msk [tilespmem:v5+s13+$0x0], $0xffff  }
0x326: {  	v41 =	vand.u32 $0x7E, v37;
	v29 =	vand.u32 $0x7F, v39;
	s1 =	sadd.s32 $0x54, s0;
	v28 =	vand.u32 $0x7E, v35;
	v7 =	vld.idx.msk [tilespmem:v7+s13+$0x0], $0xffff  }
0x327: {  	v43 =	vand.u32 $0x7E, v38;
	v42 =	vand.u32 $0x7F, v40;
	v8 =	vadd.s32 s1, v8;
	s1 =	sadd.s32 $0x57, s0;
	v9 =	vld.idx.msk [tilespmem:v9+s13+$0x0], $0xffff  }
0x328: {  	v33 =	vshll.u32 v33, $0x3;
	v30 =	vshll.u32 v30, $0x3;
	v10 =	vadd.s32 s1, v10;
	v6 =	vld.idx.msk [tilespmem:v6+s13+$0x0], $0xffff  }
0x329: {  	v31 =	vshll.u32 v31, $0x3;
	v34 =	vshll.u32 v34, $0x3;
	s1 =	sadd.s32 $0x3, s0;
	v44 =	vadd.s32 s0, v4  }
0x32a: {  	v32 =	vshll.u32 v32, $0x3;
	v36 =	vshll.u32 v36, $0x3;
	v45 =	vadd.s32 s1, v3;
	s1 =	sadd.s32 $0x6, s0  }
0x32b: {  	v39 =	vshll.u32 v39, $0x3;
	v35 =	vshll.u32 v35, $0x3;
	v46 =	vadd.s32 s1, v5;
	s1 =	sadd.s32 $0x9, s0  }
0x32c: {  	v37 =	vshll.u32 v37, $0x3;
	v40 =	vshll.u32 v40, $0x3;
	v47 =	vadd.s32 s1, v7;
	s1 =	sadd.s32 $0xC, s0;
	v3 =	vld.idx.msk [tilespmem:v8+s16+$0x0], $0xffff  }
0x32d: {  	v7 =	vand.u32 $0x1C00, v30;
	v30 =	vshll.u32 v38, $0x3;
	v9 =	vadd.s32 s1, v9;
	s1 =	sadd.s32 $0xF, s0;
	v4 =	vld.idx.msk [tilespmem:v10+s16+$0x0], $0xffff  }
0x32e: {  	v7 =	vor.u32 v11, v7;
	v8 =	vand.u32 $0x1C00, v33;
	v10 =	vadd.s32 s1, v6;
	v5 =	vld.idx.msk [tilespmem:v44+s16+$0x0], $0xffff  }
0x32f: {  	v11 =	vadd.s32 v1, v7;
	v8 =	vor.u32 v12, v8;
	v12 =	vand.u32 $0x1C00, v31;
	v6 =	vld.idx.msk [tilespmem:v45+s16+$0x0], $0xffff  }
0x330: {  	v31 =	vadd.s32 v1, v8;
	v12 =	vor.u32 v13, v12;
	v13 =	vand.u32 $0x1C00, v34;
	v7 =	vld.idx.msk [tilespmem:v46+s16+$0x0], $0xffff  }
0x331: {  	v12 =	vadd.s32 v1, v12;
	v13 =	vor.u32 v14, v13;
	v14 =	vand.u32 $0x1C00, v32;
	v8 =	vld.idx.msk [tilespmem:v47+s16+$0x0], $0xffff  }
0x332: {  	v13 =	vadd.s32 v1, v13;
	v14 =	vor.u32 v21, v14;
	v21 =	vand.u32 $0x1C00, v36;
	v9 =	vld.idx.msk [tilespmem:v9+s16+$0x0], $0xffff  }
0x333: {  	v14 =	vadd.s32 v1, v14;
	v21 =	vor.u32 v27, v21;
	v27 =	vand.u32 $0x1C00, v35;
	v10 =	vld.idx.msk [tilespmem:v10+s16+$0x0], $0xffff  }
0x334: {  	v21 =	vadd.s32 v1, v21;
	v27 =	vor.u32 v28, v27;
	v28 =	vand.u32 $0x1C00, v39;
	v11 =	vld.idx.msk [tilespmem:v11+s13+$0x0], $0xffff  }
0x335: {  	v27 =	vadd.s32 v1, v27;
	v28 =	vor.u32 v29, v28;
	v29 =	vand.u32 $0x1C00, v37;
	v31 =	vld.idx.msk [tilespmem:v31+s13+$0x0], $0xffff  }
0x336: {  	v32 =	vand.u32 $0x1C00, v40;
	v28 =	vadd.s32 v1, v28;
	v29 =	vor.u32 v41, v29;
	v12 =	vld.idx.msk [tilespmem:v12+s13+$0x0], $0xffff  }
0x337: {  	v30 =	vand.u32 $0x1C00, v30;
	v32 =	vor.u32 v42, v32;
	v29 =	vadd.s32 v1, v29;
	v13 =	vld.idx.msk [tilespmem:v13+s13+$0x0], $0xffff  }
0x338: {  	v30 =	vor.u32 v43, v30;
	v34 =	vand.u32 $0x7F, v22;
	v32 =	vadd.s32 v1, v32;
	v14 =	vld.idx.msk [tilespmem:v14+s13+$0x0], $0xffff  }
0x339: {  	s1 =	sadd.s32 $0x12, s0;
	v36 =	vand.u32 $0x7E, v23;
	v35 =	vadd.s32 v1, v30;
	v37 =	vand.u32 $0x7F, v24;
	v21 =	vld.idx.msk [tilespmem:v21+s13+$0x0], $0xffff  }
0x33a: {  	v38 =	vand.u32 $0x7E, v25;
	v39 =	vand.u32 $0x7F, v17;
	v11 =	vadd.s32 s1, v11;
	s1 =	sadd.s32 $0x15, s0;
	v27 =	vld.idx.msk [tilespmem:v27+s13+$0x0], $0xffff  }
0x33b: {  	v42 =	vand.u32 $0x7F, v19;
	v41 =	vand.u32 $0x7E, v26;
	v40 =	vadd.s32 s1, v31;
	s1 =	sadd.s32 $0x18, s0;
	v28 =	vld.idx.msk [tilespmem:v28+s13+$0x0], $0xffff  }
0x33c: {  	v33 =	vand.u32 $0x7E, v20;
	v31 =	vand.u32 $0x7F, v15;
	v43 =	vadd.s32 s1, v12;
	s1 =	sadd.s32 $0x1B, s0;
	v29 =	vld.idx.msk [tilespmem:v29+s13+$0x0], $0xffff  }
0x33d: {  	v30 =	vand.u32 $0x7F, v16;
	v44 =	vadd.s32 s1, v13;
	s1 =	sadd.s32 $0x1E, s0;
	v45 =	vld.idx.msk [tilespmem:v32+s13+$0x0], $0xffff;
	v32 =	vand.u32 $0x7E, v18  }
0x33e: {  	v23 =	vshll.u32 v23, $0x3;
	v47 =	vshll.u32 v22, $0x3;
	v46 =	vadd.s32 s1, v14;
	s1 =	sadd.s32 $0x21, s0;
	v35 =	vld.idx.msk [tilespmem:v35+s13+$0x0], $0xffff  }
0x33f: {  	v48 =	vshll.u32 v25, $0x3;
	v24 =	vshll.u32 v24, $0x3;
	v21 =	vadd.s32 s1, v21;
	s1 =	sadd.s32 $0x24, s0;
	v11 =	vld.idx.msk [tilespmem:v11+s16+$0x0], $0xffff  }
0x340: {  	v49 =	vshll.u32 v26, $0x3;
	v25 =	vadd.s32 s1, v27;
	s1 =	sadd.s32 $0x27, s0;
	v12 =	vld.idx.msk [tilespmem:v40+s16+$0x0], $0xffff;
	v40 =	vshll.u32 v17, $0x3  }
0x341: {  	v50 =	vshll.u32 v20, $0x3;
	v26 =	vadd.s32 s1, v28;
	s1 =	sadd.s32 $0x2A, s0;
	v13 =	vld.idx.msk [tilespmem:v43+s16+$0x0], $0xffff;
	v43 =	vshll.u32 v19, $0x3  }
0x342: {  	v22 =	vshll.u32 v15, $0x3;
	v17 =	vshll.u32 v18, $0x3;
	v20 =	vadd.s32 s1, v29;
	s1 =	sadd.s32 $0x2D, s0;
	v14 =	vld.idx.msk [tilespmem:v44+s16+$0x0], $0xffff  }
0x343: {  	v27 =	vand.u32 $0x1C00, v47;
	v19 =	vshll.u32 v16, $0x3;
	v28 =	vadd.s32 s1, v45;
	s1 =	sadd.s32 $0x30, s0;
	v15 =	vld.idx.msk [tilespmem:v46+s16+$0x0], $0xffff  }
0x344: {  	v23 =	vand.u32 $0x1C00, v23;
	v29 =	vadd.s32 s1, v35;
	v18 =	vld.idx.msk [tilespmem:v21+s16+$0x0], $0xffff;
	v21 =	vor.u32 v34, v27  }
0x345: {  	v23 =	vor.u32 v36, v23;
	v24 =	vand.u32 $0x1C00, v24;
	v16 =	vld.idx.msk [tilespmem:v25+s16+$0x0], $0xffff;
	v35 =	vadd.s32 v1, v21  }
.Ltmp7:
0x346: {  	v25 =	vadd.s32 v1, v23;
	v23 =	vor.u32 v37, v24;
	v24 =	vand.u32 $0x1C00, v48;
	v21 =	vld.idx.msk [tilespmem:v26+s16+$0x0], $0xffff;
	(pc) =	sbr.rel @p0 .LBB2_13-.Ltmp7, $4  }
0x347: {  	v26 =	vadd.s32 v1, v23;
	v23 =	vand.u32 $0x1C00, v40;
	v27 =	vld.idx.msk [tilespmem:v20+s16+$0x0], $0xffff;
	v20 =	vor.u32 v38, v24  }
0x348: {  	v28 =	vld.idx.msk [tilespmem:v28+s16+$0x0], $0xffff;
	v34 =	vadd.s32 v1, v20;
	v20 =	vor.u32 v39, v23;
	v23 =	vand.u32 $0x1C00, v49  }
0x349: {  	v36 =	vand.u32 $0x1C00, v43;
	v29 =	vld.idx.msk [tilespmem:v29+s16+$0x0], $0xffff;
	v24 =	vadd.s32 v1, v20;
	v23 =	vor.u32 v41, v23  }
0x34a: {  	s0 =	sadd.s32 $0x5A, s0;
	v20 =	vld.idx.msk [tilespmem:v35+s13+$0x0], $0xffff;
	v23 =	vadd.s32 v1, v23;
	v35 =	vor.u32 v42, v36;
	v36 =	vand.u32 $0x1C00, v50  }
0x34b: {  	_ =	sdelay $0x3  }
0x34c: {  	v25 =	vld.idx.msk [tilespmem:v25+s13+$0x0], $0xffff;
	v35 =	vadd.s32 v1, v35;
	v33 =	vor.u32 v33, v36;
	v22 =	vand.u32 $0x1C00, v22  }
0x34d: {  	v26 =	vld.idx.msk [tilespmem:v26+s13+$0x0], $0xffff;
	v17 =	vand.u32 $0x1C00, v17;
	v33 =	vadd.s32 v1, v33;
	v22 =	vor.u32 v31, v22  }
0x34e: {  	v19 =	vand.u32 $0x1C00, v19;
	v24 =	vld.idx.msk [tilespmem:v24+s13+$0x0], $0xffff;
	v17 =	vor.u32 v32, v17;
	v22 =	vadd.s32 v1, v22  }
0x34f: {  	v23 =	vld.idx.msk [tilespmem:v23+s13+$0x0], $0xffff;
	v5 =	vadd.f32 v6, v5;
	v19 =	vor.u32 v30, v19;
	v17 =	vadd.s32 v1, v17  }
0x350: {  	s0 =	sadd.s32 $0x33, s29;
	v6 =	vadd.f32 v8, v7;
	v8 =	vadd.f32 v10, v9;
	v31 =	vld.idx.msk [tilespmem:v34+s13+$0x0], $0xffff;
	v19 =	vadd.s32 v1, v19  }
0x351: {  	s1 =	sadd.s32 $0x36, s29;
	v9 =	vadd.f32 v12, v11;
	v11 =	vadd.f32 v14, v13;
	v20 =	vadd.s32 s0, v20;
	v30 =	vld.idx.msk [tilespmem:v35+s13+$0x0], $0xffff  }
0x352: {  	s3 =	sadd.s32 $0x39, s29;
	v12 =	vadd.f32 v18, v15;
	v3 =	vadd.f32 v4, v3;
	v25 =	vadd.s32 s1, v25;
	v53 =	vld.idx.msk [tilespmem:v33+s13+$0x0], $0xffff  }
0x353: {  	s10 =	sadd.s32 $0x3F, s29;
	v4 =	vadd.f32 v6, v5;
	v5 =	vadd.f32 v9, v8;
	v26 =	vadd.s32 s3, v26;
	v22 =	vld.idx.msk [tilespmem:v22+s13+$0x0], $0xffff  }
0x354: {  	s5 =	sadd.s32 $0x3C, s29;
	v8 =	vadd.f32 v21, v16;
	v9 =	vadd.f32 v28, v27;
	v24 =	vadd.s32 s10, v24;
	v17 =	vld.idx.msk [tilespmem:v17+s13+$0x0], $0xffff  }
0x355: {  	s30 =	sadd.s32 $0x42, s29;
	v31 =	vadd.s32 s5, v31;
	v19 =	vld.idx.msk [tilespmem:v19+s13+$0x0], $0xffff  }
0x356: {  	s31 =	sadd.s32 $0x45, s29;
	v6 =	vadd.f32 v12, v11;
	v8 =	vadd.f32 v9, v8;
	v23 =	vadd.s32 s30, v23;
	v20 =	vld.idx.msk [tilespmem:v20+s16+$0x0], $0xffff  }
0x357: {  	s26 =	sadd.s32 $0x1, s26;
	v4 =	vadd.f32 v5, v4;
	s1 =	sadd.s32 $0x48, s29;
	v25 =	vld.idx.msk [tilespmem:v25+s16+$0x0], $0xffff;
	v30 =	vadd.s32 s31, v30  }
0x358: {  	s3 =	sadd.s32 $0x4B, s29;
	v5 =	vadd.f32 v8, v6;
	v6 =	vmov s26;
	v26 =	vld.idx.msk [tilespmem:v26+s16+$0x0], $0xffff;
	v32 =	vadd.s32 s1, v53  }
0x359: {  	s5 =	sadd.s32 $0x4E, s29;
	v6 =	vand.u32 $0x7F, v6;
	v24 =	vld.idx.msk [tilespmem:v24+s16+$0x0], $0xffff;
	v22 =	vadd.s32 s3, v22  }
0x35a: {  	s10 =	sadd.s32 $0x51, s29;
	s26 =	simm.s32 $0x5;
	v6 =	vbroadcast v6, $0x0;
	v31 =	vld.idx.msk [tilespmem:v31+s16+$0x0], $0xffff;
	v17 =	vadd.s32 s5, v17  }
0x35b: {  	v21 =	vmov s26;
	v4 =	vadd.f32 v5, v4;
	v23 =	vld.idx.msk [tilespmem:v23+s16+$0x0], $0xffff;
	v19 =	vadd.s32 s10, v19  }
0x35c: {  	s26 =	simm.s32 $0xB;
	v39 =	vand.u32 $0x7F, v21;
	v5 =	vor.u32 v2, v6;
	s10 =	simm.s32 $0x4;
	v11 =	vadd.f32 v20, v29;
	v30 =	vld.idx.msk [tilespmem:v30+s16+$0x0], $0xffff  }
0x35d: {  	v20 =	vmov s10;
	s10 =	simm.s32 $0xA;
	v29 =	vmov s26;
	s26 =	simm.s32 $0x12;
	v12 =	vadd.f32 v26, v25;
	v32 =	vld.idx.msk [tilespmem:v32+s16+$0x0], $0xffff  }
0x35e: {  	v28 =	vmov s10;
	v18 =	vmov s26;
	v38 =	vand.u32 $0x7E, v20;
	v7 =	vld.idx.msk [tilespmem:v22+s16+$0x0], $0xffff  }
0x35f: {  	v62 =	vand.u32 $0x7F, v29;
	v29 =	vshll.u32 v29, $0x3;
	v14 =	vadd.f32 v24, v31;
	v10 =	vld.idx.msk [tilespmem:v17+s16+$0x0], $0xffff  }
0x360: {  	s5 =	simm.s32 $0x3;
	v61 =	vand.u32 $0x7E, v28;
	v28 =	vshll.u32 v28, $0x3;
	v50 =	vand.u32 $0x7E, v18;
	v13 =	vld.idx.msk [tilespmem:v19+s16+$0x0], $0xffff  }
0x361: {  	v18 =	vshll.u32 v18, $0x3;
	v9 =	vadd.f32 v12, v11;
	v19 =	vmov s5;
	s5 =	simm.s32 $0x9  }
0x362: {  	v18 =	vand.u32 $0x1C00, v18;
	v27 =	vmov s5;
	s5 =	simm.s32 $0x10;
	v37 =	vand.u32 $0x7F, v19  }
0x363: {  	v18 =	vor.u32 v50, v18;
	v56 =	vmov s5;
	v15 =	vadd.f32 v30, v23  }
0x364: {  	s10 =	simm.s32 $0x11;
	v60 =	vand.u32 $0x7F, v27;
	v27 =	vshll.u32 v27, $0x3;
	v7 =	vadd.f32 v7, v32  }
0x365: {  	v10 =	vadd.f32 v13, v10;
	v11 =	vadd.f32 v15, v14;
	v14 =	vmov s10;
	s10 =	simm.s32 $0x18  }
0x366: {  	v18 =	vadd.s32 v1, v18;
	v43 =	vand.u32 $0x7E, v56;
	v12 =	vmov s10  }
0x367: {  	s31 =	simm.s32 $0x1;
	s3 =	simm.s32 $0x2;
	v49 =	vand.u32 $0x7F, v14;
	v14 =	vshll.u32 v14, $0x3;
	v7 =	vadd.f32 v10, v7  }
0x368: {  	s5 =	simm.s32 $0x17;
	v8 =	vadd.f32 v11, v9;
	v9 =	vmov s31;
	v10 =	vmov s3;
	s31 =	simm.s32 $0x8  }
0x369: {  	s3 =	simm.s32 $0xF;
	v11 =	vmov s5;
	v14 =	vand.u32 $0x1C00, v14;
	v26 =	vmov s31  }
0x36a: {  	v55 =	vmov s3;
	v57 =	vand.u32 $0x7F, v9;
	v58 =	vand.u32 $0x7E, v10  }
0x36b: {  	s30 =	simm.s32 $0x0;
	s31 =	simm.s32 $0xE;
	s3 =	simm.s32 $0x16;
	v9 =	vshll.u32 v9, $0x3;
	v14 =	vor.u32 v49, v14;
	v3 =	vadd.f32 v3, v7  }
0x36c: {  	v7 =	vmov s30;
	v54 =	vmov s31;
	v17 =	vmov s3  }
0x36d: {  	v59 =	vand.u32 $0x7E, v26;
	v42 =	vand.u32 $0x7F, v55;
	v26 =	vshll.u32 v26, $0x3  }
0x36e: {  	s30 =	simm.s32 $0x7;
	s31 =	simm.s32 $0x15;
	v33 =	vshll.u32 v55, $0x3;
	v55 =	vand.u32 $0x7F, v11;
	v11 =	vshll.u32 v11, $0x3  }
0x36f: {  	v14 =	vadd.s32 v1, v14;
	v25 =	vmov s30;
	v13 =	vmov s31  }
0x370: {  	v24 =	vand.u32 $0x7E, v7;
	v7 =	vshll.u32 v7, $0x3;
	v41 =	vand.u32 $0x7E, v54  }
0x371: {  	v32 =	vshll.u32 v54, $0x3;
	v48 =	vand.u32 $0x1C00, v33;
	v54 =	vand.u32 $0x7E, v17  }
0x372: {  	s1 =	simm.s32 $0x1C;
	s30 =	simm.s32 $0xD;
	v17 =	vshll.u32 v17, $0x3;
	v11 =	vand.u32 $0x1C00, v11;
	v3 =	vadd.f32 v3, v8  }
0x373: {  	v8 =	vmov s1;
	v31 =	vmov s30;
	v53 =	vand.u32 $0x7F, v13  }
0x374: {  	s30 =	simm.s32 $0x14;
	v13 =	vshll.u32 v13, $0x3;
	v17 =	vand.u32 $0x1C00, v17;
	v11 =	vor.u32 v55, v11  }
0x375: {  	s29 =	simm.s32 $0x1D;
	v16 =	vmov s30;
	v22 =	vand.u32 $0x7E, v8;
	v3 =	vadd.f32 v3, v4  }
0x376: {  	s25 =	sshll.u32 s25, $0x7;
	v8 =	vshll.u32 v8, $0x3;
	v40 =	vand.u32 $0x7F, v31;
	v4 =	vmov s29  }
0x377: {  	s0 =	sadd.s32 s6, s25;
	s25 =	simm.s32 $0x0;
	v8 =	vand.u32 $0x1C00, v8;
	v6 =	vand.u32 $0x7F, v4;
	v4 =	vshll.u32 v4, $0x3;
	[tilespmem:v5+s17+$0x0] =	vst.idx.msk $0xffff, v3  }
0x378: {  	v8 =	vor.u32 v22, v8;
	v4 =	vand.u32 $0x1C00, v4;
	v3 =	vshll.u32 v10, $0x3;
	[hbm4b:s0+s25] =	stream.linear.scatter [tilespmem:s17], [sflag:$0x5], $0x800, $0x38;
	[tilespmem:$0x7B00] =	vst v63  }
0x379: {  	v5 =	vshll.u32 v19, $0x3;
	v10 =	vshll.u32 v20, $0x3;
	v19 =	vshll.u32 v21, $0x3;
	_ =	swait.ge [sflag:s9], $0x800  }
0x37a: {  	v4 =	vor.u32 v6, v4;
	v6 =	vand.u32 $0xC00, v7;
	v7 =	vadd.s32 v1, v8;
	[sflag:s9] =	ssyncset.done $0x0  }
0x37b: {  	v8 =	vand.u32 $0xC00, v9;
	v6 =	vor.u32 v24, v6;
	v4 =	vadd.s32 v1, v4;
	[sflag:s9] =	ssyncadd.s32 $0xFFFFF800  }
0x37c: {  	v3 =	vand.u32 $0x1C00, v3;
	v8 =	vor.u32 v57, v8;
	v6 =	vadd.s32 v1, v6;
	_ =	swait.ge [sflag:s20], $0x1800  }
0x37d: {  	v5 =	vand.u32 $0x1C00, v5;
	v3 =	vor.u32 v58, v3;
	v8 =	vadd.s32 v1, v8;
	[sflag:s20] =	ssyncset.done $0x0  }
0x37e: {  	v9 =	vand.u32 $0x1C00, v10;
	v5 =	vor.u32 v37, v5;
	v3 =	vadd.s32 v1, v3;
	[sflag:s20] =	ssyncadd.s32 $0xFFFFE800  }
0x37f: {  	v10 =	vand.u32 $0x1C00, v19;
	v9 =	vor.u32 v38, v9;
	v5 =	vadd.s32 v1, v5;
	v7 =	vld.idx.msk [tilespmem:v7+s14+$0x0], $0xffff  }
0x380: {  	v31 =	vshll.u32 v31, $0x3;
	v10 =	vor.u32 v39, v10;
	v9 =	vadd.s32 v1, v9;
	v4 =	vld.idx.msk [tilespmem:v4+s14+$0x0], $0xffff  }
0x381: {  	s29 =	simm.s32 $0x6;
	v52 =	vand.u32 $0x7E, v16;
	v16 =	vshll.u32 v16, $0x3;
	v10 =	vadd.s32 v1, v10;
	v6 =	vld.idx.msk [tilespmem:v6+s14+$0x0], $0xffff  }
0x382: {  	v13 =	vand.u32 $0x1C00, v13;
	v23 =	vmov s29;
	s29 =	simm.s32 $0xC;
	v16 =	vand.u32 $0x1C00, v16;
	v8 =	vld.idx.msk [tilespmem:v8+s14+$0x0], $0xffff  }
0x383: {  	v17 =	vor.u32 v54, v17;
	v30 =	vmov s29;
	s29 =	simm.s32 $0x13;
	v16 =	vor.u32 v52, v16;
	v3 =	vld.idx.msk [tilespmem:v3+s14+$0x0], $0xffff  }
0x384: {  	v13 =	vor.u32 v53, v13;
	v15 =	vmov s29;
	v16 =	vadd.s32 v1, v16;
	v5 =	vld.idx.msk [tilespmem:v5+s14+$0x0], $0xffff  }
0x385: {  	v13 =	vadd.s32 v1, v13;
	v51 =	vand.u32 $0x7F, v15;
	v15 =	vshll.u32 v15, $0x3;
	v9 =	vld.idx.msk [tilespmem:v9+s14+$0x0], $0xffff  }
0x386: {  	s26 =	simm.s32 $0x19;
	v11 =	vadd.s32 v1, v11;
	v17 =	vadd.s32 v1, v17;
	v15 =	vand.u32 $0x1C00, v15;
	v10 =	vld.idx.msk [tilespmem:v10+s14+$0x0], $0xffff  }
0x387: {  	v21 =	vmov s26;
	v20 =	vand.u32 $0x7F, v25;
	v15 =	vor.u32 v51, v15;
	v14 =	vld.idx.msk [tilespmem:v14+s14+$0x0], $0xffff  }
0x388: {  	s31 =	simm.s32 $0x54;
	v25 =	vshll.u32 v25, $0x3;
	v19 =	vand.u32 $0x7E, v23;
	v15 =	vadd.s32 v1, v15;
	v18 =	vld.idx.msk [tilespmem:v18+s14+$0x0], $0xffff  }
0x389: {  	s1 =	simm.s32 $0x57;
	v63 =	vand.u32 $0x7E, v30;
	v23 =	vshll.u32 v23, $0x3;
	v16 =	vld.idx.msk [tilespmem:v16+s14+$0x0], $0xffff;
	v7 =	vadd.s32 s31, v7  }
0x38a: {  	v57 =	vand.u32 $0x7F, v21;
	v21 =	vshll.u32 v21, $0x3;
	v13 =	vld.idx.msk [tilespmem:v13+s14+$0x0], $0xffff;
	v4 =	vadd.s32 s1, v4  }
0x38b: {  	s3 =	simm.s32 $0x3;
	s29 =	simm.s32 $0x1A;
	v30 =	vshll.u32 v30, $0x3;
	v21 =	vand.u32 $0x1C00, v21;
	v17 =	vld.idx.msk [tilespmem:v17+s14+$0x0], $0xffff;
	v6 =	vadd.s32 s25, v6  }
0x38c: {  	s10 =	simm.s32 $0x9;
	s5 =	simm.s32 $0x6;
	s26 =	simm.s32 $0xC;
	v24 =	vmov s29;
	v21 =	vor.u32 v57, v21;
	v11 =	vld.idx.msk [tilespmem:v11+s14+$0x0], $0xffff;
	v8 =	vadd.s32 s3, v8  }
0x38d: {  	s29 =	simm.s32 $0xF;
	v15 =	vld.idx.msk [tilespmem:v15+s14+$0x0], $0xffff;
	v44 =	vadd.s32 s5, v3;
	v45 =	vadd.s32 s10, v5;
	v9 =	vadd.s32 s26, v9  }
0x38e: {  	v5 =	vand.u32 $0x1C00, v23;
	v23 =	vshll.u32 v56, $0x3;
	v10 =	vadd.s32 s29, v10;
	v3 =	vld.idx.msk [tilespmem:v7+s16+$0x0], $0xffff  }
0x38f: {  	v56 =	vand.u32 $0x7E, v12;
	v12 =	vshll.u32 v12, $0x3;
	v23 =	vand.u32 $0x1C00, v23;
	v4 =	vld.idx.msk [tilespmem:v4+s16+$0x0], $0xffff  }
0x390: {  	v12 =	vand.u32 $0x1C00, v12;
	v23 =	vor.u32 v43, v23;
	v7 =	vor.u32 v19, v5;
	v5 =	vld.idx.msk [tilespmem:v6+s16+$0x0], $0xffff  }
0x391: {  	v12 =	vor.u32 v56, v12;
	v23 =	vadd.s32 v1, v23;
	v19 =	vand.u32 $0x1C00, v25;
	v6 =	vld.idx.msk [tilespmem:v8+s16+$0x0], $0xffff  }
0x392: {  	v12 =	vadd.s32 v1, v12;
	v9 =	vld.idx.msk [tilespmem:v9+s16+$0x0], $0xffff;
	v25 =	vadd.s32 v1, v7;
	v7 =	vor.u32 v20, v19  }
0x393: {  	v21 =	vadd.s32 v1, v21;
	v10 =	vld.idx.msk [tilespmem:v10+s16+$0x0], $0xffff;
	v19 =	vand.u32 $0x1C00, v26;
	v20 =	vadd.s32 v1, v7  }
0x394: {  	v8 =	vor.u32 v59, v19;
	v19 =	vand.u32 $0x1C00, v27;
	v7 =	vld.idx.msk [tilespmem:v44+s16+$0x0], $0xffff;
	v27 =	vand.u32 $0x1C00, v28  }
0x395: {  	v28 =	vand.u32 $0x1C00, v29;
	v29 =	vand.u32 $0x1C00, v30;
	v26 =	vadd.s32 v1, v8;
	v8 =	vld.idx.msk [tilespmem:v45+s16+$0x0], $0xffff  }
0x396: {  	s30 =	simm.s32 $0x1B;
	v30 =	vand.u32 $0x1C00, v31;
	v31 =	vand.u32 $0x1C00, v32;
	v32 =	vor.u32 v42, v48;
	v46 =	vld.idx.msk [tilespmem:v23+s14+$0x0], $0xffff  }
0x397: {  	v22 =	vmov s30;
	v19 =	vor.u32 v60, v19;
	v32 =	vadd.s32 v1, v32;
	v12 =	vld.idx.msk [tilespmem:v12+s14+$0x0], $0xffff  }
0x398: {  	v27 =	vor.u32 v61, v27;
	v28 =	vor.u32 v62, v28;
	v62 =	vld.idx.msk [tilespmem:v21+s14+$0x0], $0xffff;
	v19 =	vadd.s32 v1, v19  }
0x399: {  	v59 =	vand.u32 $0x7E, v24;
	v24 =	vshll.u32 v24, $0x3;
	v27 =	vadd.s32 v1, v27;
	v25 =	vld.idx.msk [tilespmem:v25+s14+$0x0], $0xffff  }
0x39a: {  	v29 =	vor.u32 v63, v29;
	v30 =	vor.u32 v40, v30;
	v28 =	vadd.s32 v1, v28;
	v20 =	vld.idx.msk [tilespmem:v20+s14+$0x0], $0xffff  }
0x39b: {  	v31 =	vor.u32 v41, v31;
	v60 =	vand.u32 $0x7F, v22;
	v29 =	vadd.s32 v1, v29;
	v26 =	vld.idx.msk [tilespmem:v26+s14+$0x0], $0xffff  }
0x39c: {  	v22 =	vshll.u32 v22, $0x3;
	v24 =	vand.u32 $0x1C00, v24;
	v30 =	vadd.s32 v1, v30;
	v32 =	vld.idx.msk [tilespmem:v32+s14+$0x0], $0xffff  }
0x39d: {  	v31 =	vadd.s32 v1, v31;
	v24 =	vor.u32 v59, v24;
	v22 =	vand.u32 $0x1C00, v22;
	v19 =	vld.idx.msk [tilespmem:v19+s14+$0x0], $0xffff  }
0x39e: {  	v24 =	vadd.s32 v1, v24;
	v22 =	vor.u32 v60, v22;
	v27 =	vld.idx.msk [tilespmem:v27+s14+$0x0], $0xffff  }
0x39f: {  	s30 =	simm.s32 $0x12;
	v22 =	vadd.s32 v1, v22;
	v28 =	vld.idx.msk [tilespmem:v28+s14+$0x0], $0xffff  }
0x3a0: {  	s31 =	simm.s32 $0x15;
	v29 =	vld.idx.msk [tilespmem:v29+s14+$0x0], $0xffff;
	v25 =	vadd.s32 s30, v25  }
0x3a1: {  	s1 =	simm.s32 $0x18;
	v30 =	vld.idx.msk [tilespmem:v30+s14+$0x0], $0xffff;
	v20 =	vadd.s32 s31, v20  }
0x3a2: {  	s3 =	simm.s32 $0x1B;
	v5 =	vadd.f32 v6, v5;
	v6 =	vadd.f32 v8, v7;
	v31 =	vld.idx.msk [tilespmem:v31+s14+$0x0], $0xffff;
	v26 =	vadd.s32 s1, v26  }
0x3a3: {  	s5 =	simm.s32 $0x1E;
	v9 =	vadd.f32 v10, v9;
	v50 =	vld.idx.msk [tilespmem:v24+s14+$0x0], $0xffff;
	v58 =	vadd.s32 s3, v19  }
0x3a4: {  	s10 =	simm.s32 $0x21;
	v3 =	vadd.f32 v4, v3;
	v4 =	vadd.f32 v6, v5;
	v52 =	vld.idx.msk [tilespmem:v22+s14+$0x0], $0xffff;
	s1 =	simm.s32 $0x30;
	v61 =	vadd.s32 s5, v27;
	s3 =	simm.s32 $0x33  }
0x3a5: {  	s26 =	simm.s32 $0x24;
	v28 =	vadd.s32 s10, v28;
	v46 =	vadd.s32 s1, v46;
	s5 =	simm.s32 $0x1E;
	s10 =	simm.s32 $0x3A;
	v14 =	vadd.s32 s3, v14;
	v19 =	vld.idx.msk [tilespmem:v25+s16+$0x0], $0xffff  }
0x3a6: {  	s29 =	simm.s32 $0x27;
	v44 =	vmov s5;
	s5 =	simm.s32 $0x20;
	v45 =	vmov s10;
	s3 =	simm.s32 $0x21;
	v25 =	vadd.s32 s26, v29;
	v20 =	vld.idx.msk [tilespmem:v20+s16+$0x0], $0xffff  }
0x3a7: {  	s10 =	simm.s32 $0x3C;
	v29 =	vadd.s32 s29, v30;
	v47 =	vmov s5;
	v48 =	vmov s3;
	v23 =	vld.idx.msk [tilespmem:v26+s16+$0x0], $0xffff  }
0x3a8: {  	s30 =	simm.s32 $0x2A;
	s31 =	simm.s32 $0x2D;
	s29 =	simm.s32 $0x36;
	v16 =	vadd.s32 s10, v16;
	v63 =	vand.u32 $0x7E, v45;
	v5 =	vand.u32 $0x7E, v44;
	v27 =	vld.idx.msk [tilespmem:v58+s16+$0x0], $0xffff  }
0x3a9: {  	s5 =	simm.s32 $0x22;
	s10 =	simm.s32 $0x42;
	v18 =	vadd.s32 s29, v18;
	s29 =	simm.s32 $0x23;
	v26 =	vadd.s32 s30, v31;
	v31 =	vadd.s32 s31, v32;
	v32 =	vld.idx.msk [tilespmem:v61+s16+$0x0], $0xffff  }
0x3aa: {  	v49 =	vmov s5;
	s5 =	simm.s32 $0x26;
	v17 =	vadd.s32 s10, v17;
	s10 =	simm.s32 $0x48;
	s30 =	simm.s32 $0x1F;
	v51 =	vmov s29;
	v36 =	vld.idx.msk [tilespmem:v28+s16+$0x0], $0xffff  }
0x3ab: {  	s31 =	simm.s32 $0x39;
	v22 =	vmov s5;
	s5 =	simm.s32 $0x2A;
	v55 =	vadd.s32 s10, v12;
	s10 =	simm.s32 $0x4E;
	v40 =	vld.idx.msk [tilespmem:v46+s16+$0x0], $0xffff;
	v46 =	vmov s30  }
0x3ac: {  	v15 =	vadd.s32 s31, v15;
	s30 =	simm.s32 $0x24;
	s31 =	simm.s32 $0x3F;
	v28 =	vmov s5;
	s5 =	simm.s32 $0x2E;
	v50 =	vadd.s32 s10, v50;
	v53 =	vld.idx.msk [tilespmem:v14+s16+$0x0], $0xffff  }
0x3ad: {  	v21 =	vmov s30;
	v13 =	vadd.s32 s31, v13;
	s30 =	simm.s32 $0x28;
	s31 =	simm.s32 $0x45;
	v33 =	vmov s5;
	v30 =	vld.idx.msk [tilespmem:v25+s16+$0x0], $0xffff  }
0x3ae: {  	s3 =	simm.s32 $0x25;
	v35 =	vld.idx.msk [tilespmem:v29+s16+$0x0], $0xffff;
	v25 =	vmov s25;
	v24 =	vmov s30;
	v14 =	vadd.s32 s31, v11;
	s31 =	simm.s32 $0x4B  }
0x3af: {  	s26 =	simm.s32 $0x3B;
	v58 =	vld.idx.msk [tilespmem:v16+s16+$0x0], $0xffff;
	v42 =	vand.u32 $0x7F, v25;
	v25 =	vmov s3;
	s3 =	simm.s32 $0x29;
	v57 =	vadd.s32 s31, v62  }
0x3b0: {  	s30 =	simm.s32 $0x2C;
	s31 =	simm.s32 $0x51;
	v10 =	vadd.f32 v20, v19;
	v38 =	vld.idx.msk [tilespmem:v26+s16+$0x0], $0xffff;
	v26 =	vmov s26;
	v29 =	vmov s3  }
0x3b1: {  	s29 =	simm.s32 $0x27;
	v39 =	vld.idx.msk [tilespmem:v31+s16+$0x0], $0xffff;
	v31 =	vmov s30;
	v52 =	vadd.s32 s31, v52;
	v7 =	vbroadcast v42, $0x0  }
0x3b2: {  	v54 =	vld.idx.msk [tilespmem:v18+s16+$0x0], $0xffff;
	s3 =	simm.s32 $0x2D;
	s30 =	simm.s32 $0x30;
	v41 =	vand.u32 $0x7F, v26;
	v43 =	vshll.u32 v26, $0x3;
	v26 =	vmov s29  }
0x3b3: {  	v60 =	vld.idx.msk [tilespmem:v17+s16+$0x0], $0xffff;
	s31 =	simm.s32 $0x36;
	v37 =	vmov s3;
	v12 =	vmov s30;
	v23 =	vadd.f32 v27, v23  }
0x3b4: {  	s29 =	simm.s32 $0x2B;
	v56 =	vld.idx.msk [tilespmem:v15+s16+$0x0], $0xffff;
	s3 =	simm.s32 $0x31;
	v15 =	vmov s31;
	v27 =	vadd.f32 v36, v32;
	v6 =	vadd.f32 v10, v9  }
0x3b5: {  	s10 =	simm.s32 $0x33;
	v55 =	vld.idx.msk [tilespmem:v55+s16+$0x0], $0xffff;
	v10 =	vand.u32 $0x7F, v46;
	v34 =	vmov s29;
	v16 =	vmov s3  }
0x3b6: {  	s30 =	simm.s32 $0x35;
	s29 =	simm.s32 $0x2F;
	v59 =	vld.idx.msk [tilespmem:v13+s16+$0x0], $0xffff;
	v13 =	vmov s10;
	v20 =	vand.u32 $0x1C00, v43;
	v53 =	vadd.f32 v53, v40  }
0x3b7: {  	v7 =	vor.u32 v2, v7;
	v11 =	vmov s29;
	v61 =	vld.idx.msk [tilespmem:v14+s16+$0x0], $0xffff;
	v14 =	vmov s30  }
0x3b8: {  	v19 =	vld.idx.msk [tilespmem:v50+s16+$0x0], $0xffff;
	s29 =	simm.s32 $0x34;
	v9 =	vadd.f32 v27, v23;
	v23 =	vadd.f32 v35, v30;
	v30 =	vand.u32 $0x7E, v47  }
0x3b9: {  	v4 =	vadd.f32 v6, v4;
	v20 =	vor.u32 v41, v20;
	v18 =	vmov s29;
	v8 =	vld.idx.msk [tilespmem:v57+s16+$0x0], $0xffff  }
0x3ba: {  	v20 =	vadd.s32 v1, v20;
	v50 =	vld.idx.msk [tilespmem:v52+s16+$0x0], $0xffff;
	v52 =	vshll.u32 v45, $0x3;
	v27 =	vadd.f32 v39, v38  }
0x3bb: {  	v54 =	vadd.f32 v56, v54;
	v56 =	vand.u32 $0x7F, v48;
	v36 =	vand.u32 $0x1C00, v52  }
0x3bc: {  	v57 =	vadd.f32 v59, v58;
	v59 =	vand.u32 $0x7E, v49;
	v23 =	vadd.f32 v27, v23  }
0x3bd: {  	v58 =	vadd.f32 v61, v60;
	v60 =	vand.u32 $0x7F, v51;
	v27 =	vadd.f32 v54, v53  }
0x3be: {  	v61 =	vshll.u32 v44, $0x3;
	v53 =	vand.u32 $0x7E, v31;
	v54 =	vand.u32 $0x7F, v37  }
0x3bf: {  	v31 =	vshll.u32 v31, $0x3;
	v37 =	vshll.u32 v37, $0x3;
	v8 =	vadd.f32 v8, v55  }
0x3c0: {  	v6 =	vadd.f32 v23, v9;
	v9 =	vshll.u32 v47, $0x3;
	v35 =	vand.u32 $0xC00, v61  }
0x3c1: {  	v31 =	vand.u32 $0x1C00, v31;
	v19 =	vadd.f32 v50, v19;
	v62 =	vadd.f32 v58, v57  }
0x3c2: {  	v9 =	vand.u32 $0x1C00, v9;
	v50 =	vand.u32 $0x7F, v29;
	v29 =	vshll.u32 v29, $0x3  }
0x3c3: {  	v4 =	vadd.f32 v6, v4;
	v6 =	vshll.u32 v51, $0x3;
	v8 =	vadd.f32 v19, v8  }
0x3c4: {  	v9 =	vor.u32 v30, v9;
	v19 =	vshll.u32 v46, $0x3;
	v23 =	vadd.f32 v62, v27  }
0x3c5: {  	v27 =	vshll.u32 v49, $0x3;
	v9 =	vadd.s32 v1, v9;
	v3 =	vadd.f32 v3, v8  }
0x3c6: {  	v6 =	vand.u32 $0x1C00, v6;
	v49 =	vand.u32 $0x7E, v24;
	v24 =	vshll.u32 v24, $0x3  }
0x3c7: {  	v6 =	vor.u32 v60, v6;
	v3 =	vadd.f32 v3, v23;
	v23 =	vor.u32 v63, v36  }
0x3c8: {  	v24 =	vand.u32 $0x1C00, v24;
	v6 =	vadd.s32 v1, v6;
	v23 =	vadd.s32 v1, v23  }
0x3c9: {  	v3 =	vadd.f32 v3, v4;
	v4 =	vor.u32 v5, v35;
	v5 =	vand.u32 $0xC00, v19  }
0x3ca: {  	v24 =	vor.u32 v49, v24;
	v5 =	vor.u32 v10, v5;
	v10 =	vand.u32 $0x1C00, v27  }
0x3cb: {  	v8 =	vshll.u32 v48, $0x3;
	v24 =	vadd.s32 v1, v24;
	[tilespmem:v7+s17+$0x0] =	vst.idx.msk $0xffff, v3;
	v7 =	vor.u32 v59, v10  }
0x3cc: {  	v31 =	vor.u32 v53, v31;
	v8 =	vand.u32 $0x1C00, v8;
	v7 =	vadd.s32 v1, v7;
	v10 =	vld.idx.msk [tilespmem:v20+s14+$0x0], $0xffff  }
0x3cd: {  	v51 =	vand.u32 $0x7E, v28;
	v8 =	vor.u32 v56, v8;
	v4 =	vadd.s32 v1, v4;
	v9 =	vld.idx.msk [tilespmem:v9+s14+$0x0], $0xffff  }
0x3ce: {  	v28 =	vshll.u32 v28, $0x3;
	v29 =	vand.u32 $0x1C00, v29;
	v3 =	vadd.s32 v1, v8;
	v8 =	vld.idx.msk [tilespmem:v23+s14+$0x0], $0xffff  }
0x3cf: {  	v29 =	vor.u32 v50, v29;
	v28 =	vand.u32 $0x1C00, v28;
	v5 =	vadd.s32 v1, v5;
	v6 =	vld.idx.msk [tilespmem:v6+s14+$0x0], $0xffff  }
0x3d0: {  	v30 =	vand.u32 $0x7F, v25;
	v29 =	vadd.s32 v1, v29;
	v28 =	vor.u32 v51, v28;
	v24 =	vld.idx.msk [tilespmem:v24+s14+$0x0], $0xffff  }
0x3d1: {  	v25 =	vshll.u32 v25, $0x3;
	v60 =	vand.u32 $0x1C00, v37;
	v28 =	vadd.s32 v1, v28;
	v7 =	vld.idx.msk [tilespmem:v7+s14+$0x0], $0xffff  }
0x3d2: {  	s10 =	simm.s32 $0xAE;
	v31 =	vadd.s32 v1, v31;
	v48 =	vand.u32 $0x7F, v26;
	v32 =	vor.u32 v54, v60;
	v4 =	vld.idx.msk [tilespmem:v4+s14+$0x0], $0xffff  }
0x3d3: {  	s31 =	simm.s32 $0x60;
	v63 =	vand.u32 $0x7E, v22;
	v22 =	vshll.u32 v22, $0x3;
	v3 =	vld.idx.msk [tilespmem:v3+s14+$0x0], $0xffff;
	v8 =	vadd.s32 s10, v8  }
0x3d4: {  	s3 =	simm.s32 $0x38;
	v32 =	vadd.s32 v1, v32;
	v22 =	vand.u32 $0x1C00, v22;
	v5 =	vld.idx.msk [tilespmem:v5+s14+$0x0], $0xffff;
	v9 =	vadd.s32 s31, v9  }
0x3d5: {  	s29 =	simm.s32 $0xB1;
	v27 =	vand.u32 $0x7E, v21;
	v21 =	vshll.u32 v21, $0x3;
	v29 =	vld.idx.msk [tilespmem:v29+s14+$0x0], $0xffff;
	v23 =	vmov s3;
	s3 =	simm.s32 $0x66  }
0x3d6: {  	s28 =	simm.s32 $0x5A;
	s1 =	simm.s32 $0x37;
	v28 =	vld.idx.msk [tilespmem:v28+s14+$0x0], $0xffff;
	v10 =	vadd.s32 s29, v10;
	v59 =	vadd.s32 s3, v7;
	v7 =	vand.u32 $0x1C00, v21  }
0x3d7: {  	v19 =	vmov s1;
	s1 =	simm.s32 $0x63;
	v53 =	vld.idx.msk [tilespmem:v31+s14+$0x0], $0xffff;
	v56 =	vadd.s32 s28, v4;
	v7 =	vor.u32 v27, v7  }
0x3d8: {  	s30 =	simm.s32 $0x5D;
	v58 =	vadd.s32 s1, v3;
	v3 =	vld.idx.msk [tilespmem:v8+s16+$0x0], $0xffff;
	v8 =	vand.u32 $0x1C00, v25;
	v25 =	vadd.s32 v1, v7  }
0x3d9: {  	v26 =	vshll.u32 v26, $0x3;
	v57 =	vadd.s32 s30, v5;
	v7 =	vld.idx.msk [tilespmem:v9+s16+$0x0], $0xffff;
	v9 =	vor.u32 v63, v22  }
0x3da: {  	s5 =	simm.s32 $0x32;
	v54 =	vld.idx.msk [tilespmem:v32+s14+$0x0], $0xffff;
	v8 =	vor.u32 v30, v8;
	v22 =	vand.u32 $0x1C00, v26;
	v26 =	vadd.s32 v1, v9  }
0x3db: {  	v17 =	vmov s5;
	v4 =	vld.idx.msk [tilespmem:v10+s16+$0x0], $0xffff;
	v27 =	vadd.s32 v1, v8;
	v22 =	vor.u32 v48, v22  }
0x3dc: {  	s5 =	simm.s32 $0x39;
	v52 =	vand.u32 $0x7F, v34;
	v34 =	vshll.u32 v34, $0x3;
	v5 =	vld.idx.msk [tilespmem:v56+s16+$0x0], $0xffff;
	v22 =	vadd.s32 v1, v22  }
0x3dd: {  	v20 =	vmov s5;
	s5 =	simm.s32 $0x69;
	v30 =	vand.u32 $0x1C00, v34;
	v25 =	vld.idx.msk [tilespmem:v25+s14+$0x0], $0xffff  }
0x3de: {  	v21 =	vshll.u32 v33, $0x3;
	v10 =	vadd.s32 s5, v6;
	v30 =	vor.u32 v52, v30;
	v6 =	vld.idx.msk [tilespmem:v57+s16+$0x0], $0xffff  }
0x3df: {  	v55 =	vand.u32 $0x7E, v33;
	v21 =	vand.u32 $0x1C00, v21;
	v30 =	vadd.s32 v1, v30;
	v26 =	vld.idx.msk [tilespmem:v26+s14+$0x0], $0xffff  }
0x3e0: {  	v38 =	vand.u32 $0x7F, v13;
	v21 =	vor.u32 v55, v21;
	v27 =	vld.idx.msk [tilespmem:v27+s14+$0x0], $0xffff  }
0x3e1: {  	v61 =	vand.u32 $0x7F, v11;
	v37 =	vand.u32 $0x7E, v17;
	s10 =	simm.s32 $0x6C;
	v21 =	vadd.s32 v1, v21;
	v22 =	vld.idx.msk [tilespmem:v22+s14+$0x0], $0xffff  }
0x3e2: {  	v60 =	vshll.u32 v15, $0x3;
	v36 =	vand.u32 $0x7F, v16;
	s1 =	simm.s32 $0x78;
	v8 =	vld.idx.msk [tilespmem:v58+s16+$0x0], $0xffff;
	v25 =	vadd.s32 s10, v25  }
0x3e3: {  	v35 =	vand.u32 $0x7E, v12;
	v31 =	vand.u32 $0x7F, v19;
	s30 =	simm.s32 $0x72;
	v24 =	vadd.s32 s1, v24;
	v9 =	vld.idx.msk [tilespmem:v59+s16+$0x0], $0xffff  }
0x3e4: {  	v32 =	vand.u32 $0x7E, v23;
	s29 =	simm.s32 $0x6F;
	v33 =	vand.u32 $0x7E, v15;
	v62 =	vld.idx.msk [tilespmem:v30+s14+$0x0], $0xffff;
	v26 =	vadd.s32 s30, v26  }
0x3e5: {  	s31 =	simm.s32 $0x75;
	v63 =	vand.u32 $0x7E, v18;
	v55 =	vshll.u32 v11, $0x3;
	v10 =	vld.idx.msk [tilespmem:v10+s16+$0x0], $0xffff;
	v27 =	vadd.s32 s29, v27  }
0x3e6: {  	s3 =	simm.s32 $0x7B;
	v52 =	vand.u32 $0x7F, v14;
	v56 =	vshll.u32 v12, $0x3;
	v21 =	vld.idx.msk [tilespmem:v21+s14+$0x0], $0xffff;
	v22 =	vadd.s32 s31, v22  }
0x3e7: {  	s5 =	simm.s32 $0x7E;
	v57 =	vshll.u32 v17, $0x3;
	v58 =	vshll.u32 v18, $0x3;
	v11 =	vld.idx.msk [tilespmem:v25+s16+$0x0], $0xffff;
	v25 =	vadd.s32 s3, v29  }
0x3e8: {  	v17 =	vshll.u32 v23, $0x3;
	v15 =	vld.idx.msk [tilespmem:v24+s16+$0x0], $0xffff;
	s10 =	simm.s32 $0x81;
	v29 =	vshll.u32 v16, $0x3;
	v16 =	vadd.s32 s5, v28  }
0x3e9: {  	v59 =	vshll.u32 v14, $0x3;
	s29 =	simm.s32 $0x84;
	v28 =	vshll.u32 v13, $0x3;
	v13 =	vld.idx.msk [tilespmem:v26+s16+$0x0], $0xffff;
	v26 =	vadd.s32 s10, v62  }
0x3ea: {  	v24 =	vand.u32 $0x1C00, v55;
	v30 =	vand.u32 $0x7F, v20;
	s30 =	simm.s32 $0x87;
	v12 =	vld.idx.msk [tilespmem:v27+s16+$0x0], $0xffff;
	v27 =	vadd.s32 s29, v53  }
0x3eb: {  	v23 =	vadd.s32 s30, v54;
	s31 =	simm.s32 $0x8A;
	v14 =	vld.idx.msk [tilespmem:v22+s16+$0x0], $0xffff;
	v22 =	vshll.u32 v19, $0x3;
	v19 =	vshll.u32 v20, $0x3  }
0x3ec: {  	v20 =	vadd.s32 s31, v21;
	v21 =	vor.u32 v61, v24;
	v24 =	vand.u32 $0x1C00, v56;
	v18 =	vld.idx.msk [tilespmem:v25+s16+$0x0], $0xffff  }
0x3ed: {  	v29 =	vand.u32 $0x1C00, v29;
	v61 =	vadd.s32 v1, v21;
	v24 =	vor.u32 v35, v24;
	v16 =	vld.idx.msk [tilespmem:v16+s16+$0x0], $0xffff  }
0x3ee: {  	v25 =	vadd.s32 v1, v24;
	v24 =	vor.u32 v36, v29;
	v29 =	vand.u32 $0x1C00, v57;
	v21 =	vld.idx.msk [tilespmem:v26+s16+$0x0], $0xffff  }
0x3ef: {  	v27 =	vld.idx.msk [tilespmem:v27+s16+$0x0], $0xffff;
	v26 =	vadd.s32 v1, v24;
	v24 =	vor.u32 v37, v29;
	v29 =	vand.u32 $0x1C00, v28  }
0x3f0: {  	v62 =	vand.u32 $0x1C00, v58;
	v28 =	vld.idx.msk [tilespmem:v23+s16+$0x0], $0xffff;
	v34 =	vadd.s32 v1, v24;
	v23 =	vor.u32 v38, v29  }
0x3f1: {  	v29 =	vld.idx.msk [tilespmem:v20+s16+$0x0], $0xffff;
	v24 =	vadd.s32 v1, v23;
	v23 =	vor.u32 v63, v62;
	v63 =	vand.u32 $0x1C00, v59  }
0x3f2: {  	s0 =	simm.s32 $0xB4;
	v36 =	vand.u32 $0x1C00, v60;
	v20 =	vld.idx.msk [tilespmem:v61+s14+$0x0], $0xffff;
	v23 =	vadd.s32 v1, v23;
	v35 =	vor.u32 v52, v63  }
.LBB2_15:
0x3f3: {  	p0 =	sne.s32 s0, $0x32A;
	v25 =	vld.idx.msk [tilespmem:v25+s14+$0x0], $0xffff;
	v35 =	vadd.s32 v1, v35;
	v33 =	vor.u32 v33, v36;
	v22 =	vand.u32 $0x1C00, v22  }
0x3f4: {  	v17 =	vand.u32 $0x1C00, v17;
	v26 =	vld.idx.msk [tilespmem:v26+s14+$0x0], $0xffff;
	v33 =	vadd.s32 v1, v33;
	v22 =	vor.u32 v31, v22  }
0x3f5: {  	v19 =	vand.u32 $0x1C00, v19;
	s25 =	sadd.s32 $0x1, s25;
	v17 =	vor.u32 v32, v17;
	v31 =	vld.idx.msk [tilespmem:v34+s14+$0x0], $0xffff;
	v22 =	vadd.s32 v1, v22  }
0x3f6: {  	s26 =	sadd.s32 $0x1E, s26;
	v19 =	vor.u32 v30, v19;
	v30 =	vmov s25;
	v17 =	vadd.s32 v1, v17;
	v24 =	vld.idx.msk [tilespmem:v24+s14+$0x0], $0xffff  }
0x3f7: {  	s1 =	sadd.s32 $0x33, s28;
	v32 =	vmov s26;
	v19 =	vadd.s32 v1, v19;
	v48 =	vand.u32 $0x7F, v30;
	v23 =	vld.idx.msk [tilespmem:v23+s14+$0x0], $0xffff  }
0x3f8: {  	s3 =	sadd.s32 $0xFFFFFFE3, s26;
	s5 =	sadd.s32 $0xFFFFFFFF, s26;
	v41 =	vand.u32 $0x7F, v32;
	v49 =	vshll.u32 v32, $0x3;
	v20 =	vadd.s32 s1, v20;
	s1 =	sadd.s32 $0x36, s28;
	v35 =	vld.idx.msk [tilespmem:v35+s14+$0x0], $0xffff  }
0x3f9: {  	s10 =	sadd.s32 $0xFFFFFFE5, s26;
	v42 =	vmov s3;
	s3 =	sadd.s32 $0xFFFFFFE4, s26;
	v50 =	vmov s5;
	v25 =	vadd.s32 s1, v25;
	s1 =	sadd.s32 $0x39, s28;
	v37 =	vld.idx.msk [tilespmem:v33+s14+$0x0], $0xffff  }
0x3fa: {  	v43 =	vmov s10;
	s5 =	sadd.s32 $0xFFFFFFE7, s26;
	v44 =	vmov s3;
	s3 =	sadd.s32 $0xFFFFFFE6, s26;
	v26 =	vadd.s32 s1, v26;
	s1 =	sadd.s32 $0x3C, s28;
	v22 =	vld.idx.msk [tilespmem:v22+s14+$0x0], $0xffff  }
0x3fb: {  	v46 =	vmov s5;
	s5 =	sadd.s32 $0xFFFFFFE9, s26;
	v45 =	vmov s3;
	s3 =	sadd.s32 $0xFFFFFFE8, s26;
	v38 =	vadd.s32 s1, v31;
	s1 =	sadd.s32 $0x3F, s28;
	v17 =	vld.idx.msk [tilespmem:v17+s14+$0x0], $0xffff  }
0x3fc: {  	v30 =	vmov s5;
	s5 =	sadd.s32 $0xFFFFFFEB, s26;
	v47 =	vmov s3;
	s3 =	sadd.s32 $0xFFFFFFEA, s26;
	v24 =	vadd.s32 s1, v24;
	s1 =	sadd.s32 $0x42, s28;
	v19 =	vld.idx.msk [tilespmem:v19+s14+$0x0], $0xffff  }
0x3fd: {  	v33 =	vmov s3;
	s3 =	sadd.s32 $0xFFFFFFEC, s26;
	v31 =	vmov s5;
	s5 =	sadd.s32 $0xFFFFFFED, s26;
	v51 =	vld.idx.msk [tilespmem:v20+s16+$0x0], $0xffff;
	v20 =	vadd.s32 s1, v23;
	s1 =	sadd.s32 $0x45, s28  }
0x3fe: {  	v34 =	vmov s3;
	s3 =	sadd.s32 $0xFFFFFFEE, s26;
	v32 =	vmov s5;
	s5 =	sadd.s32 $0xFFFFFFEF, s26;
	v52 =	vld.idx.msk [tilespmem:v25+s16+$0x0], $0xffff;
	v53 =	vadd.s32 s1, v35;
	s1 =	sadd.s32 $0x48, s28  }
0x3ff: {  	v36 =	vmov s3;
	s3 =	sadd.s32 $0xFFFFFFF0, s26;
	v35 =	vmov s5;
	s5 =	sadd.s32 $0xFFFFFFF1, s26;
	v54 =	vld.idx.msk [tilespmem:v26+s16+$0x0], $0xffff;
	v55 =	vadd.s32 s1, v37;
	s1 =	sadd.s32 $0x4B, s28  }
0x400: {  	v39 =	vmov s3;
	s3 =	sadd.s32 $0xFFFFFFF2, s26;
	v37 =	vmov s5;
	s5 =	sadd.s32 $0xFFFFFFF3, s26;
	v56 =	vld.idx.msk [tilespmem:v38+s16+$0x0], $0xffff;
	v57 =	vadd.s32 s1, v22;
	s1 =	sadd.s32 $0x4E, s28  }
0x401: {  	v40 =	vmov s3;
	s3 =	sadd.s32 $0xFFFFFFF4, s26;
	v38 =	vmov s5;
	s5 =	sadd.s32 $0xFFFFFFF5, s26;
	v58 =	vld.idx.msk [tilespmem:v24+s16+$0x0], $0xffff;
	v59 =	vadd.s32 s1, v17;
	s1 =	sadd.s32 $0x51, s28  }
0x402: {  	s10 =	sadd.s32 $0xFFFFFFF8, s26;
	v22 =	vmov s3;
	s3 =	sadd.s32 $0xFFFFFFF6, s26;
	v23 =	vmov s5;
	s5 =	sadd.s32 $0xFFFFFFF7, s26;
	v60 =	vld.idx.msk [tilespmem:v20+s16+$0x0], $0xffff;
	v61 =	vadd.s32 s1, v19  }
0x403: {  	v24 =	vmov s3;
	v17 =	vmov s10;
	s3 =	sadd.s32 $0xFFFFFFFA, s26;
	v25 =	vmov s5;
	s1 =	sadd.s32 $0xFFFFFFF9, s26;
	s5 =	sadd.s32 $0xFFFFFFFB, s26;
	v53 =	vld.idx.msk [tilespmem:v53+s16+$0x0], $0xffff  }
0x404: {  	s28 =	smov.u32 s0;
	v19 =	vmov s3;
	v26 =	vmov s1;
	v20 =	vmov s5;
	v55 =	vld.idx.msk [tilespmem:v55+s16+$0x0], $0xffff  }
0x405: {  	v5 =	vadd.f32 v6, v5;
	v6 =	vadd.f32 v8, v7;
	v7 =	vbroadcast v48, $0x0;
	v57 =	vld.idx.msk [tilespmem:v57+s16+$0x0], $0xffff  }
0x406: {  	v9 =	vadd.f32 v10, v9;
	v10 =	vadd.f32 v12, v11;
	v8 =	vand.u32 $0x7E, v50;
	v48 =	vld.idx.msk [tilespmem:v59+s16+$0x0], $0xffff  }
0x407: {  	v13 =	vadd.f32 v14, v13;
	v14 =	vadd.f32 v18, v15;
	v11 =	vand.u32 $0x1C00, v49;
	v12 =	vld.idx.msk [tilespmem:v61+s16+$0x0], $0xffff  }
0x408: {  	v3 =	vadd.f32 v4, v3;
	v4 =	vadd.f32 v6, v5;
	v15 =	vshll.u32 v50, $0x3  }
0x409: {  	v6 =	vadd.f32 v10, v9;
	v9 =	vadd.f32 v14, v13;
	v5 =	vand.u32 $0x7E, v42  }
0x40a: {  	v13 =	vadd.f32 v21, v16;
	v14 =	vadd.f32 v28, v27;
	v10 =	vand.u32 $0x7F, v44  }
0x40b: {  	v16 =	vand.u32 $0x7E, v43;
	v18 =	vadd.f32 v51, v29;
	v21 =	vadd.f32 v54, v52  }
0x40c: {  	v27 =	vand.u32 $0x7F, v45;
	v28 =	vadd.f32 v58, v56;
	v29 =	vadd.f32 v53, v60  }
0x40d: {  	v49 =	vand.u32 $0x7E, v46;
	v50 =	vadd.f32 v57, v55;
	v12 =	vadd.f32 v12, v48  }
0x40e: {  	v13 =	vadd.f32 v14, v13;
	v14 =	vadd.f32 v21, v18;
	v48 =	vand.u32 $0x7F, v47  }
0x40f: {  	v18 =	vshll.u32 v42, $0x3;
	v21 =	vadd.f32 v29, v28;
	v12 =	vadd.f32 v12, v50  }
0x410: {  	v4 =	vadd.f32 v6, v4;
	v6 =	vadd.f32 v13, v9;
	v28 =	vshll.u32 v44, $0x3  }
0x411: {  	v9 =	vshll.u32 v43, $0x3;
	v13 =	vadd.f32 v21, v14;
	v3 =	vadd.f32 v3, v12  }
0x412: {  	v7 =	vor.u32 v2, v7;
	v14 =	vshll.u32 v46, $0x3;
	v12 =	vshll.u32 v45, $0x3  }
0x413: {  	v15 =	vand.u32 $0x1C00, v15;
	v4 =	vadd.f32 v6, v4;
	v3 =	vadd.f32 v3, v13  }
0x414: {  	v11 =	vor.u32 v41, v11;
	v8 =	vor.u32 v8, v15;
	v6 =	vshll.u32 v47, $0x3  }
0x415: {  	v8 =	vadd.s32 v1, v8;
	v13 =	vand.u32 $0xC00, v18;
	v3 =	vadd.f32 v3, v4  }
0x416: {  	v11 =	vadd.s32 v1, v11;
	v4 =	vor.u32 v5, v13;
	v5 =	vand.u32 $0xC00, v28  }
0x417: {  	v9 =	vand.u32 $0x1C00, v9;
	v4 =	vadd.s32 v1, v4;
	v5 =	vor.u32 v10, v5;
	[tilespmem:v7+s17+$0x0] =	vst.idx.msk $0xffff, v3  }
0x418: {  	v3 =	vadd.s32 v1, v5;
	v5 =	vor.u32 v16, v9;
	v7 =	vand.u32 $0x1C00, v12  }
0x419: {  	v9 =	vand.u32 $0x1C00, v14;
	v5 =	vadd.s32 v1, v5;
	v7 =	vor.u32 v27, v7  }
0x41a: {  	v6 =	vand.u32 $0x1C00, v6;
	s1 =	sadd.s32 $0xFFFFFFFC, s26;
	v9 =	vor.u32 v49, v9;
	v7 =	vadd.s32 v1, v7;
	v8 =	vld.idx.msk [tilespmem:v8+s14+$0x0], $0xffff  }
0x41b: {  	s3 =	sadd.s32 $0xFFFFFFFE, s26;
	v15 =	vmov s1;
	s1 =	sadd.s32 $0xFFFFFFFD, s26;
	v6 =	vor.u32 v48, v6;
	v9 =	vadd.s32 v1, v9;
	v10 =	vld.idx.msk [tilespmem:v11+s14+$0x0], $0xffff  }
0x41c: {  	v6 =	vadd.s32 v1, v6;
	v18 =	vmov s1;
	v16 =	vmov s3;
	v4 =	vld.idx.msk [tilespmem:v4+s14+$0x0], $0xffff  }
0x41d: {  	v13 =	vand.u32 $0x7E, v31;
	v12 =	vand.u32 $0x7F, v33;
	v11 =	vand.u32 $0x7E, v30;
	v3 =	vld.idx.msk [tilespmem:v3+s14+$0x0], $0xffff  }
0x41e: {  	v21 =	vand.u32 $0x7E, v32;
	v14 =	vand.u32 $0x7F, v34;
	v27 =	vand.u32 $0x7F, v36;
	v5 =	vld.idx.msk [tilespmem:v5+s14+$0x0], $0xffff  }
0x41f: {  	v41 =	vand.u32 $0x7E, v37;
	v29 =	vand.u32 $0x7F, v39;
	s1 =	sadd.s32 $0x54, s0;
	v28 =	vand.u32 $0x7E, v35;
	v7 =	vld.idx.msk [tilespmem:v7+s14+$0x0], $0xffff  }
0x420: {  	v43 =	vand.u32 $0x7E, v38;
	v42 =	vand.u32 $0x7F, v40;
	v8 =	vadd.s32 s1, v8;
	s1 =	sadd.s32 $0x57, s0;
	v9 =	vld.idx.msk [tilespmem:v9+s14+$0x0], $0xffff  }
0x421: {  	v33 =	vshll.u32 v33, $0x3;
	v30 =	vshll.u32 v30, $0x3;
	v10 =	vadd.s32 s1, v10;
	v6 =	vld.idx.msk [tilespmem:v6+s14+$0x0], $0xffff  }
0x422: {  	v31 =	vshll.u32 v31, $0x3;
	v34 =	vshll.u32 v34, $0x3;
	s1 =	sadd.s32 $0x3, s0;
	v44 =	vadd.s32 s0, v4  }
0x423: {  	v32 =	vshll.u32 v32, $0x3;
	v36 =	vshll.u32 v36, $0x3;
	v45 =	vadd.s32 s1, v3;
	s1 =	sadd.s32 $0x6, s0  }
0x424: {  	v39 =	vshll.u32 v39, $0x3;
	v35 =	vshll.u32 v35, $0x3;
	v46 =	vadd.s32 s1, v5;
	s1 =	sadd.s32 $0x9, s0  }
0x425: {  	v37 =	vshll.u32 v37, $0x3;
	v40 =	vshll.u32 v40, $0x3;
	v47 =	vadd.s32 s1, v7;
	s1 =	sadd.s32 $0xC, s0;
	v3 =	vld.idx.msk [tilespmem:v8+s16+$0x0], $0xffff  }
0x426: {  	v7 =	vand.u32 $0x1C00, v30;
	v30 =	vshll.u32 v38, $0x3;
	v9 =	vadd.s32 s1, v9;
	s1 =	sadd.s32 $0xF, s0;
	v4 =	vld.idx.msk [tilespmem:v10+s16+$0x0], $0xffff  }
0x427: {  	v7 =	vor.u32 v11, v7;
	v8 =	vand.u32 $0x1C00, v33;
	v10 =	vadd.s32 s1, v6;
	v5 =	vld.idx.msk [tilespmem:v44+s16+$0x0], $0xffff  }
0x428: {  	v11 =	vadd.s32 v1, v7;
	v8 =	vor.u32 v12, v8;
	v12 =	vand.u32 $0x1C00, v31;
	v6 =	vld.idx.msk [tilespmem:v45+s16+$0x0], $0xffff  }
0x429: {  	v31 =	vadd.s32 v1, v8;
	v12 =	vor.u32 v13, v12;
	v13 =	vand.u32 $0x1C00, v34;
	v7 =	vld.idx.msk [tilespmem:v46+s16+$0x0], $0xffff  }
0x42a: {  	v12 =	vadd.s32 v1, v12;
	v13 =	vor.u32 v14, v13;
	v14 =	vand.u32 $0x1C00, v32;
	v8 =	vld.idx.msk [tilespmem:v47+s16+$0x0], $0xffff  }
0x42b: {  	v13 =	vadd.s32 v1, v13;
	v14 =	vor.u32 v21, v14;
	v21 =	vand.u32 $0x1C00, v36;
	v9 =	vld.idx.msk [tilespmem:v9+s16+$0x0], $0xffff  }
0x42c: {  	v14 =	vadd.s32 v1, v14;
	v21 =	vor.u32 v27, v21;
	v27 =	vand.u32 $0x1C00, v35;
	v10 =	vld.idx.msk [tilespmem:v10+s16+$0x0], $0xffff  }
0x42d: {  	v21 =	vadd.s32 v1, v21;
	v27 =	vor.u32 v28, v27;
	v28 =	vand.u32 $0x1C00, v39;
	v11 =	vld.idx.msk [tilespmem:v11+s14+$0x0], $0xffff  }
0x42e: {  	v27 =	vadd.s32 v1, v27;
	v28 =	vor.u32 v29, v28;
	v29 =	vand.u32 $0x1C00, v37;
	v31 =	vld.idx.msk [tilespmem:v31+s14+$0x0], $0xffff  }
0x42f: {  	v32 =	vand.u32 $0x1C00, v40;
	v28 =	vadd.s32 v1, v28;
	v29 =	vor.u32 v41, v29;
	v12 =	vld.idx.msk [tilespmem:v12+s14+$0x0], $0xffff  }
0x430: {  	v30 =	vand.u32 $0x1C00, v30;
	v32 =	vor.u32 v42, v32;
	v29 =	vadd.s32 v1, v29;
	v13 =	vld.idx.msk [tilespmem:v13+s14+$0x0], $0xffff  }
0x431: {  	v30 =	vor.u32 v43, v30;
	v34 =	vand.u32 $0x7F, v22;
	v32 =	vadd.s32 v1, v32;
	v14 =	vld.idx.msk [tilespmem:v14+s14+$0x0], $0xffff  }
0x432: {  	s1 =	sadd.s32 $0x12, s0;
	v36 =	vand.u32 $0x7E, v23;
	v35 =	vadd.s32 v1, v30;
	v37 =	vand.u32 $0x7F, v24;
	v21 =	vld.idx.msk [tilespmem:v21+s14+$0x0], $0xffff  }
0x433: {  	v38 =	vand.u32 $0x7E, v25;
	v39 =	vand.u32 $0x7F, v17;
	v11 =	vadd.s32 s1, v11;
	s1 =	sadd.s32 $0x15, s0;
	v27 =	vld.idx.msk [tilespmem:v27+s14+$0x0], $0xffff  }
0x434: {  	v42 =	vand.u32 $0x7F, v19;
	v41 =	vand.u32 $0x7E, v26;
	v40 =	vadd.s32 s1, v31;
	s1 =	sadd.s32 $0x18, s0;
	v28 =	vld.idx.msk [tilespmem:v28+s14+$0x0], $0xffff  }
0x435: {  	v33 =	vand.u32 $0x7E, v20;
	v31 =	vand.u32 $0x7F, v15;
	v43 =	vadd.s32 s1, v12;
	s1 =	sadd.s32 $0x1B, s0;
	v29 =	vld.idx.msk [tilespmem:v29+s14+$0x0], $0xffff  }
0x436: {  	v30 =	vand.u32 $0x7F, v16;
	v44 =	vadd.s32 s1, v13;
	s1 =	sadd.s32 $0x1E, s0;
	v45 =	vld.idx.msk [tilespmem:v32+s14+$0x0], $0xffff;
	v32 =	vand.u32 $0x7E, v18  }
0x437: {  	v23 =	vshll.u32 v23, $0x3;
	v47 =	vshll.u32 v22, $0x3;
	v46 =	vadd.s32 s1, v14;
	s1 =	sadd.s32 $0x21, s0;
	v35 =	vld.idx.msk [tilespmem:v35+s14+$0x0], $0xffff  }
0x438: {  	v48 =	vshll.u32 v25, $0x3;
	v24 =	vshll.u32 v24, $0x3;
	v21 =	vadd.s32 s1, v21;
	s1 =	sadd.s32 $0x24, s0;
	v11 =	vld.idx.msk [tilespmem:v11+s16+$0x0], $0xffff  }
0x439: {  	v49 =	vshll.u32 v26, $0x3;
	v25 =	vadd.s32 s1, v27;
	s1 =	sadd.s32 $0x27, s0;
	v12 =	vld.idx.msk [tilespmem:v40+s16+$0x0], $0xffff;
	v40 =	vshll.u32 v17, $0x3  }
0x43a: {  	v50 =	vshll.u32 v20, $0x3;
	v26 =	vadd.s32 s1, v28;
	s1 =	sadd.s32 $0x2A, s0;
	v13 =	vld.idx.msk [tilespmem:v43+s16+$0x0], $0xffff;
	v43 =	vshll.u32 v19, $0x3  }
0x43b: {  	v22 =	vshll.u32 v15, $0x3;
	v17 =	vshll.u32 v18, $0x3;
	v20 =	vadd.s32 s1, v29;
	s1 =	sadd.s32 $0x2D, s0;
	v14 =	vld.idx.msk [tilespmem:v44+s16+$0x0], $0xffff  }
0x43c: {  	v27 =	vand.u32 $0x1C00, v47;
	v19 =	vshll.u32 v16, $0x3;
	v28 =	vadd.s32 s1, v45;
	s1 =	sadd.s32 $0x30, s0;
	v15 =	vld.idx.msk [tilespmem:v46+s16+$0x0], $0xffff  }
0x43d: {  	v23 =	vand.u32 $0x1C00, v23;
	v29 =	vadd.s32 s1, v35;
	v18 =	vld.idx.msk [tilespmem:v21+s16+$0x0], $0xffff;
	v21 =	vor.u32 v34, v27  }
0x43e: {  	v23 =	vor.u32 v36, v23;
	v24 =	vand.u32 $0x1C00, v24;
	v16 =	vld.idx.msk [tilespmem:v25+s16+$0x0], $0xffff;
	v35 =	vadd.s32 v1, v21  }
.Ltmp8:
0x43f: {  	v25 =	vadd.s32 v1, v23;
	v23 =	vor.u32 v37, v24;
	v24 =	vand.u32 $0x1C00, v48;
	v21 =	vld.idx.msk [tilespmem:v26+s16+$0x0], $0xffff;
	(pc) =	sbr.rel @p0 .LBB2_15-.Ltmp8, $4  }
0x440: {  	v26 =	vadd.s32 v1, v23;
	v23 =	vand.u32 $0x1C00, v40;
	v27 =	vld.idx.msk [tilespmem:v20+s16+$0x0], $0xffff;
	v20 =	vor.u32 v38, v24  }
0x441: {  	v28 =	vld.idx.msk [tilespmem:v28+s16+$0x0], $0xffff;
	v34 =	vadd.s32 v1, v20;
	v20 =	vor.u32 v39, v23;
	v23 =	vand.u32 $0x1C00, v49  }
0x442: {  	v36 =	vand.u32 $0x1C00, v43;
	v29 =	vld.idx.msk [tilespmem:v29+s16+$0x0], $0xffff;
	v24 =	vadd.s32 v1, v20;
	v23 =	vor.u32 v41, v23  }
0x443: {  	s0 =	sadd.s32 $0x5A, s0;
	v20 =	vld.idx.msk [tilespmem:v35+s14+$0x0], $0xffff;
	v23 =	vadd.s32 v1, v23;
	v35 =	vor.u32 v42, v36;
	v36 =	vand.u32 $0x1C00, v50  }
0x444: {  	_ =	sdelay $0x3  }
0x445: {  	v25 =	vld.idx.msk [tilespmem:v25+s14+$0x0], $0xffff;
	v35 =	vadd.s32 v1, v35;
	v33 =	vor.u32 v33, v36;
	v22 =	vand.u32 $0x1C00, v22  }
0x446: {  	v26 =	vld.idx.msk [tilespmem:v26+s14+$0x0], $0xffff;
	v17 =	vand.u32 $0x1C00, v17;
	v33 =	vadd.s32 v1, v33;
	v22 =	vor.u32 v31, v22  }
0x447: {  	v36 =	vld.idx.msk [tilespmem:v34+s14+$0x0], $0xffff;
	v19 =	vand.u32 $0x1C00, v19;
	v17 =	vor.u32 v32, v17;
	v22 =	vadd.s32 v1, v22  }
0x448: {  	v24 =	vld.idx.msk [tilespmem:v24+s14+$0x0], $0xffff;
	v19 =	vor.u32 v30, v19;
	v17 =	vadd.s32 v1, v17  }
0x449: {  	s0 =	sadd.s32 $0x33, s28;
	v23 =	vld.idx.msk [tilespmem:v23+s14+$0x0], $0xffff;
	v19 =	vadd.s32 v1, v19  }
0x44a: {  	s26 =	sadd.s32 $0x36, s28;
	v20 =	vadd.s32 s0, v20;
	v37 =	vld.idx.msk [tilespmem:v35+s14+$0x0], $0xffff  }
0x44b: {  	s29 =	sadd.s32 $0x39, s28;
	v25 =	vadd.s32 s26, v25;
	v38 =	vld.idx.msk [tilespmem:v33+s14+$0x0], $0xffff  }
0x44c: {  	s30 =	sadd.s32 $0x3C, s28;
	v26 =	vadd.s32 s29, v26;
	v22 =	vld.idx.msk [tilespmem:v22+s14+$0x0], $0xffff  }
0x44d: {  	s31 =	sadd.s32 $0x3F, s28;
	v31 =	vadd.s32 s30, v36;
	v17 =	vld.idx.msk [tilespmem:v17+s14+$0x0], $0xffff  }
0x44e: {  	s1 =	sadd.s32 $0x42, s28;
	v24 =	vadd.s32 s31, v24;
	v19 =	vld.idx.msk [tilespmem:v19+s14+$0x0], $0xffff  }
0x44f: {  	s3 =	sadd.s32 $0x45, s28;
	v23 =	vadd.s32 s1, v23;
	v20 =	vld.idx.msk [tilespmem:v20+s16+$0x0], $0xffff  }
0x450: {  	s5 =	sadd.s32 $0x48, s28;
	v25 =	vld.idx.msk [tilespmem:v25+s16+$0x0], $0xffff;
	v30 =	vadd.s32 s3, v37  }
0x451: {  	s10 =	sadd.s32 $0x4B, s28;
	v26 =	vld.idx.msk [tilespmem:v26+s16+$0x0], $0xffff;
	v32 =	vadd.s32 s5, v38  }
0x452: {  	s26 =	sadd.s32 $0x4E, s28;
	v31 =	vld.idx.msk [tilespmem:v31+s16+$0x0], $0xffff;
	v22 =	vadd.s32 s10, v22  }
0x453: {  	s29 =	sadd.s32 $0x51, s28;
	v24 =	vld.idx.msk [tilespmem:v24+s16+$0x0], $0xffff;
	v17 =	vadd.s32 s26, v17  }
0x454: {  	v23 =	vld.idx.msk [tilespmem:v23+s16+$0x0], $0xffff;
	v19 =	vadd.s32 s29, v19  }
0x455: {  	v30 =	vld.idx.msk [tilespmem:v30+s16+$0x0], $0xffff  }
0x456: {  	v5 =	vadd.f32 v6, v5;
	v39 =	vadd.f32 v8, v7;
	v32 =	vld.idx.msk [tilespmem:v32+s16+$0x0], $0xffff  }
0x457: {  	v41 =	vadd.f32 v10, v9;
	v42 =	vadd.f32 v12, v11;
	v40 =	vld.idx.msk [tilespmem:v22+s16+$0x0], $0xffff  }
0x458: {  	v44 =	vadd.f32 v14, v13;
	v45 =	vadd.f32 v18, v15;
	v43 =	vld.idx.msk [tilespmem:v17+s16+$0x0], $0xffff  }
0x459: {  	v3 =	vadd.f32 v4, v3;
	v50 =	vadd.f32 v21, v16;
	v46 =	vld.idx.msk [tilespmem:v19+s16+$0x0], $0xffff  }
0x45a: {  	v47 =	vadd.f32 v39, v5;
	v48 =	vadd.f32 v42, v41  }
0x45b: {  	v49 =	vadd.f32 v45, v44;
	v51 =	vadd.f32 v28, v27  }
0x45c: {  	v52 =	vadd.f32 v20, v29;
	v53 =	vadd.f32 v26, v25  }
0x45d: {  	v54 =	vadd.f32 v24, v31;
	v55 =	vadd.f32 v30, v23  }
0x45e: {  	s30 =	sadd.s32 $0x1, s25;
	v7 =	vadd.f32 v40, v32;
	v10 =	vadd.f32 v46, v43  }
0x45f: {  	v8 =	vadd.f32 v51, v50;
	v56 =	vmov s30;
	v57 =	vadd.f32 v53, v52  }
0x460: {  	v58 =	vand.u32 $0x7F, v56;
	v59 =	vadd.f32 v55, v54;
	v7 =	vadd.f32 v10, v7  }
0x461: {  	v4 =	vadd.f32 v48, v47;
	v61 =	vadd.f32 v8, v49;
	v60 =	vbroadcast v58, $0x0  }
0x462: {  	v62 =	vadd.f32 v59, v57;
	v3 =	vadd.f32 v3, v7  }
0x463: {  	v63 =	vor.u32 v2, v60  }
0x464: {  	v4 =	vadd.f32 v61, v4;
	v3 =	vadd.f32 v3, v62;
	_ =	sdelay $0x1  }
0x465: {  	v3 =	vadd.f32 v3, v4  }
0x466: {  	s23 =	sadd.s32 $0x1, s23;
	s31 =	sshll.u32 s24, $0x7  }
0x467: {  	p0 =	sne.s32 s23, $0x8;
	s0 =	sadd.s32 s6, s31;
	[tilespmem:v63+s17+$0x0] =	vst.idx.msk $0xffff, v3  }
0x468: {  	[hbm4b:s0+s2] =	stream.linear.scatter [tilespmem:s17], [sflag:$0x5], $0x800, $0x38;
	[tilespmem:$0x7B00] =	vst v63  }
.Ltmp9:
0x469: {  	_ = 	snop;
	(pc) =	sbr.rel @p0 .LBB2_4-.Ltmp9, $4  }
.Ltmp10:
0x46a: {  	_ = 	snop;
	(pc) =	sbr.rel @!p0 .LBB2_17-.Ltmp10, $4  }
0x46b: {  	_ =	swait.ge [sflag:s9], $0x800  }
0x46c: {  	[sflag:s9] =	ssyncset.done $0x0  }
0x46d: {  	[sflag:s9] =	ssyncadd.s32 $0xFFFFF800  }
0x46e: {  	_ = 	snop  }
.LBB2_5:
.Ltmp11:
0x46f: {  	(pc) =	sbr.rel .LBB2_10-.Ltmp11, $4  }
0x470: {  	_ = 	snop  }
0x471: {  	v10 =	vmovc v28;
	v19 =	vmov v35;
	v20 =	vmov v36;
	v3 =	vmov v25  }
0x472: {  	v11 =	vmovc v26;
	v12 =	vmovc v30;
	v4 =	vmov v16;
	v8 =	vmov v29;
	v13 =	vmov v32  }
0x473: {  	v6 =	vmovc v18;
	v9 =	vmovc v31;
	s31 =	simm.s32 $0x0;
	v17 =	vmov v33;
	v5 =	vmov v15;
	s29 =	simm.s32 $0x0;
	v14 =	vmov v34  }
.LBB2_7:
0x474: {  	v56 =	vld [tilespmem:$0x1FE90]  }
0x475: {  	v57 =	vld [tilespmem:$0x1FE80]  }
0x476: {  	v58 =	vld [tilespmem:$0x1FE70]  }
0x477: {  	v59 =	vld [tilespmem:$0x1FE60]  }
0x478: {  	v60 =	vld [tilespmem:$0x1FE50]  }
0x479: {  	v61 =	vld [tilespmem:$0x1FE40]  }
0x47a: {  	v62 =	vld [tilespmem:$0x1FE30]  }
0x47b: {  	v63 =	vld [tilespmem:$0x1FE20]  }
0x47c: {  	v25 =	vld [tilespmem:$0x1FEB0]  }
0x47d: {  	v24 =	vld [tilespmem:$0x1FE10]  }
0x47e: {  	v29 =	vld [tilespmem:$0x1FEE0]  }
0x47f: {  	v31 =	vld [tilespmem:$0x1FF00]  }
0x480: {  	v26 =	vld [tilespmem:$0x1FEC0]  }
0x481: {  	v27 =	vld [tilespmem:$0x1FE00]  }
.Ltmp12:
0x482: {  	v28 =	vld [tilespmem:$0x1FEA0];
	(pc) =	sbr.rel .LBB2_10-.Ltmp12, $4  }
0x483: {  	v30 =	vld [tilespmem:$0x1FED0]  }
0x484: {  	v32 =	vld [tilespmem:$0x1FEF0]  }
0x485: {  	v33 =	vld [tilespmem:$0x1FF10]  }
0x486: {  	s31 =	simm.s32 $0x0;
	v34 =	vld [tilespmem:$0x1FF20]  }
.LBB2_18:
0x487: {  	_ =	sfence.sel $0x180000  }
0x488: {  	[bflag:$0x0] =	sbarrier.arrive $0xFFFF  }
0x489: {  	_ =	strace $0x90000047  }
0x48a: {  	s0 =	stileid.u32;
	[bflag:$0x2] =	sbarrier.arrive $0xFFFF  }
0x48b: {  	p0 =	sne.s32 s0, $0x0;
	s0 =	rddreg [dreg:$0x2]  }
0x48c: {  	s0 =	sadd.s32 @!p0 $0x100000, s0  }
0x48d: {  	[sflag:s0] =	ssyncadd.tile.s32 @!p0 $0x1;
	_ =	shalt  }
.Lfunc_end2:
_tile_overlayer_lowered:
.L_overlay_start_2:
0x48e: {  	(tag) =	ssettag $0x2  }
0x48f: {  	s0 =	rddreg [dreg:$0x0];
	s2 =	stileid.u32  }
0x490: {  	s1 =	rddreg [dreg:$0x1];
	p0 =	sne.s32 s2, $0x0  }
0x491: {  	s3 =	rddreg [dreg:$0x2];
	[bflag:$0x3] =	sbarrier.arrive $0xFFFF;
	s2 =	simm.s32 @!p0 $0x1C05  }
0x492: {  	[timem:s3], [sflag:s2] =	dma.local @!p0 [hbm:s0], s1  }
0x493: {  	s0 =	simm.s32 @!p0 $0x5  }
0x494: {  	_ =	swait.ge @!p0 [sflag:s0], s1  }
0x495: {  	s1 =	ssub.s32 @!p0 $0x0, s1;
	[sflag:s0] =	ssyncset.done @!p0 $0x0  }
0x496: {  	[sflag:s0] =	ssyncadd.s32 @!p0 s1  }
0x497: {  	[bflag:$0x3] =	sbarrier.arrive $0xFFFF  }
0x498: {  	_ =	shalt  }

</sc_bundles>
